<compile_context>
chip_gen: v7x
topology: tpu7x:2x2x1
jax: 0.10.2.dev20260603
libtpu: 0.0.44.dev20260713+nightly
codegen_flags: <defaults>
</compile_context>

<pallas_src>
import functools
import math

import jax
import jax.numpy as jnp
from jax import lax
from jax.experimental import pallas as pl
from jax.experimental.pallas import tpu as pltpu
from jax.experimental.pallas import tpu_sc as plsc

_NUM_EMBEDDINGS = 1000000
_DIM = 32
_BATCH = 16384
_HIST = 50
_SCALE = math.sqrt(float(_DIM))

_L = 16
_NC = 2
_NS = 16
_NW = _NC * _NS

_ROWS_PER_W = _BATCH // _NW
_GR = 16
_GROUP = _GR * _HIST
_NG = _ROWS_PER_W // _GR


def _make_emb():
    mesh = plsc.VectorSubcoreMesh(core_axis_name="c", subcore_axis_name="s")

    @functools.partial(
        pl.kernel,
        mesh=mesh,
        out_type=jax.ShapeDtypeStruct((_BATCH, _HIST, _DIM), jnp.float32),
        compiler_params=pltpu.CompilerParams(use_tc_tiling_on_sc=False),
        scratch_types=[
            pltpu.VMEM((_ROWS_PER_W, _HIST), jnp.int32),
            pltpu.VMEM((2, _GROUP, _DIM), jnp.float32),
            pltpu.SemaphoreType.DMA((2,)),
            pltpu.SemaphoreType.DMA((2,)),
        ],
    )
    def emb(idx_hbm, table_hbm, out_hbm, idx_v, gbuf, gsem, osem):
        wid = lax.axis_index("s") * _NC + lax.axis_index("c")
        rbase = wid * _ROWS_PER_W
        pltpu.sync_copy(idx_hbm.at[pl.ds(rbase, _ROWS_PER_W)], idx_v)

        def gather_descs(g, h):
            return [
                pltpu.make_async_copy(
                    table_hbm.at[idx_v.at[g * _GR + k]],
                    gbuf.at[h].at[pl.ds(k * _HIST, _HIST)],
                    gsem.at[h],
                )
                for k in range(_GR)
            ]

        def store_descs(g, h):
            return [
                pltpu.make_async_copy(
                    gbuf.at[h].at[pl.ds(k * _HIST, _HIST)],
                    out_hbm.at[rbase + g * _GR + k],
                    osem.at[h],
                )
                for k in range(_GR)
            ]

        for d in gather_descs(0, 0):
            d.start()

        def group_body(g, carry):
            h = lax.rem(g, 2)
            hn = lax.rem(g + 1, 2)

            @pl.when(g >= 1)
            def _():
                for d in store_descs(g - 1, hn):
                    d.wait()

            @pl.when(g + 1 < _NG)
            def _():
                for d in gather_descs(g + 1, hn):
                    d.start()

            for d in gather_descs(g, h):
                d.wait()

            @plsc.parallel_loop(0, _GROUP, step=1, unroll=8)
            def _scale(r):
                gbuf[h, r, pl.ds(0, _L)] = gbuf[h, r, pl.ds(0, _L)] * _SCALE
                gbuf[h, r, pl.ds(_L, _L)] = gbuf[h, r, pl.ds(_L, _L)] * _SCALE

            for d in store_descs(g, h):
                d.start()
            return carry

        lax.fori_loop(0, _NG, group_body, 0)
        for d in store_descs(_NG - 1, (_NG - 1) % 2):
            d.wait()

    return emb


_emb = _make_emb()


@jax.jit
def kernel(inputs, table):
    return _emb(inputs, table)

# --- scband reference (transcript-rebuilt; emitter-appended) ---
"""Pipeline reference for scband-embedding-layer-23785528885595 (READ-ONLY COPY).

The authoritative reference and input builder live on the scoring server;
editing this copy changes nothing except your own understanding.
"""

import jax, jax.numpy as jnp
import numpy as np

NUM_EMBEDDINGS = 1000000
EMBEDDING_DIM = 32
PADDING_IDX = 0
BATCH = 16384
HIST = 50


def setup_inputs(seed: int = 0) -> dict:
    key = jax.random.key(seed)
    k_idx, k_tab = jax.random.split(key)
    inputs = jax.random.randint(k_idx, (BATCH, HIST), 0, NUM_EMBEDDINGS, dtype=jnp.int32)
    # nn.Embedding weight ~ N(0, 1), with padding_idx row zeroed
    table = jax.random.normal(k_tab, (NUM_EMBEDDINGS, EMBEDDING_DIM), dtype=jnp.float32)
    table = table.at[PADDING_IDX].set(0.0)
    return {"inputs": inputs, "table": table}


def reference(inputs, table):
    # output = embedding(inputs); output *= sqrt(embedding_dim)
    output = jnp.take(table, inputs, axis=0)
    output = output * jnp.sqrt(jnp.float32(EMBEDDING_DIM))
    return output

if __name__ == "__main__":
    import jax
    _d = setup_inputs()
    print(jax.jit(kernel)(*tuple(_d.values())))

</pallas_src>

<mosaic_0001>
#map = affine_map<(d0, d1) -> (0, 0)>
#map1 = affine_map<(d0, d1) -> (0, 0, 0)>
module attributes {stable_mosaic.version = 14 : i64} {
  func.func @emb(%arg0: i32, %arg1: i32, %arg2: memref<16384x50xi32, #tpu.memory_space<hbm>>, %arg3: memref<1000000x32xf32, #tpu.memory_space<hbm>>, %arg4: memref<16384x50x32xf32, #tpu.memory_space<hbm>>, %arg5: memref<512x50xi32, #tpu.memory_space<vmem>>, %arg6: memref<2x800x32xf32, #tpu.memory_space<vmem>>, %arg7: memref<2x!tpu.dma_semaphore, #tpu.memory_space<semaphore_mem>>, %arg8: memref<2x!tpu.dma_semaphore, #tpu.memory_space<semaphore_mem>>) attributes {dimension_semantics = [#tpu.dimension_semantics<core_parallel>, #tpu.dimension_semantics<subcore_parallel>], iteration_bounds = array<i64: 2, 16>, scalar_prefetch = 0 : i64, scratch_operands = 4 : i64, tpu.core_type = #tpu.core_type<sc_vector_subcore>, window_params = [{transform_indices = #map}, {transform_indices = #map}, {transform_indices = #map1}]} {
    %mul3A = arith.constant 2 : i32
    %mul3A_0 = arith.muli %arg1, %mul3A : i32
    %add3A = arith.addi %mul3A_0, %arg0 : i32
    %mul3A_1 = arith.constant 512 : i32
    %mul3A_2 = arith.muli %add3A, %mul3A_1 : i32
    "tpu.region"() ({
      %run_scoped3A = tpu.sem_alloc : memref<!tpu.dma_semaphore, #tpu.memory_space<semaphore_mem>>
      %dma_start3A_774 = arith.constant 0 : i32
      %dma_start3A_775 = tpu.memref_slice %arg2[%mul3A_2, %dma_start3A_774] : memref<16384x50xi32, #tpu.memory_space<hbm>> -> memref<512x50xi32, #tpu.memory_space<hbm>>
      %dma_start3A_776 = arith.constant 0 : i32
      %dma_start3A_777 = tpu.memref_slice %arg2[%mul3A_2, %dma_start3A_776] : memref<16384x50xi32, #tpu.memory_space<hbm>> -> memref<512x50xi32, #tpu.memory_space<hbm>>
      tpu.enqueue_dma source(%dma_start3A_777 : memref<512x50xi32, #tpu.memory_space<hbm>>) target(%arg5 : memref<512x50xi32, #tpu.memory_space<vmem>>) target_semaphore(%run_scoped3A : memref<!tpu.dma_semaphore, #tpu.memory_space<semaphore_mem>>)
      %dma_wait3A_778 = arith.constant 0 : i32
      %dma_wait3A_779 = tpu.memref_slice %arg2[%mul3A_2, %dma_wait3A_778] : memref<16384x50xi32, #tpu.memory_space<hbm>> -> memref<512x50xi32, #tpu.memory_space<hbm>>
      %dma_wait3A_780 = arith.constant 0 : i32
      %dma_wait3A_781 = tpu.memref_slice %arg2[%mul3A_2, %dma_wait3A_780] : memref<16384x50xi32, #tpu.memory_space<hbm>> -> memref<512x50xi32, #tpu.memory_space<hbm>>
      tpu.wait_dma2 semaphore(%run_scoped3A : memref<!tpu.dma_semaphore, #tpu.memory_space<semaphore_mem>>) src(%dma_wait3A_781 : memref<512x50xi32, #tpu.memory_space<hbm>>) dst(%arg5 : memref<512x50xi32, #tpu.memory_space<vmem>>)
      tpu.yield
    }) : () -> ()
    %dma_start3A = arith.constant 0 : i32
    %dma_start3A_3 = arith.constant 0 : i32
    %dma_start3A_4 = arith.constant 0 : i32
    %dma_start3A_5 = arith.constant 0 : i32
    %dma_start3A_6 = arith.constant 0 : i32
    %dma_start3A_7 = tpu.memref_slice %arg6[%dma_start3A_3, %dma_start3A_5, %dma_start3A_6] : memref<2x800x32xf32, #tpu.memory_space<vmem>> -> memref<1x800x32xf32, #tpu.memory_space<vmem>>
    %dma_start3A_8 = tpu.memref_squeeze %dma_start3A_7 : memref<1x800x32xf32, #tpu.memory_space<vmem>> -> memref<800x32xf32, #tpu.memory_space<vmem>>
    %dma_start3A_9 = arith.constant 0 : i32
    %dma_start3A_10 = arith.constant 0 : i32
    %dma_start3A_11 = tpu.memref_slice %dma_start3A_8[%dma_start3A_9, %dma_start3A_10] : memref<800x32xf32, #tpu.memory_space<vmem>> -> memref<50x32xf32, #tpu.memory_space<vmem>>
    %dma_start3A_12 = arith.constant 0 : i32
    %dma_start3A_13 = tpu.memref_slice %arg5[%dma_start3A, %dma_start3A_12] : memref<512x50xi32, #tpu.memory_space<vmem>> -> memref<1x50xi32, #tpu.memory_space<vmem>>
    %dma_start3A_14 = tpu.memref_squeeze %dma_start3A_13 : memref<1x50xi32, #tpu.memory_space<vmem>> -> memref<50xi32, #tpu.memory_space<vmem>>
    %dma_start3A_15 = arith.constant 0 : i32
    %dma_start3A_16 = arith.constant 0 : i32
    %dma_start3A_17 = tpu.memref_slice %arg3[%dma_start3A_15, %dma_start3A_16] : memref<1000000x32xf32, #tpu.memory_space<hbm>> -> memref<1000000x32xf32, #tpu.memory_space<hbm>>
    %dma_start3A_18 = tpu.memref_slice %arg7[%dma_start3A_4] : memref<2x!tpu.dma_semaphore, #tpu.memory_space<semaphore_mem>> -> memref<1x!tpu.dma_semaphore, #tpu.memory_space<semaphore_mem>>
    %dma_start3A_19 = tpu.memref_squeeze %dma_start3A_18 : memref<1x!tpu.dma_semaphore, #tpu.memory_space<semaphore_mem>> -> memref<!tpu.dma_semaphore, #tpu.memory_space<semaphore_mem>>
    tpu.enqueue_indirect_dma source(%dma_start3A_17 : memref<1000000x32xf32, #tpu.memory_space<hbm>>) target(%dma_start3A_11 : memref<50x32xf32, #tpu.memory_space<vmem>>) offsets(%dma_start3A_14 : memref<50xi32, #tpu.memory_space<vmem>>) semaphore(%dma_start3A_19 : memref<!tpu.dma_semaphore, #tpu.memory_space<semaphore_mem>>)
    %dma_start3A_20 = arith.constant 1 : i32
    %dma_start3A_21 = arith.constant 0 : i32
    %dma_start3A_22 = arith.constant 0 : i32
    %dma_start3A_23 = arith.constant 0 : i32
    %dma_start3A_24 = arith.constant 0 : i32
    %dma_start3A_25 = tpu.memref_slice %arg6[%dma_start3A_21, %dma_start3A_23, %dma_start3A_24] : memref<2x800x32xf32, #tpu.memory_space<vmem>> -> memref<1x800x32xf32, #tpu.memory_space<vmem>>
    %dma_start3A_26 = tpu.memref_squeeze %dma_start3A_25 : memref<1x800x32xf32, #tpu.memory_space<vmem>> -> memref<800x32xf32, #tpu.memory_space<vmem>>
    %dma_start3A_27 = arith.constant 50 : i32
    %dma_start3A_28 = arith.constant 0 : i32
    %dma_start3A_29 = tpu.memref_slice %dma_start3A_26[%dma_start3A_27, %dma_start3A_28] : memref<800x32xf32, #tpu.memory_space<vmem>> -> memref<50x32xf32, #tpu.memory_space<vmem>>
    %dma_start3A_30 = arith.constant 0 : i32
    %dma_start3A_31 = tpu.memref_slice %arg5[%dma_start3A_20, %dma_start3A_30] : memref<512x50xi32, #tpu.memory_space<vmem>> -> memref<1x50xi32, #tpu.memory_space<vmem>>
    %dma_start3A_32 = tpu.memref_squeeze %dma_start3A_31 : memref<1x50xi32, #tpu.memory_space<vmem>> -> memref<50xi32, #tpu.memory_space<vmem>>
    %dma_start3A_33 = arith.constant 0 : i32
    %dma_start3A_34 = arith.constant 0 : i32
    %dma_start3A_35 = tpu.memref_slice %arg3[%dma_start3A_33, %dma_start3A_34] : memref<1000000x32xf32, #tpu.memory_space<hbm>> -> memref<1000000x32xf32, #tpu.memory_space<hbm>>
    %dma_start3A_36 = tpu.memref_slice %arg7[%dma_start3A_22] : memref<2x!tpu.dma_semaphore, #tpu.memory_space<semaphore_mem>> -> memref<1x!tpu.dma_semaphore, #tpu.memory_space<semaphore_mem>>
    %dma_start3A_37 = tpu.memref_squeeze %dma_start3A_36 : memref<1x!tpu.dma_semaphore, #tpu.memory_space<semaphore_mem>> -> memref<!tpu.dma_semaphore, #tpu.memory_space<semaphore_mem>>
    tpu.enqueue_indirect_dma source(%dma_start3A_35 : memref<1000000x32xf32, #tpu.memory_space<hbm>>) target(%dma_start3A_29 : memref<50x32xf32, #tpu.memory_space<vmem>>) offsets(%dma_start3A_32 : memref<50xi32, #tpu.memory_space<vmem>>) semaphore(%dma_start3A_37 : memref<!tpu.dma_semaphore, #tpu.memory_space<semaphore_mem>>)
    %dma_start3A_38 = arith.constant 2 : i32
    %dma_start3A_39 = arith.constant 0 : i32
    %dma_start3A_40 = arith.constant 0 : i32
    %dma_start3A_41 = arith.constant 0 : i32
    %dma_start3A_42 = arith.constant 0 : i32
    %dma_start3A_43 = tpu.memref_slice %arg6[%dma_start3A_39, %dma_start3A_41, %dma_start3A_42] : memref<2x800x32xf32, #tpu.memory_space<vmem>> -> memref<1x800x32xf32, #tpu.memory_space<vmem>>
    %dma_start3A_44 = tpu.memref_squeeze %dma_start3A_43 : memref<1x800x32xf32, #tpu.memory_space<vmem>> -> memref<800x32xf32, #tpu.memory_space<vmem>>
    %dma_start3A_45 = arith.constant 100 : i32
    %dma_start3A_46 = arith.constant 0 : i32
    %dma_start3A_47 = tpu.memref_slice %dma_start3A_44[%dma_start3A_45, %dma_start3A_46] : memref<800x32xf32, #tpu.memory_space<vmem>> -> memref<50x32xf32, #tpu.memory_space<vmem>>
    %dma_start3A_48 = arith.constant 0 : i32
    %dma_start3A_49 = tpu.memref_slice %arg5[%dma_start3A_38, %dma_start3A_48] : memref<512x50xi32, #tpu.memory_space<vmem>> -> memref<1x50xi32, #tpu.memory_space<vmem>>
    %dma_start3A_50 = tpu.memref_squeeze %dma_start3A_49 : memref<1x50xi32, #tpu.memory_space<vmem>> -> memref<50xi32, #tpu.memory_space<vmem>>
    %dma_start3A_51 = arith.constant 0 : i32
    %dma_start3A_52 = arith.constant 0 : i32
    %dma_start3A_53 = tpu.memref_slice %arg3[%dma_start3A_51, %dma_start3A_52] : memref<1000000x32xf32, #tpu.memory_space<hbm>> -> memref<1000000x32xf32, #tpu.memory_space<hbm>>
    %dma_start3A_54 = tpu.memref_slice %arg7[%dma_start3A_40] : memref<2x!tpu.dma_semaphore, #tpu.memory_space<semaphore_mem>> -> memref<1x!tpu.dma_semaphore, #tpu.memory_space<semaphore_mem>>
    %dma_start3A_55 = tpu.memref_squeeze %dma_start3A_54 : memref<1x!tpu.dma_semaphore, #tpu.memory_space<semaphore_mem>> -> memref<!tpu.dma_semaphore, #tpu.memory_space<semaphore_mem>>
    tpu.enqueue_indirect_dma source(%dma_start3A_53 : memref<1000000x32xf32, #tpu.memory_space<hbm>>) target(%dma_start3A_47 : memref<50x32xf32, #tpu.memory_space<vmem>>) offsets(%dma_start3A_50 : memref<50xi32, #tpu.memory_space<vmem>>) semaphore(%dma_start3A_55 : memref<!tpu.dma_semaphore, #tpu.memory_space<semaphore_mem>>)
    %dma_start3A_56 = arith.constant 3 : i32
    %dma_start3A_57 = arith.constant 0 : i32
    %dma_start3A_58 = arith.constant 0 : i32
    %dma_start3A_59 = arith.constant 0 : i32
    %dma_start3A_60 = arith.constant 0 : i32
    %dma_start3A_61 = tpu.memref_slice %arg6[%dma_start3A_57, %dma_start3A_59, %dma_start3A_60] : memref<2x800x32xf32, #tpu.memory_space<vmem>> -> memref<1x800x32xf32, #tpu.memory_space<vmem>>
    %dma_start3A_62 = tpu.memref_squeeze %dma_start3A_61 : memref<1x800x32xf32, #tpu.memory_space<vmem>> -> memref<800x32xf32, #tpu.memory_space<vmem>>
    %dma_start3A_63 = arith.constant 150 : i32
    %dma_start3A_64 = arith.constant 0 : i32
    %dma_start3A_65 = tpu.memref_slice %dma_start3A_62[%dma_start3A_63, %dma_start3A_64] : memref<800x32xf32, #tpu.memory_space<vmem>> -> memref<50x32xf32, #tpu.memory_space<vmem>>
    %dma_start3A_66 = arith.constant 0 : i32
    %dma_start3A_67 = tpu.memref_slice %arg5[%dma_start3A_56, %dma_start3A_66] : memref<512x50xi32, #tpu.memory_space<vmem>> -> memref<1x50xi32, #tpu.memory_space<vmem>>
    %dma_start3A_68 = tpu.memref_squeeze %dma_start3A_67 : memref<1x50xi32, #tpu.memory_space<vmem>> -> memref<50xi32, #tpu.memory_space<vmem>>
    %dma_start3A_69 = arith.constant 0 : i32
    %dma_start3A_70 = arith.constant 0 : i32
    %dma_start3A_71 = tpu.memref_slice %arg3[%dma_start3A_69, %dma_start3A_70] : memref<1000000x32xf32, #tpu.memory_space<hbm>> -> memref<1000000x32xf32, #tpu.memory_space<hbm>>
    %dma_start3A_72 = tpu.memref_slice %arg7[%dma_start3A_58] : memref<2x!tpu.dma_semaphore, #tpu.memory_space<semaphore_mem>> -> memref<1x!tpu.dma_semaphore, #tpu.memory_space<semaphore_mem>>
    %dma_start3A_73 = tpu.memref_squeeze %dma_start3A_72 : memref<1x!tpu.dma_semaphore, #tpu.memory_space<semaphore_mem>> -> memref<!tpu.dma_semaphore, #tpu.memory_space<semaphore_mem>>
    tpu.enqueue_indirect_dma source(%dma_start3A_71 : memref<1000000x32xf32, #tpu.memory_space<hbm>>) target(%dma_start3A_65 : memref<50x32xf32, #tpu.memory_space<vmem>>) offsets(%dma_start3A_68 : memref<50xi32, #tpu.memory_space<vmem>>) semaphore(%dma_start3A_73 : memref<!tpu.dma_semaphore, #tpu.memory_space<semaphore_mem>>)
    %dma_start3A_74 = arith.constant 4 : i32
    %dma_start3A_75 = arith.constant 0 : i32
    %dma_start3A_76 = arith.constant 0 : i32
    %dma_start3A_77 = arith.constant 0 : i32
    %dma_start3A_78 = arith.constant 0 : i32
    %dma_start3A_79 = tpu.memref_slice %arg6[%dma_start3A_75, %dma_start3A_77, %dma_start3A_78] : memref<2x800x32xf32, #tpu.memory_space<vmem>> -> memref<1x800x32xf32, #tpu.memory_space<vmem>>
    %dma_start3A_80 = tpu.memref_squeeze %dma_start3A_79 : memref<1x800x32xf32, #tpu.memory_space<vmem>> -> memref<800x32xf32, #tpu.memory_space<vmem>>
    %dma_start3A_81 = arith.constant 200 : i32
    %dma_start3A_82 = arith.constant 0 : i32
    %dma_start3A_83 = tpu.memref_slice %dma_start3A_80[%dma_start3A_81, %dma_start3A_82] : memref<800x32xf32, #tpu.memory_space<vmem>> -> memref<50x32xf32, #tpu.memory_space<vmem>>
    %dma_start3A_84 = arith.constant 0 : i32
    %dma_start3A_85 = tpu.memref_slice %arg5[%dma_start3A_74, %dma_start3A_84] : memref<512x50xi32, #tpu.memory_space<vmem>> -> memref<1x50xi32, #tpu.memory_space<vmem>>
    %dma_start3A_86 = tpu.memref_squeeze %dma_start3A_85 : memref<1x50xi32, #tpu.memory_space<vmem>> -> memref<50xi32, #tpu.memory_space<vmem>>
    %dma_start3A_87 = arith.constant 0 : i32
    %dma_start3A_88 = arith.constant 0 : i32
    %dma_start3A_89 = tpu.memref_slice %arg3[%dma_start3A_87, %dma_start3A_88] : memref<1000000x32xf32, #tpu.memory_space<hbm>> -> memref<1000000x32xf32, #tpu.memory_space<hbm>>
    %dma_start3A_90 = tpu.memref_slice %arg7[%dma_start3A_76] : memref<2x!tpu.dma_semaphore, #tpu.memory_space<semaphore_mem>> -> memref<1x!tpu.dma_semaphore, #tpu.memory_space<semaphore_mem>>
    %dma_start3A_91 = tpu.memref_squeeze %dma_start3A_90 : memref<1x!tpu.dma_semaphore, #tpu.memory_space<semaphore_mem>> -> memref<!tpu.dma_semaphore, #tpu.memory_space<semaphore_mem>>
    tpu.enqueue_indirect_dma source(%dma_start3A_89 : memref<1000000x32xf32, #tpu.memory_space<hbm>>) target(%dma_start3A_83 : memref<50x32xf32, #tpu.memory_space<vmem>>) offsets(%dma_start3A_86 : memref<50xi32, #tpu.memory_space<vmem>>) semaphore(%dma_start3A_91 : memref<!tpu.dma_semaphore, #tpu.memory_space<semaphore_mem>>)
    %dma_start3A_92 = arith.constant 5 : i32
    %dma_start3A_93 = arith.constant 0 : i32
    %dma_start3A_94 = arith.constant 0 : i32
    %dma_start3A_95 = arith.constant 0 : i32
    %dma_start3A_96 = arith.constant 0 : i32
    %dma_start3A_97 = tpu.memref_slice %arg6[%dma_start3A_93, %dma_start3A_95, %dma_start3A_96] : memref<2x800x32xf32, #tpu.memory_space<vmem>> -> memref<1x800x32xf32, #tpu.memory_space<vmem>>
    %dma_start3A_98 = tpu.memref_squeeze %dma_start3A_97 : memref<1x800x32xf32, #tpu.memory_space<vmem>> -> memref<800x32xf32, #tpu.memory_space<vmem>>
    %dma_start3A_99 = arith.constant 250 : i32
    %dma_start3A_100 = arith.constant 0 : i32
    %dma_start3A_101 = tpu.memref_slice %dma_start3A_98[%dma_start3A_99, %dma_start3A_100] : memref<800x32xf32, #tpu.memory_space<vmem>> -> memref<50x32xf32, #tpu.memory_space<vmem>>
    %dma_start3A_102 = arith.constant 0 : i32
    %dma_start3A_103 = tpu.memref_slice %arg5[%dma_start3A_92, %dma_start3A_102] : memref<512x50xi32, #tpu.memory_space<vmem>> -> memref<1x50xi32, #tpu.memory_space<vmem>>
    %dma_start3A_104 = tpu.memref_squeeze %dma_start3A_103 : memref<1x50xi32, #tpu.memory_space<vmem>> -> memref<50xi32, #tpu.memory_space<vmem>>
    %dma_start3A_105 = arith.constant 0 : i32
    %dma_start3A_106 = arith.constant 0 : i32
    %dma_start3A_107 = tpu.memref_slice %arg3[%dma_start3A_105, %dma_start3A_106] : memref<1000000x32xf32, #tpu.memory_space<hbm>> -> memref<1000000x32xf32, #tpu.memory_space<hbm>>
    %dma_start3A_108 = tpu.memref_slice %arg7[%dma_start3A_94] : memref<2x!tpu.dma_semaphore, #tpu.memory_space<semaphore_mem>> -> memref<1x!tpu.dma_semaphore, #tpu.memory_space<semaphore_mem>>
    %dma_start3A_109 = tpu.memref_squeeze %dma_start3A_108 : memref<1x!tpu.dma_semaphore, #tpu.memory_space<semaphore_mem>> -> memref<!tpu.dma_semaphore, #tpu.memory_space<semaphore_mem>>
    tpu.enqueue_indirect_dma source(%dma_start3A_107 : memref<1000000x32xf32, #tpu.memory_space<hbm>>) target(%dma_start3A_101 : memref<50x32xf32, #tpu.memory_space<vmem>>) offsets(%dma_start3A_104 : memref<50xi32, #tpu.memory_space<vmem>>) semaphore(%dma_start3A_109 : memref<!tpu.dma_semaphore, #tpu.memory_space<semaphore_mem>>)
    %dma_start3A_110 = arith.constant 6 : i32
    %dma_start3A_111 = arith.constant 0 : i32
    %dma_start3A_112 = arith.constant 0 : i32
    %dma_start3A_113 = arith.constant 0 : i32
    %dma_start3A_114 = arith.constant 0 : i32
    %dma_start3A_115 = tpu.memref_slice %arg6[%dma_start3A_111, %dma_start3A_113, %dma_start3A_114] : memref<2x800x32xf32, #tpu.memory_space<vmem>> -> memref<1x800x32xf32, #tpu.memory_space<vmem>>
    %dma_start3A_116 = tpu.memref_squeeze %dma_start3A_115 : memref<1x800x32xf32, #tpu.memory_space<vmem>> -> memref<800x32xf32, #tpu.memory_space<vmem>>
    %dma_start3A_117 = arith.constant 300 : i32
    %dma_start3A_118 = arith.constant 0 : i32
    %dma_start3A_119 = tpu.memref_slice %dma_start3A_116[%dma_start3A_117, %dma_start3A_118] : memref<800x32xf32, #tpu.memory_space<vmem>> -> memref<50x32xf32, #tpu.memory_space<vmem>>
    %dma_start3A_120 = arith.constant 0 : i32
    %dma_start3A_121 = tpu.memref_slice %arg5[%dma_start3A_110, %dma_start3A_120] : memref<512x50xi32, #tpu.memory_space<vmem>> -> memref<1x50xi32, #tpu.memory_space<vmem>>
    %dma_start3A_122 = tpu.memref_squeeze %dma_start3A_121 : memref<1x50xi32, #tpu.memory_space<vmem>> -> memref<50xi32, #tpu.memory_space<vmem>>
    %dma_start3A_123 = arith.constant 0 : i32
    %dma_start3A_124 = arith.constant 0 : i32
    %dma_start3A_125 = tpu.memref_slice %arg3[%dma_start3A_123, %dma_start3A_124] : memref<1000000x32xf32, #tpu.memory_space<hbm>> -> memref<1000000x32xf32, #tpu.memory_space<hbm>>
    %dma_start3A_126 = tpu.memref_slice %arg7[%dma_start3A_112] : memref<2x!tpu.dma_semaphore, #tpu.memory_space<semaphore_mem>> -> memref<1x!tpu.dma_semaphore, #tpu.memory_space<semaphore_mem>>
    %dma_start3A_127 = tpu.memref_squeeze %dma_start3A_126 : memref<1x!tpu.dma_semaphore, #tpu.memory_space<semaphore_mem>> -> memref<!tpu.dma_semaphore, #tpu.memory_space<semaphore_mem>>
    tpu.enqueue_indirect_dma source(%dma_start3A_125 : memref<1000000x32xf32, #tpu.memory_space<hbm>>) target(%dma_start3A_119 : memref<50x32xf32, #tpu.memory_space<vmem>>) offsets(%dma_start3A_122 : memref<50xi32, #tpu.memory_space<vmem>>) semaphore(%dma_start3A_127 : memref<!tpu.dma_semaphore, #tpu.memory_space<semaphore_mem>>)
    %dma_start3A_128 = arith.constant 7 : i32
    %dma_start3A_129 = arith.constant 0 : i32
    %dma_start3A_130 = arith.constant 0 : i32
    %dma_start3A_131 = arith.constant 0 : i32
    %dma_start3A_132 = arith.constant 0 : i32
    %dma_start3A_133 = tpu.memref_slice %arg6[%dma_start3A_129, %dma_start3A_131, %dma_start3A_132] : memref<2x800x32xf32, #tpu.memory_space<vmem>> -> memref<1x800x32xf32, #tpu.memory_space<vmem>>
    %dma_start3A_134 = tpu.memref_squeeze %dma_start3A_133 : memref<1x800x32xf32, #tpu.memory_space<vmem>> -> memref<800x32xf32, #tpu.memory_space<vmem>>
    %dma_start3A_135 = arith.constant 350 : i32
    %dma_start3A_136 = arith.constant 0 : i32
    %dma_start3A_137 = tpu.memref_slice %dma_start3A_134[%dma_start3A_135, %dma_start3A_136] : memref<800x32xf32, #tpu.memory_space<vmem>> -> memref<50x32xf32, #tpu.memory_space<vmem>>
    %dma_start3A_138 = arith.constant 0 : i32
    %dma_start3A_139 = tpu.memref_slice %arg5[%dma_start3A_128, %dma_start3A_138] : memref<512x50xi32, #tpu.memory_space<vmem>> -> memref<1x50xi32, #tpu.memory_space<vmem>>
    %dma_start3A_140 = tpu.memref_squeeze %dma_start3A_139 : memref<1x50xi32, #tpu.memory_space<vmem>> -> memref<50xi32, #tpu.memory_space<vmem>>
    %dma_start3A_141 = arith.constant 0 : i32
    %dma_start3A_142 = arith.constant 0 : i32
    %dma_start3A_143 = tpu.memref_slice %arg3[%dma_start3A_141, %dma_start3A_142] : memref<1000000x32xf32, #tpu.memory_space<hbm>> -> memref<1000000x32xf32, #tpu.memory_space<hbm>>
    %dma_start3A_144 = tpu.memref_slice %arg7[%dma_start3A_130] : memref<2x!tpu.dma_semaphore, #tpu.memory_space<semaphore_mem>> -> memref<1x!tpu.dma_semaphore, #tpu.memory_space<semaphore_mem>>
    %dma_start3A_145 = tpu.memref_squeeze %dma_start3A_144 : memref<1x!tpu.dma_semaphore, #tpu.memory_space<semaphore_mem>> -> memref<!tpu.dma_semaphore, #tpu.memory_space<semaphore_mem>>
    tpu.enqueue_indirect_dma source(%dma_start3A_143 : memref<1000000x32xf32, #tpu.memory_space<hbm>>) target(%dma_start3A_137 : memref<50x32xf32, #tpu.memory_space<vmem>>) offsets(%dma_start3A_140 : memref<50xi32, #tpu.memory_space<vmem>>) semaphore(%dma_start3A_145 : memref<!tpu.dma_semaphore, #tpu.memory_space<semaphore_mem>>)
    %dma_start3A_146 = arith.constant 8 : i32
    %dma_start3A_147 = arith.constant 0 : i32
    %dma_start3A_148 = arith.constant 0 : i32
    %dma_start3A_149 = arith.constant 0 : i32
    %dma_start3A_150 = arith.constant 0 : i32
    %dma_start3A_151 = tpu.memref_slice %arg6[%dma_start3A_147, %dma_start3A_149, %dma_start3A_150] : memref<2x800x32xf32, #tpu.memory_space<vmem>> -> memref<1x800x32xf32, #tpu.memory_space<vmem>>
    %dma_start3A_152 = tpu.memref_squeeze %dma_start3A_151 : memref<1x800x32xf32, #tpu.memory_space<vmem>> -> memref<800x32xf32, #tpu.memory_space<vmem>>
    %dma_start3A_153 = arith.constant 400 : i32
    %dma_start3A_154 = arith.constant 0 : i32
    %dma_start3A_155 = tpu.memref_slice %dma_start3A_152[%dma_start3A_153, %dma_start3A_154] : memref<800x32xf32, #tpu.memory_space<vmem>> -> memref<50x32xf32, #tpu.memory_space<vmem>>
    %dma_start3A_156 = arith.constant 0 : i32
    %dma_start3A_157 = tpu.memref_slice %arg5[%dma_start3A_146, %dma_start3A_156] : memref<512x50xi32, #tpu.memory_space<vmem>> -> memref<1x50xi32, #tpu.memory_space<vmem>>
    %dma_start3A_158 = tpu.memref_squeeze %dma_start3A_157 : memref<1x50xi32, #tpu.memory_space<vmem>> -> memref<50xi32, #tpu.memory_space<vmem>>
    %dma_start3A_159 = arith.constant 0 : i32
    %dma_start3A_160 = arith.constant 0 : i32
    %dma_start3A_161 = tpu.memref_slice %arg3[%dma_start3A_159, %dma_start3A_160] : memref<1000000x32xf32, #tpu.memory_space<hbm>> -> memref<1000000x32xf32, #tpu.memory_space<hbm>>
    %dma_start3A_162 = tpu.memref_slice %arg7[%dma_start3A_148] : memref<2x!tpu.dma_semaphore, #tpu.memory_space<semaphore_mem>> -> memref<1x!tpu.dma_semaphore, #tpu.memory_space<semaphore_mem>>
    %dma_start3A_163 = tpu.memref_squeeze %dma_start3A_162 : memref<1x!tpu.dma_semaphore, #tpu.memory_space<semaphore_mem>> -> memref<!tpu.dma_semaphore, #tpu.memory_space<semaphore_mem>>
    tpu.enqueue_indirect_dma source(%dma_start3A_161 : memref<1000000x32xf32, #tpu.memory_space<hbm>>) target(%dma_start3A_155 : memref<50x32xf32, #tpu.memory_space<vmem>>) offsets(%dma_start3A_158 : memref<50xi32, #tpu.memory_space<vmem>>) semaphore(%dma_start3A_163 : memref<!tpu.dma_semaphore, #tpu.memory_space<semaphore_mem>>)
    %dma_start3A_164 = arith.constant 9 : i32
    %dma_start3A_165 = arith.constant 0 : i32
    %dma_start3A_166 = arith.constant 0 : i32
    %dma_start3A_167 = arith.constant 0 : i32
    %dma_start3A_168 = arith.constant 0 : i32
    %dma_start3A_169 = tpu.memref_slice %arg6[%dma_start3A_165, %dma_start3A_167, %dma_start3A_168] : memref<2x800x32xf32, #tpu.memory_space<vmem>> -> memref<1x800x32xf32, #tpu.memory_space<vmem>>
    %dma_start3A_170 = tpu.memref_squeeze %dma_start3A_169 : memref<1x800x32xf32, #tpu.memory_space<vmem>> -> memref<800x32xf32, #tpu.memory_space<vmem>>
    %dma_start3A_171 = arith.constant 450 : i32
    %dma_start3A_172 = arith.constant 0 : i32
    %dma_start3A_173 = tpu.memref_slice %dma_start3A_170[%dma_start3A_171, %dma_start3A_172] : memref<800x32xf32, #tpu.memory_space<vmem>> -> memref<50x32xf32, #tpu.memory_space<vmem>>
    %dma_start3A_174 = arith.constant 0 : i32
    %dma_start3A_175 = tpu.memref_slice %arg5[%dma_start3A_164, %dma_start3A_174] : memref<512x50xi32, #tpu.memory_space<vmem>> -> memref<1x50xi32, #tpu.memory_space<vmem>>
    %dma_start3A_176 = tpu.memref_squeeze %dma_start3A_175 : memref<1x50xi32, #tpu.memory_space<vmem>> -> memref<50xi32, #tpu.memory_space<vmem>>
    %dma_start3A_177 = arith.constant 0 : i32
    %dma_start3A_178 = arith.constant 0 : i32
    %dma_start3A_179 = tpu.memref_slice %arg3[%dma_start3A_177, %dma_start3A_178] : memref<1000000x32xf32, #tpu.memory_space<hbm>> -> memref<1000000x32xf32, #tpu.memory_space<hbm>>
    %dma_start3A_180 = tpu.memref_slice %arg7[%dma_start3A_166] : memref<2x!tpu.dma_semaphore, #tpu.memory_space<semaphore_mem>> -> memref<1x!tpu.dma_semaphore, #tpu.memory_space<semaphore_mem>>
    %dma_start3A_181 = tpu.memref_squeeze %dma_start3A_180 : memref<1x!tpu.dma_semaphore, #tpu.memory_space<semaphore_mem>> -> memref<!tpu.dma_semaphore, #tpu.memory_space<semaphore_mem>>
    tpu.enqueue_indirect_dma source(%dma_start3A_179 : memref<1000000x32xf32, #tpu.memory_space<hbm>>) target(%dma_start3A_173 : memref<50x32xf32, #tpu.memory_space<vmem>>) offsets(%dma_start3A_176 : memref<50xi32, #tpu.memory_space<vmem>>) semaphore(%dma_start3A_181 : memref<!tpu.dma_semaphore, #tpu.memory_space<semaphore_mem>>)
    %dma_start3A_182 = arith.constant 10 : i32
    %dma_start3A_183 = arith.constant 0 : i32
    %dma_start3A_184 = arith.constant 0 : i32
    %dma_start3A_185 = arith.constant 0 : i32
    %dma_start3A_186 = arith.constant 0 : i32
    %dma_start3A_187 = tpu.memref_slice %arg6[%dma_start3A_183, %dma_start3A_185, %dma_start3A_186] : memref<2x800x32xf32, #tpu.memory_space<vmem>> -> memref<1x800x32xf32, #tpu.memory_space<vmem>>
    %dma_start3A_188 = tpu.memref_squeeze %dma_start3A_187 : memref<1x800x32xf32, #tpu.memory_space<vmem>> -> memref<800x32xf32, #tpu.memory_space<vmem>>
    %dma_start3A_189 = arith.constant 500 : i32
    %dma_start3A_190 = arith.constant 0 : i32
    %dma_start3A_191 = tpu.memref_slice %dma_start3A_188[%dma_start3A_189, %dma_start3A_190] : memref<800x32xf32, #tpu.memory_space<vmem>> -> memref<50x32xf32, #tpu.memory_space<vmem>>
    %dma_start3A_192 = arith.constant 0 : i32
    %dma_start3A_193 = tpu.memref_slice %arg5[%dma_start3A_182, %dma_start3A_192] : memref<512x50xi32, #tpu.memory_space<vmem>> -> memref<1x50xi32, #tpu.memory_space<vmem>>
    %dma_start3A_194 = tpu.memref_squeeze %dma_start3A_193 : memref<1x50xi32, #tpu.memory_space<vmem>> -> memref<50xi32, #tpu.memory_space<vmem>>
    %dma_start3A_195 = arith.constant 0 : i32
    %dma_start3A_196 = arith.constant 0 : i32
    %dma_start3A_197 = tpu.memref_slice %arg3[%dma_start3A_195, %dma_start3A_196] : memref<1000000x32xf32, #tpu.memory_space<hbm>> -> memref<1000000x32xf32, #tpu.memory_space<hbm>>
    %dma_start3A_198 = tpu.memref_slice %arg7[%dma_start3A_184] : memref<2x!tpu.dma_semaphore, #tpu.memory_space<semaphore_mem>> -> memref<1x!tpu.dma_semaphore, #tpu.memory_space<semaphore_mem>>
    %dma_start3A_199 = tpu.memref_squeeze %dma_start3A_198 : memref<1x!tpu.dma_semaphore, #tpu.memory_space<semaphore_mem>> -> memref<!tpu.dma_semaphore, #tpu.memory_space<semaphore_mem>>
    tpu.enqueue_indirect_dma source(%dma_start3A_197 : memref<1000000x32xf32, #tpu.memory_space<hbm>>) target(%dma_start3A_191 : memref<50x32xf32, #tpu.memory_space<vmem>>) offsets(%dma_start3A_194 : memref<50xi32, #tpu.memory_space<vmem>>) semaphore(%dma_start3A_199 : memref<!tpu.dma_semaphore, #tpu.memory_space<semaphore_mem>>)
    %dma_start3A_200 = arith.constant 11 : i32
    %dma_start3A_201 = arith.constant 0 : i32
    %dma_start3A_202 = arith.constant 0 : i32
    %dma_start3A_203 = arith.constant 0 : i32
    %dma_start3A_204 = arith.constant 0 : i32
    %dma_start3A_205 = tpu.memref_slice %arg6[%dma_start3A_201, %dma_start3A_203, %dma_start3A_204] : memref<2x800x32xf32, #tpu.memory_space<vmem>> -> memref<1x800x32xf32, #tpu.memory_space<vmem>>
    %dma_start3A_206 = tpu.memref_squeeze %dma_start3A_205 : memref<1x800x32xf32, #tpu.memory_space<vmem>> -> memref<800x32xf32, #tpu.memory_space<vmem>>
    %dma_start3A_207 = arith.constant 550 : i32
    %dma_start3A_208 = arith.constant 0 : i32
    %dma_start3A_209 = tpu.memref_slice %dma_start3A_206[%dma_start3A_207, %dma_start3A_208] : memref<800x32xf32, #tpu.memory_space<vmem>> -> memref<50x32xf32, #tpu.memory_space<vmem>>
    %dma_start3A_210 = arith.constant 0 : i32
    %dma_start3A_211 = tpu.memref_slice %arg5[%dma_start3A_200, %dma_start3A_210] : memref<512x50xi32, #tpu.memory_space<vmem>> -> memref<1x50xi32, #tpu.memory_space<vmem>>
    %dma_start3A_212 = tpu.memref_squeeze %dma_start3A_211 : memref<1x50xi32, #tpu.memory_space<vmem>> -> memref<50xi32, #tpu.memory_space<vmem>>
    %dma_start3A_213 = arith.constant 0 : i32
    %dma_start3A_214 = arith.constant 0 : i32
    %dma_start3A_215 = tpu.memref_slice %arg3[%dma_start3A_213, %dma_start3A_214] : memref<1000000x32xf32, #tpu.memory_space<hbm>> -> memref<1000000x32xf32, #tpu.memory_space<hbm>>
    %dma_start3A_216 = tpu.memref_slice %arg7[%dma_start3A_202] : memref<2x!tpu.dma_semaphore, #tpu.memory_space<semaphore_mem>> -> memref<1x!tpu.dma_semaphore, #tpu.memory_space<semaphore_mem>>
    %dma_start3A_217 = tpu.memref_squeeze %dma_start3A_216 : memref<1x!tpu.dma_semaphore, #tpu.memory_space<semaphore_mem>> -> memref<!tpu.dma_semaphore, #tpu.memory_space<semaphore_mem>>
    tpu.enqueue_indirect_dma source(%dma_start3A_215 : memref<1000000x32xf32, #tpu.memory_space<hbm>>) target(%dma_start3A_209 : memref<50x32xf32, #tpu.memory_space<vmem>>) offsets(%dma_start3A_212 : memref<50xi32, #tpu.memory_space<vmem>>) semaphore(%dma_start3A_217 : memref<!tpu.dma_semaphore, #tpu.memory_space<semaphore_mem>>)
    %dma_start3A_218 = arith.constant 12 : i32
    %dma_start3A_219 = arith.constant 0 : i32
    %dma_start3A_220 = arith.constant 0 : i32
    %dma_start3A_221 = arith.constant 0 : i32
    %dma_start3A_222 = arith.constant 0 : i32
    %dma_start3A_223 = tpu.memref_slice %arg6[%dma_start3A_219, %dma_start3A_221, %dma_start3A_222] : memref<2x800x32xf32, #tpu.memory_space<vmem>> -> memref<1x800x32xf32, #tpu.memory_space<vmem>>
    %dma_start3A_224 = tpu.memref_squeeze %dma_start3A_223 : memref<1x800x32xf32, #tpu.memory_space<vmem>> -> memref<800x32xf32, #tpu.memory_space<vmem>>
    %dma_start3A_225 = arith.constant 600 : i32
    %dma_start3A_226 = arith.constant 0 : i32
    %dma_start3A_227 = tpu.memref_slice %dma_start3A_224[%dma_start3A_225, %dma_start3A_226] : memref<800x32xf32, #tpu.memory_space<vmem>> -> memref<50x32xf32, #tpu.memory_space<vmem>>
    %dma_start3A_228 = arith.constant 0 : i32
    %dma_start3A_229 = tpu.memref_slice %arg5[%dma_start3A_218, %dma_start3A_228] : memref<512x50xi32, #tpu.memory_space<vmem>> -> memref<1x50xi32, #tpu.memory_space<vmem>>
    %dma_start3A_230 = tpu.memref_squeeze %dma_start3A_229 : memref<1x50xi32, #tpu.memory_space<vmem>> -> memref<50xi32, #tpu.memory_space<vmem>>
    %dma_start3A_231 = arith.constant 0 : i32
    %dma_start3A_232 = arith.constant 0 : i32
    %dma_start3A_233 = tpu.memref_slice %arg3[%dma_start3A_231, %dma_start3A_232] : memref<1000000x32xf32, #tpu.memory_space<hbm>> -> memref<1000000x32xf32, #tpu.memory_space<hbm>>
    %dma_start3A_234 = tpu.memref_slice %arg7[%dma_start3A_220] : memref<2x!tpu.dma_semaphore, #tpu.memory_space<semaphore_mem>> -> memref<1x!tpu.dma_semaphore, #tpu.memory_space<semaphore_mem>>
    %dma_start3A_235 = tpu.memref_squeeze %dma_start3A_234 : memref<1x!tpu.dma_semaphore, #tpu.memory_space<semaphore_mem>> -> memref<!tpu.dma_semaphore, #tpu.memory_space<semaphore_mem>>
    tpu.enqueue_indirect_dma source(%dma_start3A_233 : memref<1000000x32xf32, #tpu.memory_space<hbm>>) target(%dma_start3A_227 : memref<50x32xf32, #tpu.memory_space<vmem>>) offsets(%dma_start3A_230 : memref<50xi32, #tpu.memory_space<vmem>>) semaphore(%dma_start3A_235 : memref<!tpu.dma_semaphore, #tpu.memory_space<semaphore_mem>>)
    %dma_start3A_236 = arith.constant 13 : i32
    %dma_start3A_237 = arith.constant 0 : i32
    %dma_start3A_238 = arith.constant 0 : i32
    %dma_start3A_239 = arith.constant 0 : i32
    %dma_start3A_240 = arith.constant 0 : i32
    %dma_start3A_241 = tpu.memref_slice %arg6[%dma_start3A_237, %dma_start3A_239, %dma_start3A_240] : memref<2x800x32xf32, #tpu.memory_space<vmem>> -> memref<1x800x32xf32, #tpu.memory_space<vmem>>
    %dma_start3A_242 = tpu.memref_squeeze %dma_start3A_241 : memref<1x800x32xf32, #tpu.memory_space<vmem>> -> memref<800x32xf32, #tpu.memory_space<vmem>>
    %dma_start3A_243 = arith.constant 650 : i32
    %dma_start3A_244 = arith.constant 0 : i32
    %dma_start3A_245 = tpu.memref_slice %dma_start3A_242[%dma_start3A_243, %dma_start3A_244] : memref<800x32xf32, #tpu.memory_space<vmem>> -> memref<50x32xf32, #tpu.memory_space<vmem>>
    %dma_start3A_246 = arith.constant 0 : i32
    %dma_start3A_247 = tpu.memref_slice %arg5[%dma_start3A_236, %dma_start3A_246] : memref<512x50xi32, #tpu.memory_space<vmem>> -> memref<1x50xi32, #tpu.memory_space<vmem>>
    %dma_start3A_248 = tpu.memref_squeeze %dma_start3A_247 : memref<1x50xi32, #tpu.memory_space<vmem>> -> memref<50xi32, #tpu.memory_space<vmem>>
    %dma_start3A_249 = arith.constant 0 : i32
    %dma_start3A_250 = arith.constant 0 : i32
    %dma_start3A_251 = tpu.memref_slice %arg3[%dma_start3A_249, %dma_start3A_250] : memref<1000000x32xf32, #tpu.memory_space<hbm>> -> memref<1000000x32xf32, #tpu.memory_space<hbm>>
    %dma_start3A_252 = tpu.memref_slice %arg7[%dma_start3A_238] : memref<2x!tpu.dma_semaphore, #tpu.memory_space<semaphore_mem>> -> memref<1x!tpu.dma_semaphore, #tpu.memory_space<semaphore_mem>>
    %dma_start3A_253 = tpu.memref_squeeze %dma_start3A_252 : memref<1x!tpu.dma_semaphore, #tpu.memory_space<semaphore_mem>> -> memref<!tpu.dma_semaphore, #tpu.memory_space<semaphore_mem>>
    tpu.enqueue_indirect_dma source(%dma_start3A_251 : memref<1000000x32xf32, #tpu.memory_space<hbm>>) target(%dma_start3A_245 : memref<50x32xf32, #tpu.memory_space<vmem>>) offsets(%dma_start3A_248 : memref<50xi32, #tpu.memory_space<vmem>>) semaphore(%dma_start3A_253 : memref<!tpu.dma_semaphore, #tpu.memory_space<semaphore_mem>>)
    %dma_start3A_254 = arith.constant 14 : i32
    %dma_start3A_255 = arith.constant 0 : i32
    %dma_start3A_256 = arith.constant 0 : i32
    %dma_start3A_257 = arith.constant 0 : i32
    %dma_start3A_258 = arith.constant 0 : i32
    %dma_start3A_259 = tpu.memref_slice %arg6[%dma_start3A_255, %dma_start3A_257, %dma_start3A_258] : memref<2x800x32xf32, #tpu.memory_space<vmem>> -> memref<1x800x32xf32, #tpu.memory_space<vmem>>
    %dma_start3A_260 = tpu.memref_squeeze %dma_start3A_259 : memref<1x800x32xf32, #tpu.memory_space<vmem>> -> memref<800x32xf32, #tpu.memory_space<vmem>>
    %dma_start3A_261 = arith.constant 700 : i32
    %dma_start3A_262 = arith.constant 0 : i32
    %dma_start3A_263 = tpu.memref_slice %dma_start3A_260[%dma_start3A_261, %dma_start3A_262] : memref<800x32xf32, #tpu.memory_space<vmem>> -> memref<50x32xf32, #tpu.memory_space<vmem>>
    %dma_start3A_264 = arith.constant 0 : i32
    %dma_start3A_265 = tpu.memref_slice %arg5[%dma_start3A_254, %dma_start3A_264] : memref<512x50xi32, #tpu.memory_space<vmem>> -> memref<1x50xi32, #tpu.memory_space<vmem>>
    %dma_start3A_266 = tpu.memref_squeeze %dma_start3A_265 : memref<1x50xi32, #tpu.memory_space<vmem>> -> memref<50xi32, #tpu.memory_space<vmem>>
    %dma_start3A_267 = arith.constant 0 : i32
    %dma_start3A_268 = arith.constant 0 : i32
    %dma_start3A_269 = tpu.memref_slice %arg3[%dma_start3A_267, %dma_start3A_268] : memref<1000000x32xf32, #tpu.memory_space<hbm>> -> memref<1000000x32xf32, #tpu.memory_space<hbm>>
    %dma_start3A_270 = tpu.memref_slice %arg7[%dma_start3A_256] : memref<2x!tpu.dma_semaphore, #tpu.memory_space<semaphore_mem>> -> memref<1x!tpu.dma_semaphore, #tpu.memory_space<semaphore_mem>>
    %dma_start3A_271 = tpu.memref_squeeze %dma_start3A_270 : memref<1x!tpu.dma_semaphore, #tpu.memory_space<semaphore_mem>> -> memref<!tpu.dma_semaphore, #tpu.memory_space<semaphore_mem>>
    tpu.enqueue_indirect_dma source(%dma_start3A_269 : memref<1000000x32xf32, #tpu.memory_space<hbm>>) target(%dma_start3A_263 : memref<50x32xf32, #tpu.memory_space<vmem>>) offsets(%dma_start3A_266 : memref<50xi32, #tpu.memory_space<vmem>>) semaphore(%dma_start3A_271 : memref<!tpu.dma_semaphore, #tpu.memory_space<semaphore_mem>>)
    %dma_start3A_272 = arith.constant 15 : i32
    %dma_start3A_273 = arith.constant 0 : i32
    %dma_start3A_274 = arith.constant 0 : i32
    %dma_start3A_275 = arith.constant 0 : i32
    %dma_start3A_276 = arith.constant 0 : i32
    %dma_start3A_277 = tpu.memref_slice %arg6[%dma_start3A_273, %dma_start3A_275, %dma_start3A_276] : memref<2x800x32xf32, #tpu.memory_space<vmem>> -> memref<1x800x32xf32, #tpu.memory_space<vmem>>
    %dma_start3A_278 = tpu.memref_squeeze %dma_start3A_277 : memref<1x800x32xf32, #tpu.memory_space<vmem>> -> memref<800x32xf32, #tpu.memory_space<vmem>>
    %dma_start3A_279 = arith.constant 750 : i32
    %dma_start3A_280 = arith.constant 0 : i32
    %dma_start3A_281 = tpu.memref_slice %dma_start3A_278[%dma_start3A_279, %dma_start3A_280] : memref<800x32xf32, #tpu.memory_space<vmem>> -> memref<50x32xf32, #tpu.memory_space<vmem>>
    %dma_start3A_282 = arith.constant 0 : i32
    %dma_start3A_283 = tpu.memref_slice %arg5[%dma_start3A_272, %dma_start3A_282] : memref<512x50xi32, #tpu.memory_space<vmem>> -> memref<1x50xi32, #tpu.memory_space<vmem>>
    %dma_start3A_284 = tpu.memref_squeeze %dma_start3A_283 : memref<1x50xi32, #tpu.memory_space<vmem>> -> memref<50xi32, #tpu.memory_space<vmem>>
    %dma_start3A_285 = arith.constant 0 : i32
    %dma_start3A_286 = arith.constant 0 : i32
    %dma_start3A_287 = tpu.memref_slice %arg3[%dma_start3A_285, %dma_start3A_286] : memref<1000000x32xf32, #tpu.memory_space<hbm>> -> memref<1000000x32xf32, #tpu.memory_space<hbm>>
    %dma_start3A_288 = tpu.memref_slice %arg7[%dma_start3A_274] : memref<2x!tpu.dma_semaphore, #tpu.memory_space<semaphore_mem>> -> memref<1x!tpu.dma_semaphore, #tpu.memory_space<semaphore_mem>>
    %dma_start3A_289 = tpu.memref_squeeze %dma_start3A_288 : memref<1x!tpu.dma_semaphore, #tpu.memory_space<semaphore_mem>> -> memref<!tpu.dma_semaphore, #tpu.memory_space<semaphore_mem>>
    tpu.enqueue_indirect_dma source(%dma_start3A_287 : memref<1000000x32xf32, #tpu.memory_space<hbm>>) target(%dma_start3A_281 : memref<50x32xf32, #tpu.memory_space<vmem>>) offsets(%dma_start3A_284 : memref<50xi32, #tpu.memory_space<vmem>>) semaphore(%dma_start3A_289 : memref<!tpu.dma_semaphore, #tpu.memory_space<semaphore_mem>>)
    %scan3A = arith.constant 0 : i32
    %scan3A_290 = arith.constant 0 : i32
    %scan3A_291 = arith.constant 32 : i32
    %scan3A_292 = arith.addi %scan3A_290, %scan3A_291 : i32
    %scan3A_293 = arith.constant 1 : i32
    scf.for %scan3A_774 = %scan3A_290 to %scan3A_292 step %scan3A_293  : i32 {
      %rem3A = arith.constant 2 : i32
      %rem3A_775 = arith.remsi %scan3A_774, %rem3A : i32
      %add3A_776 = arith.constant 1 : i32
      %add3A_777 = arith.addi %scan3A_774, %add3A_776 : i32
      %rem3A_778 = arith.constant 2 : i32
      %rem3A_779 = arith.remsi %add3A_777, %rem3A_778 : i32
      %ge3A = arith.constant 1 : i32
      %ge3A_780 = arith.cmpi sge, %scan3A_774, %ge3A : i32
      %convert_element_type3A = arith.extui %ge3A_780 : i1 to i32
      %cond3A = arith.constant 0 : i32
      %cond3A_781 = arith.cmpi ne, %convert_element_type3A, %cond3A : i32
      scf.if %cond3A_781 {
        %sub3A = arith.constant 1 : i32
        %sub3A_1558 = arith.subi %scan3A_774, %sub3A : i32
        %mul3A_1559 = arith.constant 16 : i32
        %mul3A_1560 = arith.muli %sub3A_1558, %mul3A_1559 : i32
        %add3A_1561 = arith.addi %mul3A_2, %mul3A_1560 : i32
        %add3A_1562 = arith.constant 0 : i32
        %add3A_1563 = arith.addi %add3A_1561, %add3A_1562 : i32
        %mul3A_1564 = arith.constant 16 : i32
        %mul3A_1565 = arith.muli %sub3A_1558, %mul3A_1564 : i32
        %add3A_1566 = arith.addi %mul3A_2, %mul3A_1565 : i32
        %add3A_1567 = arith.constant 1 : i32
        %add3A_1568 = arith.addi %add3A_1566, %add3A_1567 : i32
        %mul3A_1569 = arith.constant 16 : i32
        %mul3A_1570 = arith.muli %sub3A_1558, %mul3A_1569 : i32
        %add3A_1571 = arith.addi %mul3A_2, %mul3A_1570 : i32
        %add3A_1572 = arith.constant 2 : i32
        %add3A_1573 = arith.addi %add3A_1571, %add3A_1572 : i32
        %mul3A_1574 = arith.constant 16 : i32
        %mul3A_1575 = arith.muli %sub3A_1558, %mul3A_1574 : i32
        %add3A_1576 = arith.addi %mul3A_2, %mul3A_1575 : i32
        %add3A_1577 = arith.constant 3 : i32
        %add3A_1578 = arith.addi %add3A_1576, %add3A_1577 : i32
        %mul3A_1579 = arith.constant 16 : i32
        %mul3A_1580 = arith.muli %sub3A_1558, %mul3A_1579 : i32
        %add3A_1581 = arith.addi %mul3A_2, %mul3A_1580 : i32
        %add3A_1582 = arith.constant 4 : i32
        %add3A_1583 = arith.addi %add3A_1581, %add3A_1582 : i32
        %mul3A_1584 = arith.constant 16 : i32
        %mul3A_1585 = arith.muli %sub3A_1558, %mul3A_1584 : i32
        %add3A_1586 = arith.addi %mul3A_2, %mul3A_1585 : i32
        %add3A_1587 = arith.constant 5 : i32
        %add3A_1588 = arith.addi %add3A_1586, %add3A_1587 : i32
        %mul3A_1589 = arith.constant 16 : i32
        %mul3A_1590 = arith.muli %sub3A_1558, %mul3A_1589 : i32
        %add3A_1591 = arith.addi %mul3A_2, %mul3A_1590 : i32
        %add3A_1592 = arith.constant 6 : i32
        %add3A_1593 = arith.addi %add3A_1591, %add3A_1592 : i32
        %mul3A_1594 = arith.constant 16 : i32
        %mul3A_1595 = arith.muli %sub3A_1558, %mul3A_1594 : i32
        %add3A_1596 = arith.addi %mul3A_2, %mul3A_1595 : i32
        %add3A_1597 = arith.constant 7 : i32
        %add3A_1598 = arith.addi %add3A_1596, %add3A_1597 : i32
        %mul3A_1599 = arith.constant 16 : i32
        %mul3A_1600 = arith.muli %sub3A_1558, %mul3A_1599 : i32
        %add3A_1601 = arith.addi %mul3A_2, %mul3A_1600 : i32
        %add3A_1602 = arith.constant 8 : i32
        %add3A_1603 = arith.addi %add3A_1601, %add3A_1602 : i32
        %mul3A_1604 = arith.constant 16 : i32
        %mul3A_1605 = arith.muli %sub3A_1558, %mul3A_1604 : i32
        %add3A_1606 = arith.addi %mul3A_2, %mul3A_1605 : i32
        %add3A_1607 = arith.constant 9 : i32
        %add3A_1608 = arith.addi %add3A_1606, %add3A_1607 : i32
        %mul3A_1609 = arith.constant 16 : i32
        %mul3A_1610 = arith.muli %sub3A_1558, %mul3A_1609 : i32
        %add3A_1611 = arith.addi %mul3A_2, %mul3A_1610 : i32
        %add3A_1612 = arith.constant 10 : i32
        %add3A_1613 = arith.addi %add3A_1611, %add3A_1612 : i32
        %mul3A_1614 = arith.constant 16 : i32
        %mul3A_1615 = arith.muli %sub3A_1558, %mul3A_1614 : i32
        %add3A_1616 = arith.addi %mul3A_2, %mul3A_1615 : i32
        %add3A_1617 = arith.constant 11 : i32
        %add3A_1618 = arith.addi %add3A_1616, %add3A_1617 : i32
        %mul3A_1619 = arith.constant 16 : i32
        %mul3A_1620 = arith.muli %sub3A_1558, %mul3A_1619 : i32
        %add3A_1621 = arith.addi %mul3A_2, %mul3A_1620 : i32
        %add3A_1622 = arith.constant 12 : i32
        %add3A_1623 = arith.addi %add3A_1621, %add3A_1622 : i32
        %mul3A_1624 = arith.constant 16 : i32
        %mul3A_1625 = arith.muli %sub3A_1558, %mul3A_1624 : i32
        %add3A_1626 = arith.addi %mul3A_2, %mul3A_1625 : i32
        %add3A_1627 = arith.constant 13 : i32
        %add3A_1628 = arith.addi %add3A_1626, %add3A_1627 : i32
        %mul3A_1629 = arith.constant 16 : i32
        %mul3A_1630 = arith.muli %sub3A_1558, %mul3A_1629 : i32
        %add3A_1631 = arith.addi %mul3A_2, %mul3A_1630 : i32
        %add3A_1632 = arith.constant 14 : i32
        %add3A_1633 = arith.addi %add3A_1631, %add3A_1632 : i32
        %mul3A_1634 = arith.constant 16 : i32
        %mul3A_1635 = arith.muli %sub3A_1558, %mul3A_1634 : i32
        %add3A_1636 = arith.addi %mul3A_2, %mul3A_1635 : i32
        %add3A_1637 = arith.constant 15 : i32
        %add3A_1638 = arith.addi %add3A_1636, %add3A_1637 : i32
        %dma_wait3A_1639 = arith.constant 0 : i32
        %dma_wait3A_1640 = arith.constant 0 : i32
        %dma_wait3A_1641 = tpu.memref_slice %arg6[%rem3A_779, %dma_wait3A_1639, %dma_wait3A_1640] : memref<2x800x32xf32, #tpu.memory_space<vmem>> -> memref<1x800x32xf32, #tpu.memory_space<vmem>>
        %dma_wait3A_1642 = tpu.memref_squeeze %dma_wait3A_1641 : memref<1x800x32xf32, #tpu.memory_space<vmem>> -> memref<800x32xf32, #tpu.memory_space<vmem>>
        %dma_wait3A_1643 = arith.constant 0 : i32
        %dma_wait3A_1644 = arith.constant 0 : i32
        %dma_wait3A_1645 = tpu.memref_slice %dma_wait3A_1642[%dma_wait3A_1643, %dma_wait3A_1644] : memref<800x32xf32, #tpu.memory_space<vmem>> -> memref<50x32xf32, #tpu.memory_space<vmem>>
        %dma_wait3A_1646 = arith.constant 0 : i32
        %dma_wait3A_1647 = arith.constant 0 : i32
        %dma_wait3A_1648 = tpu.memref_slice %arg4[%add3A_1563, %dma_wait3A_1646, %dma_wait3A_1647] : memref<16384x50x32xf32, #tpu.memory_space<hbm>> -> memref<1x50x32xf32, #tpu.memory_space<hbm>>
        %dma_wait3A_1649 = tpu.memref_squeeze %dma_wait3A_1648 : memref<1x50x32xf32, #tpu.memory_space<hbm>> -> memref<50x32xf32, #tpu.memory_space<hbm>>
        %dma_wait3A_1650 = tpu.memref_slice %arg8[%rem3A_779] : memref<2x!tpu.dma_semaphore, #tpu.memory_space<semaphore_mem>> -> memref<1x!tpu.dma_semaphore, #tpu.memory_space<semaphore_mem>>
        %dma_wait3A_1651 = tpu.memref_squeeze %dma_wait3A_1650 : memref<1x!tpu.dma_semaphore, #tpu.memory_space<semaphore_mem>> -> memref<!tpu.dma_semaphore, #tpu.memory_space<semaphore_mem>>
        %dma_wait3A_1652 = arith.constant 0 : i32
        %dma_wait3A_1653 = arith.constant 0 : i32
        %dma_wait3A_1654 = tpu.memref_slice %arg4[%add3A_1563, %dma_wait3A_1652, %dma_wait3A_1653] : memref<16384x50x32xf32, #tpu.memory_space<hbm>> -> memref<1x50x32xf32, #tpu.memory_space<hbm>>
        %dma_wait3A_1655 = tpu.memref_squeeze %dma_wait3A_1654 : memref<1x50x32xf32, #tpu.memory_space<hbm>> -> memref<50x32xf32, #tpu.memory_space<hbm>>
        %dma_wait3A_1656 = arith.constant 0 : i32
        %dma_wait3A_1657 = arith.constant 0 : i32
        %dma_wait3A_1658 = tpu.memref_slice %arg6[%rem3A_779, %dma_wait3A_1656, %dma_wait3A_1657] : memref<2x800x32xf32, #tpu.memory_space<vmem>> -> memref<1x800x32xf32, #tpu.memory_space<vmem>>
        %dma_wait3A_1659 = tpu.memref_squeeze %dma_wait3A_1658 : memref<1x800x32xf32, #tpu.memory_space<vmem>> -> memref<800x32xf32, #tpu.memory_space<vmem>>
        %dma_wait3A_1660 = arith.constant 0 : i32
        %dma_wait3A_1661 = arith.constant 0 : i32
        %dma_wait3A_1662 = tpu.memref_slice %dma_wait3A_1659[%dma_wait3A_1660, %dma_wait3A_1661] : memref<800x32xf32, #tpu.memory_space<vmem>> -> memref<50x32xf32, #tpu.memory_space<vmem>>
        tpu.wait_dma2 semaphore(%dma_wait3A_1651 : memref<!tpu.dma_semaphore, #tpu.memory_space<semaphore_mem>>) src(%dma_wait3A_1662 : memref<50x32xf32, #tpu.memory_space<vmem>>) dst(%dma_wait3A_1655 : memref<50x32xf32, #tpu.memory_space<hbm>>)
        %dma_wait3A_1663 = arith.constant 0 : i32
        %dma_wait3A_1664 = arith.constant 0 : i32
        %dma_wait3A_1665 = tpu.memref_slice %arg6[%rem3A_779, %dma_wait3A_1663, %dma_wait3A_1664] : memref<2x800x32xf32, #tpu.memory_space<vmem>> -> memref<1x800x32xf32, #tpu.memory_space<vmem>>
        %dma_wait3A_1666 = tpu.memref_squeeze %dma_wait3A_1665 : memref<1x800x32xf32, #tpu.memory_space<vmem>> -> memref<800x32xf32, #tpu.memory_space<vmem>>
        %dma_wait3A_1667 = arith.constant 50 : i32
        %dma_wait3A_1668 = arith.constant 0 : i32
        %dma_wait3A_1669 = tpu.memref_slice %dma_wait3A_1666[%dma_wait3A_1667, %dma_wait3A_1668] : memref<800x32xf32, #tpu.memory_space<vmem>> -> memref<50x32xf32, #tpu.memory_space<vmem>>
        %dma_wait3A_1670 = arith.constant 0 : i32
        %dma_wait3A_1671 = arith.constant 0 : i32
        %dma_wait3A_1672 = tpu.memref_slice %arg4[%add3A_1568, %dma_wait3A_1670, %dma_wait3A_1671] : memref<16384x50x32xf32, #tpu.memory_space<hbm>> -> memref<1x50x32xf32, #tpu.memory_space<hbm>>
        %dma_wait3A_1673 = tpu.memref_squeeze %dma_wait3A_1672 : memref<1x50x32xf32, #tpu.memory_space<hbm>> -> memref<50x32xf32, #tpu.memory_space<hbm>>
        %dma_wait3A_1674 = tpu.memref_slice %arg8[%rem3A_779] : memref<2x!tpu.dma_semaphore, #tpu.memory_space<semaphore_mem>> -> memref<1x!tpu.dma_semaphore, #tpu.memory_space<semaphore_mem>>
        %dma_wait3A_1675 = tpu.memref_squeeze %dma_wait3A_1674 : memref<1x!tpu.dma_semaphore, #tpu.memory_space<semaphore_mem>> -> memref<!tpu.dma_semaphore, #tpu.memory_space<semaphore_mem>>
        %dma_wait3A_1676 = arith.constant 0 : i32
        %dma_wait3A_1677 = arith.constant 0 : i32
        %dma_wait3A_1678 = tpu.memref_slice %arg4[%add3A_1568, %dma_wait3A_1676, %dma_wait3A_1677] : memref<16384x50x32xf32, #tpu.memory_space<hbm>> -> memref<1x50x32xf32, #tpu.memory_space<hbm>>
        %dma_wait3A_1679 = tpu.memref_squeeze %dma_wait3A_1678 : memref<1x50x32xf32, #tpu.memory_space<hbm>> -> memref<50x32xf32, #tpu.memory_space<hbm>>
        %dma_wait3A_1680 = arith.constant 0 : i32
        %dma_wait3A_1681 = arith.constant 0 : i32
        %dma_wait3A_1682 = tpu.memref_slice %arg6[%rem3A_779, %dma_wait3A_1680, %dma_wait3A_1681] : memref<2x800x32xf32, #tpu.memory_space<vmem>> -> memref<1x800x32xf32, #tpu.memory_space<vmem>>
        %dma_wait3A_1683 = tpu.memref_squeeze %dma_wait3A_1682 : memref<1x800x32xf32, #tpu.memory_space<vmem>> -> memref<800x32xf32, #tpu.memory_space<vmem>>
        %dma_wait3A_1684 = arith.constant 50 : i32
        %dma_wait3A_1685 = arith.constant 0 : i32
        %dma_wait3A_1686 = tpu.memref_slice %dma_wait3A_1683[%dma_wait3A_1684, %dma_wait3A_1685] : memref<800x32xf32, #tpu.memory_space<vmem>> -> memref<50x32xf32, #tpu.memory_space<vmem>>
        tpu.wait_dma2 semaphore(%dma_wait3A_1675 : memref<!tpu.dma_semaphore, #tpu.memory_space<semaphore_mem>>) src(%dma_wait3A_1686 : memref<50x32xf32, #tpu.memory_space<vmem>>) dst(%dma_wait3A_1679 : memref<50x32xf32, #tpu.memory_space<hbm>>)
        %dma_wait3A_1687 = arith.constant 0 : i32
        %dma_wait3A_1688 = arith.constant 0 : i32
        %dma_wait3A_1689 = tpu.memref_slice %arg6[%rem3A_779, %dma_wait3A_1687, %dma_wait3A_1688] : memref<2x800x32xf32, #tpu.memory_space<vmem>> -> memref<1x800x32xf32, #tpu.memory_space<vmem>>
        %dma_wait3A_1690 = tpu.memref_squeeze %dma_wait3A_1689 : memref<1x800x32xf32, #tpu.memory_space<vmem>> -> memref<800x32xf32, #tpu.memory_space<vmem>>
        %dma_wait3A_1691 = arith.constant 100 : i32
        %dma_wait3A_1692 = arith.constant 0 : i32
        %dma_wait3A_1693 = tpu.memref_slice %dma_wait3A_1690[%dma_wait3A_1691, %dma_wait3A_1692] : memref<800x32xf32, #tpu.memory_space<vmem>> -> memref<50x32xf32, #tpu.memory_space<vmem>>
        %dma_wait3A_1694 = arith.constant 0 : i32
        %dma_wait3A_1695 = arith.constant 0 : i32
        %dma_wait3A_1696 = tpu.memref_slice %arg4[%add3A_1573, %dma_wait3A_1694, %dma_wait3A_1695] : memref<16384x50x32xf32, #tpu.memory_space<hbm>> -> memref<1x50x32xf32, #tpu.memory_space<hbm>>
        %dma_wait3A_1697 = tpu.memref_squeeze %dma_wait3A_1696 : memref<1x50x32xf32, #tpu.memory_space<hbm>> -> memref<50x32xf32, #tpu.memory_space<hbm>>
        %dma_wait3A_1698 = tpu.memref_slice %arg8[%rem3A_779] : memref<2x!tpu.dma_semaphore, #tpu.memory_space<semaphore_mem>> -> memref<1x!tpu.dma_semaphore, #tpu.memory_space<semaphore_mem>>
        %dma_wait3A_1699 = tpu.memref_squeeze %dma_wait3A_1698 : memref<1x!tpu.dma_semaphore, #tpu.memory_space<semaphore_mem>> -> memref<!tpu.dma_semaphore, #tpu.memory_space<semaphore_mem>>
        %dma_wait3A_1700 = arith.constant 0 : i32
        %dma_wait3A_1701 = arith.constant 0 : i32
        %dma_wait3A_1702 = tpu.memref_slice %arg4[%add3A_1573, %dma_wait3A_1700, %dma_wait3A_1701] : memref<16384x50x32xf32, #tpu.memory_space<hbm>> -> memref<1x50x32xf32, #tpu.memory_space<hbm>>
        %dma_wait3A_1703 = tpu.memref_squeeze %dma_wait3A_1702 : memref<1x50x32xf32, #tpu.memory_space<hbm>> -> memref<50x32xf32, #tpu.memory_space<hbm>>
        %dma_wait3A_1704 = arith.constant 0 : i32
        %dma_wait3A_1705 = arith.constant 0 : i32
        %dma_wait3A_1706 = tpu.memref_slice %arg6[%rem3A_779, %dma_wait3A_1704, %dma_wait3A_1705] : memref<2x800x32xf32, #tpu.memory_space<vmem>> -> memref<1x800x32xf32, #tpu.memory_space<vmem>>
        %dma_wait3A_1707 = tpu.memref_squeeze %dma_wait3A_1706 : memref<1x800x32xf32, #tpu.memory_space<vmem>> -> memref<800x32xf32, #tpu.memory_space<vmem>>
        %dma_wait3A_1708 = arith.constant 100 : i32
        %dma_wait3A_1709 = arith.constant 0 : i32
        %dma_wait3A_1710 = tpu.memref_slice %dma_wait3A_1707[%dma_wait3A_1708, %dma_wait3A_1709] : memref<800x32xf32, #tpu.memory_space<vmem>> -> memref<50x32xf32, #tpu.memory_space<vmem>>
        tpu.wait_dma2 semaphore(%dma_wait3A_1699 : memref<!tpu.dma_semaphore, #tpu.memory_space<semaphore_mem>>) src(%dma_wait3A_1710 : memref<50x32xf32, #tpu.memory_space<vmem>>) dst(%dma_wait3A_1703 : memref<50x32xf32, #tpu.memory_space<hbm>>)
        %dma_wait3A_1711 = arith.constant 0 : i32
        %dma_wait3A_1712 = arith.constant 0 : i32
        %dma_wait3A_1713 = tpu.memref_slice %arg6[%rem3A_779, %dma_wait3A_1711, %dma_wait3A_1712] : memref<2x800x32xf32, #tpu.memory_space<vmem>> -> memref<1x800x32xf32, #tpu.memory_space<vmem>>
        %dma_wait3A_1714 = tpu.memref_squeeze %dma_wait3A_1713 : memref<1x800x32xf32, #tpu.memory_space<vmem>> -> memref<800x32xf32, #tpu.memory_space<vmem>>
        %dma_wait3A_1715 = arith.constant 150 : i32
        %dma_wait3A_1716 = arith.constant 0 : i32
        %dma_wait3A_1717 = tpu.memref_slice %dma_wait3A_1714[%dma_wait3A_1715, %dma_wait3A_1716] : memref<800x32xf32, #tpu.memory_space<vmem>> -> memref<50x32xf32, #tpu.memory_space<vmem>>
        %dma_wait3A_1718 = arith.constant 0 : i32
        %dma_wait3A_1719 = arith.constant 0 : i32
        %dma_wait3A_1720 = tpu.memref_slice %arg4[%add3A_1578, %dma_wait3A_1718, %dma_wait3A_1719] : memref<16384x50x32xf32, #tpu.memory_space<hbm>> -> memref<1x50x32xf32, #tpu.memory_space<hbm>>
        %dma_wait3A_1721 = tpu.memref_squeeze %dma_wait3A_1720 : memref<1x50x32xf32, #tpu.memory_space<hbm>> -> memref<50x32xf32, #tpu.memory_space<hbm>>
        %dma_wait3A_1722 = tpu.memref_slice %arg8[%rem3A_779] : memref<2x!tpu.dma_semaphore, #tpu.memory_space<semaphore_mem>> -> memref<1x!tpu.dma_semaphore, #tpu.memory_space<semaphore_mem>>
        %dma_wait3A_1723 = tpu.memref_squeeze %dma_wait3A_1722 : memref<1x!tpu.dma_semaphore, #tpu.memory_space<semaphore_mem>> -> memref<!tpu.dma_semaphore, #tpu.memory_space<semaphore_mem>>
        %dma_wait3A_1724 = arith.constant 0 : i32
        %dma_wait3A_1725 = arith.constant 0 : i32
        %dma_wait3A_1726 = tpu.memref_slice %arg4[%add3A_1578, %dma_wait3A_1724, %dma_wait3A_1725] : memref<16384x50x32xf32, #tpu.memory_space<hbm>> -> memref<1x50x32xf32, #tpu.memory_space<hbm>>
        %dma_wait3A_1727 = tpu.memref_squeeze %dma_wait3A_1726 : memref<1x50x32xf32, #tpu.memory_space<hbm>> -> memref<50x32xf32, #tpu.memory_space<hbm>>
        %dma_wait3A_1728 = arith.constant 0 : i32
        %dma_wait3A_1729 = arith.constant 0 : i32
        %dma_wait3A_1730 = tpu.memref_slice %arg6[%rem3A_779, %dma_wait3A_1728, %dma_wait3A_1729] : memref<2x800x32xf32, #tpu.memory_space<vmem>> -> memref<1x800x32xf32, #tpu.memory_space<vmem>>
        %dma_wait3A_1731 = tpu.memref_squeeze %dma_wait3A_1730 : memref<1x800x32xf32, #tpu.memory_space<vmem>> -> memref<800x32xf32, #tpu.memory_space<vmem>>
        %dma_wait3A_1732 = arith.constant 150 : i32
        %dma_wait3A_1733 = arith.constant 0 : i32
        %dma_wait3A_1734 = tpu.memref_slice %dma_wait3A_1731[%dma_wait3A_1732, %dma_wait3A_1733] : memref<800x32xf32, #tpu.memory_space<vmem>> -> memref<50x32xf32, #tpu.memory_space<vmem>>
        tpu.wait_dma2 semaphore(%dma_wait3A_1723 : memref<!tpu.dma_semaphore, #tpu.memory_space<semaphore_mem>>) src(%dma_wait3A_1734 : memref<50x32xf32, #tpu.memory_space<vmem>>) dst(%dma_wait3A_1727 : memref<50x32xf32, #tpu.memory_space<hbm>>)
        %dma_wait3A_1735 = arith.constant 0 : i32
        %dma_wait3A_1736 = arith.constant 0 : i32
        %dma_wait3A_1737 = tpu.memref_slice %arg6[%rem3A_779, %dma_wait3A_1735, %dma_wait3A_1736] : memref<2x800x32xf32, #tpu.memory_space<vmem>> -> memref<1x800x32xf32, #tpu.memory_space<vmem>>
        %dma_wait3A_1738 = tpu.memref_squeeze %dma_wait3A_1737 : memref<1x800x32xf32, #tpu.memory_space<vmem>> -> memref<800x32xf32, #tpu.memory_space<vmem>>
        %dma_wait3A_1739 = arith.constant 200 : i32
        %dma_wait3A_1740 = arith.constant 0 : i32
        %dma_wait3A_1741 = tpu.memref_slice %dma_wait3A_1738[%dma_wait3A_1739, %dma_wait3A_1740] : memref<800x32xf32, #tpu.memory_space<vmem>> -> memref<50x32xf32, #tpu.memory_space<vmem>>
        %dma_wait3A_1742 = arith.constant 0 : i32
        %dma_wait3A_1743 = arith.constant 0 : i32
        %dma_wait3A_1744 = tpu.memref_slice %arg4[%add3A_1583, %dma_wait3A_1742, %dma_wait3A_1743] : memref<16384x50x32xf32, #tpu.memory_space<hbm>> -> memref<1x50x32xf32, #tpu.memory_space<hbm>>
        %dma_wait3A_1745 = tpu.memref_squeeze %dma_wait3A_1744 : memref<1x50x32xf32, #tpu.memory_space<hbm>> -> memref<50x32xf32, #tpu.memory_space<hbm>>
        %dma_wait3A_1746 = tpu.memref_slice %arg8[%rem3A_779] : memref<2x!tpu.dma_semaphore, #tpu.memory_space<semaphore_mem>> -> memref<1x!tpu.dma_semaphore, #tpu.memory_space<semaphore_mem>>
        %dma_wait3A_1747 = tpu.memref_squeeze %dma_wait3A_1746 : memref<1x!tpu.dma_semaphore, #tpu.memory_space<semaphore_mem>> -> memref<!tpu.dma_semaphore, #tpu.memory_space<semaphore_mem>>
        %dma_wait3A_1748 = arith.constant 0 : i32
        %dma_wait3A_1749 = arith.constant 0 : i32
        %dma_wait3A_1750 = tpu.memref_slice %arg4[%add3A_1583, %dma_wait3A_1748, %dma_wait3A_1749] : memref<16384x50x32xf32, #tpu.memory_space<hbm>> -> memref<1x50x32xf32, #tpu.memory_space<hbm>>
        %dma_wait3A_1751 = tpu.memref_squeeze %dma_wait3A_1750 : memref<1x50x32xf32, #tpu.memory_space<hbm>> -> memref<50x32xf32, #tpu.memory_space<hbm>>
        %dma_wait3A_1752 = arith.constant 0 : i32
        %dma_wait3A_1753 = arith.constant 0 : i32
        %dma_wait3A_1754 = tpu.memref_slice %arg6[%rem3A_779, %dma_wait3A_1752, %dma_wait3A_1753] : memref<2x800x32xf32, #tpu.memory_space<vmem>> -> memref<1x800x32xf32, #tpu.memory_space<vmem>>
        %dma_wait3A_1755 = tpu.memref_squeeze %dma_wait3A_1754 : memref<1x800x32xf32, #tpu.memory_space<vmem>> -> memref<800x32xf32, #tpu.memory_space<vmem>>
        %dma_wait3A_1756 = arith.constant 200 : i32
        %dma_wait3A_1757 = arith.constant 0 : i32
        %dma_wait3A_1758 = tpu.memref_slice %dma_wait3A_1755[%dma_wait3A_1756, %dma_wait3A_1757] : memref<800x32xf32, #tpu.memory_space<vmem>> -> memref<50x32xf32, #tpu.memory_space<vmem>>
        tpu.wait_dma2 semaphore(%dma_wait3A_1747 : memref<!tpu.dma_semaphore, #tpu.memory_space<semaphore_mem>>) src(%dma_wait3A_1758 : memref<50x32xf32, #tpu.memory_space<vmem>>) dst(%dma_wait3A_1751 : memref<50x32xf32, #tpu.memory_space<hbm>>)
        %dma_wait3A_1759 = arith.constant 0 : i32
        %dma_wait3A_1760 = arith.constant 0 : i32
        %dma_wait3A_1761 = tpu.memref_slice %arg6[%rem3A_779, %dma_wait3A_1759, %dma_wait3A_1760] : memref<2x800x32xf32, #tpu.memory_space<vmem>> -> memref<1x800x32xf32, #tpu.memory_space<vmem>>
        %dma_wait3A_1762 = tpu.memref_squeeze %dma_wait3A_1761 : memref<1x800x32xf32, #tpu.memory_space<vmem>> -> memref<800x32xf32, #tpu.memory_space<vmem>>
        %dma_wait3A_1763 = arith.constant 250 : i32
        %dma_wait3A_1764 = arith.constant 0 : i32
        %dma_wait3A_1765 = tpu.memref_slice %dma_wait3A_1762[%dma_wait3A_1763, %dma_wait3A_1764] : memref<800x32xf32, #tpu.memory_space<vmem>> -> memref<50x32xf32, #tpu.memory_space<vmem>>
        %dma_wait3A_1766 = arith.constant 0 : i32
        %dma_wait3A_1767 = arith.constant 0 : i32
        %dma_wait3A_1768 = tpu.memref_slice %arg4[%add3A_1588, %dma_wait3A_1766, %dma_wait3A_1767] : memref<16384x50x32xf32, #tpu.memory_space<hbm>> -> memref<1x50x32xf32, #tpu.memory_space<hbm>>
        %dma_wait3A_1769 = tpu.memref_squeeze %dma_wait3A_1768 : memref<1x50x32xf32, #tpu.memory_space<hbm>> -> memref<50x32xf32, #tpu.memory_space<hbm>>
        %dma_wait3A_1770 = tpu.memref_slice %arg8[%rem3A_779] : memref<2x!tpu.dma_semaphore, #tpu.memory_space<semaphore_mem>> -> memref<1x!tpu.dma_semaphore, #tpu.memory_space<semaphore_mem>>
        %dma_wait3A_1771 = tpu.memref_squeeze %dma_wait3A_1770 : memref<1x!tpu.dma_semaphore, #tpu.memory_space<semaphore_mem>> -> memref<!tpu.dma_semaphore, #tpu.memory_space<semaphore_mem>>
        %dma_wait3A_1772 = arith.constant 0 : i32
        %dma_wait3A_1773 = arith.constant 0 : i32
        %dma_wait3A_1774 = tpu.memref_slice %arg4[%add3A_1588, %dma_wait3A_1772, %dma_wait3A_1773] : memref<16384x50x32xf32, #tpu.memory_space<hbm>> -> memref<1x50x32xf32, #tpu.memory_space<hbm>>
        %dma_wait3A_1775 = tpu.memref_squeeze %dma_wait3A_1774 : memref<1x50x32xf32, #tpu.memory_space<hbm>> -> memref<50x32xf32, #tpu.memory_space<hbm>>
        %dma_wait3A_1776 = arith.constant 0 : i32
        %dma_wait3A_1777 = arith.constant 0 : i32
        %dma_wait3A_1778 = tpu.memref_slice %arg6[%rem3A_779, %dma_wait3A_1776, %dma_wait3A_1777] : memref<2x800x32xf32, #tpu.memory_space<vmem>> -> memref<1x800x32xf32, #tpu.memory_space<vmem>>
        %dma_wait3A_1779 = tpu.memref_squeeze %dma_wait3A_1778 : memref<1x800x32xf32, #tpu.memory_space<vmem>> -> memref<800x32xf32, #tpu.memory_space<vmem>>
        %dma_wait3A_1780 = arith.constant 250 : i32
        %dma_wait3A_1781 = arith.constant 0 : i32
        %dma_wait3A_1782 = tpu.memref_slice %dma_wait3A_1779[%dma_wait3A_1780, %dma_wait3A_1781] : memref<800x32xf32, #tpu.memory_space<vmem>> -> memref<50x32xf32, #tpu.memory_space<vmem>>
        tpu.wait_dma2 semaphore(%dma_wait3A_1771 : memref<!tpu.dma_semaphore, #tpu.memory_space<semaphore_mem>>) src(%dma_wait3A_1782 : memref<50x32xf32, #tpu.memory_space<vmem>>) dst(%dma_wait3A_1775 : memref<50x32xf32, #tpu.memory_space<hbm>>)
        %dma_wait3A_1783 = arith.constant 0 : i32
        %dma_wait3A_1784 = arith.constant 0 : i32
        %dma_wait3A_1785 = tpu.memref_slice %arg6[%rem3A_779, %dma_wait3A_1783, %dma_wait3A_1784] : memref<2x800x32xf32, #tpu.memory_space<vmem>> -> memref<1x800x32xf32, #tpu.memory_space<vmem>>
        %dma_wait3A_1786 = tpu.memref_squeeze %dma_wait3A_1785 : memref<1x800x32xf32, #tpu.memory_space<vmem>> -> memref<800x32xf32, #tpu.memory_space<vmem>>
        %dma_wait3A_1787 = arith.constant 300 : i32
        %dma_wait3A_1788 = arith.constant 0 : i32
        %dma_wait3A_1789 = tpu.memref_slice %dma_wait3A_1786[%dma_wait3A_1787, %dma_wait3A_1788] : memref<800x32xf32, #tpu.memory_space<vmem>> -> memref<50x32xf32, #tpu.memory_space<vmem>>
        %dma_wait3A_1790 = arith.constant 0 : i32
        %dma_wait3A_1791 = arith.constant 0 : i32
        %dma_wait3A_1792 = tpu.memref_slice %arg4[%add3A_1593, %dma_wait3A_1790, %dma_wait3A_1791] : memref<16384x50x32xf32, #tpu.memory_space<hbm>> -> memref<1x50x32xf32, #tpu.memory_space<hbm>>
        %dma_wait3A_1793 = tpu.memref_squeeze %dma_wait3A_1792 : memref<1x50x32xf32, #tpu.memory_space<hbm>> -> memref<50x32xf32, #tpu.memory_space<hbm>>
        %dma_wait3A_1794 = tpu.memref_slice %arg8[%rem3A_779] : memref<2x!tpu.dma_semaphore, #tpu.memory_space<semaphore_mem>> -> memref<1x!tpu.dma_semaphore, #tpu.memory_space<semaphore_mem>>
        %dma_wait3A_1795 = tpu.memref_squeeze %dma_wait3A_1794 : memref<1x!tpu.dma_semaphore, #tpu.memory_space<semaphore_mem>> -> memref<!tpu.dma_semaphore, #tpu.memory_space<semaphore_mem>>
        %dma_wait3A_1796 = arith.constant 0 : i32
        %dma_wait3A_1797 = arith.constant 0 : i32
        %dma_wait3A_1798 = tpu.memref_slice %arg4[%add3A_1593, %dma_wait3A_1796, %dma_wait3A_1797] : memref<16384x50x32xf32, #tpu.memory_space<hbm>> -> memref<1x50x32xf32, #tpu.memory_space<hbm>>
        %dma_wait3A_1799 = tpu.memref_squeeze %dma_wait3A_1798 : memref<1x50x32xf32, #tpu.memory_space<hbm>> -> memref<50x32xf32, #tpu.memory_space<hbm>>
        %dma_wait3A_1800 = arith.constant 0 : i32
        %dma_wait3A_1801 = arith.constant 0 : i32
        %dma_wait3A_1802 = tpu.memref_slice %arg6[%rem3A_779, %dma_wait3A_1800, %dma_wait3A_1801] : memref<2x800x32xf32, #tpu.memory_space<vmem>> -> memref<1x800x32xf32, #tpu.memory_space<vmem>>
        %dma_wait3A_1803 = tpu.memref_squeeze %dma_wait3A_1802 : memref<1x800x32xf32, #tpu.memory_space<vmem>> -> memref<800x32xf32, #tpu.memory_space<vmem>>
        %dma_wait3A_1804 = arith.constant 300 : i32
        %dma_wait3A_1805 = arith.constant 0 : i32
        %dma_wait3A_1806 = tpu.memref_slice %dma_wait3A_1803[%dma_wait3A_1804, %dma_wait3A_1805] : memref<800x32xf32, #tpu.memory_space<vmem>> -> memref<50x32xf32, #tpu.memory_space<vmem>>
        tpu.wait_dma2 semaphore(%dma_wait3A_1795 : memref<!tpu.dma_semaphore, #tpu.memory_space<semaphore_mem>>) src(%dma_wait3A_1806 : memref<50x32xf32, #tpu.memory_space<vmem>>) dst(%dma_wait3A_1799 : memref<50x32xf32, #tpu.memory_space<hbm>>)
        %dma_wait3A_1807 = arith.constant 0 : i32
        %dma_wait3A_1808 = arith.constant 0 : i32
        %dma_wait3A_1809 = tpu.memref_slice %arg6[%rem3A_779, %dma_wait3A_1807, %dma_wait3A_1808] : memref<2x800x32xf32, #tpu.memory_space<vmem>> -> memref<1x800x32xf32, #tpu.memory_space<vmem>>
        %dma_wait3A_1810 = tpu.memref_squeeze %dma_wait3A_1809 : memref<1x800x32xf32, #tpu.memory_space<vmem>> -> memref<800x32xf32, #tpu.memory_space<vmem>>
        %dma_wait3A_1811 = arith.constant 350 : i32
        %dma_wait3A_1812 = arith.constant 0 : i32
        %dma_wait3A_1813 = tpu.memref_slice %dma_wait3A_1810[%dma_wait3A_1811, %dma_wait3A_1812] : memref<800x32xf32, #tpu.memory_space<vmem>> -> memref<50x32xf32, #tpu.memory_space<vmem>>
        %dma_wait3A_1814 = arith.constant 0 : i32
        %dma_wait3A_1815 = arith.constant 0 : i32
        %dma_wait3A_1816 = tpu.memref_slice %arg4[%add3A_1598, %dma_wait3A_1814, %dma_wait3A_1815] : memref<16384x50x32xf32, #tpu.memory_space<hbm>> -> memref<1x50x32xf32, #tpu.memory_space<hbm>>
        %dma_wait3A_1817 = tpu.memref_squeeze %dma_wait3A_1816 : memref<1x50x32xf32, #tpu.memory_space<hbm>> -> memref<50x32xf32, #tpu.memory_space<hbm>>
        %dma_wait3A_1818 = tpu.memref_slice %arg8[%rem3A_779] : memref<2x!tpu.dma_semaphore, #tpu.memory_space<semaphore_mem>> -> memref<1x!tpu.dma_semaphore, #tpu.memory_space<semaphore_mem>>
        %dma_wait3A_1819 = tpu.memref_squeeze %dma_wait3A_1818 : memref<1x!tpu.dma_semaphore, #tpu.memory_space<semaphore_mem>> -> memref<!tpu.dma_semaphore, #tpu.memory_space<semaphore_mem>>
        %dma_wait3A_1820 = arith.constant 0 : i32
        %dma_wait3A_1821 = arith.constant 0 : i32
        %dma_wait3A_1822 = tpu.memref_slice %arg4[%add3A_1598, %dma_wait3A_1820, %dma_wait3A_1821] : memref<16384x50x32xf32, #tpu.memory_space<hbm>> -> memref<1x50x32xf32, #tpu.memory_space<hbm>>
        %dma_wait3A_1823 = tpu.memref_squeeze %dma_wait3A_1822 : memref<1x50x32xf32, #tpu.memory_space<hbm>> -> memref<50x32xf32, #tpu.memory_space<hbm>>
        %dma_wait3A_1824 = arith.constant 0 : i32
        %dma_wait3A_1825 = arith.constant 0 : i32
        %dma_wait3A_1826 = tpu.memref_slice %arg6[%rem3A_779, %dma_wait3A_1824, %dma_wait3A_1825] : memref<2x800x32xf32, #tpu.memory_space<vmem>> -> memref<1x800x32xf32, #tpu.memory_space<vmem>>
        %dma_wait3A_1827 = tpu.memref_squeeze %dma_wait3A_1826 : memref<1x800x32xf32, #tpu.memory_space<vmem>> -> memref<800x32xf32, #tpu.memory_space<vmem>>
        %dma_wait3A_1828 = arith.constant 350 : i32
        %dma_wait3A_1829 = arith.constant 0 : i32
        %dma_wait3A_1830 = tpu.memref_slice %dma_wait3A_1827[%dma_wait3A_1828, %dma_wait3A_1829] : memref<800x32xf32, #tpu.memory_space<vmem>> -> memref<50x32xf32, #tpu.memory_space<vmem>>
        tpu.wait_dma2 semaphore(%dma_wait3A_1819 : memref<!tpu.dma_semaphore, #tpu.memory_space<semaphore_mem>>) src(%dma_wait3A_1830 : memref<50x32xf32, #tpu.memory_space<vmem>>) dst(%dma_wait3A_1823 : memref<50x32xf32, #tpu.memory_space<hbm>>)
        %dma_wait3A_1831 = arith.constant 0 : i32
        %dma_wait3A_1832 = arith.constant 0 : i32
        %dma_wait3A_1833 = tpu.memref_slice %arg6[%rem3A_779, %dma_wait3A_1831, %dma_wait3A_1832] : memref<2x800x32xf32, #tpu.memory_space<vmem>> -> memref<1x800x32xf32, #tpu.memory_space<vmem>>
        %dma_wait3A_1834 = tpu.memref_squeeze %dma_wait3A_1833 : memref<1x800x32xf32, #tpu.memory_space<vmem>> -> memref<800x32xf32, #tpu.memory_space<vmem>>
        %dma_wait3A_1835 = arith.constant 400 : i32
        %dma_wait3A_1836 = arith.constant 0 : i32
        %dma_wait3A_1837 = tpu.memref_slice %dma_wait3A_1834[%dma_wait3A_1835, %dma_wait3A_1836] : memref<800x32xf32, #tpu.memory_space<vmem>> -> memref<50x32xf32, #tpu.memory_space<vmem>>
        %dma_wait3A_1838 = arith.constant 0 : i32
        %dma_wait3A_1839 = arith.constant 0 : i32
        %dma_wait3A_1840 = tpu.memref_slice %arg4[%add3A_1603, %dma_wait3A_1838, %dma_wait3A_1839] : memref<16384x50x32xf32, #tpu.memory_space<hbm>> -> memref<1x50x32xf32, #tpu.memory_space<hbm>>
        %dma_wait3A_1841 = tpu.memref_squeeze %dma_wait3A_1840 : memref<1x50x32xf32, #tpu.memory_space<hbm>> -> memref<50x32xf32, #tpu.memory_space<hbm>>
        %dma_wait3A_1842 = tpu.memref_slice %arg8[%rem3A_779] : memref<2x!tpu.dma_semaphore, #tpu.memory_space<semaphore_mem>> -> memref<1x!tpu.dma_semaphore, #tpu.memory_space<semaphore_mem>>
        %dma_wait3A_1843 = tpu.memref_squeeze %dma_wait3A_1842 : memref<1x!tpu.dma_semaphore, #tpu.memory_space<semaphore_mem>> -> memref<!tpu.dma_semaphore, #tpu.memory_space<semaphore_mem>>
        %dma_wait3A_1844 = arith.constant 0 : i32
        %dma_wait3A_1845 = arith.constant 0 : i32
        %dma_wait3A_1846 = tpu.memref_slice %arg4[%add3A_1603, %dma_wait3A_1844, %dma_wait3A_1845] : memref<16384x50x32xf32, #tpu.memory_space<hbm>> -> memref<1x50x32xf32, #tpu.memory_space<hbm>>
        %dma_wait3A_1847 = tpu.memref_squeeze %dma_wait3A_1846 : memref<1x50x32xf32, #tpu.memory_space<hbm>> -> memref<50x32xf32, #tpu.memory_space<hbm>>
        %dma_wait3A_1848 = arith.constant 0 : i32
        %dma_wait3A_1849 = arith.constant 0 : i32
        %dma_wait3A_1850 = tpu.memref_slice %arg6[%rem3A_779, %dma_wait3A_1848, %dma_wait3A_1849] : memref<2x800x32xf32, #tpu.memory_space<vmem>> -> memref<1x800x32xf32, #tpu.memory_space<vmem>>
        %dma_wait3A_1851 = tpu.memref_squeeze %dma_wait3A_1850 : memref<1x800x32xf32, #tpu.memory_space<vmem>> -> memref<800x32xf32, #tpu.memory_space<vmem>>
        %dma_wait3A_1852 = arith.constant 400 : i32
        %dma_wait3A_1853 = arith.constant 0 : i32
        %dma_wait3A_1854 = tpu.memref_slice %dma_wait3A_1851[%dma_wait3A_1852, %dma_wait3A_1853] : memref<800x32xf32, #tpu.memory_space<vmem>> -> memref<50x32xf32, #tpu.memory_space<vmem>>
        tpu.wait_dma2 semaphore(%dma_wait3A_1843 : memref<!tpu.dma_semaphore, #tpu.memory_space<semaphore_mem>>) src(%dma_wait3A_1854 : memref<50x32xf32, #tpu.memory_space<vmem>>) dst(%dma_wait3A_1847 : memref<50x32xf32, #tpu.memory_space<hbm>>)
        %dma_wait3A_1855 = arith.constant 0 : i32
        %dma_wait3A_1856 = arith.constant 0 : i32
        %dma_wait3A_1857 = tpu.memref_slice %arg6[%rem3A_779, %dma_wait3A_1855, %dma_wait3A_1856] : memref<2x800x32xf32, #tpu.memory_space<vmem>> -> memref<1x800x32xf32, #tpu.memory_space<vmem>>
        %dma_wait3A_1858 = tpu.memref_squeeze %dma_wait3A_1857 : memref<1x800x32xf32, #tpu.memory_space<vmem>> -> memref<800x32xf32, #tpu.memory_space<vmem>>
        %dma_wait3A_1859 = arith.constant 450 : i32
        %dma_wait3A_1860 = arith.constant 0 : i32
        %dma_wait3A_1861 = tpu.memref_slice %dma_wait3A_1858[%dma_wait3A_1859, %dma_wait3A_1860] : memref<800x32xf32, #tpu.memory_space<vmem>> -> memref<50x32xf32, #tpu.memory_space<vmem>>
        %dma_wait3A_1862 = arith.constant 0 : i32
        %dma_wait3A_1863 = arith.constant 0 : i32
        %dma_wait3A_1864 = tpu.memref_slice %arg4[%add3A_1608, %dma_wait3A_1862, %dma_wait3A_1863] : memref<16384x50x32xf32, #tpu.memory_space<hbm>> -> memref<1x50x32xf32, #tpu.memory_space<hbm>>
        %dma_wait3A_1865 = tpu.memref_squeeze %dma_wait3A_1864 : memref<1x50x32xf32, #tpu.memory_space<hbm>> -> memref<50x32xf32, #tpu.memory_space<hbm>>
        %dma_wait3A_1866 = tpu.memref_slice %arg8[%rem3A_779] : memref<2x!tpu.dma_semaphore, #tpu.memory_space<semaphore_mem>> -> memref<1x!tpu.dma_semaphore, #tpu.memory_space<semaphore_mem>>
        %dma_wait3A_1867 = tpu.memref_squeeze %dma_wait3A_1866 : memref<1x!tpu.dma_semaphore, #tpu.memory_space<semaphore_mem>> -> memref<!tpu.dma_semaphore, #tpu.memory_space<semaphore_mem>>
        %dma_wait3A_1868 = arith.constant 0 : i32
        %dma_wait3A_1869 = arith.constant 0 : i32
        %dma_wait3A_1870 = tpu.memref_slice %arg4[%add3A_1608, %dma_wait3A_1868, %dma_wait3A_1869] : memref<16384x50x32xf32, #tpu.memory_space<hbm>> -> memref<1x50x32xf32, #tpu.memory_space<hbm>>
        %dma_wait3A_1871 = tpu.memref_squeeze %dma_wait3A_1870 : memref<1x50x32xf32, #tpu.memory_space<hbm>> -> memref<50x32xf32, #tpu.memory_space<hbm>>
        %dma_wait3A_1872 = arith.constant 0 : i32
        %dma_wait3A_1873 = arith.constant 0 : i32
        %dma_wait3A_1874 = tpu.memref_slice %arg6[%rem3A_779, %dma_wait3A_1872, %dma_wait3A_1873] : memref<2x800x32xf32, #tpu.memory_space<vmem>> -> memref<1x800x32xf32, #tpu.memory_space<vmem>>
        %dma_wait3A_1875 = tpu.memref_squeeze %dma_wait3A_1874 : memref<1x800x32xf32, #tpu.memory_space<vmem>> -> memref<800x32xf32, #tpu.memory_space<vmem>>
        %dma_wait3A_1876 = arith.constant 450 : i32
        %dma_wait3A_1877 = arith.constant 0 : i32
        %dma_wait3A_1878 = tpu.memref_slice %dma_wait3A_1875[%dma_wait3A_1876, %dma_wait3A_1877] : memref<800x32xf32, #tpu.memory_space<vmem>> -> memref<50x32xf32, #tpu.memory_space<vmem>>
        tpu.wait_dma2 semaphore(%dma_wait3A_1867 : memref<!tpu.dma_semaphore, #tpu.memory_space<semaphore_mem>>) src(%dma_wait3A_1878 : memref<50x32xf32, #tpu.memory_space<vmem>>) dst(%dma_wait3A_1871 : memref<50x32xf32, #tpu.memory_space<hbm>>)
        %dma_wait3A_1879 = arith.constant 0 : i32
        %dma_wait3A_1880 = arith.constant 0 : i32
        %dma_wait3A_1881 = tpu.memref_slice %arg6[%rem3A_779, %dma_wait3A_1879, %dma_wait3A_1880] : memref<2x800x32xf32, #tpu.memory_space<vmem>> -> memref<1x800x32xf32, #tpu.memory_space<vmem>>
        %dma_wait3A_1882 = tpu.memref_squeeze %dma_wait3A_1881 : memref<1x800x32xf32, #tpu.memory_space<vmem>> -> memref<800x32xf32, #tpu.memory_space<vmem>>
        %dma_wait3A_1883 = arith.constant 500 : i32
        %dma_wait3A_1884 = arith.constant 0 : i32
        %dma_wait3A_1885 = tpu.memref_slice %dma_wait3A_1882[%dma_wait3A_1883, %dma_wait3A_1884] : memref<800x32xf32, #tpu.memory_space<vmem>> -> memref<50x32xf32, #tpu.memory_space<vmem>>
        %dma_wait3A_1886 = arith.constant 0 : i32
        %dma_wait3A_1887 = arith.constant 0 : i32
        %dma_wait3A_1888 = tpu.memref_slice %arg4[%add3A_1613, %dma_wait3A_1886, %dma_wait3A_1887] : memref<16384x50x32xf32, #tpu.memory_space<hbm>> -> memref<1x50x32xf32, #tpu.memory_space<hbm>>
        %dma_wait3A_1889 = tpu.memref_squeeze %dma_wait3A_1888 : memref<1x50x32xf32, #tpu.memory_space<hbm>> -> memref<50x32xf32, #tpu.memory_space<hbm>>
        %dma_wait3A_1890 = tpu.memref_slice %arg8[%rem3A_779] : memref<2x!tpu.dma_semaphore, #tpu.memory_space<semaphore_mem>> -> memref<1x!tpu.dma_semaphore, #tpu.memory_space<semaphore_mem>>
        %dma_wait3A_1891 = tpu.memref_squeeze %dma_wait3A_1890 : memref<1x!tpu.dma_semaphore, #tpu.memory_space<semaphore_mem>> -> memref<!tpu.dma_semaphore, #tpu.memory_space<semaphore_mem>>
        %dma_wait3A_1892 = arith.constant 0 : i32
        %dma_wait3A_1893 = arith.constant 0 : i32
        %dma_wait3A_1894 = tpu.memref_slice %arg4[%add3A_1613, %dma_wait3A_1892, %dma_wait3A_1893] : memref<16384x50x32xf32, #tpu.memory_space<hbm>> -> memref<1x50x32xf32, #tpu.memory_space<hbm>>
        %dma_wait3A_1895 = tpu.memref_squeeze %dma_wait3A_1894 : memref<1x50x32xf32, #tpu.memory_space<hbm>> -> memref<50x32xf32, #tpu.memory_space<hbm>>
        %dma_wait3A_1896 = arith.constant 0 : i32
        %dma_wait3A_1897 = arith.constant 0 : i32
        %dma_wait3A_1898 = tpu.memref_slice %arg6[%rem3A_779, %dma_wait3A_1896, %dma_wait3A_1897] : memref<2x800x32xf32, #tpu.memory_space<vmem>> -> memref<1x800x32xf32, #tpu.memory_space<vmem>>
        %dma_wait3A_1899 = tpu.memref_squeeze %dma_wait3A_1898 : memref<1x800x32xf32, #tpu.memory_space<vmem>> -> memref<800x32xf32, #tpu.memory_space<vmem>>
        %dma_wait3A_1900 = arith.constant 500 : i32
        %dma_wait3A_1901 = arith.constant 0 : i32
        %dma_wait3A_1902 = tpu.memref_slice %dma_wait3A_1899[%dma_wait3A_1900, %dma_wait3A_1901] : memref<800x32xf32, #tpu.memory_space<vmem>> -> memref<50x32xf32, #tpu.memory_space<vmem>>
        tpu.wait_dma2 semaphore(%dma_wait3A_1891 : memref<!tpu.dma_semaphore, #tpu.memory_space<semaphore_mem>>) src(%dma_wait3A_1902 : memref<50x32xf32, #tpu.memory_space<vmem>>) dst(%dma_wait3A_1895 : memref<50x32xf32, #tpu.memory_space<hbm>>)
        %dma_wait3A_1903 = arith.constant 0 : i32
        %dma_wait3A_1904 = arith.constant 0 : i32
        %dma_wait3A_1905 = tpu.memref_slice %arg6[%rem3A_779, %dma_wait3A_1903, %dma_wait3A_1904] : memref<2x800x32xf32, #tpu.memory_space<vmem>> -> memref<1x800x32xf32, #tpu.memory_space<vmem>>
        %dma_wait3A_1906 = tpu.memref_squeeze %dma_wait3A_1905 : memref<1x800x32xf32, #tpu.memory_space<vmem>> -> memref<800x32xf32, #tpu.memory_space<vmem>>
        %dma_wait3A_1907 = arith.constant 550 : i32
        %dma_wait3A_1908 = arith.constant 0 : i32
        %dma_wait3A_1909 = tpu.memref_slice %dma_wait3A_1906[%dma_wait3A_1907, %dma_wait3A_1908] : memref<800x32xf32, #tpu.memory_space<vmem>> -> memref<50x32xf32, #tpu.memory_space<vmem>>
        %dma_wait3A_1910 = arith.constant 0 : i32
        %dma_wait3A_1911 = arith.constant 0 : i32
        %dma_wait3A_1912 = tpu.memref_slice %arg4[%add3A_1618, %dma_wait3A_1910, %dma_wait3A_1911] : memref<16384x50x32xf32, #tpu.memory_space<hbm>> -> memref<1x50x32xf32, #tpu.memory_space<hbm>>
        %dma_wait3A_1913 = tpu.memref_squeeze %dma_wait3A_1912 : memref<1x50x32xf32, #tpu.memory_space<hbm>> -> memref<50x32xf32, #tpu.memory_space<hbm>>
        %dma_wait3A_1914 = tpu.memref_slice %arg8[%rem3A_779] : memref<2x!tpu.dma_semaphore, #tpu.memory_space<semaphore_mem>> -> memref<1x!tpu.dma_semaphore, #tpu.memory_space<semaphore_mem>>
        %dma_wait3A_1915 = tpu.memref_squeeze %dma_wait3A_1914 : memref<1x!tpu.dma_semaphore, #tpu.memory_space<semaphore_mem>> -> memref<!tpu.dma_semaphore, #tpu.memory_space<semaphore_mem>>
        %dma_wait3A_1916 = arith.constant 0 : i32
        %dma_wait3A_1917 = arith.constant 0 : i32
        %dma_wait3A_1918 = tpu.memref_slice %arg4[%add3A_1618, %dma_wait3A_1916, %dma_wait3A_1917] : memref<16384x50x32xf32, #tpu.memory_space<hbm>> -> memref<1x50x32xf32, #tpu.memory_space<hbm>>
        %dma_wait3A_1919 = tpu.memref_squeeze %dma_wait3A_1918 : memref<1x50x32xf32, #tpu.memory_space<hbm>> -> memref<50x32xf32, #tpu.memory_space<hbm>>
        %dma_wait3A_1920 = arith.constant 0 : i32
        %dma_wait3A_1921 = arith.constant 0 : i32
        %dma_wait3A_1922 = tpu.memref_slice %arg6[%rem3A_779, %dma_wait3A_1920, %dma_wait3A_1921] : memref<2x800x32xf32, #tpu.memory_space<vmem>> -> memref<1x800x32xf32, #tpu.memory_space<vmem>>
        %dma_wait3A_1923 = tpu.memref_squeeze %dma_wait3A_1922 : memref<1x800x32xf32, #tpu.memory_space<vmem>> -> memref<800x32xf32, #tpu.memory_space<vmem>>
        %dma_wait3A_1924 = arith.constant 550 : i32
        %dma_wait3A_1925 = arith.constant 0 : i32
        %dma_wait3A_1926 = tpu.memref_slice %dma_wait3A_1923[%dma_wait3A_1924, %dma_wait3A_1925] : memref<800x32xf32, #tpu.memory_space<vmem>> -> memref<50x32xf32, #tpu.memory_space<vmem>>
        tpu.wait_dma2 semaphore(%dma_wait3A_1915 : memref<!tpu.dma_semaphore, #tpu.memory_space<semaphore_mem>>) src(%dma_wait3A_1926 : memref<50x32xf32, #tpu.memory_space<vmem>>) dst(%dma_wait3A_1919 : memref<50x32xf32, #tpu.memory_space<hbm>>)
        %dma_wait3A_1927 = arith.constant 0 : i32
        %dma_wait3A_1928 = arith.constant 0 : i32
        %dma_wait3A_1929 = tpu.memref_slice %arg6[%rem3A_779, %dma_wait3A_1927, %dma_wait3A_1928] : memref<2x800x32xf32, #tpu.memory_space<vmem>> -> memref<1x800x32xf32, #tpu.memory_space<vmem>>
        %dma_wait3A_1930 = tpu.memref_squeeze %dma_wait3A_1929 : memref<1x800x32xf32, #tpu.memory_space<vmem>> -> memref<800x32xf32, #tpu.memory_space<vmem>>
        %dma_wait3A_1931 = arith.constant 600 : i32
        %dma_wait3A_1932 = arith.constant 0 : i32
        %dma_wait3A_1933 = tpu.memref_slice %dma_wait3A_1930[%dma_wait3A_1931, %dma_wait3A_1932] : memref<800x32xf32, #tpu.memory_space<vmem>> -> memref<50x32xf32, #tpu.memory_space<vmem>>
        %dma_wait3A_1934 = arith.constant 0 : i32
        %dma_wait3A_1935 = arith.constant 0 : i32
        %dma_wait3A_1936 = tpu.memref_slice %arg4[%add3A_1623, %dma_wait3A_1934, %dma_wait3A_1935] : memref<16384x50x32xf32, #tpu.memory_space<hbm>> -> memref<1x50x32xf32, #tpu.memory_space<hbm>>
        %dma_wait3A_1937 = tpu.memref_squeeze %dma_wait3A_1936 : memref<1x50x32xf32, #tpu.memory_space<hbm>> -> memref<50x32xf32, #tpu.memory_space<hbm>>
        %dma_wait3A_1938 = tpu.memref_slice %arg8[%rem3A_779] : memref<2x!tpu.dma_semaphore, #tpu.memory_space<semaphore_mem>> -> memref<1x!tpu.dma_semaphore, #tpu.memory_space<semaphore_mem>>
        %dma_wait3A_1939 = tpu.memref_squeeze %dma_wait3A_1938 : memref<1x!tpu.dma_semaphore, #tpu.memory_space<semaphore_mem>> -> memref<!tpu.dma_semaphore, #tpu.memory_space<semaphore_mem>>
        %dma_wait3A_1940 = arith.constant 0 : i32
        %dma_wait3A_1941 = arith.constant 0 : i32
        %dma_wait3A_1942 = tpu.memref_slice %arg4[%add3A_1623, %dma_wait3A_1940, %dma_wait3A_1941] : memref<16384x50x32xf32, #tpu.memory_space<hbm>> -> memref<1x50x32xf32, #tpu.memory_space<hbm>>
        %dma_wait3A_1943 = tpu.memref_squeeze %dma_wait3A_1942 : memref<1x50x32xf32, #tpu.memory_space<hbm>> -> memref<50x32xf32, #tpu.memory_space<hbm>>
        %dma_wait3A_1944 = arith.constant 0 : i32
        %dma_wait3A_1945 = arith.constant 0 : i32
        %dma_wait3A_1946 = tpu.memref_slice %arg6[%rem3A_779, %dma_wait3A_1944, %dma_wait3A_1945] : memref<2x800x32xf32, #tpu.memory_space<vmem>> -> memref<1x800x32xf32, #tpu.memory_space<vmem>>
        %dma_wait3A_1947 = tpu.memref_squeeze %dma_wait3A_1946 : memref<1x800x32xf32, #tpu.memory_space<vmem>> -> memref<800x32xf32, #tpu.memory_space<vmem>>
        %dma_wait3A_1948 = arith.constant 600 : i32
        %dma_wait3A_1949 = arith.constant 0 : i32
        %dma_wait3A_1950 = tpu.memref_slice %dma_wait3A_1947[%dma_wait3A_1948, %dma_wait3A_1949] : memref<800x32xf32, #tpu.memory_space<vmem>> -> memref<50x32xf32, #tpu.memory_space<vmem>>
        tpu.wait_dma2 semaphore(%dma_wait3A_1939 : memref<!tpu.dma_semaphore, #tpu.memory_space<semaphore_mem>>) src(%dma_wait3A_1950 : memref<50x32xf32, #tpu.memory_space<vmem>>) dst(%dma_wait3A_1943 : memref<50x32xf32, #tpu.memory_space<hbm>>)
        %dma_wait3A_1951 = arith.constant 0 : i32
        %dma_wait3A_1952 = arith.constant 0 : i32
        %dma_wait3A_1953 = tpu.memref_slice %arg6[%rem3A_779, %dma_wait3A_1951, %dma_wait3A_1952] : memref<2x800x32xf32, #tpu.memory_space<vmem>> -> memref<1x800x32xf32, #tpu.memory_space<vmem>>
        %dma_wait3A_1954 = tpu.memref_squeeze %dma_wait3A_1953 : memref<1x800x32xf32, #tpu.memory_space<vmem>> -> memref<800x32xf32, #tpu.memory_space<vmem>>
        %dma_wait3A_1955 = arith.constant 650 : i32
        %dma_wait3A_1956 = arith.constant 0 : i32
        %dma_wait3A_1957 = tpu.memref_slice %dma_wait3A_1954[%dma_wait3A_1955, %dma_wait3A_1956] : memref<800x32xf32, #tpu.memory_space<vmem>> -> memref<50x32xf32, #tpu.memory_space<vmem>>
        %dma_wait3A_1958 = arith.constant 0 : i32
        %dma_wait3A_1959 = arith.constant 0 : i32
        %dma_wait3A_1960 = tpu.memref_slice %arg4[%add3A_1628, %dma_wait3A_1958, %dma_wait3A_1959] : memref<16384x50x32xf32, #tpu.memory_space<hbm>> -> memref<1x50x32xf32, #tpu.memory_space<hbm>>
        %dma_wait3A_1961 = tpu.memref_squeeze %dma_wait3A_1960 : memref<1x50x32xf32, #tpu.memory_space<hbm>> -> memref<50x32xf32, #tpu.memory_space<hbm>>
        %dma_wait3A_1962 = tpu.memref_slice %arg8[%rem3A_779] : memref<2x!tpu.dma_semaphore, #tpu.memory_space<semaphore_mem>> -> memref<1x!tpu.dma_semaphore, #tpu.memory_space<semaphore_mem>>
        %dma_wait3A_1963 = tpu.memref_squeeze %dma_wait3A_1962 : memref<1x!tpu.dma_semaphore, #tpu.memory_space<semaphore_mem>> -> memref<!tpu.dma_semaphore, #tpu.memory_space<semaphore_mem>>
        %dma_wait3A_1964 = arith.constant 0 : i32
        %dma_wait3A_1965 = arith.constant 0 : i32
        %dma_wait3A_1966 = tpu.memref_slice %arg4[%add3A_1628, %dma_wait3A_1964, %dma_wait3A_1965] : memref<16384x50x32xf32, #tpu.memory_space<hbm>> -> memref<1x50x32xf32, #tpu.memory_space<hbm>>
        %dma_wait3A_1967 = tpu.memref_squeeze %dma_wait3A_1966 : memref<1x50x32xf32, #tpu.memory_space<hbm>> -> memref<50x32xf32, #tpu.memory_space<hbm>>
        %dma_wait3A_1968 = arith.constant 0 : i32
        %dma_wait3A_1969 = arith.constant 0 : i32
        %dma_wait3A_1970 = tpu.memref_slice %arg6[%rem3A_779, %dma_wait3A_1968, %dma_wait3A_1969] : memref<2x800x32xf32, #tpu.memory_space<vmem>> -> memref<1x800x32xf32, #tpu.memory_space<vmem>>
        %dma_wait3A_1971 = tpu.memref_squeeze %dma_wait3A_1970 : memref<1x800x32xf32, #tpu.memory_space<vmem>> -> memref<800x32xf32, #tpu.memory_space<vmem>>
        %dma_wait3A_1972 = arith.constant 650 : i32
        %dma_wait3A_1973 = arith.constant 0 : i32
        %dma_wait3A_1974 = tpu.memref_slice %dma_wait3A_1971[%dma_wait3A_1972, %dma_wait3A_1973] : memref<800x32xf32, #tpu.memory_space<vmem>> -> memref<50x32xf32, #tpu.memory_space<vmem>>
        tpu.wait_dma2 semaphore(%dma_wait3A_1963 : memref<!tpu.dma_semaphore, #tpu.memory_space<semaphore_mem>>) src(%dma_wait3A_1974 : memref<50x32xf32, #tpu.memory_space<vmem>>) dst(%dma_wait3A_1967 : memref<50x32xf32, #tpu.memory_space<hbm>>)
        %dma_wait3A_1975 = arith.constant 0 : i32
        %dma_wait3A_1976 = arith.constant 0 : i32
        %dma_wait3A_1977 = tpu.memref_slice %arg6[%rem3A_779, %dma_wait3A_1975, %dma_wait3A_1976] : memref<2x800x32xf32, #tpu.memory_space<vmem>> -> memref<1x800x32xf32, #tpu.memory_space<vmem>>
        %dma_wait3A_1978 = tpu.memref_squeeze %dma_wait3A_1977 : memref<1x800x32xf32, #tpu.memory_space<vmem>> -> memref<800x32xf32, #tpu.memory_space<vmem>>
        %dma_wait3A_1979 = arith.constant 700 : i32
        %dma_wait3A_1980 = arith.constant 0 : i32
        %dma_wait3A_1981 = tpu.memref_slice %dma_wait3A_1978[%dma_wait3A_1979, %dma_wait3A_1980] : memref<800x32xf32, #tpu.memory_space<vmem>> -> memref<50x32xf32, #tpu.memory_space<vmem>>
        %dma_wait3A_1982 = arith.constant 0 : i32
        %dma_wait3A_1983 = arith.constant 0 : i32
        %dma_wait3A_1984 = tpu.memref_slice %arg4[%add3A_1633, %dma_wait3A_1982, %dma_wait3A_1983] : memref<16384x50x32xf32, #tpu.memory_space<hbm>> -> memref<1x50x32xf32, #tpu.memory_space<hbm>>
        %dma_wait3A_1985 = tpu.memref_squeeze %dma_wait3A_1984 : memref<1x50x32xf32, #tpu.memory_space<hbm>> -> memref<50x32xf32, #tpu.memory_space<hbm>>
        %dma_wait3A_1986 = tpu.memref_slice %arg8[%rem3A_779] : memref<2x!tpu.dma_semaphore, #tpu.memory_space<semaphore_mem>> -> memref<1x!tpu.dma_semaphore, #tpu.memory_space<semaphore_mem>>
        %dma_wait3A_1987 = tpu.memref_squeeze %dma_wait3A_1986 : memref<1x!tpu.dma_semaphore, #tpu.memory_space<semaphore_mem>> -> memref<!tpu.dma_semaphore, #tpu.memory_space<semaphore_mem>>
        %dma_wait3A_1988 = arith.constant 0 : i32
        %dma_wait3A_1989 = arith.constant 0 : i32
        %dma_wait3A_1990 = tpu.memref_slice %arg4[%add3A_1633, %dma_wait3A_1988, %dma_wait3A_1989] : memref<16384x50x32xf32, #tpu.memory_space<hbm>> -> memref<1x50x32xf32, #tpu.memory_space<hbm>>
        %dma_wait3A_1991 = tpu.memref_squeeze %dma_wait3A_1990 : memref<1x50x32xf32, #tpu.memory_space<hbm>> -> memref<50x32xf32, #tpu.memory_space<hbm>>
        %dma_wait3A_1992 = arith.constant 0 : i32
        %dma_wait3A_1993 = arith.constant 0 : i32
        %dma_wait3A_1994 = tpu.memref_slice %arg6[%rem3A_779, %dma_wait3A_1992, %dma_wait3A_1993] : memref<2x800x32xf32, #tpu.memory_space<vmem>> -> memref<1x800x32xf32, #tpu.memory_space<vmem>>
        %dma_wait3A_1995 = tpu.memref_squeeze %dma_wait3A_1994 : memref<1x800x32xf32, #tpu.memory_space<vmem>> -> memref<800x32xf32, #tpu.memory_space<vmem>>
        %dma_wait3A_1996 = arith.constant 700 : i32
        %dma_wait3A_1997 = arith.constant 0 : i32
        %dma_wait3A_1998 = tpu.memref_slice %dma_wait3A_1995[%dma_wait3A_1996, %dma_wait3A_1997] : memref<800x32xf32, #tpu.memory_space<vmem>> -> memref<50x32xf32, #tpu.memory_space<vmem>>
        tpu.wait_dma2 semaphore(%dma_wait3A_1987 : memref<!tpu.dma_semaphore, #tpu.memory_space<semaphore_mem>>) src(%dma_wait3A_1998 : memref<50x32xf32, #tpu.memory_space<vmem>>) dst(%dma_wait3A_1991 : memref<50x32xf32, #tpu.memory_space<hbm>>)
        %dma_wait3A_1999 = arith.constant 0 : i32
        %dma_wait3A_2000 = arith.constant 0 : i32
        %dma_wait3A_2001 = tpu.memref_slice %arg6[%rem3A_779, %dma_wait3A_1999, %dma_wait3A_2000] : memref<2x800x32xf32, #tpu.memory_space<vmem>> -> memref<1x800x32xf32, #tpu.memory_space<vmem>>
        %dma_wait3A_2002 = tpu.memref_squeeze %dma_wait3A_2001 : memref<1x800x32xf32, #tpu.memory_space<vmem>> -> memref<800x32xf32, #tpu.memory_space<vmem>>
        %dma_wait3A_2003 = arith.constant 750 : i32
        %dma_wait3A_2004 = arith.constant 0 : i32
        %dma_wait3A_2005 = tpu.memref_slice %dma_wait3A_2002[%dma_wait3A_2003, %dma_wait3A_2004] : memref<800x32xf32, #tpu.memory_space<vmem>> -> memref<50x32xf32, #tpu.memory_space<vmem>>
        %dma_wait3A_2006 = arith.constant 0 : i32
        %dma_wait3A_2007 = arith.constant 0 : i32
        %dma_wait3A_2008 = tpu.memref_slice %arg4[%add3A_1638, %dma_wait3A_2006, %dma_wait3A_2007] : memref<16384x50x32xf32, #tpu.memory_space<hbm>> -> memref<1x50x32xf32, #tpu.memory_space<hbm>>
        %dma_wait3A_2009 = tpu.memref_squeeze %dma_wait3A_2008 : memref<1x50x32xf32, #tpu.memory_space<hbm>> -> memref<50x32xf32, #tpu.memory_space<hbm>>
        %dma_wait3A_2010 = tpu.memref_slice %arg8[%rem3A_779] : memref<2x!tpu.dma_semaphore, #tpu.memory_space<semaphore_mem>> -> memref<1x!tpu.dma_semaphore, #tpu.memory_space<semaphore_mem>>
        %dma_wait3A_2011 = tpu.memref_squeeze %dma_wait3A_2010 : memref<1x!tpu.dma_semaphore, #tpu.memory_space<semaphore_mem>> -> memref<!tpu.dma_semaphore, #tpu.memory_space<semaphore_mem>>
        %dma_wait3A_2012 = arith.constant 0 : i32
        %dma_wait3A_2013 = arith.constant 0 : i32
        %dma_wait3A_2014 = tpu.memref_slice %arg4[%add3A_1638, %dma_wait3A_2012, %dma_wait3A_2013] : memref<16384x50x32xf32, #tpu.memory_space<hbm>> -> memref<1x50x32xf32, #tpu.memory_space<hbm>>
        %dma_wait3A_2015 = tpu.memref_squeeze %dma_wait3A_2014 : memref<1x50x32xf32, #tpu.memory_space<hbm>> -> memref<50x32xf32, #tpu.memory_space<hbm>>
        %dma_wait3A_2016 = arith.constant 0 : i32
        %dma_wait3A_2017 = arith.constant 0 : i32
        %dma_wait3A_2018 = tpu.memref_slice %arg6[%rem3A_779, %dma_wait3A_2016, %dma_wait3A_2017] : memref<2x800x32xf32, #tpu.memory_space<vmem>> -> memref<1x800x32xf32, #tpu.memory_space<vmem>>
        %dma_wait3A_2019 = tpu.memref_squeeze %dma_wait3A_2018 : memref<1x800x32xf32, #tpu.memory_space<vmem>> -> memref<800x32xf32, #tpu.memory_space<vmem>>
        %dma_wait3A_2020 = arith.constant 750 : i32
        %dma_wait3A_2021 = arith.constant 0 : i32
        %dma_wait3A_2022 = tpu.memref_slice %dma_wait3A_2019[%dma_wait3A_2020, %dma_wait3A_2021] : memref<800x32xf32, #tpu.memory_space<vmem>> -> memref<50x32xf32, #tpu.memory_space<vmem>>
        tpu.wait_dma2 semaphore(%dma_wait3A_2011 : memref<!tpu.dma_semaphore, #tpu.memory_space<semaphore_mem>>) src(%dma_wait3A_2022 : memref<50x32xf32, #tpu.memory_space<vmem>>) dst(%dma_wait3A_2015 : memref<50x32xf32, #tpu.memory_space<hbm>>)
      } else {
      }
      %add3A_782 = arith.constant 1 : i32
      %add3A_783 = arith.addi %scan3A_774, %add3A_782 : i32
      %lt3A = arith.constant 32 : i32
      %lt3A_784 = arith.cmpi slt, %add3A_783, %lt3A : i32
      %convert_element_type3A_785 = arith.extui %lt3A_784 : i1 to i32
      %cond3A_786 = arith.constant 0 : i32
      %cond3A_787 = arith.cmpi ne, %convert_element_type3A_785, %cond3A_786 : i32
      scf.if %cond3A_787 {
        %add3A_1558 = arith.constant 1 : i32
        %add3A_1559 = arith.addi %scan3A_774, %add3A_1558 : i32
        %mul3A_1560 = arith.constant 16 : i32
        %mul3A_1561 = arith.muli %add3A_1559, %mul3A_1560 : i32
        %add3A_1562 = arith.constant 0 : i32
        %add3A_1563 = arith.addi %mul3A_1561, %add3A_1562 : i32
        %mul3A_1564 = arith.constant 16 : i32
        %mul3A_1565 = arith.muli %add3A_1559, %mul3A_1564 : i32
        %add3A_1566 = arith.constant 1 : i32
        %add3A_1567 = arith.addi %mul3A_1565, %add3A_1566 : i32
        %mul3A_1568 = arith.constant 16 : i32
        %mul3A_1569 = arith.muli %add3A_1559, %mul3A_1568 : i32
        %add3A_1570 = arith.constant 2 : i32
        %add3A_1571 = arith.addi %mul3A_1569, %add3A_1570 : i32
        %mul3A_1572 = arith.constant 16 : i32
        %mul3A_1573 = arith.muli %add3A_1559, %mul3A_1572 : i32
        %add3A_1574 = arith.constant 3 : i32
        %add3A_1575 = arith.addi %mul3A_1573, %add3A_1574 : i32
        %mul3A_1576 = arith.constant 16 : i32
        %mul3A_1577 = arith.muli %add3A_1559, %mul3A_1576 : i32
        %add3A_1578 = arith.constant 4 : i32
        %add3A_1579 = arith.addi %mul3A_1577, %add3A_1578 : i32
        %mul3A_1580 = arith.constant 16 : i32
        %mul3A_1581 = arith.muli %add3A_1559, %mul3A_1580 : i32
        %add3A_1582 = arith.constant 5 : i32
        %add3A_1583 = arith.addi %mul3A_1581, %add3A_1582 : i32
        %mul3A_1584 = arith.constant 16 : i32
        %mul3A_1585 = arith.muli %add3A_1559, %mul3A_1584 : i32
        %add3A_1586 = arith.constant 6 : i32
        %add3A_1587 = arith.addi %mul3A_1585, %add3A_1586 : i32
        %mul3A_1588 = arith.constant 16 : i32
        %mul3A_1589 = arith.muli %add3A_1559, %mul3A_1588 : i32
        %add3A_1590 = arith.constant 7 : i32
        %add3A_1591 = arith.addi %mul3A_1589, %add3A_1590 : i32
        %mul3A_1592 = arith.constant 16 : i32
        %mul3A_1593 = arith.muli %add3A_1559, %mul3A_1592 : i32
        %add3A_1594 = arith.constant 8 : i32
        %add3A_1595 = arith.addi %mul3A_1593, %add3A_1594 : i32
        %mul3A_1596 = arith.constant 16 : i32
        %mul3A_1597 = arith.muli %add3A_1559, %mul3A_1596 : i32
        %add3A_1598 = arith.constant 9 : i32
        %add3A_1599 = arith.addi %mul3A_1597, %add3A_1598 : i32
        %mul3A_1600 = arith.constant 16 : i32
        %mul3A_1601 = arith.muli %add3A_1559, %mul3A_1600 : i32
        %add3A_1602 = arith.constant 10 : i32
        %add3A_1603 = arith.addi %mul3A_1601, %add3A_1602 : i32
        %mul3A_1604 = arith.constant 16 : i32
        %mul3A_1605 = arith.muli %add3A_1559, %mul3A_1604 : i32
        %add3A_1606 = arith.constant 11 : i32
        %add3A_1607 = arith.addi %mul3A_1605, %add3A_1606 : i32
        %mul3A_1608 = arith.constant 16 : i32
        %mul3A_1609 = arith.muli %add3A_1559, %mul3A_1608 : i32
        %add3A_1610 = arith.constant 12 : i32
        %add3A_1611 = arith.addi %mul3A_1609, %add3A_1610 : i32
        %mul3A_1612 = arith.constant 16 : i32
        %mul3A_1613 = arith.muli %add3A_1559, %mul3A_1612 : i32
        %add3A_1614 = arith.constant 13 : i32
        %add3A_1615 = arith.addi %mul3A_1613, %add3A_1614 : i32
        %mul3A_1616 = arith.constant 16 : i32
        %mul3A_1617 = arith.muli %add3A_1559, %mul3A_1616 : i32
        %add3A_1618 = arith.constant 14 : i32
        %add3A_1619 = arith.addi %mul3A_1617, %add3A_1618 : i32
        %mul3A_1620 = arith.constant 16 : i32
        %mul3A_1621 = arith.muli %add3A_1559, %mul3A_1620 : i32
        %add3A_1622 = arith.constant 15 : i32
        %add3A_1623 = arith.addi %mul3A_1621, %add3A_1622 : i32
        %dma_start3A_1624 = arith.constant 0 : i32
        %dma_start3A_1625 = arith.constant 0 : i32
        %dma_start3A_1626 = tpu.memref_slice %arg6[%rem3A_779, %dma_start3A_1624, %dma_start3A_1625] : memref<2x800x32xf32, #tpu.memory_space<vmem>> -> memref<1x800x32xf32, #tpu.memory_space<vmem>>
        %dma_start3A_1627 = tpu.memref_squeeze %dma_start3A_1626 : memref<1x800x32xf32, #tpu.memory_space<vmem>> -> memref<800x32xf32, #tpu.memory_space<vmem>>
        %dma_start3A_1628 = arith.constant 0 : i32
        %dma_start3A_1629 = arith.constant 0 : i32
        %dma_start3A_1630 = tpu.memref_slice %dma_start3A_1627[%dma_start3A_1628, %dma_start3A_1629] : memref<800x32xf32, #tpu.memory_space<vmem>> -> memref<50x32xf32, #tpu.memory_space<vmem>>
        %dma_start3A_1631 = arith.constant 0 : i32
        %dma_start3A_1632 = tpu.memref_slice %arg5[%add3A_1563, %dma_start3A_1631] : memref<512x50xi32, #tpu.memory_space<vmem>> -> memref<1x50xi32, #tpu.memory_space<vmem>>
        %dma_start3A_1633 = tpu.memref_squeeze %dma_start3A_1632 : memref<1x50xi32, #tpu.memory_space<vmem>> -> memref<50xi32, #tpu.memory_space<vmem>>
        %dma_start3A_1634 = arith.constant 0 : i32
        %dma_start3A_1635 = arith.constant 0 : i32
        %dma_start3A_1636 = tpu.memref_slice %arg3[%dma_start3A_1634, %dma_start3A_1635] : memref<1000000x32xf32, #tpu.memory_space<hbm>> -> memref<1000000x32xf32, #tpu.memory_space<hbm>>
        %dma_start3A_1637 = tpu.memref_slice %arg7[%rem3A_779] : memref<2x!tpu.dma_semaphore, #tpu.memory_space<semaphore_mem>> -> memref<1x!tpu.dma_semaphore, #tpu.memory_space<semaphore_mem>>
        %dma_start3A_1638 = tpu.memref_squeeze %dma_start3A_1637 : memref<1x!tpu.dma_semaphore, #tpu.memory_space<semaphore_mem>> -> memref<!tpu.dma_semaphore, #tpu.memory_space<semaphore_mem>>
        tpu.enqueue_indirect_dma source(%dma_start3A_1636 : memref<1000000x32xf32, #tpu.memory_space<hbm>>) target(%dma_start3A_1630 : memref<50x32xf32, #tpu.memory_space<vmem>>) offsets(%dma_start3A_1633 : memref<50xi32, #tpu.memory_space<vmem>>) semaphore(%dma_start3A_1638 : memref<!tpu.dma_semaphore, #tpu.memory_space<semaphore_mem>>)
        %dma_start3A_1639 = arith.constant 0 : i32
        %dma_start3A_1640 = arith.constant 0 : i32
        %dma_start3A_1641 = tpu.memref_slice %arg6[%rem3A_779, %dma_start3A_1639, %dma_start3A_1640] : memref<2x800x32xf32, #tpu.memory_space<vmem>> -> memref<1x800x32xf32, #tpu.memory_space<vmem>>
        %dma_start3A_1642 = tpu.memref_squeeze %dma_start3A_1641 : memref<1x800x32xf32, #tpu.memory_space<vmem>> -> memref<800x32xf32, #tpu.memory_space<vmem>>
        %dma_start3A_1643 = arith.constant 50 : i32
        %dma_start3A_1644 = arith.constant 0 : i32
        %dma_start3A_1645 = tpu.memref_slice %dma_start3A_1642[%dma_start3A_1643, %dma_start3A_1644] : memref<800x32xf32, #tpu.memory_space<vmem>> -> memref<50x32xf32, #tpu.memory_space<vmem>>
        %dma_start3A_1646 = arith.constant 0 : i32
        %dma_start3A_1647 = tpu.memref_slice %arg5[%add3A_1567, %dma_start3A_1646] : memref<512x50xi32, #tpu.memory_space<vmem>> -> memref<1x50xi32, #tpu.memory_space<vmem>>
        %dma_start3A_1648 = tpu.memref_squeeze %dma_start3A_1647 : memref<1x50xi32, #tpu.memory_space<vmem>> -> memref<50xi32, #tpu.memory_space<vmem>>
        %dma_start3A_1649 = arith.constant 0 : i32
        %dma_start3A_1650 = arith.constant 0 : i32
        %dma_start3A_1651 = tpu.memref_slice %arg3[%dma_start3A_1649, %dma_start3A_1650] : memref<1000000x32xf32, #tpu.memory_space<hbm>> -> memref<1000000x32xf32, #tpu.memory_space<hbm>>
        %dma_start3A_1652 = tpu.memref_slice %arg7[%rem3A_779] : memref<2x!tpu.dma_semaphore, #tpu.memory_space<semaphore_mem>> -> memref<1x!tpu.dma_semaphore, #tpu.memory_space<semaphore_mem>>
        %dma_start3A_1653 = tpu.memref_squeeze %dma_start3A_1652 : memref<1x!tpu.dma_semaphore, #tpu.memory_space<semaphore_mem>> -> memref<!tpu.dma_semaphore, #tpu.memory_space<semaphore_mem>>
        tpu.enqueue_indirect_dma source(%dma_start3A_1651 : memref<1000000x32xf32, #tpu.memory_space<hbm>>) target(%dma_start3A_1645 : memref<50x32xf32, #tpu.memory_space<vmem>>) offsets(%dma_start3A_1648 : memref<50xi32, #tpu.memory_space<vmem>>) semaphore(%dma_start3A_1653 : memref<!tpu.dma_semaphore, #tpu.memory_space<semaphore_mem>>)
        %dma_start3A_1654 = arith.constant 0 : i32
        %dma_start3A_1655 = arith.constant 0 : i32
        %dma_start3A_1656 = tpu.memref_slice %arg6[%rem3A_779, %dma_start3A_1654, %dma_start3A_1655] : memref<2x800x32xf32, #tpu.memory_space<vmem>> -> memref<1x800x32xf32, #tpu.memory_space<vmem>>
        %dma_start3A_1657 = tpu.memref_squeeze %dma_start3A_1656 : memref<1x800x32xf32, #tpu.memory_space<vmem>> -> memref<800x32xf32, #tpu.memory_space<vmem>>
        %dma_start3A_1658 = arith.constant 100 : i32
        %dma_start3A_1659 = arith.constant 0 : i32
        %dma_start3A_1660 = tpu.memref_slice %dma_start3A_1657[%dma_start3A_1658, %dma_start3A_1659] : memref<800x32xf32, #tpu.memory_space<vmem>> -> memref<50x32xf32, #tpu.memory_space<vmem>>
        %dma_start3A_1661 = arith.constant 0 : i32
        %dma_start3A_1662 = tpu.memref_slice %arg5[%add3A_1571, %dma_start3A_1661] : memref<512x50xi32, #tpu.memory_space<vmem>> -> memref<1x50xi32, #tpu.memory_space<vmem>>
        %dma_start3A_1663 = tpu.memref_squeeze %dma_start3A_1662 : memref<1x50xi32, #tpu.memory_space<vmem>> -> memref<50xi32, #tpu.memory_space<vmem>>
        %dma_start3A_1664 = arith.constant 0 : i32
        %dma_start3A_1665 = arith.constant 0 : i32
        %dma_start3A_1666 = tpu.memref_slice %arg3[%dma_start3A_1664, %dma_start3A_1665] : memref<1000000x32xf32, #tpu.memory_space<hbm>> -> memref<1000000x32xf32, #tpu.memory_space<hbm>>
        %dma_start3A_1667 = tpu.memref_slice %arg7[%rem3A_779] : memref<2x!tpu.dma_semaphore, #tpu.memory_space<semaphore_mem>> -> memref<1x!tpu.dma_semaphore, #tpu.memory_space<semaphore_mem>>
        %dma_start3A_1668 = tpu.memref_squeeze %dma_start3A_1667 : memref<1x!tpu.dma_semaphore, #tpu.memory_space<semaphore_mem>> -> memref<!tpu.dma_semaphore, #tpu.memory_space<semaphore_mem>>
        tpu.enqueue_indirect_dma source(%dma_start3A_1666 : memref<1000000x32xf32, #tpu.memory_space<hbm>>) target(%dma_start3A_1660 : memref<50x32xf32, #tpu.memory_space<vmem>>) offsets(%dma_start3A_1663 : memref<50xi32, #tpu.memory_space<vmem>>) semaphore(%dma_start3A_1668 : memref<!tpu.dma_semaphore, #tpu.memory_space<semaphore_mem>>)
        %dma_start3A_1669 = arith.constant 0 : i32
        %dma_start3A_1670 = arith.constant 0 : i32
        %dma_start3A_1671 = tpu.memref_slice %arg6[%rem3A_779, %dma_start3A_1669, %dma_start3A_1670] : memref<2x800x32xf32, #tpu.memory_space<vmem>> -> memref<1x800x32xf32, #tpu.memory_space<vmem>>
        %dma_start3A_1672 = tpu.memref_squeeze %dma_start3A_1671 : memref<1x800x32xf32, #tpu.memory_space<vmem>> -> memref<800x32xf32, #tpu.memory_space<vmem>>
        %dma_start3A_1673 = arith.constant 150 : i32
        %dma_start3A_1674 = arith.constant 0 : i32
        %dma_start3A_1675 = tpu.memref_slice %dma_start3A_1672[%dma_start3A_1673, %dma_start3A_1674] : memref<800x32xf32, #tpu.memory_space<vmem>> -> memref<50x32xf32, #tpu.memory_space<vmem>>
        %dma_start3A_1676 = arith.constant 0 : i32
        %dma_start3A_1677 = tpu.memref_slice %arg5[%add3A_1575, %dma_start3A_1676] : memref<512x50xi32, #tpu.memory_space<vmem>> -> memref<1x50xi32, #tpu.memory_space<vmem>>
        %dma_start3A_1678 = tpu.memref_squeeze %dma_start3A_1677 : memref<1x50xi32, #tpu.memory_space<vmem>> -> memref<50xi32, #tpu.memory_space<vmem>>
        %dma_start3A_1679 = arith.constant 0 : i32
        %dma_start3A_1680 = arith.constant 0 : i32
        %dma_start3A_1681 = tpu.memref_slice %arg3[%dma_start3A_1679, %dma_start3A_1680] : memref<1000000x32xf32, #tpu.memory_space<hbm>> -> memref<1000000x32xf32, #tpu.memory_space<hbm>>
        %dma_start3A_1682 = tpu.memref_slice %arg7[%rem3A_779] : memref<2x!tpu.dma_semaphore, #tpu.memory_space<semaphore_mem>> -> memref<1x!tpu.dma_semaphore, #tpu.memory_space<semaphore_mem>>
        %dma_start3A_1683 = tpu.memref_squeeze %dma_start3A_1682 : memref<1x!tpu.dma_semaphore, #tpu.memory_space<semaphore_mem>> -> memref<!tpu.dma_semaphore, #tpu.memory_space<semaphore_mem>>
        tpu.enqueue_indirect_dma source(%dma_start3A_1681 : memref<1000000x32xf32, #tpu.memory_space<hbm>>) target(%dma_start3A_1675 : memref<50x32xf32, #tpu.memory_space<vmem>>) offsets(%dma_start3A_1678 : memref<50xi32, #tpu.memory_space<vmem>>) semaphore(%dma_start3A_1683 : memref<!tpu.dma_semaphore, #tpu.memory_space<semaphore_mem>>)
        %dma_start3A_1684 = arith.constant 0 : i32
        %dma_start3A_1685 = arith.constant 0 : i32
        %dma_start3A_1686 = tpu.memref_slice %arg6[%rem3A_779, %dma_start3A_1684, %dma_start3A_1685] : memref<2x800x32xf32, #tpu.memory_space<vmem>> -> memref<1x800x32xf32, #tpu.memory_space<vmem>>
        %dma_start3A_1687 = tpu.memref_squeeze %dma_start3A_1686 : memref<1x800x32xf32, #tpu.memory_space<vmem>> -> memref<800x32xf32, #tpu.memory_space<vmem>>
        %dma_start3A_1688 = arith.constant 200 : i32
        %dma_start3A_1689 = arith.constant 0 : i32
        %dma_start3A_1690 = tpu.memref_slice %dma_start3A_1687[%dma_start3A_1688, %dma_start3A_1689] : memref<800x32xf32, #tpu.memory_space<vmem>> -> memref<50x32xf32, #tpu.memory_space<vmem>>
        %dma_start3A_1691 = arith.constant 0 : i32
        %dma_start3A_1692 = tpu.memref_slice %arg5[%add3A_1579, %dma_start3A_1691] : memref<512x50xi32, #tpu.memory_space<vmem>> -> memref<1x50xi32, #tpu.memory_space<vmem>>
        %dma_start3A_1693 = tpu.memref_squeeze %dma_start3A_1692 : memref<1x50xi32, #tpu.memory_space<vmem>> -> memref<50xi32, #tpu.memory_space<vmem>>
        %dma_start3A_1694 = arith.constant 0 : i32
        %dma_start3A_1695 = arith.constant 0 : i32
        %dma_start3A_1696 = tpu.memref_slice %arg3[%dma_start3A_1694, %dma_start3A_1695] : memref<1000000x32xf32, #tpu.memory_space<hbm>> -> memref<1000000x32xf32, #tpu.memory_space<hbm>>
        %dma_start3A_1697 = tpu.memref_slice %arg7[%rem3A_779] : memref<2x!tpu.dma_semaphore, #tpu.memory_space<semaphore_mem>> -> memref<1x!tpu.dma_semaphore, #tpu.memory_space<semaphore_mem>>
        %dma_start3A_1698 = tpu.memref_squeeze %dma_start3A_1697 : memref<1x!tpu.dma_semaphore, #tpu.memory_space<semaphore_mem>> -> memref<!tpu.dma_semaphore, #tpu.memory_space<semaphore_mem>>
        tpu.enqueue_indirect_dma source(%dma_start3A_1696 : memref<1000000x32xf32, #tpu.memory_space<hbm>>) target(%dma_start3A_1690 : memref<50x32xf32, #tpu.memory_space<vmem>>) offsets(%dma_start3A_1693 : memref<50xi32, #tpu.memory_space<vmem>>) semaphore(%dma_start3A_1698 : memref<!tpu.dma_semaphore, #tpu.memory_space<semaphore_mem>>)
        %dma_start3A_1699 = arith.constant 0 : i32
        %dma_start3A_1700 = arith.constant 0 : i32
        %dma_start3A_1701 = tpu.memref_slice %arg6[%rem3A_779, %dma_start3A_1699, %dma_start3A_1700] : memref<2x800x32xf32, #tpu.memory_space<vmem>> -> memref<1x800x32xf32, #tpu.memory_space<vmem>>
        %dma_start3A_1702 = tpu.memref_squeeze %dma_start3A_1701 : memref<1x800x32xf32, #tpu.memory_space<vmem>> -> memref<800x32xf32, #tpu.memory_space<vmem>>
        %dma_start3A_1703 = arith.constant 250 : i32
        %dma_start3A_1704 = arith.constant 0 : i32
        %dma_start3A_1705 = tpu.memref_slice %dma_start3A_1702[%dma_start3A_1703, %dma_start3A_1704] : memref<800x32xf32, #tpu.memory_space<vmem>> -> memref<50x32xf32, #tpu.memory_space<vmem>>
        %dma_start3A_1706 = arith.constant 0 : i32
        %dma_start3A_1707 = tpu.memref_slice %arg5[%add3A_1583, %dma_start3A_1706] : memref<512x50xi32, #tpu.memory_space<vmem>> -> memref<1x50xi32, #tpu.memory_space<vmem>>
        %dma_start3A_1708 = tpu.memref_squeeze %dma_start3A_1707 : memref<1x50xi32, #tpu.memory_space<vmem>> -> memref<50xi32, #tpu.memory_space<vmem>>
        %dma_start3A_1709 = arith.constant 0 : i32
        %dma_start3A_1710 = arith.constant 0 : i32
        %dma_start3A_1711 = tpu.memref_slice %arg3[%dma_start3A_1709, %dma_start3A_1710] : memref<1000000x32xf32, #tpu.memory_space<hbm>> -> memref<1000000x32xf32, #tpu.memory_space<hbm>>
        %dma_start3A_1712 = tpu.memref_slice %arg7[%rem3A_779] : memref<2x!tpu.dma_semaphore, #tpu.memory_space<semaphore_mem>> -> memref<1x!tpu.dma_semaphore, #tpu.memory_space<semaphore_mem>>
        %dma_start3A_1713 = tpu.memref_squeeze %dma_start3A_1712 : memref<1x!tpu.dma_semaphore, #tpu.memory_space<semaphore_mem>> -> memref<!tpu.dma_semaphore, #tpu.memory_space<semaphore_mem>>
        tpu.enqueue_indirect_dma source(%dma_start3A_1711 : memref<1000000x32xf32, #tpu.memory_space<hbm>>) target(%dma_start3A_1705 : memref<50x32xf32, #tpu.memory_space<vmem>>) offsets(%dma_start3A_1708 : memref<50xi32, #tpu.memory_space<vmem>>) semaphore(%dma_start3A_1713 : memref<!tpu.dma_semaphore, #tpu.memory_space<semaphore_mem>>)
        %dma_start3A_1714 = arith.constant 0 : i32
        %dma_start3A_1715 = arith.constant 0 : i32
        %dma_start3A_1716 = tpu.memref_slice %arg6[%rem3A_779, %dma_start3A_1714, %dma_start3A_1715] : memref<2x800x32xf32, #tpu.memory_space<vmem>> -> memref<1x800x32xf32, #tpu.memory_space<vmem>>
        %dma_start3A_1717 = tpu.memref_squeeze %dma_start3A_1716 : memref<1x800x32xf32, #tpu.memory_space<vmem>> -> memref<800x32xf32, #tpu.memory_space<vmem>>
        %dma_start3A_1718 = arith.constant 300 : i32
        %dma_start3A_1719 = arith.constant 0 : i32
        %dma_start3A_1720 = tpu.memref_slice %dma_start3A_1717[%dma_start3A_1718, %dma_start3A_1719] : memref<800x32xf32, #tpu.memory_space<vmem>> -> memref<50x32xf32, #tpu.memory_space<vmem>>
        %dma_start3A_1721 = arith.constant 0 : i32
        %dma_start3A_1722 = tpu.memref_slice %arg5[%add3A_1587, %dma_start3A_1721] : memref<512x50xi32, #tpu.memory_space<vmem>> -> memref<1x50xi32, #tpu.memory_space<vmem>>
        %dma_start3A_1723 = tpu.memref_squeeze %dma_start3A_1722 : memref<1x50xi32, #tpu.memory_space<vmem>> -> memref<50xi32, #tpu.memory_space<vmem>>
        %dma_start3A_1724 = arith.constant 0 : i32
        %dma_start3A_1725 = arith.constant 0 : i32
        %dma_start3A_1726 = tpu.memref_slice %arg3[%dma_start3A_1724, %dma_start3A_1725] : memref<1000000x32xf32, #tpu.memory_space<hbm>> -> memref<1000000x32xf32, #tpu.memory_space<hbm>>
        %dma_start3A_1727 = tpu.memref_slice %arg7[%rem3A_779] : memref<2x!tpu.dma_semaphore, #tpu.memory_space<semaphore_mem>> -> memref<1x!tpu.dma_semaphore, #tpu.memory_space<semaphore_mem>>
        %dma_start3A_1728 = tpu.memref_squeeze %dma_start3A_1727 : memref<1x!tpu.dma_semaphore, #tpu.memory_space<semaphore_mem>> -> memref<!tpu.dma_semaphore, #tpu.memory_space<semaphore_mem>>
        tpu.enqueue_indirect_dma source(%dma_start3A_1726 : memref<1000000x32xf32, #tpu.memory_space<hbm>>) target(%dma_start3A_1720 : memref<50x32xf32, #tpu.memory_space<vmem>>) offsets(%dma_start3A_1723 : memref<50xi32, #tpu.memory_space<vmem>>) semaphore(%dma_start3A_1728 : memref<!tpu.dma_semaphore, #tpu.memory_space<semaphore_mem>>)
        %dma_start3A_1729 = arith.constant 0 : i32
        %dma_start3A_1730 = arith.constant 0 : i32
        %dma_start3A_1731 = tpu.memref_slice %arg6[%rem3A_779, %dma_start3A_1729, %dma_start3A_1730] : memref<2x800x32xf32, #tpu.memory_space<vmem>> -> memref<1x800x32xf32, #tpu.memory_space<vmem>>
        %dma_start3A_1732 = tpu.memref_squeeze %dma_start3A_1731 : memref<1x800x32xf32, #tpu.memory_space<vmem>> -> memref<800x32xf32, #tpu.memory_space<vmem>>
        %dma_start3A_1733 = arith.constant 350 : i32
        %dma_start3A_1734 = arith.constant 0 : i32
        %dma_start3A_1735 = tpu.memref_slice %dma_start3A_1732[%dma_start3A_1733, %dma_start3A_1734] : memref<800x32xf32, #tpu.memory_space<vmem>> -> memref<50x32xf32, #tpu.memory_space<vmem>>
        %dma_start3A_1736 = arith.constant 0 : i32
        %dma_start3A_1737 = tpu.memref_slice %arg5[%add3A_1591, %dma_start3A_1736] : memref<512x50xi32, #tpu.memory_space<vmem>> -> memref<1x50xi32, #tpu.memory_space<vmem>>
        %dma_start3A_1738 = tpu.memref_squeeze %dma_start3A_1737 : memref<1x50xi32, #tpu.memory_space<vmem>> -> memref<50xi32, #tpu.memory_space<vmem>>
        %dma_start3A_1739 = arith.constant 0 : i32
        %dma_start3A_1740 = arith.constant 0 : i32
        %dma_start3A_1741 = tpu.memref_slice %arg3[%dma_start3A_1739, %dma_start3A_1740] : memref<1000000x32xf32, #tpu.memory_space<hbm>> -> memref<1000000x32xf32, #tpu.memory_space<hbm>>
        %dma_start3A_1742 = tpu.memref_slice %arg7[%rem3A_779] : memref<2x!tpu.dma_semaphore, #tpu.memory_space<semaphore_mem>> -> memref<1x!tpu.dma_semaphore, #tpu.memory_space<semaphore_mem>>
        %dma_start3A_1743 = tpu.memref_squeeze %dma_start3A_1742 : memref<1x!tpu.dma_semaphore, #tpu.memory_space<semaphore_mem>> -> memref<!tpu.dma_semaphore, #tpu.memory_space<semaphore_mem>>
        tpu.enqueue_indirect_dma source(%dma_start3A_1741 : memref<1000000x32xf32, #tpu.memory_space<hbm>>) target(%dma_start3A_1735 : memref<50x32xf32, #tpu.memory_space<vmem>>) offsets(%dma_start3A_1738 : memref<50xi32, #tpu.memory_space<vmem>>) semaphore(%dma_start3A_1743 : memref<!tpu.dma_semaphore, #tpu.memory_space<semaphore_mem>>)
        %dma_start3A_1744 = arith.constant 0 : i32
        %dma_start3A_1745 = arith.constant 0 : i32
        %dma_start3A_1746 = tpu.memref_slice %arg6[%rem3A_779, %dma_start3A_1744, %dma_start3A_1745] : memref<2x800x32xf32, #tpu.memory_space<vmem>> -> memref<1x800x32xf32, #tpu.memory_space<vmem>>
        %dma_start3A_1747 = tpu.memref_squeeze %dma_start3A_1746 : memref<1x800x32xf32, #tpu.memory_space<vmem>> -> memref<800x32xf32, #tpu.memory_space<vmem>>
        %dma_start3A_1748 = arith.constant 400 : i32
        %dma_start3A_1749 = arith.constant 0 : i32
        %dma_start3A_1750 = tpu.memref_slice %dma_start3A_1747[%dma_start3A_1748, %dma_start3A_1749] : memref<800x32xf32, #tpu.memory_space<vmem>> -> memref<50x32xf32, #tpu.memory_space<vmem>>
        %dma_start3A_1751 = arith.constant 0 : i32
        %dma_start3A_1752 = tpu.memref_slice %arg5[%add3A_1595, %dma_start3A_1751] : memref<512x50xi32, #tpu.memory_space<vmem>> -> memref<1x50xi32, #tpu.memory_space<vmem>>
        %dma_start3A_1753 = tpu.memref_squeeze %dma_start3A_1752 : memref<1x50xi32, #tpu.memory_space<vmem>> -> memref<50xi32, #tpu.memory_space<vmem>>
        %dma_start3A_1754 = arith.constant 0 : i32
        %dma_start3A_1755 = arith.constant 0 : i32
        %dma_start3A_1756 = tpu.memref_slice %arg3[%dma_start3A_1754, %dma_start3A_1755] : memref<1000000x32xf32, #tpu.memory_space<hbm>> -> memref<1000000x32xf32, #tpu.memory_space<hbm>>
        %dma_start3A_1757 = tpu.memref_slice %arg7[%rem3A_779] : memref<2x!tpu.dma_semaphore, #tpu.memory_space<semaphore_mem>> -> memref<1x!tpu.dma_semaphore, #tpu.memory_space<semaphore_mem>>
        %dma_start3A_1758 = tpu.memref_squeeze %dma_start3A_1757 : memref<1x!tpu.dma_semaphore, #tpu.memory_space<semaphore_mem>> -> memref<!tpu.dma_semaphore, #tpu.memory_space<semaphore_mem>>
        tpu.enqueue_indirect_dma source(%dma_start3A_1756 : memref<1000000x32xf32, #tpu.memory_space<hbm>>) target(%dma_start3A_1750 : memref<50x32xf32, #tpu.memory_space<vmem>>) offsets(%dma_start3A_1753 : memref<50xi32, #tpu.memory_space<vmem>>) semaphore(%dma_start3A_1758 : memref<!tpu.dma_semaphore, #tpu.memory_space<semaphore_mem>>)
        %dma_start3A_1759 = arith.constant 0 : i32
        %dma_start3A_1760 = arith.constant 0 : i32
        %dma_start3A_1761 = tpu.memref_slice %arg6[%rem3A_779, %dma_start3A_1759, %dma_start3A_1760] : memref<2x800x32xf32, #tpu.memory_space<vmem>> -> memref<1x800x32xf32, #tpu.memory_space<vmem>>
        %dma_start3A_1762 = tpu.memref_squeeze %dma_start3A_1761 : memref<1x800x32xf32, #tpu.memory_space<vmem>> -> memref<800x32xf32, #tpu.memory_space<vmem>>
        %dma_start3A_1763 = arith.constant 450 : i32
        %dma_start3A_1764 = arith.constant 0 : i32
        %dma_start3A_1765 = tpu.memref_slice %dma_start3A_1762[%dma_start3A_1763, %dma_start3A_1764] : memref<800x32xf32, #tpu.memory_space<vmem>> -> memref<50x32xf32, #tpu.memory_space<vmem>>
        %dma_start3A_1766 = arith.constant 0 : i32
        %dma_start3A_1767 = tpu.memref_slice %arg5[%add3A_1599, %dma_start3A_1766] : memref<512x50xi32, #tpu.memory_space<vmem>> -> memref<1x50xi32, #tpu.memory_space<vmem>>
        %dma_start3A_1768 = tpu.memref_squeeze %dma_start3A_1767 : memref<1x50xi32, #tpu.memory_space<vmem>> -> memref<50xi32, #tpu.memory_space<vmem>>
        %dma_start3A_1769 = arith.constant 0 : i32
        %dma_start3A_1770 = arith.constant 0 : i32
        %dma_start3A_1771 = tpu.memref_slice %arg3[%dma_start3A_1769, %dma_start3A_1770] : memref<1000000x32xf32, #tpu.memory_space<hbm>> -> memref<1000000x32xf32, #tpu.memory_space<hbm>>
        %dma_start3A_1772 = tpu.memref_slice %arg7[%rem3A_779] : memref<2x!tpu.dma_semaphore, #tpu.memory_space<semaphore_mem>> -> memref<1x!tpu.dma_semaphore, #tpu.memory_space<semaphore_mem>>
        %dma_start3A_1773 = tpu.memref_squeeze %dma_start3A_1772 : memref<1x!tpu.dma_semaphore, #tpu.memory_space<semaphore_mem>> -> memref<!tpu.dma_semaphore, #tpu.memory_space<semaphore_mem>>
        tpu.enqueue_indirect_dma source(%dma_start3A_1771 : memref<1000000x32xf32, #tpu.memory_space<hbm>>) target(%dma_start3A_1765 : memref<50x32xf32, #tpu.memory_space<vmem>>) offsets(%dma_start3A_1768 : memref<50xi32, #tpu.memory_space<vmem>>) semaphore(%dma_start3A_1773 : memref<!tpu.dma_semaphore, #tpu.memory_space<semaphore_mem>>)
        %dma_start3A_1774 = arith.constant 0 : i32
        %dma_start3A_1775 = arith.constant 0 : i32
        %dma_start3A_1776 = tpu.memref_slice %arg6[%rem3A_779, %dma_start3A_1774, %dma_start3A_1775] : memref<2x800x32xf32, #tpu.memory_space<vmem>> -> memref<1x800x32xf32, #tpu.memory_space<vmem>>
        %dma_start3A_1777 = tpu.memref_squeeze %dma_start3A_1776 : memref<1x800x32xf32, #tpu.memory_space<vmem>> -> memref<800x32xf32, #tpu.memory_space<vmem>>
        %dma_start3A_1778 = arith.constant 500 : i32
        %dma_start3A_1779 = arith.constant 0 : i32
        %dma_start3A_1780 = tpu.memref_slice %dma_start3A_1777[%dma_start3A_1778, %dma_start3A_1779] : memref<800x32xf32, #tpu.memory_space<vmem>> -> memref<50x32xf32, #tpu.memory_space<vmem>>
        %dma_start3A_1781 = arith.constant 0 : i32
        %dma_start3A_1782 = tpu.memref_slice %arg5[%add3A_1603, %dma_start3A_1781] : memref<512x50xi32, #tpu.memory_space<vmem>> -> memref<1x50xi32, #tpu.memory_space<vmem>>
        %dma_start3A_1783 = tpu.memref_squeeze %dma_start3A_1782 : memref<1x50xi32, #tpu.memory_space<vmem>> -> memref<50xi32, #tpu.memory_space<vmem>>
        %dma_start3A_1784 = arith.constant 0 : i32
        %dma_start3A_1785 = arith.constant 0 : i32
        %dma_start3A_1786 = tpu.memref_slice %arg3[%dma_start3A_1784, %dma_start3A_1785] : memref<1000000x32xf32, #tpu.memory_space<hbm>> -> memref<1000000x32xf32, #tpu.memory_space<hbm>>
        %dma_start3A_1787 = tpu.memref_slice %arg7[%rem3A_779] : memref<2x!tpu.dma_semaphore, #tpu.memory_space<semaphore_mem>> -> memref<1x!tpu.dma_semaphore, #tpu.memory_space<semaphore_mem>>
        %dma_start3A_1788 = tpu.memref_squeeze %dma_start3A_1787 : memref<1x!tpu.dma_semaphore, #tpu.memory_space<semaphore_mem>> -> memref<!tpu.dma_semaphore, #tpu.memory_space<semaphore_mem>>
        tpu.enqueue_indirect_dma source(%dma_start3A_1786 : memref<1000000x32xf32, #tpu.memory_space<hbm>>) target(%dma_start3A_1780 : memref<50x32xf32, #tpu.memory_space<vmem>>) offsets(%dma_start3A_1783 : memref<50xi32, #tpu.memory_space<vmem>>) semaphore(%dma_start3A_1788 : memref<!tpu.dma_semaphore, #tpu.memory_space<semaphore_mem>>)
        %dma_start3A_1789 = arith.constant 0 : i32
        %dma_start3A_1790 = arith.constant 0 : i32
        %dma_start3A_1791 = tpu.memref_slice %arg6[%rem3A_779, %dma_start3A_1789, %dma_start3A_1790] : memref<2x800x32xf32, #tpu.memory_space<vmem>> -> memref<1x800x32xf32, #tpu.memory_space<vmem>>
        %dma_start3A_1792 = tpu.memref_squeeze %dma_start3A_1791 : memref<1x800x32xf32, #tpu.memory_space<vmem>> -> memref<800x32xf32, #tpu.memory_space<vmem>>
        %dma_start3A_1793 = arith.constant 550 : i32
        %dma_start3A_1794 = arith.constant 0 : i32
        %dma_start3A_1795 = tpu.memref_slice %dma_start3A_1792[%dma_start3A_1793, %dma_start3A_1794] : memref<800x32xf32, #tpu.memory_space<vmem>> -> memref<50x32xf32, #tpu.memory_space<vmem>>
        %dma_start3A_1796 = arith.constant 0 : i32
        %dma_start3A_1797 = tpu.memref_slice %arg5[%add3A_1607, %dma_start3A_1796] : memref<512x50xi32, #tpu.memory_space<vmem>> -> memref<1x50xi32, #tpu.memory_space<vmem>>
        %dma_start3A_1798 = tpu.memref_squeeze %dma_start3A_1797 : memref<1x50xi32, #tpu.memory_space<vmem>> -> memref<50xi32, #tpu.memory_space<vmem>>
        %dma_start3A_1799 = arith.constant 0 : i32
        %dma_start3A_1800 = arith.constant 0 : i32
        %dma_start3A_1801 = tpu.memref_slice %arg3[%dma_start3A_1799, %dma_start3A_1800] : memref<1000000x32xf32, #tpu.memory_space<hbm>> -> memref<1000000x32xf32, #tpu.memory_space<hbm>>
        %dma_start3A_1802 = tpu.memref_slice %arg7[%rem3A_779] : memref<2x!tpu.dma_semaphore, #tpu.memory_space<semaphore_mem>> -> memref<1x!tpu.dma_semaphore, #tpu.memory_space<semaphore_mem>>
        %dma_start3A_1803 = tpu.memref_squeeze %dma_start3A_1802 : memref<1x!tpu.dma_semaphore, #tpu.memory_space<semaphore_mem>> -> memref<!tpu.dma_semaphore, #tpu.memory_space<semaphore_mem>>
        tpu.enqueue_indirect_dma source(%dma_start3A_1801 : memref<1000000x32xf32, #tpu.memory_space<hbm>>) target(%dma_start3A_1795 : memref<50x32xf32, #tpu.memory_space<vmem>>) offsets(%dma_start3A_1798 : memref<50xi32, #tpu.memory_space<vmem>>) semaphore(%dma_start3A_1803 : memref<!tpu.dma_semaphore, #tpu.memory_space<semaphore_mem>>)
        %dma_start3A_1804 = arith.constant 0 : i32
        %dma_start3A_1805 = arith.constant 0 : i32
        %dma_start3A_1806 = tpu.memref_slice %arg6[%rem3A_779, %dma_start3A_1804, %dma_start3A_1805] : memref<2x800x32xf32, #tpu.memory_space<vmem>> -> memref<1x800x32xf32, #tpu.memory_space<vmem>>
        %dma_start3A_1807 = tpu.memref_squeeze %dma_start3A_1806 : memref<1x800x32xf32, #tpu.memory_space<vmem>> -> memref<800x32xf32, #tpu.memory_space<vmem>>
        %dma_start3A_1808 = arith.constant 600 : i32
        %dma_start3A_1809 = arith.constant 0 : i32
        %dma_start3A_1810 = tpu.memref_slice %dma_start3A_1807[%dma_start3A_1808, %dma_start3A_1809] : memref<800x32xf32, #tpu.memory_space<vmem>> -> memref<50x32xf32, #tpu.memory_space<vmem>>
        %dma_start3A_1811 = arith.constant 0 : i32
        %dma_start3A_1812 = tpu.memref_slice %arg5[%add3A_1611, %dma_start3A_1811] : memref<512x50xi32, #tpu.memory_space<vmem>> -> memref<1x50xi32, #tpu.memory_space<vmem>>
        %dma_start3A_1813 = tpu.memref_squeeze %dma_start3A_1812 : memref<1x50xi32, #tpu.memory_space<vmem>> -> memref<50xi32, #tpu.memory_space<vmem>>
        %dma_start3A_1814 = arith.constant 0 : i32
        %dma_start3A_1815 = arith.constant 0 : i32
        %dma_start3A_1816 = tpu.memref_slice %arg3[%dma_start3A_1814, %dma_start3A_1815] : memref<1000000x32xf32, #tpu.memory_space<hbm>> -> memref<1000000x32xf32, #tpu.memory_space<hbm>>
        %dma_start3A_1817 = tpu.memref_slice %arg7[%rem3A_779] : memref<2x!tpu.dma_semaphore, #tpu.memory_space<semaphore_mem>> -> memref<1x!tpu.dma_semaphore, #tpu.memory_space<semaphore_mem>>
        %dma_start3A_1818 = tpu.memref_squeeze %dma_start3A_1817 : memref<1x!tpu.dma_semaphore, #tpu.memory_space<semaphore_mem>> -> memref<!tpu.dma_semaphore, #tpu.memory_space<semaphore_mem>>
        tpu.enqueue_indirect_dma source(%dma_start3A_1816 : memref<1000000x32xf32, #tpu.memory_space<hbm>>) target(%dma_start3A_1810 : memref<50x32xf32, #tpu.memory_space<vmem>>) offsets(%dma_start3A_1813 : memref<50xi32, #tpu.memory_space<vmem>>) semaphore(%dma_start3A_1818 : memref<!tpu.dma_semaphore, #tpu.memory_space<semaphore_mem>>)
        %dma_start3A_1819 = arith.constant 0 : i32
        %dma_start3A_1820 = arith.constant 0 : i32
        %dma_start3A_1821 = tpu.memref_slice %arg6[%rem3A_779, %dma_start3A_1819, %dma_start3A_1820] : memref<2x800x32xf32, #tpu.memory_space<vmem>> -> memref<1x800x32xf32, #tpu.memory_space<vmem>>
        %dma_start3A_1822 = tpu.memref_squeeze %dma_start3A_1821 : memref<1x800x32xf32, #tpu.memory_space<vmem>> -> memref<800x32xf32, #tpu.memory_space<vmem>>
        %dma_start3A_1823 = arith.constant 650 : i32
        %dma_start3A_1824 = arith.constant 0 : i32
        %dma_start3A_1825 = tpu.memref_slice %dma_start3A_1822[%dma_start3A_1823, %dma_start3A_1824] : memref<800x32xf32, #tpu.memory_space<vmem>> -> memref<50x32xf32, #tpu.memory_space<vmem>>
        %dma_start3A_1826 = arith.constant 0 : i32
        %dma_start3A_1827 = tpu.memref_slice %arg5[%add3A_1615, %dma_start3A_1826] : memref<512x50xi32, #tpu.memory_space<vmem>> -> memref<1x50xi32, #tpu.memory_space<vmem>>
        %dma_start3A_1828 = tpu.memref_squeeze %dma_start3A_1827 : memref<1x50xi32, #tpu.memory_space<vmem>> -> memref<50xi32, #tpu.memory_space<vmem>>
        %dma_start3A_1829 = arith.constant 0 : i32
        %dma_start3A_1830 = arith.constant 0 : i32
        %dma_start3A_1831 = tpu.memref_slice %arg3[%dma_start3A_1829, %dma_start3A_1830] : memref<1000000x32xf32, #tpu.memory_space<hbm>> -> memref<1000000x32xf32, #tpu.memory_space<hbm>>
        %dma_start3A_1832 = tpu.memref_slice %arg7[%rem3A_779] : memref<2x!tpu.dma_semaphore, #tpu.memory_space<semaphore_mem>> -> memref<1x!tpu.dma_semaphore, #tpu.memory_space<semaphore_mem>>
        %dma_start3A_1833 = tpu.memref_squeeze %dma_start3A_1832 : memref<1x!tpu.dma_semaphore, #tpu.memory_space<semaphore_mem>> -> memref<!tpu.dma_semaphore, #tpu.memory_space<semaphore_mem>>
        tpu.enqueue_indirect_dma source(%dma_start3A_1831 : memref<1000000x32xf32, #tpu.memory_space<hbm>>) target(%dma_start3A_1825 : memref<50x32xf32, #tpu.memory_space<vmem>>) offsets(%dma_start3A_1828 : memref<50xi32, #tpu.memory_space<vmem>>) semaphore(%dma_start3A_1833 : memref<!tpu.dma_semaphore, #tpu.memory_space<semaphore_mem>>)
        %dma_start3A_1834 = arith.constant 0 : i32
        %dma_start3A_1835 = arith.constant 0 : i32
        %dma_start3A_1836 = tpu.memref_slice %arg6[%rem3A_779, %dma_start3A_1834, %dma_start3A_1835] : memref<2x800x32xf32, #tpu.memory_space<vmem>> -> memref<1x800x32xf32, #tpu.memory_space<vmem>>
        %dma_start3A_1837 = tpu.memref_squeeze %dma_start3A_1836 : memref<1x800x32xf32, #tpu.memory_space<vmem>> -> memref<800x32xf32, #tpu.memory_space<vmem>>
        %dma_start3A_1838 = arith.constant 700 : i32
        %dma_start3A_1839 = arith.constant 0 : i32
        %dma_start3A_1840 = tpu.memref_slice %dma_start3A_1837[%dma_start3A_1838, %dma_start3A_1839] : memref<800x32xf32, #tpu.memory_space<vmem>> -> memref<50x32xf32, #tpu.memory_space<vmem>>
        %dma_start3A_1841 = arith.constant 0 : i32
        %dma_start3A_1842 = tpu.memref_slice %arg5[%add3A_1619, %dma_start3A_1841] : memref<512x50xi32, #tpu.memory_space<vmem>> -> memref<1x50xi32, #tpu.memory_space<vmem>>
        %dma_start3A_1843 = tpu.memref_squeeze %dma_start3A_1842 : memref<1x50xi32, #tpu.memory_space<vmem>> -> memref<50xi32, #tpu.memory_space<vmem>>
        %dma_start3A_1844 = arith.constant 0 : i32
        %dma_start3A_1845 = arith.constant 0 : i32
        %dma_start3A_1846 = tpu.memref_slice %arg3[%dma_start3A_1844, %dma_start3A_1845] : memref<1000000x32xf32, #tpu.memory_space<hbm>> -> memref<1000000x32xf32, #tpu.memory_space<hbm>>
        %dma_start3A_1847 = tpu.memref_slice %arg7[%rem3A_779] : memref<2x!tpu.dma_semaphore, #tpu.memory_space<semaphore_mem>> -> memref<1x!tpu.dma_semaphore, #tpu.memory_space<semaphore_mem>>
        %dma_start3A_1848 = tpu.memref_squeeze %dma_start3A_1847 : memref<1x!tpu.dma_semaphore, #tpu.memory_space<semaphore_mem>> -> memref<!tpu.dma_semaphore, #tpu.memory_space<semaphore_mem>>
        tpu.enqueue_indirect_dma source(%dma_start3A_1846 : memref<1000000x32xf32, #tpu.memory_space<hbm>>) target(%dma_start3A_1840 : memref<50x32xf32, #tpu.memory_space<vmem>>) offsets(%dma_start3A_1843 : memref<50xi32, #tpu.memory_space<vmem>>) semaphore(%dma_start3A_1848 : memref<!tpu.dma_semaphore, #tpu.memory_space<semaphore_mem>>)
        %dma_start3A_1849 = arith.constant 0 : i32
        %dma_start3A_1850 = arith.constant 0 : i32
        %dma_start3A_1851 = tpu.memref_slice %arg6[%rem3A_779, %dma_start3A_1849, %dma_start3A_1850] : memref<2x800x32xf32, #tpu.memory_space<vmem>> -> memref<1x800x32xf32, #tpu.memory_space<vmem>>
        %dma_start3A_1852 = tpu.memref_squeeze %dma_start3A_1851 : memref<1x800x32xf32, #tpu.memory_space<vmem>> -> memref<800x32xf32, #tpu.memory_space<vmem>>
        %dma_start3A_1853 = arith.constant 750 : i32
        %dma_start3A_1854 = arith.constant 0 : i32
        %dma_start3A_1855 = tpu.memref_slice %dma_start3A_1852[%dma_start3A_1853, %dma_start3A_1854] : memref<800x32xf32, #tpu.memory_space<vmem>> -> memref<50x32xf32, #tpu.memory_space<vmem>>
        %dma_start3A_1856 = arith.constant 0 : i32
        %dma_start3A_1857 = tpu.memref_slice %arg5[%add3A_1623, %dma_start3A_1856] : memref<512x50xi32, #tpu.memory_space<vmem>> -> memref<1x50xi32, #tpu.memory_space<vmem>>
        %dma_start3A_1858 = tpu.memref_squeeze %dma_start3A_1857 : memref<1x50xi32, #tpu.memory_space<vmem>> -> memref<50xi32, #tpu.memory_space<vmem>>
        %dma_start3A_1859 = arith.constant 0 : i32
        %dma_start3A_1860 = arith.constant 0 : i32
        %dma_start3A_1861 = tpu.memref_slice %arg3[%dma_start3A_1859, %dma_start3A_1860] : memref<1000000x32xf32, #tpu.memory_space<hbm>> -> memref<1000000x32xf32, #tpu.memory_space<hbm>>
        %dma_start3A_1862 = tpu.memref_slice %arg7[%rem3A_779] : memref<2x!tpu.dma_semaphore, #tpu.memory_space<semaphore_mem>> -> memref<1x!tpu.dma_semaphore, #tpu.memory_space<semaphore_mem>>
        %dma_start3A_1863 = tpu.memref_squeeze %dma_start3A_1862 : memref<1x!tpu.dma_semaphore, #tpu.memory_space<semaphore_mem>> -> memref<!tpu.dma_semaphore, #tpu.memory_space<semaphore_mem>>
        tpu.enqueue_indirect_dma source(%dma_start3A_1861 : memref<1000000x32xf32, #tpu.memory_space<hbm>>) target(%dma_start3A_1855 : memref<50x32xf32, #tpu.memory_space<vmem>>) offsets(%dma_start3A_1858 : memref<50xi32, #tpu.memory_space<vmem>>) semaphore(%dma_start3A_1863 : memref<!tpu.dma_semaphore, #tpu.memory_space<semaphore_mem>>)
      } else {
      }
      %mul3A_788 = arith.constant 16 : i32
      %mul3A_789 = arith.muli %scan3A_774, %mul3A_788 : i32
      %add3A_790 = arith.constant 0 : i32
      %add3A_791 = arith.addi %mul3A_789, %add3A_790 : i32
      %mul3A_792 = arith.constant 16 : i32
      %mul3A_793 = arith.muli %scan3A_774, %mul3A_792 : i32
      %add3A_794 = arith.constant 1 : i32
      %add3A_795 = arith.addi %mul3A_793, %add3A_794 : i32
      %mul3A_796 = arith.constant 16 : i32
      %mul3A_797 = arith.muli %scan3A_774, %mul3A_796 : i32
      %add3A_798 = arith.constant 2 : i32
      %add3A_799 = arith.addi %mul3A_797, %add3A_798 : i32
      %mul3A_800 = arith.constant 16 : i32
      %mul3A_801 = arith.muli %scan3A_774, %mul3A_800 : i32
      %add3A_802 = arith.constant 3 : i32
      %add3A_803 = arith.addi %mul3A_801, %add3A_802 : i32
      %mul3A_804 = arith.constant 16 : i32
      %mul3A_805 = arith.muli %scan3A_774, %mul3A_804 : i32
      %add3A_806 = arith.constant 4 : i32
      %add3A_807 = arith.addi %mul3A_805, %add3A_806 : i32
      %mul3A_808 = arith.constant 16 : i32
      %mul3A_809 = arith.muli %scan3A_774, %mul3A_808 : i32
      %add3A_810 = arith.constant 5 : i32
      %add3A_811 = arith.addi %mul3A_809, %add3A_810 : i32
      %mul3A_812 = arith.constant 16 : i32
      %mul3A_813 = arith.muli %scan3A_774, %mul3A_812 : i32
      %add3A_814 = arith.constant 6 : i32
      %add3A_815 = arith.addi %mul3A_813, %add3A_814 : i32
      %mul3A_816 = arith.constant 16 : i32
      %mul3A_817 = arith.muli %scan3A_774, %mul3A_816 : i32
      %add3A_818 = arith.constant 7 : i32
      %add3A_819 = arith.addi %mul3A_817, %add3A_818 : i32
      %mul3A_820 = arith.constant 16 : i32
      %mul3A_821 = arith.muli %scan3A_774, %mul3A_820 : i32
      %add3A_822 = arith.constant 8 : i32
      %add3A_823 = arith.addi %mul3A_821, %add3A_822 : i32
      %mul3A_824 = arith.constant 16 : i32
      %mul3A_825 = arith.muli %scan3A_774, %mul3A_824 : i32
      %add3A_826 = arith.constant 9 : i32
      %add3A_827 = arith.addi %mul3A_825, %add3A_826 : i32
      %mul3A_828 = arith.constant 16 : i32
      %mul3A_829 = arith.muli %scan3A_774, %mul3A_828 : i32
      %add3A_830 = arith.constant 10 : i32
      %add3A_831 = arith.addi %mul3A_829, %add3A_830 : i32
      %mul3A_832 = arith.constant 16 : i32
      %mul3A_833 = arith.muli %scan3A_774, %mul3A_832 : i32
      %add3A_834 = arith.constant 11 : i32
      %add3A_835 = arith.addi %mul3A_833, %add3A_834 : i32
      %mul3A_836 = arith.constant 16 : i32
      %mul3A_837 = arith.muli %scan3A_774, %mul3A_836 : i32
      %add3A_838 = arith.constant 12 : i32
      %add3A_839 = arith.addi %mul3A_837, %add3A_838 : i32
      %mul3A_840 = arith.constant 16 : i32
      %mul3A_841 = arith.muli %scan3A_774, %mul3A_840 : i32
      %add3A_842 = arith.constant 13 : i32
      %add3A_843 = arith.addi %mul3A_841, %add3A_842 : i32
      %mul3A_844 = arith.constant 16 : i32
      %mul3A_845 = arith.muli %scan3A_774, %mul3A_844 : i32
      %add3A_846 = arith.constant 14 : i32
      %add3A_847 = arith.addi %mul3A_845, %add3A_846 : i32
      %mul3A_848 = arith.constant 16 : i32
      %mul3A_849 = arith.muli %scan3A_774, %mul3A_848 : i32
      %add3A_850 = arith.constant 15 : i32
      %add3A_851 = arith.addi %mul3A_849, %add3A_850 : i32
      %dma_wait3A_852 = arith.constant 0 : i32
      %dma_wait3A_853 = arith.constant 0 : i32
      %dma_wait3A_854 = tpu.memref_slice %arg6[%rem3A_775, %dma_wait3A_852, %dma_wait3A_853] : memref<2x800x32xf32, #tpu.memory_space<vmem>> -> memref<1x800x32xf32, #tpu.memory_space<vmem>>
      %dma_wait3A_855 = tpu.memref_squeeze %dma_wait3A_854 : memref<1x800x32xf32, #tpu.memory_space<vmem>> -> memref<800x32xf32, #tpu.memory_space<vmem>>
      %dma_wait3A_856 = arith.constant 0 : i32
      %dma_wait3A_857 = arith.constant 0 : i32
      %dma_wait3A_858 = tpu.memref_slice %dma_wait3A_855[%dma_wait3A_856, %dma_wait3A_857] : memref<800x32xf32, #tpu.memory_space<vmem>> -> memref<50x32xf32, #tpu.memory_space<vmem>>
      %dma_wait3A_859 = arith.constant 0 : i32
      %dma_wait3A_860 = tpu.memref_slice %arg5[%add3A_791, %dma_wait3A_859] : memref<512x50xi32, #tpu.memory_space<vmem>> -> memref<1x50xi32, #tpu.memory_space<vmem>>
      %dma_wait3A_861 = tpu.memref_squeeze %dma_wait3A_860 : memref<1x50xi32, #tpu.memory_space<vmem>> -> memref<50xi32, #tpu.memory_space<vmem>>
      %dma_wait3A_862 = arith.constant 0 : i32
      %dma_wait3A_863 = arith.constant 0 : i32
      %dma_wait3A_864 = tpu.memref_slice %arg3[%dma_wait3A_862, %dma_wait3A_863] : memref<1000000x32xf32, #tpu.memory_space<hbm>> -> memref<1000000x32xf32, #tpu.memory_space<hbm>>
      %dma_wait3A_865 = tpu.memref_slice %arg7[%rem3A_775] : memref<2x!tpu.dma_semaphore, #tpu.memory_space<semaphore_mem>> -> memref<1x!tpu.dma_semaphore, #tpu.memory_space<semaphore_mem>>
      %dma_wait3A_866 = tpu.memref_squeeze %dma_wait3A_865 : memref<1x!tpu.dma_semaphore, #tpu.memory_space<semaphore_mem>> -> memref<!tpu.dma_semaphore, #tpu.memory_space<semaphore_mem>>
      tpu.wait_indirect_dma semaphore(%dma_wait3A_866 : memref<!tpu.dma_semaphore, #tpu.memory_space<semaphore_mem>>) src(%dma_wait3A_864 : memref<1000000x32xf32, #tpu.memory_space<hbm>>) dst(%dma_wait3A_858 : memref<50x32xf32, #tpu.memory_space<vmem>>)
      %dma_wait3A_867 = arith.constant 0 : i32
      %dma_wait3A_868 = arith.constant 0 : i32
      %dma_wait3A_869 = tpu.memref_slice %arg6[%rem3A_775, %dma_wait3A_867, %dma_wait3A_868] : memref<2x800x32xf32, #tpu.memory_space<vmem>> -> memref<1x800x32xf32, #tpu.memory_space<vmem>>
      %dma_wait3A_870 = tpu.memref_squeeze %dma_wait3A_869 : memref<1x800x32xf32, #tpu.memory_space<vmem>> -> memref<800x32xf32, #tpu.memory_space<vmem>>
      %dma_wait3A_871 = arith.constant 50 : i32
      %dma_wait3A_872 = arith.constant 0 : i32
      %dma_wait3A_873 = tpu.memref_slice %dma_wait3A_870[%dma_wait3A_871, %dma_wait3A_872] : memref<800x32xf32, #tpu.memory_space<vmem>> -> memref<50x32xf32, #tpu.memory_space<vmem>>
      %dma_wait3A_874 = arith.constant 0 : i32
      %dma_wait3A_875 = tpu.memref_slice %arg5[%add3A_795, %dma_wait3A_874] : memref<512x50xi32, #tpu.memory_space<vmem>> -> memref<1x50xi32, #tpu.memory_space<vmem>>
      %dma_wait3A_876 = tpu.memref_squeeze %dma_wait3A_875 : memref<1x50xi32, #tpu.memory_space<vmem>> -> memref<50xi32, #tpu.memory_space<vmem>>
      %dma_wait3A_877 = arith.constant 0 : i32
      %dma_wait3A_878 = arith.constant 0 : i32
      %dma_wait3A_879 = tpu.memref_slice %arg3[%dma_wait3A_877, %dma_wait3A_878] : memref<1000000x32xf32, #tpu.memory_space<hbm>> -> memref<1000000x32xf32, #tpu.memory_space<hbm>>
      %dma_wait3A_880 = tpu.memref_slice %arg7[%rem3A_775] : memref<2x!tpu.dma_semaphore, #tpu.memory_space<semaphore_mem>> -> memref<1x!tpu.dma_semaphore, #tpu.memory_space<semaphore_mem>>
      %dma_wait3A_881 = tpu.memref_squeeze %dma_wait3A_880 : memref<1x!tpu.dma_semaphore, #tpu.memory_space<semaphore_mem>> -> memref<!tpu.dma_semaphore, #tpu.memory_space<semaphore_mem>>
      tpu.wait_indirect_dma semaphore(%dma_wait3A_881 : memref<!tpu.dma_semaphore, #tpu.memory_space<semaphore_mem>>) src(%dma_wait3A_879 : memref<1000000x32xf32, #tpu.memory_space<hbm>>) dst(%dma_wait3A_873 : memref<50x32xf32, #tpu.memory_space<vmem>>)
      %dma_wait3A_882 = arith.constant 0 : i32
      %dma_wait3A_883 = arith.constant 0 : i32
      %dma_wait3A_884 = tpu.memref_slice %arg6[%rem3A_775, %dma_wait3A_882, %dma_wait3A_883] : memref<2x800x32xf32, #tpu.memory_space<vmem>> -> memref<1x800x32xf32, #tpu.memory_space<vmem>>
      %dma_wait3A_885 = tpu.memref_squeeze %dma_wait3A_884 : memref<1x800x32xf32, #tpu.memory_space<vmem>> -> memref<800x32xf32, #tpu.memory_space<vmem>>
      %dma_wait3A_886 = arith.constant 100 : i32
      %dma_wait3A_887 = arith.constant 0 : i32
      %dma_wait3A_888 = tpu.memref_slice %dma_wait3A_885[%dma_wait3A_886, %dma_wait3A_887] : memref<800x32xf32, #tpu.memory_space<vmem>> -> memref<50x32xf32, #tpu.memory_space<vmem>>
      %dma_wait3A_889 = arith.constant 0 : i32
      %dma_wait3A_890 = tpu.memref_slice %arg5[%add3A_799, %dma_wait3A_889] : memref<512x50xi32, #tpu.memory_space<vmem>> -> memref<1x50xi32, #tpu.memory_space<vmem>>
      %dma_wait3A_891 = tpu.memref_squeeze %dma_wait3A_890 : memref<1x50xi32, #tpu.memory_space<vmem>> -> memref<50xi32, #tpu.memory_space<vmem>>
      %dma_wait3A_892 = arith.constant 0 : i32
      %dma_wait3A_893 = arith.constant 0 : i32
      %dma_wait3A_894 = tpu.memref_slice %arg3[%dma_wait3A_892, %dma_wait3A_893] : memref<1000000x32xf32, #tpu.memory_space<hbm>> -> memref<1000000x32xf32, #tpu.memory_space<hbm>>
      %dma_wait3A_895 = tpu.memref_slice %arg7[%rem3A_775] : memref<2x!tpu.dma_semaphore, #tpu.memory_space<semaphore_mem>> -> memref<1x!tpu.dma_semaphore, #tpu.memory_space<semaphore_mem>>
      %dma_wait3A_896 = tpu.memref_squeeze %dma_wait3A_895 : memref<1x!tpu.dma_semaphore, #tpu.memory_space<semaphore_mem>> -> memref<!tpu.dma_semaphore, #tpu.memory_space<semaphore_mem>>
      tpu.wait_indirect_dma semaphore(%dma_wait3A_896 : memref<!tpu.dma_semaphore, #tpu.memory_space<semaphore_mem>>) src(%dma_wait3A_894 : memref<1000000x32xf32, #tpu.memory_space<hbm>>) dst(%dma_wait3A_888 : memref<50x32xf32, #tpu.memory_space<vmem>>)
      %dma_wait3A_897 = arith.constant 0 : i32
      %dma_wait3A_898 = arith.constant 0 : i32
      %dma_wait3A_899 = tpu.memref_slice %arg6[%rem3A_775, %dma_wait3A_897, %dma_wait3A_898] : memref<2x800x32xf32, #tpu.memory_space<vmem>> -> memref<1x800x32xf32, #tpu.memory_space<vmem>>
      %dma_wait3A_900 = tpu.memref_squeeze %dma_wait3A_899 : memref<1x800x32xf32, #tpu.memory_space<vmem>> -> memref<800x32xf32, #tpu.memory_space<vmem>>
      %dma_wait3A_901 = arith.constant 150 : i32
      %dma_wait3A_902 = arith.constant 0 : i32
      %dma_wait3A_903 = tpu.memref_slice %dma_wait3A_900[%dma_wait3A_901, %dma_wait3A_902] : memref<800x32xf32, #tpu.memory_space<vmem>> -> memref<50x32xf32, #tpu.memory_space<vmem>>
      %dma_wait3A_904 = arith.constant 0 : i32
      %dma_wait3A_905 = tpu.memref_slice %arg5[%add3A_803, %dma_wait3A_904] : memref<512x50xi32, #tpu.memory_space<vmem>> -> memref<1x50xi32, #tpu.memory_space<vmem>>
      %dma_wait3A_906 = tpu.memref_squeeze %dma_wait3A_905 : memref<1x50xi32, #tpu.memory_space<vmem>> -> memref<50xi32, #tpu.memory_space<vmem>>
      %dma_wait3A_907 = arith.constant 0 : i32
      %dma_wait3A_908 = arith.constant 0 : i32
      %dma_wait3A_909 = tpu.memref_slice %arg3[%dma_wait3A_907, %dma_wait3A_908] : memref<1000000x32xf32, #tpu.memory_space<hbm>> -> memref<1000000x32xf32, #tpu.memory_space<hbm>>
      %dma_wait3A_910 = tpu.memref_slice %arg7[%rem3A_775] : memref<2x!tpu.dma_semaphore, #tpu.memory_space<semaphore_mem>> -> memref<1x!tpu.dma_semaphore, #tpu.memory_space<semaphore_mem>>
      %dma_wait3A_911 = tpu.memref_squeeze %dma_wait3A_910 : memref<1x!tpu.dma_semaphore, #tpu.memory_space<semaphore_mem>> -> memref<!tpu.dma_semaphore, #tpu.memory_space<semaphore_mem>>
      tpu.wait_indirect_dma semaphore(%dma_wait3A_911 : memref<!tpu.dma_semaphore, #tpu.memory_space<semaphore_mem>>) src(%dma_wait3A_909 : memref<1000000x32xf32, #tpu.memory_space<hbm>>) dst(%dma_wait3A_903 : memref<50x32xf32, #tpu.memory_space<vmem>>)
      %dma_wait3A_912 = arith.constant 0 : i32
      %dma_wait3A_913 = arith.constant 0 : i32
      %dma_wait3A_914 = tpu.memref_slice %arg6[%rem3A_775, %dma_wait3A_912, %dma_wait3A_913] : memref<2x800x32xf32, #tpu.memory_space<vmem>> -> memref<1x800x32xf32, #tpu.memory_space<vmem>>
      %dma_wait3A_915 = tpu.memref_squeeze %dma_wait3A_914 : memref<1x800x32xf32, #tpu.memory_space<vmem>> -> memref<800x32xf32, #tpu.memory_space<vmem>>
      %dma_wait3A_916 = arith.constant 200 : i32
      %dma_wait3A_917 = arith.constant 0 : i32
      %dma_wait3A_918 = tpu.memref_slice %dma_wait3A_915[%dma_wait3A_916, %dma_wait3A_917] : memref<800x32xf32, #tpu.memory_space<vmem>> -> memref<50x32xf32, #tpu.memory_space<vmem>>
      %dma_wait3A_919 = arith.constant 0 : i32
      %dma_wait3A_920 = tpu.memref_slice %arg5[%add3A_807, %dma_wait3A_919] : memref<512x50xi32, #tpu.memory_space<vmem>> -> memref<1x50xi32, #tpu.memory_space<vmem>>
      %dma_wait3A_921 = tpu.memref_squeeze %dma_wait3A_920 : memref<1x50xi32, #tpu.memory_space<vmem>> -> memref<50xi32, #tpu.memory_space<vmem>>
      %dma_wait3A_922 = arith.constant 0 : i32
      %dma_wait3A_923 = arith.constant 0 : i32
      %dma_wait3A_924 = tpu.memref_slice %arg3[%dma_wait3A_922, %dma_wait3A_923] : memref<1000000x32xf32, #tpu.memory_space<hbm>> -> memref<1000000x32xf32, #tpu.memory_space<hbm>>
      %dma_wait3A_925 = tpu.memref_slice %arg7[%rem3A_775] : memref<2x!tpu.dma_semaphore, #tpu.memory_space<semaphore_mem>> -> memref<1x!tpu.dma_semaphore, #tpu.memory_space<semaphore_mem>>
      %dma_wait3A_926 = tpu.memref_squeeze %dma_wait3A_925 : memref<1x!tpu.dma_semaphore, #tpu.memory_space<semaphore_mem>> -> memref<!tpu.dma_semaphore, #tpu.memory_space<semaphore_mem>>
      tpu.wait_indirect_dma semaphore(%dma_wait3A_926 : memref<!tpu.dma_semaphore, #tpu.memory_space<semaphore_mem>>) src(%dma_wait3A_924 : memref<1000000x32xf32, #tpu.memory_space<hbm>>) dst(%dma_wait3A_918 : memref<50x32xf32, #tpu.memory_space<vmem>>)
      %dma_wait3A_927 = arith.constant 0 : i32
      %dma_wait3A_928 = arith.constant 0 : i32
      %dma_wait3A_929 = tpu.memref_slice %arg6[%rem3A_775, %dma_wait3A_927, %dma_wait3A_928] : memref<2x800x32xf32, #tpu.memory_space<vmem>> -> memref<1x800x32xf32, #tpu.memory_space<vmem>>
      %dma_wait3A_930 = tpu.memref_squeeze %dma_wait3A_929 : memref<1x800x32xf32, #tpu.memory_space<vmem>> -> memref<800x32xf32, #tpu.memory_space<vmem>>
      %dma_wait3A_931 = arith.constant 250 : i32
      %dma_wait3A_932 = arith.constant 0 : i32
      %dma_wait3A_933 = tpu.memref_slice %dma_wait3A_930[%dma_wait3A_931, %dma_wait3A_932] : memref<800x32xf32, #tpu.memory_space<vmem>> -> memref<50x32xf32, #tpu.memory_space<vmem>>
      %dma_wait3A_934 = arith.constant 0 : i32
      %dma_wait3A_935 = tpu.memref_slice %arg5[%add3A_811, %dma_wait3A_934] : memref<512x50xi32, #tpu.memory_space<vmem>> -> memref<1x50xi32, #tpu.memory_space<vmem>>
      %dma_wait3A_936 = tpu.memref_squeeze %dma_wait3A_935 : memref<1x50xi32, #tpu.memory_space<vmem>> -> memref<50xi32, #tpu.memory_space<vmem>>
      %dma_wait3A_937 = arith.constant 0 : i32
      %dma_wait3A_938 = arith.constant 0 : i32
      %dma_wait3A_939 = tpu.memref_slice %arg3[%dma_wait3A_937, %dma_wait3A_938] : memref<1000000x32xf32, #tpu.memory_space<hbm>> -> memref<1000000x32xf32, #tpu.memory_space<hbm>>
      %dma_wait3A_940 = tpu.memref_slice %arg7[%rem3A_775] : memref<2x!tpu.dma_semaphore, #tpu.memory_space<semaphore_mem>> -> memref<1x!tpu.dma_semaphore, #tpu.memory_space<semaphore_mem>>
      %dma_wait3A_941 = tpu.memref_squeeze %dma_wait3A_940 : memref<1x!tpu.dma_semaphore, #tpu.memory_space<semaphore_mem>> -> memref<!tpu.dma_semaphore, #tpu.memory_space<semaphore_mem>>
      tpu.wait_indirect_dma semaphore(%dma_wait3A_941 : memref<!tpu.dma_semaphore, #tpu.memory_space<semaphore_mem>>) src(%dma_wait3A_939 : memref<1000000x32xf32, #tpu.memory_space<hbm>>) dst(%dma_wait3A_933 : memref<50x32xf32, #tpu.memory_space<vmem>>)
      %dma_wait3A_942 = arith.constant 0 : i32
      %dma_wait3A_943 = arith.constant 0 : i32
      %dma_wait3A_944 = tpu.memref_slice %arg6[%rem3A_775, %dma_wait3A_942, %dma_wait3A_943] : memref<2x800x32xf32, #tpu.memory_space<vmem>> -> memref<1x800x32xf32, #tpu.memory_space<vmem>>
      %dma_wait3A_945 = tpu.memref_squeeze %dma_wait3A_944 : memref<1x800x32xf32, #tpu.memory_space<vmem>> -> memref<800x32xf32, #tpu.memory_space<vmem>>
      %dma_wait3A_946 = arith.constant 300 : i32
      %dma_wait3A_947 = arith.constant 0 : i32
      %dma_wait3A_948 = tpu.memref_slice %dma_wait3A_945[%dma_wait3A_946, %dma_wait3A_947] : memref<800x32xf32, #tpu.memory_space<vmem>> -> memref<50x32xf32, #tpu.memory_space<vmem>>
      %dma_wait3A_949 = arith.constant 0 : i32
      %dma_wait3A_950 = tpu.memref_slice %arg5[%add3A_815, %dma_wait3A_949] : memref<512x50xi32, #tpu.memory_space<vmem>> -> memref<1x50xi32, #tpu.memory_space<vmem>>
      %dma_wait3A_951 = tpu.memref_squeeze %dma_wait3A_950 : memref<1x50xi32, #tpu.memory_space<vmem>> -> memref<50xi32, #tpu.memory_space<vmem>>
      %dma_wait3A_952 = arith.constant 0 : i32
      %dma_wait3A_953 = arith.constant 0 : i32
      %dma_wait3A_954 = tpu.memref_slice %arg3[%dma_wait3A_952, %dma_wait3A_953] : memref<1000000x32xf32, #tpu.memory_space<hbm>> -> memref<1000000x32xf32, #tpu.memory_space<hbm>>
      %dma_wait3A_955 = tpu.memref_slice %arg7[%rem3A_775] : memref<2x!tpu.dma_semaphore, #tpu.memory_space<semaphore_mem>> -> memref<1x!tpu.dma_semaphore, #tpu.memory_space<semaphore_mem>>
      %dma_wait3A_956 = tpu.memref_squeeze %dma_wait3A_955 : memref<1x!tpu.dma_semaphore, #tpu.memory_space<semaphore_mem>> -> memref<!tpu.dma_semaphore, #tpu.memory_space<semaphore_mem>>
      tpu.wait_indirect_dma semaphore(%dma_wait3A_956 : memref<!tpu.dma_semaphore, #tpu.memory_space<semaphore_mem>>) src(%dma_wait3A_954 : memref<1000000x32xf32, #tpu.memory_space<hbm>>) dst(%dma_wait3A_948 : memref<50x32xf32, #tpu.memory_space<vmem>>)
      %dma_wait3A_957 = arith.constant 0 : i32
      %dma_wait3A_958 = arith.constant 0 : i32
      %dma_wait3A_959 = tpu.memref_slice %arg6[%rem3A_775, %dma_wait3A_957, %dma_wait3A_958] : memref<2x800x32xf32, #tpu.memory_space<vmem>> -> memref<1x800x32xf32, #tpu.memory_space<vmem>>
      %dma_wait3A_960 = tpu.memref_squeeze %dma_wait3A_959 : memref<1x800x32xf32, #tpu.memory_space<vmem>> -> memref<800x32xf32, #tpu.memory_space<vmem>>
      %dma_wait3A_961 = arith.constant 350 : i32
      %dma_wait3A_962 = arith.constant 0 : i32
      %dma_wait3A_963 = tpu.memref_slice %dma_wait3A_960[%dma_wait3A_961, %dma_wait3A_962] : memref<800x32xf32, #tpu.memory_space<vmem>> -> memref<50x32xf32, #tpu.memory_space<vmem>>
      %dma_wait3A_964 = arith.constant 0 : i32
      %dma_wait3A_965 = tpu.memref_slice %arg5[%add3A_819, %dma_wait3A_964] : memref<512x50xi32, #tpu.memory_space<vmem>> -> memref<1x50xi32, #tpu.memory_space<vmem>>
      %dma_wait3A_966 = tpu.memref_squeeze %dma_wait3A_965 : memref<1x50xi32, #tpu.memory_space<vmem>> -> memref<50xi32, #tpu.memory_space<vmem>>
      %dma_wait3A_967 = arith.constant 0 : i32
      %dma_wait3A_968 = arith.constant 0 : i32
      %dma_wait3A_969 = tpu.memref_slice %arg3[%dma_wait3A_967, %dma_wait3A_968] : memref<1000000x32xf32, #tpu.memory_space<hbm>> -> memref<1000000x32xf32, #tpu.memory_space<hbm>>
      %dma_wait3A_970 = tpu.memref_slice %arg7[%rem3A_775] : memref<2x!tpu.dma_semaphore, #tpu.memory_space<semaphore_mem>> -> memref<1x!tpu.dma_semaphore, #tpu.memory_space<semaphore_mem>>
      %dma_wait3A_971 = tpu.memref_squeeze %dma_wait3A_970 : memref<1x!tpu.dma_semaphore, #tpu.memory_space<semaphore_mem>> -> memref<!tpu.dma_semaphore, #tpu.memory_space<semaphore_mem>>
      tpu.wait_indirect_dma semaphore(%dma_wait3A_971 : memref<!tpu.dma_semaphore, #tpu.memory_space<semaphore_mem>>) src(%dma_wait3A_969 : memref<1000000x32xf32, #tpu.memory_space<hbm>>) dst(%dma_wait3A_963 : memref<50x32xf32, #tpu.memory_space<vmem>>)
      %dma_wait3A_972 = arith.constant 0 : i32
      %dma_wait3A_973 = arith.constant 0 : i32
      %dma_wait3A_974 = tpu.memref_slice %arg6[%rem3A_775, %dma_wait3A_972, %dma_wait3A_973] : memref<2x800x32xf32, #tpu.memory_space<vmem>> -> memref<1x800x32xf32, #tpu.memory_space<vmem>>
      %dma_wait3A_975 = tpu.memref_squeeze %dma_wait3A_974 : memref<1x800x32xf32, #tpu.memory_space<vmem>> -> memref<800x32xf32, #tpu.memory_space<vmem>>
      %dma_wait3A_976 = arith.constant 400 : i32
      %dma_wait3A_977 = arith.constant 0 : i32
      %dma_wait3A_978 = tpu.memref_slice %dma_wait3A_975[%dma_wait3A_976, %dma_wait3A_977] : memref<800x32xf32, #tpu.memory_space<vmem>> -> memref<50x32xf32, #tpu.memory_space<vmem>>
      %dma_wait3A_979 = arith.constant 0 : i32
      %dma_wait3A_980 = tpu.memref_slice %arg5[%add3A_823, %dma_wait3A_979] : memref<512x50xi32, #tpu.memory_space<vmem>> -> memref<1x50xi32, #tpu.memory_space<vmem>>
      %dma_wait3A_981 = tpu.memref_squeeze %dma_wait3A_980 : memref<1x50xi32, #tpu.memory_space<vmem>> -> memref<50xi32, #tpu.memory_space<vmem>>
      %dma_wait3A_982 = arith.constant 0 : i32
      %dma_wait3A_983 = arith.constant 0 : i32
      %dma_wait3A_984 = tpu.memref_slice %arg3[%dma_wait3A_982, %dma_wait3A_983] : memref<1000000x32xf32, #tpu.memory_space<hbm>> -> memref<1000000x32xf32, #tpu.memory_space<hbm>>
      %dma_wait3A_985 = tpu.memref_slice %arg7[%rem3A_775] : memref<2x!tpu.dma_semaphore, #tpu.memory_space<semaphore_mem>> -> memref<1x!tpu.dma_semaphore, #tpu.memory_space<semaphore_mem>>
      %dma_wait3A_986 = tpu.memref_squeeze %dma_wait3A_985 : memref<1x!tpu.dma_semaphore, #tpu.memory_space<semaphore_mem>> -> memref<!tpu.dma_semaphore, #tpu.memory_space<semaphore_mem>>
      tpu.wait_indirect_dma semaphore(%dma_wait3A_986 : memref<!tpu.dma_semaphore, #tpu.memory_space<semaphore_mem>>) src(%dma_wait3A_984 : memref<1000000x32xf32, #tpu.memory_space<hbm>>) dst(%dma_wait3A_978 : memref<50x32xf32, #tpu.memory_space<vmem>>)
      %dma_wait3A_987 = arith.constant 0 : i32
      %dma_wait3A_988 = arith.constant 0 : i32
      %dma_wait3A_989 = tpu.memref_slice %arg6[%rem3A_775, %dma_wait3A_987, %dma_wait3A_988] : memref<2x800x32xf32, #tpu.memory_space<vmem>> -> memref<1x800x32xf32, #tpu.memory_space<vmem>>
      %dma_wait3A_990 = tpu.memref_squeeze %dma_wait3A_989 : memref<1x800x32xf32, #tpu.memory_space<vmem>> -> memref<800x32xf32, #tpu.memory_space<vmem>>
      %dma_wait3A_991 = arith.constant 450 : i32
      %dma_wait3A_992 = arith.constant 0 : i32
      %dma_wait3A_993 = tpu.memref_slice %dma_wait3A_990[%dma_wait3A_991, %dma_wait3A_992] : memref<800x32xf32, #tpu.memory_space<vmem>> -> memref<50x32xf32, #tpu.memory_space<vmem>>
      %dma_wait3A_994 = arith.constant 0 : i32
      %dma_wait3A_995 = tpu.memref_slice %arg5[%add3A_827, %dma_wait3A_994] : memref<512x50xi32, #tpu.memory_space<vmem>> -> memref<1x50xi32, #tpu.memory_space<vmem>>
      %dma_wait3A_996 = tpu.memref_squeeze %dma_wait3A_995 : memref<1x50xi32, #tpu.memory_space<vmem>> -> memref<50xi32, #tpu.memory_space<vmem>>
      %dma_wait3A_997 = arith.constant 0 : i32
      %dma_wait3A_998 = arith.constant 0 : i32
      %dma_wait3A_999 = tpu.memref_slice %arg3[%dma_wait3A_997, %dma_wait3A_998] : memref<1000000x32xf32, #tpu.memory_space<hbm>> -> memref<1000000x32xf32, #tpu.memory_space<hbm>>
      %dma_wait3A_1000 = tpu.memref_slice %arg7[%rem3A_775] : memref<2x!tpu.dma_semaphore, #tpu.memory_space<semaphore_mem>> -> memref<1x!tpu.dma_semaphore, #tpu.memory_space<semaphore_mem>>
      %dma_wait3A_1001 = tpu.memref_squeeze %dma_wait3A_1000 : memref<1x!tpu.dma_semaphore, #tpu.memory_space<semaphore_mem>> -> memref<!tpu.dma_semaphore, #tpu.memory_space<semaphore_mem>>
      tpu.wait_indirect_dma semaphore(%dma_wait3A_1001 : memref<!tpu.dma_semaphore, #tpu.memory_space<semaphore_mem>>) src(%dma_wait3A_999 : memref<1000000x32xf32, #tpu.memory_space<hbm>>) dst(%dma_wait3A_993 : memref<50x32xf32, #tpu.memory_space<vmem>>)
      %dma_wait3A_1002 = arith.constant 0 : i32
      %dma_wait3A_1003 = arith.constant 0 : i32
      %dma_wait3A_1004 = tpu.memref_slice %arg6[%rem3A_775, %dma_wait3A_1002, %dma_wait3A_1003] : memref<2x800x32xf32, #tpu.memory_space<vmem>> -> memref<1x800x32xf32, #tpu.memory_space<vmem>>
      %dma_wait3A_1005 = tpu.memref_squeeze %dma_wait3A_1004 : memref<1x800x32xf32, #tpu.memory_space<vmem>> -> memref<800x32xf32, #tpu.memory_space<vmem>>
      %dma_wait3A_1006 = arith.constant 500 : i32
      %dma_wait3A_1007 = arith.constant 0 : i32
      %dma_wait3A_1008 = tpu.memref_slice %dma_wait3A_1005[%dma_wait3A_1006, %dma_wait3A_1007] : memref<800x32xf32, #tpu.memory_space<vmem>> -> memref<50x32xf32, #tpu.memory_space<vmem>>
      %dma_wait3A_1009 = arith.constant 0 : i32
      %dma_wait3A_1010 = tpu.memref_slice %arg5[%add3A_831, %dma_wait3A_1009] : memref<512x50xi32, #tpu.memory_space<vmem>> -> memref<1x50xi32, #tpu.memory_space<vmem>>
      %dma_wait3A_1011 = tpu.memref_squeeze %dma_wait3A_1010 : memref<1x50xi32, #tpu.memory_space<vmem>> -> memref<50xi32, #tpu.memory_space<vmem>>
      %dma_wait3A_1012 = arith.constant 0 : i32
      %dma_wait3A_1013 = arith.constant 0 : i32
      %dma_wait3A_1014 = tpu.memref_slice %arg3[%dma_wait3A_1012, %dma_wait3A_1013] : memref<1000000x32xf32, #tpu.memory_space<hbm>> -> memref<1000000x32xf32, #tpu.memory_space<hbm>>
      %dma_wait3A_1015 = tpu.memref_slice %arg7[%rem3A_775] : memref<2x!tpu.dma_semaphore, #tpu.memory_space<semaphore_mem>> -> memref<1x!tpu.dma_semaphore, #tpu.memory_space<semaphore_mem>>
      %dma_wait3A_1016 = tpu.memref_squeeze %dma_wait3A_1015 : memref<1x!tpu.dma_semaphore, #tpu.memory_space<semaphore_mem>> -> memref<!tpu.dma_semaphore, #tpu.memory_space<semaphore_mem>>
      tpu.wait_indirect_dma semaphore(%dma_wait3A_1016 : memref<!tpu.dma_semaphore, #tpu.memory_space<semaphore_mem>>) src(%dma_wait3A_1014 : memref<1000000x32xf32, #tpu.memory_space<hbm>>) dst(%dma_wait3A_1008 : memref<50x32xf32, #tpu.memory_space<vmem>>)
      %dma_wait3A_1017 = arith.constant 0 : i32
      %dma_wait3A_1018 = arith.constant 0 : i32
      %dma_wait3A_1019 = tpu.memref_slice %arg6[%rem3A_775, %dma_wait3A_1017, %dma_wait3A_1018] : memref<2x800x32xf32, #tpu.memory_space<vmem>> -> memref<1x800x32xf32, #tpu.memory_space<vmem>>
      %dma_wait3A_1020 = tpu.memref_squeeze %dma_wait3A_1019 : memref<1x800x32xf32, #tpu.memory_space<vmem>> -> memref<800x32xf32, #tpu.memory_space<vmem>>
      %dma_wait3A_1021 = arith.constant 550 : i32
      %dma_wait3A_1022 = arith.constant 0 : i32
      %dma_wait3A_1023 = tpu.memref_slice %dma_wait3A_1020[%dma_wait3A_1021, %dma_wait3A_1022] : memref<800x32xf32, #tpu.memory_space<vmem>> -> memref<50x32xf32, #tpu.memory_space<vmem>>
      %dma_wait3A_1024 = arith.constant 0 : i32
      %dma_wait3A_1025 = tpu.memref_slice %arg5[%add3A_835, %dma_wait3A_1024] : memref<512x50xi32, #tpu.memory_space<vmem>> -> memref<1x50xi32, #tpu.memory_space<vmem>>
      %dma_wait3A_1026 = tpu.memref_squeeze %dma_wait3A_1025 : memref<1x50xi32, #tpu.memory_space<vmem>> -> memref<50xi32, #tpu.memory_space<vmem>>
      %dma_wait3A_1027 = arith.constant 0 : i32
      %dma_wait3A_1028 = arith.constant 0 : i32
      %dma_wait3A_1029 = tpu.memref_slice %arg3[%dma_wait3A_1027, %dma_wait3A_1028] : memref<1000000x32xf32, #tpu.memory_space<hbm>> -> memref<1000000x32xf32, #tpu.memory_space<hbm>>
      %dma_wait3A_1030 = tpu.memref_slice %arg7[%rem3A_775] : memref<2x!tpu.dma_semaphore, #tpu.memory_space<semaphore_mem>> -> memref<1x!tpu.dma_semaphore, #tpu.memory_space<semaphore_mem>>
      %dma_wait3A_1031 = tpu.memref_squeeze %dma_wait3A_1030 : memref<1x!tpu.dma_semaphore, #tpu.memory_space<semaphore_mem>> -> memref<!tpu.dma_semaphore, #tpu.memory_space<semaphore_mem>>
      tpu.wait_indirect_dma semaphore(%dma_wait3A_1031 : memref<!tpu.dma_semaphore, #tpu.memory_space<semaphore_mem>>) src(%dma_wait3A_1029 : memref<1000000x32xf32, #tpu.memory_space<hbm>>) dst(%dma_wait3A_1023 : memref<50x32xf32, #tpu.memory_space<vmem>>)
      %dma_wait3A_1032 = arith.constant 0 : i32
      %dma_wait3A_1033 = arith.constant 0 : i32
      %dma_wait3A_1034 = tpu.memref_slice %arg6[%rem3A_775, %dma_wait3A_1032, %dma_wait3A_1033] : memref<2x800x32xf32, #tpu.memory_space<vmem>> -> memref<1x800x32xf32, #tpu.memory_space<vmem>>
      %dma_wait3A_1035 = tpu.memref_squeeze %dma_wait3A_1034 : memref<1x800x32xf32, #tpu.memory_space<vmem>> -> memref<800x32xf32, #tpu.memory_space<vmem>>
      %dma_wait3A_1036 = arith.constant 600 : i32
      %dma_wait3A_1037 = arith.constant 0 : i32
      %dma_wait3A_1038 = tpu.memref_slice %dma_wait3A_1035[%dma_wait3A_1036, %dma_wait3A_1037] : memref<800x32xf32, #tpu.memory_space<vmem>> -> memref<50x32xf32, #tpu.memory_space<vmem>>
      %dma_wait3A_1039 = arith.constant 0 : i32
      %dma_wait3A_1040 = tpu.memref_slice %arg5[%add3A_839, %dma_wait3A_1039] : memref<512x50xi32, #tpu.memory_space<vmem>> -> memref<1x50xi32, #tpu.memory_space<vmem>>
      %dma_wait3A_1041 = tpu.memref_squeeze %dma_wait3A_1040 : memref<1x50xi32, #tpu.memory_space<vmem>> -> memref<50xi32, #tpu.memory_space<vmem>>
      %dma_wait3A_1042 = arith.constant 0 : i32
      %dma_wait3A_1043 = arith.constant 0 : i32
      %dma_wait3A_1044 = tpu.memref_slice %arg3[%dma_wait3A_1042, %dma_wait3A_1043] : memref<1000000x32xf32, #tpu.memory_space<hbm>> -> memref<1000000x32xf32, #tpu.memory_space<hbm>>
      %dma_wait3A_1045 = tpu.memref_slice %arg7[%rem3A_775] : memref<2x!tpu.dma_semaphore, #tpu.memory_space<semaphore_mem>> -> memref<1x!tpu.dma_semaphore, #tpu.memory_space<semaphore_mem>>
      %dma_wait3A_1046 = tpu.memref_squeeze %dma_wait3A_1045 : memref<1x!tpu.dma_semaphore, #tpu.memory_space<semaphore_mem>> -> memref<!tpu.dma_semaphore, #tpu.memory_space<semaphore_mem>>
      tpu.wait_indirect_dma semaphore(%dma_wait3A_1046 : memref<!tpu.dma_semaphore, #tpu.memory_space<semaphore_mem>>) src(%dma_wait3A_1044 : memref<1000000x32xf32, #tpu.memory_space<hbm>>) dst(%dma_wait3A_1038 : memref<50x32xf32, #tpu.memory_space<vmem>>)
      %dma_wait3A_1047 = arith.constant 0 : i32
      %dma_wait3A_1048 = arith.constant 0 : i32
      %dma_wait3A_1049 = tpu.memref_slice %arg6[%rem3A_775, %dma_wait3A_1047, %dma_wait3A_1048] : memref<2x800x32xf32, #tpu.memory_space<vmem>> -> memref<1x800x32xf32, #tpu.memory_space<vmem>>
      %dma_wait3A_1050 = tpu.memref_squeeze %dma_wait3A_1049 : memref<1x800x32xf32, #tpu.memory_space<vmem>> -> memref<800x32xf32, #tpu.memory_space<vmem>>
      %dma_wait3A_1051 = arith.constant 650 : i32
      %dma_wait3A_1052 = arith.constant 0 : i32
      %dma_wait3A_1053 = tpu.memref_slice %dma_wait3A_1050[%dma_wait3A_1051, %dma_wait3A_1052] : memref<800x32xf32, #tpu.memory_space<vmem>> -> memref<50x32xf32, #tpu.memory_space<vmem>>
      %dma_wait3A_1054 = arith.constant 0 : i32
      %dma_wait3A_1055 = tpu.memref_slice %arg5[%add3A_843, %dma_wait3A_1054] : memref<512x50xi32, #tpu.memory_space<vmem>> -> memref<1x50xi32, #tpu.memory_space<vmem>>
      %dma_wait3A_1056 = tpu.memref_squeeze %dma_wait3A_1055 : memref<1x50xi32, #tpu.memory_space<vmem>> -> memref<50xi32, #tpu.memory_space<vmem>>
      %dma_wait3A_1057 = arith.constant 0 : i32
      %dma_wait3A_1058 = arith.constant 0 : i32
      %dma_wait3A_1059 = tpu.memref_slice %arg3[%dma_wait3A_1057, %dma_wait3A_1058] : memref<1000000x32xf32, #tpu.memory_space<hbm>> -> memref<1000000x32xf32, #tpu.memory_space<hbm>>
      %dma_wait3A_1060 = tpu.memref_slice %arg7[%rem3A_775] : memref<2x!tpu.dma_semaphore, #tpu.memory_space<semaphore_mem>> -> memref<1x!tpu.dma_semaphore, #tpu.memory_space<semaphore_mem>>
      %dma_wait3A_1061 = tpu.memref_squeeze %dma_wait3A_1060 : memref<1x!tpu.dma_semaphore, #tpu.memory_space<semaphore_mem>> -> memref<!tpu.dma_semaphore, #tpu.memory_space<semaphore_mem>>
      tpu.wait_indirect_dma semaphore(%dma_wait3A_1061 : memref<!tpu.dma_semaphore, #tpu.memory_space<semaphore_mem>>) src(%dma_wait3A_1059 : memref<1000000x32xf32, #tpu.memory_space<hbm>>) dst(%dma_wait3A_1053 : memref<50x32xf32, #tpu.memory_space<vmem>>)
      %dma_wait3A_1062 = arith.constant 0 : i32
      %dma_wait3A_1063 = arith.constant 0 : i32
      %dma_wait3A_1064 = tpu.memref_slice %arg6[%rem3A_775, %dma_wait3A_1062, %dma_wait3A_1063] : memref<2x800x32xf32, #tpu.memory_space<vmem>> -> memref<1x800x32xf32, #tpu.memory_space<vmem>>
      %dma_wait3A_1065 = tpu.memref_squeeze %dma_wait3A_1064 : memref<1x800x32xf32, #tpu.memory_space<vmem>> -> memref<800x32xf32, #tpu.memory_space<vmem>>
      %dma_wait3A_1066 = arith.constant 700 : i32
      %dma_wait3A_1067 = arith.constant 0 : i32
      %dma_wait3A_1068 = tpu.memref_slice %dma_wait3A_1065[%dma_wait3A_1066, %dma_wait3A_1067] : memref<800x32xf32, #tpu.memory_space<vmem>> -> memref<50x32xf32, #tpu.memory_space<vmem>>
      %dma_wait3A_1069 = arith.constant 0 : i32
      %dma_wait3A_1070 = tpu.memref_slice %arg5[%add3A_847, %dma_wait3A_1069] : memref<512x50xi32, #tpu.memory_space<vmem>> -> memref<1x50xi32, #tpu.memory_space<vmem>>
      %dma_wait3A_1071 = tpu.memref_squeeze %dma_wait3A_1070 : memref<1x50xi32, #tpu.memory_space<vmem>> -> memref<50xi32, #tpu.memory_space<vmem>>
      %dma_wait3A_1072 = arith.constant 0 : i32
      %dma_wait3A_1073 = arith.constant 0 : i32
      %dma_wait3A_1074 = tpu.memref_slice %arg3[%dma_wait3A_1072, %dma_wait3A_1073] : memref<1000000x32xf32, #tpu.memory_space<hbm>> -> memref<1000000x32xf32, #tpu.memory_space<hbm>>
      %dma_wait3A_1075 = tpu.memref_slice %arg7[%rem3A_775] : memref<2x!tpu.dma_semaphore, #tpu.memory_space<semaphore_mem>> -> memref<1x!tpu.dma_semaphore, #tpu.memory_space<semaphore_mem>>
      %dma_wait3A_1076 = tpu.memref_squeeze %dma_wait3A_1075 : memref<1x!tpu.dma_semaphore, #tpu.memory_space<semaphore_mem>> -> memref<!tpu.dma_semaphore, #tpu.memory_space<semaphore_mem>>
      tpu.wait_indirect_dma semaphore(%dma_wait3A_1076 : memref<!tpu.dma_semaphore, #tpu.memory_space<semaphore_mem>>) src(%dma_wait3A_1074 : memref<1000000x32xf32, #tpu.memory_space<hbm>>) dst(%dma_wait3A_1068 : memref<50x32xf32, #tpu.memory_space<vmem>>)
      %dma_wait3A_1077 = arith.constant 0 : i32
      %dma_wait3A_1078 = arith.constant 0 : i32
      %dma_wait3A_1079 = tpu.memref_slice %arg6[%rem3A_775, %dma_wait3A_1077, %dma_wait3A_1078] : memref<2x800x32xf32, #tpu.memory_space<vmem>> -> memref<1x800x32xf32, #tpu.memory_space<vmem>>
      %dma_wait3A_1080 = tpu.memref_squeeze %dma_wait3A_1079 : memref<1x800x32xf32, #tpu.memory_space<vmem>> -> memref<800x32xf32, #tpu.memory_space<vmem>>
      %dma_wait3A_1081 = arith.constant 750 : i32
      %dma_wait3A_1082 = arith.constant 0 : i32
      %dma_wait3A_1083 = tpu.memref_slice %dma_wait3A_1080[%dma_wait3A_1081, %dma_wait3A_1082] : memref<800x32xf32, #tpu.memory_space<vmem>> -> memref<50x32xf32, #tpu.memory_space<vmem>>
      %dma_wait3A_1084 = arith.constant 0 : i32
      %dma_wait3A_1085 = tpu.memref_slice %arg5[%add3A_851, %dma_wait3A_1084] : memref<512x50xi32, #tpu.memory_space<vmem>> -> memref<1x50xi32, #tpu.memory_space<vmem>>
      %dma_wait3A_1086 = tpu.memref_squeeze %dma_wait3A_1085 : memref<1x50xi32, #tpu.memory_space<vmem>> -> memref<50xi32, #tpu.memory_space<vmem>>
      %dma_wait3A_1087 = arith.constant 0 : i32
      %dma_wait3A_1088 = arith.constant 0 : i32
      %dma_wait3A_1089 = tpu.memref_slice %arg3[%dma_wait3A_1087, %dma_wait3A_1088] : memref<1000000x32xf32, #tpu.memory_space<hbm>> -> memref<1000000x32xf32, #tpu.memory_space<hbm>>
      %dma_wait3A_1090 = tpu.memref_slice %arg7[%rem3A_775] : memref<2x!tpu.dma_semaphore, #tpu.memory_space<semaphore_mem>> -> memref<1x!tpu.dma_semaphore, #tpu.memory_space<semaphore_mem>>
      %dma_wait3A_1091 = tpu.memref_squeeze %dma_wait3A_1090 : memref<1x!tpu.dma_semaphore, #tpu.memory_space<semaphore_mem>> -> memref<!tpu.dma_semaphore, #tpu.memory_space<semaphore_mem>>
      tpu.wait_indirect_dma semaphore(%dma_wait3A_1091 : memref<!tpu.dma_semaphore, #tpu.memory_space<semaphore_mem>>) src(%dma_wait3A_1089 : memref<1000000x32xf32, #tpu.memory_space<hbm>>) dst(%dma_wait3A_1083 : memref<50x32xf32, #tpu.memory_space<vmem>>)
      %parallel_loop3A = arith.constant 0 : i32
      %parallel_loop3A_1092 = arith.constant 800 : i32
      %parallel_loop3A_1093 = arith.constant 1 : i32
      scf.for %parallel_loop3A_1558 = %parallel_loop3A to %parallel_loop3A_1092 step %parallel_loop3A_1093  : i32 {
        %parallel_loop3A_1559 = arith.index_cast %rem3A_775 : i32 to index
        %parallel_loop3A_1560 = arith.index_cast %parallel_loop3A_1558 : i32 to index
        %parallel_loop3A_1561 = arith.constant 0 : index
        %parallel_loop3A_1562 = tpu.vector_load %arg6[%parallel_loop3A_1559, %parallel_loop3A_1560, %parallel_loop3A_1561] {strides = array<i32>} : memref<2x800x32xf32, #tpu.memory_space<vmem>>, vector<1x1x16xf32>,
        %parallel_loop3A_1563 = vector.shape_cast %parallel_loop3A_1562 : vector<1x1x16xf32> to vector<16xf32>
        %parallel_loop3A_1564 = arith.constant 5.65685415 : f32
        %parallel_loop3A_1565 = vector.broadcast %parallel_loop3A_1564 : f32 to vector<16xf32>
        %parallel_loop3A_1566 = arith.mulf %parallel_loop3A_1563, %parallel_loop3A_1565 : vector<16xf32>
        %parallel_loop3A_1567 = arith.index_cast %rem3A_775 : i32 to index
        %parallel_loop3A_1568 = arith.index_cast %parallel_loop3A_1558 : i32 to index
        %parallel_loop3A_1569 = arith.constant 0 : index
        %parallel_loop3A_1570 = tpu.vector_load %arg6[%parallel_loop3A_1567, %parallel_loop3A_1568, %parallel_loop3A_1569] {strides = array<i32>} : memref<2x800x32xf32, #tpu.memory_space<vmem>>, vector<1x1x16xf32>,
        %parallel_loop3A_1571 = vector.shape_cast %parallel_loop3A_1570 : vector<1x1x16xf32> to vector<16xf32>
        %parallel_loop3A_1572 = vector.shape_cast %parallel_loop3A_1566 : vector<16xf32> to vector<1x1x16xf32>
        tpu.vector_store %arg6[%parallel_loop3A_1567, %parallel_loop3A_1568, %parallel_loop3A_1569], %parallel_loop3A_1572 {strides = array<i32>} : memref<2x800x32xf32, #tpu.memory_space<vmem>>, vector<1x1x16xf32>,
        %parallel_loop3A_1573 = arith.index_cast %rem3A_775 : i32 to index
        %parallel_loop3A_1574 = arith.index_cast %parallel_loop3A_1558 : i32 to index
        %parallel_loop3A_1575 = arith.constant 16 : index
        %parallel_loop3A_1576 = tpu.vector_load %arg6[%parallel_loop3A_1573, %parallel_loop3A_1574, %parallel_loop3A_1575] {strides = array<i32>} : memref<2x800x32xf32, #tpu.memory_space<vmem>>, vector<1x1x16xf32>,
        %parallel_loop3A_1577 = vector.shape_cast %parallel_loop3A_1576 : vector<1x1x16xf32> to vector<16xf32>
        %parallel_loop3A_1578 = arith.constant 5.65685415 : f32
        %parallel_loop3A_1579 = vector.broadcast %parallel_loop3A_1578 : f32 to vector<16xf32>
        %parallel_loop3A_1580 = arith.mulf %parallel_loop3A_1577, %parallel_loop3A_1579 : vector<16xf32>
        %parallel_loop3A_1581 = arith.index_cast %rem3A_775 : i32 to index
        %parallel_loop3A_1582 = arith.index_cast %parallel_loop3A_1558 : i32 to index
        %parallel_loop3A_1583 = arith.constant 16 : index
        %parallel_loop3A_1584 = tpu.vector_load %arg6[%parallel_loop3A_1581, %parallel_loop3A_1582, %parallel_loop3A_1583] {strides = array<i32>} : memref<2x800x32xf32, #tpu.memory_space<vmem>>, vector<1x1x16xf32>,
        %parallel_loop3A_1585 = vector.shape_cast %parallel_loop3A_1584 : vector<1x1x16xf32> to vector<16xf32>
        %parallel_loop3A_1586 = vector.shape_cast %parallel_loop3A_1580 : vector<16xf32> to vector<1x1x16xf32>
        tpu.vector_store %arg6[%parallel_loop3A_1581, %parallel_loop3A_1582, %parallel_loop3A_1583], %parallel_loop3A_1586 {strides = array<i32>} : memref<2x800x32xf32, #tpu.memory_space<vmem>>, vector<1x1x16xf32>,
      } {sc.loop_unroll_factor = 8 : i64, sc.parallel_access}
      %mul3A_1094 = arith.constant 16 : i32
      %mul3A_1095 = arith.muli %scan3A_774, %mul3A_1094 : i32
      %add3A_1096 = arith.addi %mul3A_2, %mul3A_1095 : i32
      %add3A_1097 = arith.constant 0 : i32
      %add3A_1098 = arith.addi %add3A_1096, %add3A_1097 : i32
      %mul3A_1099 = arith.constant 16 : i32
      %mul3A_1100 = arith.muli %scan3A_774, %mul3A_1099 : i32
      %add3A_1101 = arith.addi %mul3A_2, %mul3A_1100 : i32
      %add3A_1102 = arith.constant 1 : i32
      %add3A_1103 = arith.addi %add3A_1101, %add3A_1102 : i32
      %mul3A_1104 = arith.constant 16 : i32
      %mul3A_1105 = arith.muli %scan3A_774, %mul3A_1104 : i32
      %add3A_1106 = arith.addi %mul3A_2, %mul3A_1105 : i32
      %add3A_1107 = arith.constant 2 : i32
      %add3A_1108 = arith.addi %add3A_1106, %add3A_1107 : i32
      %mul3A_1109 = arith.constant 16 : i32
      %mul3A_1110 = arith.muli %scan3A_774, %mul3A_1109 : i32
      %add3A_1111 = arith.addi %mul3A_2, %mul3A_1110 : i32
      %add3A_1112 = arith.constant 3 : i32
      %add3A_1113 = arith.addi %add3A_1111, %add3A_1112 : i32
      %mul3A_1114 = arith.constant 16 : i32
      %mul3A_1115 = arith.muli %scan3A_774, %mul3A_1114 : i32
      %add3A_1116 = arith.addi %mul3A_2, %mul3A_1115 : i32
      %add3A_1117 = arith.constant 4 : i32
      %add3A_1118 = arith.addi %add3A_1116, %add3A_1117 : i32
      %mul3A_1119 = arith.constant 16 : i32
      %mul3A_1120 = arith.muli %scan3A_774, %mul3A_1119 : i32
      %add3A_1121 = arith.addi %mul3A_2, %mul3A_1120 : i32
      %add3A_1122 = arith.constant 5 : i32
      %add3A_1123 = arith.addi %add3A_1121, %add3A_1122 : i32
      %mul3A_1124 = arith.constant 16 : i32
      %mul3A_1125 = arith.muli %scan3A_774, %mul3A_1124 : i32
      %add3A_1126 = arith.addi %mul3A_2, %mul3A_1125 : i32
      %add3A_1127 = arith.constant 6 : i32
      %add3A_1128 = arith.addi %add3A_1126, %add3A_1127 : i32
      %mul3A_1129 = arith.constant 16 : i32
      %mul3A_1130 = arith.muli %scan3A_774, %mul3A_1129 : i32
      %add3A_1131 = arith.addi %mul3A_2, %mul3A_1130 : i32
      %add3A_1132 = arith.constant 7 : i32
      %add3A_1133 = arith.addi %add3A_1131, %add3A_1132 : i32
      %mul3A_1134 = arith.constant 16 : i32
      %mul3A_1135 = arith.muli %scan3A_774, %mul3A_1134 : i32
      %add3A_1136 = arith.addi %mul3A_2, %mul3A_1135 : i32
      %add3A_1137 = arith.constant 8 : i32
      %add3A_1138 = arith.addi %add3A_1136, %add3A_1137 : i32
      %mul3A_1139 = arith.constant 16 : i32
      %mul3A_1140 = arith.muli %scan3A_774, %mul3A_1139 : i32
      %add3A_1141 = arith.addi %mul3A_2, %mul3A_1140 : i32
      %add3A_1142 = arith.constant 9 : i32
      %add3A_1143 = arith.addi %add3A_1141, %add3A_1142 : i32
      %mul3A_1144 = arith.constant 16 : i32
      %mul3A_1145 = arith.muli %scan3A_774, %mul3A_1144 : i32
      %add3A_1146 = arith.addi %mul3A_2, %mul3A_1145 : i32
      %add3A_1147 = arith.constant 10 : i32
      %add3A_1148 = arith.addi %add3A_1146, %add3A_1147 : i32
      %mul3A_1149 = arith.constant 16 : i32
      %mul3A_1150 = arith.muli %scan3A_774, %mul3A_1149 : i32
      %add3A_1151 = arith.addi %mul3A_2, %mul3A_1150 : i32
      %add3A_1152 = arith.constant 11 : i32
      %add3A_1153 = arith.addi %add3A_1151, %add3A_1152 : i32
      %mul3A_1154 = arith.constant 16 : i32
      %mul3A_1155 = arith.muli %scan3A_774, %mul3A_1154 : i32
      %add3A_1156 = arith.addi %mul3A_2, %mul3A_1155 : i32
      %add3A_1157 = arith.constant 12 : i32
      %add3A_1158 = arith.addi %add3A_1156, %add3A_1157 : i32
      %mul3A_1159 = arith.constant 16 : i32
      %mul3A_1160 = arith.muli %scan3A_774, %mul3A_1159 : i32
      %add3A_1161 = arith.addi %mul3A_2, %mul3A_1160 : i32
      %add3A_1162 = arith.constant 13 : i32
      %add3A_1163 = arith.addi %add3A_1161, %add3A_1162 : i32
      %mul3A_1164 = arith.constant 16 : i32
      %mul3A_1165 = arith.muli %scan3A_774, %mul3A_1164 : i32
      %add3A_1166 = arith.addi %mul3A_2, %mul3A_1165 : i32
      %add3A_1167 = arith.constant 14 : i32
      %add3A_1168 = arith.addi %add3A_1166, %add3A_1167 : i32
      %mul3A_1169 = arith.constant 16 : i32
      %mul3A_1170 = arith.muli %scan3A_774, %mul3A_1169 : i32
      %add3A_1171 = arith.addi %mul3A_2, %mul3A_1170 : i32
      %add3A_1172 = arith.constant 15 : i32
      %add3A_1173 = arith.addi %add3A_1171, %add3A_1172 : i32
      %dma_start3A_1174 = arith.constant 0 : i32
      %dma_start3A_1175 = arith.constant 0 : i32
      %dma_start3A_1176 = tpu.memref_slice %arg6[%rem3A_775, %dma_start3A_1174, %dma_start3A_1175] : memref<2x800x32xf32, #tpu.memory_space<vmem>> -> memref<1x800x32xf32, #tpu.memory_space<vmem>>
      %dma_start3A_1177 = tpu.memref_squeeze %dma_start3A_1176 : memref<1x800x32xf32, #tpu.memory_space<vmem>> -> memref<800x32xf32, #tpu.memory_space<vmem>>
      %dma_start3A_1178 = arith.constant 0 : i32
      %dma_start3A_1179 = arith.constant 0 : i32
      %dma_start3A_1180 = tpu.memref_slice %dma_start3A_1177[%dma_start3A_1178, %dma_start3A_1179] : memref<800x32xf32, #tpu.memory_space<vmem>> -> memref<50x32xf32, #tpu.memory_space<vmem>>
      %dma_start3A_1181 = arith.constant 0 : i32
      %dma_start3A_1182 = arith.constant 0 : i32
      %dma_start3A_1183 = tpu.memref_slice %arg4[%add3A_1098, %dma_start3A_1181, %dma_start3A_1182] : memref<16384x50x32xf32, #tpu.memory_space<hbm>> -> memref<1x50x32xf32, #tpu.memory_space<hbm>>
      %dma_start3A_1184 = tpu.memref_squeeze %dma_start3A_1183 : memref<1x50x32xf32, #tpu.memory_space<hbm>> -> memref<50x32xf32, #tpu.memory_space<hbm>>
      %dma_start3A_1185 = tpu.memref_slice %arg8[%rem3A_775] : memref<2x!tpu.dma_semaphore, #tpu.memory_space<semaphore_mem>> -> memref<1x!tpu.dma_semaphore, #tpu.memory_space<semaphore_mem>>
      %dma_start3A_1186 = tpu.memref_squeeze %dma_start3A_1185 : memref<1x!tpu.dma_semaphore, #tpu.memory_space<semaphore_mem>> -> memref<!tpu.dma_semaphore, #tpu.memory_space<semaphore_mem>>
      %dma_start3A_1187 = arith.constant 0 : i32
      %dma_start3A_1188 = arith.constant 0 : i32
      %dma_start3A_1189 = tpu.memref_slice %arg4[%add3A_1098, %dma_start3A_1187, %dma_start3A_1188] : memref<16384x50x32xf32, #tpu.memory_space<hbm>> -> memref<1x50x32xf32, #tpu.memory_space<hbm>>
      %dma_start3A_1190 = tpu.memref_squeeze %dma_start3A_1189 : memref<1x50x32xf32, #tpu.memory_space<hbm>> -> memref<50x32xf32, #tpu.memory_space<hbm>>
      %dma_start3A_1191 = arith.constant 0 : i32
      %dma_start3A_1192 = arith.constant 0 : i32
      %dma_start3A_1193 = tpu.memref_slice %arg6[%rem3A_775, %dma_start3A_1191, %dma_start3A_1192] : memref<2x800x32xf32, #tpu.memory_space<vmem>> -> memref<1x800x32xf32, #tpu.memory_space<vmem>>
      %dma_start3A_1194 = tpu.memref_squeeze %dma_start3A_1193 : memref<1x800x32xf32, #tpu.memory_space<vmem>> -> memref<800x32xf32, #tpu.memory_space<vmem>>
      %dma_start3A_1195 = arith.constant 0 : i32
      %dma_start3A_1196 = arith.constant 0 : i32
      %dma_start3A_1197 = tpu.memref_slice %dma_start3A_1194[%dma_start3A_1195, %dma_start3A_1196] : memref<800x32xf32, #tpu.memory_space<vmem>> -> memref<50x32xf32, #tpu.memory_space<vmem>>
      tpu.enqueue_dma source(%dma_start3A_1197 : memref<50x32xf32, #tpu.memory_space<vmem>>) target(%dma_start3A_1190 : memref<50x32xf32, #tpu.memory_space<hbm>>) target_semaphore(%dma_start3A_1186 : memref<!tpu.dma_semaphore, #tpu.memory_space<semaphore_mem>>)
      %dma_start3A_1198 = arith.constant 0 : i32
      %dma_start3A_1199 = arith.constant 0 : i32
      %dma_start3A_1200 = tpu.memref_slice %arg6[%rem3A_775, %dma_start3A_1198, %dma_start3A_1199] : memref<2x800x32xf32, #tpu.memory_space<vmem>> -> memref<1x800x32xf32, #tpu.memory_space<vmem>>
      %dma_start3A_1201 = tpu.memref_squeeze %dma_start3A_1200 : memref<1x800x32xf32, #tpu.memory_space<vmem>> -> memref<800x32xf32, #tpu.memory_space<vmem>>
      %dma_start3A_1202 = arith.constant 50 : i32
      %dma_start3A_1203 = arith.constant 0 : i32
      %dma_start3A_1204 = tpu.memref_slice %dma_start3A_1201[%dma_start3A_1202, %dma_start3A_1203] : memref<800x32xf32, #tpu.memory_space<vmem>> -> memref<50x32xf32, #tpu.memory_space<vmem>>
      %dma_start3A_1205 = arith.constant 0 : i32
      %dma_start3A_1206 = arith.constant 0 : i32
      %dma_start3A_1207 = tpu.memref_slice %arg4[%add3A_1103, %dma_start3A_1205, %dma_start3A_1206] : memref<16384x50x32xf32, #tpu.memory_space<hbm>> -> memref<1x50x32xf32, #tpu.memory_space<hbm>>
      %dma_start3A_1208 = tpu.memref_squeeze %dma_start3A_1207 : memref<1x50x32xf32, #tpu.memory_space<hbm>> -> memref<50x32xf32, #tpu.memory_space<hbm>>
      %dma_start3A_1209 = tpu.memref_slice %arg8[%rem3A_775] : memref<2x!tpu.dma_semaphore, #tpu.memory_space<semaphore_mem>> -> memref<1x!tpu.dma_semaphore, #tpu.memory_space<semaphore_mem>>
      %dma_start3A_1210 = tpu.memref_squeeze %dma_start3A_1209 : memref<1x!tpu.dma_semaphore, #tpu.memory_space<semaphore_mem>> -> memref<!tpu.dma_semaphore, #tpu.memory_space<semaphore_mem>>
      %dma_start3A_1211 = arith.constant 0 : i32
      %dma_start3A_1212 = arith.constant 0 : i32
      %dma_start3A_1213 = tpu.memref_slice %arg4[%add3A_1103, %dma_start3A_1211, %dma_start3A_1212] : memref<16384x50x32xf32, #tpu.memory_space<hbm>> -> memref<1x50x32xf32, #tpu.memory_space<hbm>>
      %dma_start3A_1214 = tpu.memref_squeeze %dma_start3A_1213 : memref<1x50x32xf32, #tpu.memory_space<hbm>> -> memref<50x32xf32, #tpu.memory_space<hbm>>
      %dma_start3A_1215 = arith.constant 0 : i32
      %dma_start3A_1216 = arith.constant 0 : i32
      %dma_start3A_1217 = tpu.memref_slice %arg6[%rem3A_775, %dma_start3A_1215, %dma_start3A_1216] : memref<2x800x32xf32, #tpu.memory_space<vmem>> -> memref<1x800x32xf32, #tpu.memory_space<vmem>>
      %dma_start3A_1218 = tpu.memref_squeeze %dma_start3A_1217 : memref<1x800x32xf32, #tpu.memory_space<vmem>> -> memref<800x32xf32, #tpu.memory_space<vmem>>
      %dma_start3A_1219 = arith.constant 50 : i32
      %dma_start3A_1220 = arith.constant 0 : i32
      %dma_start3A_1221 = tpu.memref_slice %dma_start3A_1218[%dma_start3A_1219, %dma_start3A_1220] : memref<800x32xf32, #tpu.memory_space<vmem>> -> memref<50x32xf32, #tpu.memory_space<vmem>>
      tpu.enqueue_dma source(%dma_start3A_1221 : memref<50x32xf32, #tpu.memory_space<vmem>>) target(%dma_start3A_1214 : memref<50x32xf32, #tpu.memory_space<hbm>>) target_semaphore(%dma_start3A_1210 : memref<!tpu.dma_semaphore, #tpu.memory_space<semaphore_mem>>)
      %dma_start3A_1222 = arith.constant 0 : i32
      %dma_start3A_1223 = arith.constant 0 : i32
      %dma_start3A_1224 = tpu.memref_slice %arg6[%rem3A_775, %dma_start3A_1222, %dma_start3A_1223] : memref<2x800x32xf32, #tpu.memory_space<vmem>> -> memref<1x800x32xf32, #tpu.memory_space<vmem>>
      %dma_start3A_1225 = tpu.memref_squeeze %dma_start3A_1224 : memref<1x800x32xf32, #tpu.memory_space<vmem>> -> memref<800x32xf32, #tpu.memory_space<vmem>>
      %dma_start3A_1226 = arith.constant 100 : i32
      %dma_start3A_1227 = arith.constant 0 : i32
      %dma_start3A_1228 = tpu.memref_slice %dma_start3A_1225[%dma_start3A_1226, %dma_start3A_1227] : memref<800x32xf32, #tpu.memory_space<vmem>> -> memref<50x32xf32, #tpu.memory_space<vmem>>
      %dma_start3A_1229 = arith.constant 0 : i32
      %dma_start3A_1230 = arith.constant 0 : i32
      %dma_start3A_1231 = tpu.memref_slice %arg4[%add3A_1108, %dma_start3A_1229, %dma_start3A_1230] : memref<16384x50x32xf32, #tpu.memory_space<hbm>> -> memref<1x50x32xf32, #tpu.memory_space<hbm>>
      %dma_start3A_1232 = tpu.memref_squeeze %dma_start3A_1231 : memref<1x50x32xf32, #tpu.memory_space<hbm>> -> memref<50x32xf32, #tpu.memory_space<hbm>>
      %dma_start3A_1233 = tpu.memref_slice %arg8[%rem3A_775] : memref<2x!tpu.dma_semaphore, #tpu.memory_space<semaphore_mem>> -> memref<1x!tpu.dma_semaphore, #tpu.memory_space<semaphore_mem>>
      %dma_start3A_1234 = tpu.memref_squeeze %dma_start3A_1233 : memref<1x!tpu.dma_semaphore, #tpu.memory_space<semaphore_mem>> -> memref<!tpu.dma_semaphore, #tpu.memory_space<semaphore_mem>>
      %dma_start3A_1235 = arith.constant 0 : i32
      %dma_start3A_1236 = arith.constant 0 : i32
      %dma_start3A_1237 = tpu.memref_slice %arg4[%add3A_1108, %dma_start3A_1235, %dma_start3A_1236] : memref<16384x50x32xf32, #tpu.memory_space<hbm>> -> memref<1x50x32xf32, #tpu.memory_space<hbm>>
      %dma_start3A_1238 = tpu.memref_squeeze %dma_start3A_1237 : memref<1x50x32xf32, #tpu.memory_space<hbm>> -> memref<50x32xf32, #tpu.memory_space<hbm>>
      %dma_start3A_1239 = arith.constant 0 : i32
      %dma_start3A_1240 = arith.constant 0 : i32
      %dma_start3A_1241 = tpu.memref_slice %arg6[%rem3A_775, %dma_start3A_1239, %dma_start3A_1240] : memref<2x800x32xf32, #tpu.memory_space<vmem>> -> memref<1x800x32xf32, #tpu.memory_space<vmem>>
      %dma_start3A_1242 = tpu.memref_squeeze %dma_start3A_1241 : memref<1x800x32xf32, #tpu.memory_space<vmem>> -> memref<800x32xf32, #tpu.memory_space<vmem>>
      %dma_start3A_1243 = arith.constant 100 : i32
      %dma_start3A_1244 = arith.constant 0 : i32
      %dma_start3A_1245 = tpu.memref_slice %dma_start3A_1242[%dma_start3A_1243, %dma_start3A_1244] : memref<800x32xf32, #tpu.memory_space<vmem>> -> memref<50x32xf32, #tpu.memory_space<vmem>>
      tpu.enqueue_dma source(%dma_start3A_1245 : memref<50x32xf32, #tpu.memory_space<vmem>>) target(%dma_start3A_1238 : memref<50x32xf32, #tpu.memory_space<hbm>>) target_semaphore(%dma_start3A_1234 : memref<!tpu.dma_semaphore, #tpu.memory_space<semaphore_mem>>)
      %dma_start3A_1246 = arith.constant 0 : i32
      %dma_start3A_1247 = arith.constant 0 : i32
      %dma_start3A_1248 = tpu.memref_slice %arg6[%rem3A_775, %dma_start3A_1246, %dma_start3A_1247] : memref<2x800x32xf32, #tpu.memory_space<vmem>> -> memref<1x800x32xf32, #tpu.memory_space<vmem>>
      %dma_start3A_1249 = tpu.memref_squeeze %dma_start3A_1248 : memref<1x800x32xf32, #tpu.memory_space<vmem>> -> memref<800x32xf32, #tpu.memory_space<vmem>>
      %dma_start3A_1250 = arith.constant 150 : i32
      %dma_start3A_1251 = arith.constant 0 : i32
      %dma_start3A_1252 = tpu.memref_slice %dma_start3A_1249[%dma_start3A_1250, %dma_start3A_1251] : memref<800x32xf32, #tpu.memory_space<vmem>> -> memref<50x32xf32, #tpu.memory_space<vmem>>
      %dma_start3A_1253 = arith.constant 0 : i32
      %dma_start3A_1254 = arith.constant 0 : i32
      %dma_start3A_1255 = tpu.memref_slice %arg4[%add3A_1113, %dma_start3A_1253, %dma_start3A_1254] : memref<16384x50x32xf32, #tpu.memory_space<hbm>> -> memref<1x50x32xf32, #tpu.memory_space<hbm>>
      %dma_start3A_1256 = tpu.memref_squeeze %dma_start3A_1255 : memref<1x50x32xf32, #tpu.memory_space<hbm>> -> memref<50x32xf32, #tpu.memory_space<hbm>>
      %dma_start3A_1257 = tpu.memref_slice %arg8[%rem3A_775] : memref<2x!tpu.dma_semaphore, #tpu.memory_space<semaphore_mem>> -> memref<1x!tpu.dma_semaphore, #tpu.memory_space<semaphore_mem>>
      %dma_start3A_1258 = tpu.memref_squeeze %dma_start3A_1257 : memref<1x!tpu.dma_semaphore, #tpu.memory_space<semaphore_mem>> -> memref<!tpu.dma_semaphore, #tpu.memory_space<semaphore_mem>>
      %dma_start3A_1259 = arith.constant 0 : i32
      %dma_start3A_1260 = arith.constant 0 : i32
      %dma_start3A_1261 = tpu.memref_slice %arg4[%add3A_1113, %dma_start3A_1259, %dma_start3A_1260] : memref<16384x50x32xf32, #tpu.memory_space<hbm>> -> memref<1x50x32xf32, #tpu.memory_space<hbm>>
      %dma_start3A_1262 = tpu.memref_squeeze %dma_start3A_1261 : memref<1x50x32xf32, #tpu.memory_space<hbm>> -> memref<50x32xf32, #tpu.memory_space<hbm>>
      %dma_start3A_1263 = arith.constant 0 : i32
      %dma_start3A_1264 = arith.constant 0 : i32
      %dma_start3A_1265 = tpu.memref_slice %arg6[%rem3A_775, %dma_start3A_1263, %dma_start3A_1264] : memref<2x800x32xf32, #tpu.memory_space<vmem>> -> memref<1x800x32xf32, #tpu.memory_space<vmem>>
      %dma_start3A_1266 = tpu.memref_squeeze %dma_start3A_1265 : memref<1x800x32xf32, #tpu.memory_space<vmem>> -> memref<800x32xf32, #tpu.memory_space<vmem>>
      %dma_start3A_1267 = arith.constant 150 : i32
      %dma_start3A_1268 = arith.constant 0 : i32
      %dma_start3A_1269 = tpu.memref_slice %dma_start3A_1266[%dma_start3A_1267, %dma_start3A_1268] : memref<800x32xf32, #tpu.memory_space<vmem>> -> memref<50x32xf32, #tpu.memory_space<vmem>>
      tpu.enqueue_dma source(%dma_start3A_1269 : memref<50x32xf32, #tpu.memory_space<vmem>>) target(%dma_start3A_1262 : memref<50x32xf32, #tpu.memory_space<hbm>>) target_semaphore(%dma_start3A_1258 : memref<!tpu.dma_semaphore, #tpu.memory_space<semaphore_mem>>)
      %dma_start3A_1270 = arith.constant 0 : i32
      %dma_start3A_1271 = arith.constant 0 : i32
      %dma_start3A_1272 = tpu.memref_slice %arg6[%rem3A_775, %dma_start3A_1270, %dma_start3A_1271] : memref<2x800x32xf32, #tpu.memory_space<vmem>> -> memref<1x800x32xf32, #tpu.memory_space<vmem>>
      %dma_start3A_1273 = tpu.memref_squeeze %dma_start3A_1272 : memref<1x800x32xf32, #tpu.memory_space<vmem>> -> memref<800x32xf32, #tpu.memory_space<vmem>>
      %dma_start3A_1274 = arith.constant 200 : i32
      %dma_start3A_1275 = arith.constant 0 : i32
      %dma_start3A_1276 = tpu.memref_slice %dma_start3A_1273[%dma_start3A_1274, %dma_start3A_1275] : memref<800x32xf32, #tpu.memory_space<vmem>> -> memref<50x32xf32, #tpu.memory_space<vmem>>
      %dma_start3A_1277 = arith.constant 0 : i32
      %dma_start3A_1278 = arith.constant 0 : i32
      %dma_start3A_1279 = tpu.memref_slice %arg4[%add3A_1118, %dma_start3A_1277, %dma_start3A_1278] : memref<16384x50x32xf32, #tpu.memory_space<hbm>> -> memref<1x50x32xf32, #tpu.memory_space<hbm>>
      %dma_start3A_1280 = tpu.memref_squeeze %dma_start3A_1279 : memref<1x50x32xf32, #tpu.memory_space<hbm>> -> memref<50x32xf32, #tpu.memory_space<hbm>>
      %dma_start3A_1281 = tpu.memref_slice %arg8[%rem3A_775] : memref<2x!tpu.dma_semaphore, #tpu.memory_space<semaphore_mem>> -> memref<1x!tpu.dma_semaphore, #tpu.memory_space<semaphore_mem>>
      %dma_start3A_1282 = tpu.memref_squeeze %dma_start3A_1281 : memref<1x!tpu.dma_semaphore, #tpu.memory_space<semaphore_mem>> -> memref<!tpu.dma_semaphore, #tpu.memory_space<semaphore_mem>>
      %dma_start3A_1283 = arith.constant 0 : i32
      %dma_start3A_1284 = arith.constant 0 : i32
      %dma_start3A_1285 = tpu.memref_slice %arg4[%add3A_1118, %dma_start3A_1283, %dma_start3A_1284] : memref<16384x50x32xf32, #tpu.memory_space<hbm>> -> memref<1x50x32xf32, #tpu.memory_space<hbm>>
      %dma_start3A_1286 = tpu.memref_squeeze %dma_start3A_1285 : memref<1x50x32xf32, #tpu.memory_space<hbm>> -> memref<50x32xf32, #tpu.memory_space<hbm>>
      %dma_start3A_1287 = arith.constant 0 : i32
      %dma_start3A_1288 = arith.constant 0 : i32
      %dma_start3A_1289 = tpu.memref_slice %arg6[%rem3A_775, %dma_start3A_1287, %dma_start3A_1288] : memref<2x800x32xf32, #tpu.memory_space<vmem>> -> memref<1x800x32xf32, #tpu.memory_space<vmem>>
      %dma_start3A_1290 = tpu.memref_squeeze %dma_start3A_1289 : memref<1x800x32xf32, #tpu.memory_space<vmem>> -> memref<800x32xf32, #tpu.memory_space<vmem>>
      %dma_start3A_1291 = arith.constant 200 : i32
      %dma_start3A_1292 = arith.constant 0 : i32
      %dma_start3A_1293 = tpu.memref_slice %dma_start3A_1290[%dma_start3A_1291, %dma_start3A_1292] : memref<800x32xf32, #tpu.memory_space<vmem>> -> memref<50x32xf32, #tpu.memory_space<vmem>>
      tpu.enqueue_dma source(%dma_start3A_1293 : memref<50x32xf32, #tpu.memory_space<vmem>>) target(%dma_start3A_1286 : memref<50x32xf32, #tpu.memory_space<hbm>>) target_semaphore(%dma_start3A_1282 : memref<!tpu.dma_semaphore, #tpu.memory_space<semaphore_mem>>)
      %dma_start3A_1294 = arith.constant 0 : i32
      %dma_start3A_1295 = arith.constant 0 : i32
      %dma_start3A_1296 = tpu.memref_slice %arg6[%rem3A_775, %dma_start3A_1294, %dma_start3A_1295] : memref<2x800x32xf32, #tpu.memory_space<vmem>> -> memref<1x800x32xf32, #tpu.memory_space<vmem>>
      %dma_start3A_1297 = tpu.memref_squeeze %dma_start3A_1296 : memref<1x800x32xf32, #tpu.memory_space<vmem>> -> memref<800x32xf32, #tpu.memory_space<vmem>>
      %dma_start3A_1298 = arith.constant 250 : i32
      %dma_start3A_1299 = arith.constant 0 : i32
      %dma_start3A_1300 = tpu.memref_slice %dma_start3A_1297[%dma_start3A_1298, %dma_start3A_1299] : memref<800x32xf32, #tpu.memory_space<vmem>> -> memref<50x32xf32, #tpu.memory_space<vmem>>
      %dma_start3A_1301 = arith.constant 0 : i32
      %dma_start3A_1302 = arith.constant 0 : i32
      %dma_start3A_1303 = tpu.memref_slice %arg4[%add3A_1123, %dma_start3A_1301, %dma_start3A_1302] : memref<16384x50x32xf32, #tpu.memory_space<hbm>> -> memref<1x50x32xf32, #tpu.memory_space<hbm>>
      %dma_start3A_1304 = tpu.memref_squeeze %dma_start3A_1303 : memref<1x50x32xf32, #tpu.memory_space<hbm>> -> memref<50x32xf32, #tpu.memory_space<hbm>>
      %dma_start3A_1305 = tpu.memref_slice %arg8[%rem3A_775] : memref<2x!tpu.dma_semaphore, #tpu.memory_space<semaphore_mem>> -> memref<1x!tpu.dma_semaphore, #tpu.memory_space<semaphore_mem>>
      %dma_start3A_1306 = tpu.memref_squeeze %dma_start3A_1305 : memref<1x!tpu.dma_semaphore, #tpu.memory_space<semaphore_mem>> -> memref<!tpu.dma_semaphore, #tpu.memory_space<semaphore_mem>>
      %dma_start3A_1307 = arith.constant 0 : i32
      %dma_start3A_1308 = arith.constant 0 : i32
      %dma_start3A_1309 = tpu.memref_slice %arg4[%add3A_1123, %dma_start3A_1307, %dma_start3A_1308] : memref<16384x50x32xf32, #tpu.memory_space<hbm>> -> memref<1x50x32xf32, #tpu.memory_space<hbm>>
      %dma_start3A_1310 = tpu.memref_squeeze %dma_start3A_1309 : memref<1x50x32xf32, #tpu.memory_space<hbm>> -> memref<50x32xf32, #tpu.memory_space<hbm>>
      %dma_start3A_1311 = arith.constant 0 : i32
      %dma_start3A_1312 = arith.constant 0 : i32
      %dma_start3A_1313 = tpu.memref_slice %arg6[%rem3A_775, %dma_start3A_1311, %dma_start3A_1312] : memref<2x800x32xf32, #tpu.memory_space<vmem>> -> memref<1x800x32xf32, #tpu.memory_space<vmem>>
      %dma_start3A_1314 = tpu.memref_squeeze %dma_start3A_1313 : memref<1x800x32xf32, #tpu.memory_space<vmem>> -> memref<800x32xf32, #tpu.memory_space<vmem>>
      %dma_start3A_1315 = arith.constant 250 : i32
      %dma_start3A_1316 = arith.constant 0 : i32
      %dma_start3A_1317 = tpu.memref_slice %dma_start3A_1314[%dma_start3A_1315, %dma_start3A_1316] : memref<800x32xf32, #tpu.memory_space<vmem>> -> memref<50x32xf32, #tpu.memory_space<vmem>>
      tpu.enqueue_dma source(%dma_start3A_1317 : memref<50x32xf32, #tpu.memory_space<vmem>>) target(%dma_start3A_1310 : memref<50x32xf32, #tpu.memory_space<hbm>>) target_semaphore(%dma_start3A_1306 : memref<!tpu.dma_semaphore, #tpu.memory_space<semaphore_mem>>)
      %dma_start3A_1318 = arith.constant 0 : i32
      %dma_start3A_1319 = arith.constant 0 : i32
      %dma_start3A_1320 = tpu.memref_slice %arg6[%rem3A_775, %dma_start3A_1318, %dma_start3A_1319] : memref<2x800x32xf32, #tpu.memory_space<vmem>> -> memref<1x800x32xf32, #tpu.memory_space<vmem>>
      %dma_start3A_1321 = tpu.memref_squeeze %dma_start3A_1320 : memref<1x800x32xf32, #tpu.memory_space<vmem>> -> memref<800x32xf32, #tpu.memory_space<vmem>>
      %dma_start3A_1322 = arith.constant 300 : i32
      %dma_start3A_1323 = arith.constant 0 : i32
      %dma_start3A_1324 = tpu.memref_slice %dma_start3A_1321[%dma_start3A_1322, %dma_start3A_1323] : memref<800x32xf32, #tpu.memory_space<vmem>> -> memref<50x32xf32, #tpu.memory_space<vmem>>
      %dma_start3A_1325 = arith.constant 0 : i32
      %dma_start3A_1326 = arith.constant 0 : i32
      %dma_start3A_1327 = tpu.memref_slice %arg4[%add3A_1128, %dma_start3A_1325, %dma_start3A_1326] : memref<16384x50x32xf32, #tpu.memory_space<hbm>> -> memref<1x50x32xf32, #tpu.memory_space<hbm>>
      %dma_start3A_1328 = tpu.memref_squeeze %dma_start3A_1327 : memref<1x50x32xf32, #tpu.memory_space<hbm>> -> memref<50x32xf32, #tpu.memory_space<hbm>>
      %dma_start3A_1329 = tpu.memref_slice %arg8[%rem3A_775] : memref<2x!tpu.dma_semaphore, #tpu.memory_space<semaphore_mem>> -> memref<1x!tpu.dma_semaphore, #tpu.memory_space<semaphore_mem>>
      %dma_start3A_1330 = tpu.memref_squeeze %dma_start3A_1329 : memref<1x!tpu.dma_semaphore, #tpu.memory_space<semaphore_mem>> -> memref<!tpu.dma_semaphore, #tpu.memory_space<semaphore_mem>>
      %dma_start3A_1331 = arith.constant 0 : i32
      %dma_start3A_1332 = arith.constant 0 : i32
      %dma_start3A_1333 = tpu.memref_slice %arg4[%add3A_1128, %dma_start3A_1331, %dma_start3A_1332] : memref<16384x50x32xf32, #tpu.memory_space<hbm>> -> memref<1x50x32xf32, #tpu.memory_space<hbm>>
      %dma_start3A_1334 = tpu.memref_squeeze %dma_start3A_1333 : memref<1x50x32xf32, #tpu.memory_space<hbm>> -> memref<50x32xf32, #tpu.memory_space<hbm>>
      %dma_start3A_1335 = arith.constant 0 : i32
      %dma_start3A_1336 = arith.constant 0 : i32
      %dma_start3A_1337 = tpu.memref_slice %arg6[%rem3A_775, %dma_start3A_1335, %dma_start3A_1336] : memref<2x800x32xf32, #tpu.memory_space<vmem>> -> memref<1x800x32xf32, #tpu.memory_space<vmem>>
      %dma_start3A_1338 = tpu.memref_squeeze %dma_start3A_1337 : memref<1x800x32xf32, #tpu.memory_space<vmem>> -> memref<800x32xf32, #tpu.memory_space<vmem>>
      %dma_start3A_1339 = arith.constant 300 : i32
      %dma_start3A_1340 = arith.constant 0 : i32
      %dma_start3A_1341 = tpu.memref_slice %dma_start3A_1338[%dma_start3A_1339, %dma_start3A_1340] : memref<800x32xf32, #tpu.memory_space<vmem>> -> memref<50x32xf32, #tpu.memory_space<vmem>>
      tpu.enqueue_dma source(%dma_start3A_1341 : memref<50x32xf32, #tpu.memory_space<vmem>>) target(%dma_start3A_1334 : memref<50x32xf32, #tpu.memory_space<hbm>>) target_semaphore(%dma_start3A_1330 : memref<!tpu.dma_semaphore, #tpu.memory_space<semaphore_mem>>)
      %dma_start3A_1342 = arith.constant 0 : i32
      %dma_start3A_1343 = arith.constant 0 : i32
      %dma_start3A_1344 = tpu.memref_slice %arg6[%rem3A_775, %dma_start3A_1342, %dma_start3A_1343] : memref<2x800x32xf32, #tpu.memory_space<vmem>> -> memref<1x800x32xf32, #tpu.memory_space<vmem>>
      %dma_start3A_1345 = tpu.memref_squeeze %dma_start3A_1344 : memref<1x800x32xf32, #tpu.memory_space<vmem>> -> memref<800x32xf32, #tpu.memory_space<vmem>>
      %dma_start3A_1346 = arith.constant 350 : i32
      %dma_start3A_1347 = arith.constant 0 : i32
      %dma_start3A_1348 = tpu.memref_slice %dma_start3A_1345[%dma_start3A_1346, %dma_start3A_1347] : memref<800x32xf32, #tpu.memory_space<vmem>> -> memref<50x32xf32, #tpu.memory_space<vmem>>
      %dma_start3A_1349 = arith.constant 0 : i32
      %dma_start3A_1350 = arith.constant 0 : i32
      %dma_start3A_1351 = tpu.memref_slice %arg4[%add3A_1133, %dma_start3A_1349, %dma_start3A_1350] : memref<16384x50x32xf32, #tpu.memory_space<hbm>> -> memref<1x50x32xf32, #tpu.memory_space<hbm>>
      %dma_start3A_1352 = tpu.memref_squeeze %dma_start3A_1351 : memref<1x50x32xf32, #tpu.memory_space<hbm>> -> memref<50x32xf32, #tpu.memory_space<hbm>>
      %dma_start3A_1353 = tpu.memref_slice %arg8[%rem3A_775] : memref<2x!tpu.dma_semaphore, #tpu.memory_space<semaphore_mem>> -> memref<1x!tpu.dma_semaphore, #tpu.memory_space<semaphore_mem>>
      %dma_start3A_1354 = tpu.memref_squeeze %dma_start3A_1353 : memref<1x!tpu.dma_semaphore, #tpu.memory_space<semaphore_mem>> -> memref<!tpu.dma_semaphore, #tpu.memory_space<semaphore_mem>>
      %dma_start3A_1355 = arith.constant 0 : i32
      %dma_start3A_1356 = arith.constant 0 : i32
      %dma_start3A_1357 = tpu.memref_slice %arg4[%add3A_1133, %dma_start3A_1355, %dma_start3A_1356] : memref<16384x50x32xf32, #tpu.memory_space<hbm>> -> memref<1x50x32xf32, #tpu.memory_space<hbm>>
      %dma_start3A_1358 = tpu.memref_squeeze %dma_start3A_1357 : memref<1x50x32xf32, #tpu.memory_space<hbm>> -> memref<50x32xf32, #tpu.memory_space<hbm>>
      %dma_start3A_1359 = arith.constant 0 : i32
      %dma_start3A_1360 = arith.constant 0 : i32
      %dma_start3A_1361 = tpu.memref_slice %arg6[%rem3A_775, %dma_start3A_1359, %dma_start3A_1360] : memref<2x800x32xf32, #tpu.memory_space<vmem>> -> memref<1x800x32xf32, #tpu.memory_space<vmem>>
      %dma_start3A_1362 = tpu.memref_squeeze %dma_start3A_1361 : memref<1x800x32xf32, #tpu.memory_space<vmem>> -> memref<800x32xf32, #tpu.memory_space<vmem>>
      %dma_start3A_1363 = arith.constant 350 : i32
      %dma_start3A_1364 = arith.constant 0 : i32
      %dma_start3A_1365 = tpu.memref_slice %dma_start3A_1362[%dma_start3A_1363, %dma_start3A_1364] : memref<800x32xf32, #tpu.memory_space<vmem>> -> memref<50x32xf32, #tpu.memory_space<vmem>>
      tpu.enqueue_dma source(%dma_start3A_1365 : memref<50x32xf32, #tpu.memory_space<vmem>>) target(%dma_start3A_1358 : memref<50x32xf32, #tpu.memory_space<hbm>>) target_semaphore(%dma_start3A_1354 : memref<!tpu.dma_semaphore, #tpu.memory_space<semaphore_mem>>)
      %dma_start3A_1366 = arith.constant 0 : i32
      %dma_start3A_1367 = arith.constant 0 : i32
      %dma_start3A_1368 = tpu.memref_slice %arg6[%rem3A_775, %dma_start3A_1366, %dma_start3A_1367] : memref<2x800x32xf32, #tpu.memory_space<vmem>> -> memref<1x800x32xf32, #tpu.memory_space<vmem>>
      %dma_start3A_1369 = tpu.memref_squeeze %dma_start3A_1368 : memref<1x800x32xf32, #tpu.memory_space<vmem>> -> memref<800x32xf32, #tpu.memory_space<vmem>>
      %dma_start3A_1370 = arith.constant 400 : i32
      %dma_start3A_1371 = arith.constant 0 : i32
      %dma_start3A_1372 = tpu.memref_slice %dma_start3A_1369[%dma_start3A_1370, %dma_start3A_1371] : memref<800x32xf32, #tpu.memory_space<vmem>> -> memref<50x32xf32, #tpu.memory_space<vmem>>
      %dma_start3A_1373 = arith.constant 0 : i32
      %dma_start3A_1374 = arith.constant 0 : i32
      %dma_start3A_1375 = tpu.memref_slice %arg4[%add3A_1138, %dma_start3A_1373, %dma_start3A_1374] : memref<16384x50x32xf32, #tpu.memory_space<hbm>> -> memref<1x50x32xf32, #tpu.memory_space<hbm>>
      %dma_start3A_1376 = tpu.memref_squeeze %dma_start3A_1375 : memref<1x50x32xf32, #tpu.memory_space<hbm>> -> memref<50x32xf32, #tpu.memory_space<hbm>>
      %dma_start3A_1377 = tpu.memref_slice %arg8[%rem3A_775] : memref<2x!tpu.dma_semaphore, #tpu.memory_space<semaphore_mem>> -> memref<1x!tpu.dma_semaphore, #tpu.memory_space<semaphore_mem>>
      %dma_start3A_1378 = tpu.memref_squeeze %dma_start3A_1377 : memref<1x!tpu.dma_semaphore, #tpu.memory_space<semaphore_mem>> -> memref<!tpu.dma_semaphore, #tpu.memory_space<semaphore_mem>>
      %dma_start3A_1379 = arith.constant 0 : i32
      %dma_start3A_1380 = arith.constant 0 : i32
      %dma_start3A_1381 = tpu.memref_slice %arg4[%add3A_1138, %dma_start3A_1379, %dma_start3A_1380] : memref<16384x50x32xf32, #tpu.memory_space<hbm>> -> memref<1x50x32xf32, #tpu.memory_space<hbm>>
      %dma_start3A_1382 = tpu.memref_squeeze %dma_start3A_1381 : memref<1x50x32xf32, #tpu.memory_space<hbm>> -> memref<50x32xf32, #tpu.memory_space<hbm>>
      %dma_start3A_1383 = arith.constant 0 : i32
      %dma_start3A_1384 = arith.constant 0 : i32
      %dma_start3A_1385 = tpu.memref_slice %arg6[%rem3A_775, %dma_start3A_1383, %dma_start3A_1384] : memref<2x800x32xf32, #tpu.memory_space<vmem>> -> memref<1x800x32xf32, #tpu.memory_space<vmem>>
      %dma_start3A_1386 = tpu.memref_squeeze %dma_start3A_1385 : memref<1x800x32xf32, #tpu.memory_space<vmem>> -> memref<800x32xf32, #tpu.memory_space<vmem>>
      %dma_start3A_1387 = arith.constant 400 : i32
      %dma_start3A_1388 = arith.constant 0 : i32
      %dma_start3A_1389 = tpu.memref_slice %dma_start3A_1386[%dma_start3A_1387, %dma_start3A_1388] : memref<800x32xf32, #tpu.memory_space<vmem>> -> memref<50x32xf32, #tpu.memory_space<vmem>>
      tpu.enqueue_dma source(%dma_start3A_1389 : memref<50x32xf32, #tpu.memory_space<vmem>>) target(%dma_start3A_1382 : memref<50x32xf32, #tpu.memory_space<hbm>>) target_semaphore(%dma_start3A_1378 : memref<!tpu.dma_semaphore, #tpu.memory_space<semaphore_mem>>)
      %dma_start3A_1390 = arith.constant 0 : i32
      %dma_start3A_1391 = arith.constant 0 : i32
      %dma_start3A_1392 = tpu.memref_slice %arg6[%rem3A_775, %dma_start3A_1390, %dma_start3A_1391] : memref<2x800x32xf32, #tpu.memory_space<vmem>> -> memref<1x800x32xf32, #tpu.memory_space<vmem>>
      %dma_start3A_1393 = tpu.memref_squeeze %dma_start3A_1392 : memref<1x800x32xf32, #tpu.memory_space<vmem>> -> memref<800x32xf32, #tpu.memory_space<vmem>>
      %dma_start3A_1394 = arith.constant 450 : i32
      %dma_start3A_1395 = arith.constant 0 : i32
      %dma_start3A_1396 = tpu.memref_slice %dma_start3A_1393[%dma_start3A_1394, %dma_start3A_1395] : memref<800x32xf32, #tpu.memory_space<vmem>> -> memref<50x32xf32, #tpu.memory_space<vmem>>
      %dma_start3A_1397 = arith.constant 0 : i32
      %dma_start3A_1398 = arith.constant 0 : i32
      %dma_start3A_1399 = tpu.memref_slice %arg4[%add3A_1143, %dma_start3A_1397, %dma_start3A_1398] : memref<16384x50x32xf32, #tpu.memory_space<hbm>> -> memref<1x50x32xf32, #tpu.memory_space<hbm>>
      %dma_start3A_1400 = tpu.memref_squeeze %dma_start3A_1399 : memref<1x50x32xf32, #tpu.memory_space<hbm>> -> memref<50x32xf32, #tpu.memory_space<hbm>>
      %dma_start3A_1401 = tpu.memref_slice %arg8[%rem3A_775] : memref<2x!tpu.dma_semaphore, #tpu.memory_space<semaphore_mem>> -> memref<1x!tpu.dma_semaphore, #tpu.memory_space<semaphore_mem>>
      %dma_start3A_1402 = tpu.memref_squeeze %dma_start3A_1401 : memref<1x!tpu.dma_semaphore, #tpu.memory_space<semaphore_mem>> -> memref<!tpu.dma_semaphore, #tpu.memory_space<semaphore_mem>>
      %dma_start3A_1403 = arith.constant 0 : i32
      %dma_start3A_1404 = arith.constant 0 : i32
      %dma_start3A_1405 = tpu.memref_slice %arg4[%add3A_1143, %dma_start3A_1403, %dma_start3A_1404] : memref<16384x50x32xf32, #tpu.memory_space<hbm>> -> memref<1x50x32xf32, #tpu.memory_space<hbm>>
      %dma_start3A_1406 = tpu.memref_squeeze %dma_start3A_1405 : memref<1x50x32xf32, #tpu.memory_space<hbm>> -> memref<50x32xf32, #tpu.memory_space<hbm>>
      %dma_start3A_1407 = arith.constant 0 : i32
      %dma_start3A_1408 = arith.constant 0 : i32
      %dma_start3A_1409 = tpu.memref_slice %arg6[%rem3A_775, %dma_start3A_1407, %dma_start3A_1408] : memref<2x800x32xf32, #tpu.memory_space<vmem>> -> memref<1x800x32xf32, #tpu.memory_space<vmem>>
      %dma_start3A_1410 = tpu.memref_squeeze %dma_start3A_1409 : memref<1x800x32xf32, #tpu.memory_space<vmem>> -> memref<800x32xf32, #tpu.memory_space<vmem>>
      %dma_start3A_1411 = arith.constant 450 : i32
      %dma_start3A_1412 = arith.constant 0 : i32
      %dma_start3A_1413 = tpu.memref_slice %dma_start3A_1410[%dma_start3A_1411, %dma_start3A_1412] : memref<800x32xf32, #tpu.memory_space<vmem>> -> memref<50x32xf32, #tpu.memory_space<vmem>>
      tpu.enqueue_dma source(%dma_start3A_1413 : memref<50x32xf32, #tpu.memory_space<vmem>>) target(%dma_start3A_1406 : memref<50x32xf32, #tpu.memory_space<hbm>>) target_semaphore(%dma_start3A_1402 : memref<!tpu.dma_semaphore, #tpu.memory_space<semaphore_mem>>)
      %dma_start3A_1414 = arith.constant 0 : i32
      %dma_start3A_1415 = arith.constant 0 : i32
      %dma_start3A_1416 = tpu.memref_slice %arg6[%rem3A_775, %dma_start3A_1414, %dma_start3A_1415] : memref<2x800x32xf32, #tpu.memory_space<vmem>> -> memref<1x800x32xf32, #tpu.memory_space<vmem>>
      %dma_start3A_1417 = tpu.memref_squeeze %dma_start3A_1416 : memref<1x800x32xf32, #tpu.memory_space<vmem>> -> memref<800x32xf32, #tpu.memory_space<vmem>>
      %dma_start3A_1418 = arith.constant 500 : i32
      %dma_start3A_1419 = arith.constant 0 : i32
      %dma_start3A_1420 = tpu.memref_slice %dma_start3A_1417[%dma_start3A_1418, %dma_start3A_1419] : memref<800x32xf32, #tpu.memory_space<vmem>> -> memref<50x32xf32, #tpu.memory_space<vmem>>
      %dma_start3A_1421 = arith.constant 0 : i32
      %dma_start3A_1422 = arith.constant 0 : i32
      %dma_start3A_1423 = tpu.memref_slice %arg4[%add3A_1148, %dma_start3A_1421, %dma_start3A_1422] : memref<16384x50x32xf32, #tpu.memory_space<hbm>> -> memref<1x50x32xf32, #tpu.memory_space<hbm>>
      %dma_start3A_1424 = tpu.memref_squeeze %dma_start3A_1423 : memref<1x50x32xf32, #tpu.memory_space<hbm>> -> memref<50x32xf32, #tpu.memory_space<hbm>>
      %dma_start3A_1425 = tpu.memref_slice %arg8[%rem3A_775] : memref<2x!tpu.dma_semaphore, #tpu.memory_space<semaphore_mem>> -> memref<1x!tpu.dma_semaphore, #tpu.memory_space<semaphore_mem>>
      %dma_start3A_1426 = tpu.memref_squeeze %dma_start3A_1425 : memref<1x!tpu.dma_semaphore, #tpu.memory_space<semaphore_mem>> -> memref<!tpu.dma_semaphore, #tpu.memory_space<semaphore_mem>>
      %dma_start3A_1427 = arith.constant 0 : i32
      %dma_start3A_1428 = arith.constant 0 : i32
      %dma_start3A_1429 = tpu.memref_slice %arg4[%add3A_1148, %dma_start3A_1427, %dma_start3A_1428] : memref<16384x50x32xf32, #tpu.memory_space<hbm>> -> memref<1x50x32xf32, #tpu.memory_space<hbm>>
      %dma_start3A_1430 = tpu.memref_squeeze %dma_start3A_1429 : memref<1x50x32xf32, #tpu.memory_space<hbm>> -> memref<50x32xf32, #tpu.memory_space<hbm>>
      %dma_start3A_1431 = arith.constant 0 : i32
      %dma_start3A_1432 = arith.constant 0 : i32
      %dma_start3A_1433 = tpu.memref_slice %arg6[%rem3A_775, %dma_start3A_1431, %dma_start3A_1432] : memref<2x800x32xf32, #tpu.memory_space<vmem>> -> memref<1x800x32xf32, #tpu.memory_space<vmem>>
      %dma_start3A_1434 = tpu.memref_squeeze %dma_start3A_1433 : memref<1x800x32xf32, #tpu.memory_space<vmem>> -> memref<800x32xf32, #tpu.memory_space<vmem>>
      %dma_start3A_1435 = arith.constant 500 : i32
      %dma_start3A_1436 = arith.constant 0 : i32
      %dma_start3A_1437 = tpu.memref_slice %dma_start3A_1434[%dma_start3A_1435, %dma_start3A_1436] : memref<800x32xf32, #tpu.memory_space<vmem>> -> memref<50x32xf32, #tpu.memory_space<vmem>>
      tpu.enqueue_dma source(%dma_start3A_1437 : memref<50x32xf32, #tpu.memory_space<vmem>>) target(%dma_start3A_1430 : memref<50x32xf32, #tpu.memory_space<hbm>>) target_semaphore(%dma_start3A_1426 : memref<!tpu.dma_semaphore, #tpu.memory_space<semaphore_mem>>)
      %dma_start3A_1438 = arith.constant 0 : i32
      %dma_start3A_1439 = arith.constant 0 : i32
      %dma_start3A_1440 = tpu.memref_slice %arg6[%rem3A_775, %dma_start3A_1438, %dma_start3A_1439] : memref<2x800x32xf32, #tpu.memory_space<vmem>> -> memref<1x800x32xf32, #tpu.memory_space<vmem>>
      %dma_start3A_1441 = tpu.memref_squeeze %dma_start3A_1440 : memref<1x800x32xf32, #tpu.memory_space<vmem>> -> memref<800x32xf32, #tpu.memory_space<vmem>>
      %dma_start3A_1442 = arith.constant 550 : i32
      %dma_start3A_1443 = arith.constant 0 : i32
      %dma_start3A_1444 = tpu.memref_slice %dma_start3A_1441[%dma_start3A_1442, %dma_start3A_1443] : memref<800x32xf32, #tpu.memory_space<vmem>> -> memref<50x32xf32, #tpu.memory_space<vmem>>
      %dma_start3A_1445 = arith.constant 0 : i32
      %dma_start3A_1446 = arith.constant 0 : i32
      %dma_start3A_1447 = tpu.memref_slice %arg4[%add3A_1153, %dma_start3A_1445, %dma_start3A_1446] : memref<16384x50x32xf32, #tpu.memory_space<hbm>> -> memref<1x50x32xf32, #tpu.memory_space<hbm>>
      %dma_start3A_1448 = tpu.memref_squeeze %dma_start3A_1447 : memref<1x50x32xf32, #tpu.memory_space<hbm>> -> memref<50x32xf32, #tpu.memory_space<hbm>>
      %dma_start3A_1449 = tpu.memref_slice %arg8[%rem3A_775] : memref<2x!tpu.dma_semaphore, #tpu.memory_space<semaphore_mem>> -> memref<1x!tpu.dma_semaphore, #tpu.memory_space<semaphore_mem>>
      %dma_start3A_1450 = tpu.memref_squeeze %dma_start3A_1449 : memref<1x!tpu.dma_semaphore, #tpu.memory_space<semaphore_mem>> -> memref<!tpu.dma_semaphore, #tpu.memory_space<semaphore_mem>>
      %dma_start3A_1451 = arith.constant 0 : i32
      %dma_start3A_1452 = arith.constant 0 : i32
      %dma_start3A_1453 = tpu.memref_slice %arg4[%add3A_1153, %dma_start3A_1451, %dma_start3A_1452] : memref<16384x50x32xf32, #tpu.memory_space<hbm>> -> memref<1x50x32xf32, #tpu.memory_space<hbm>>
      %dma_start3A_1454 = tpu.memref_squeeze %dma_start3A_1453 : memref<1x50x32xf32, #tpu.memory_space<hbm>> -> memref<50x32xf32, #tpu.memory_space<hbm>>
      %dma_start3A_1455 = arith.constant 0 : i32
      %dma_start3A_1456 = arith.constant 0 : i32
      %dma_start3A_1457 = tpu.memref_slice %arg6[%rem3A_775, %dma_start3A_1455, %dma_start3A_1456] : memref<2x800x32xf32, #tpu.memory_space<vmem>> -> memref<1x800x32xf32, #tpu.memory_space<vmem>>
      %dma_start3A_1458 = tpu.memref_squeeze %dma_start3A_1457 : memref<1x800x32xf32, #tpu.memory_space<vmem>> -> memref<800x32xf32, #tpu.memory_space<vmem>>
      %dma_start3A_1459 = arith.constant 550 : i32
      %dma_start3A_1460 = arith.constant 0 : i32
      %dma_start3A_1461 = tpu.memref_slice %dma_start3A_1458[%dma_start3A_1459, %dma_start3A_1460] : memref<800x32xf32, #tpu.memory_space<vmem>> -> memref<50x32xf32, #tpu.memory_space<vmem>>
      tpu.enqueue_dma source(%dma_start3A_1461 : memref<50x32xf32, #tpu.memory_space<vmem>>) target(%dma_start3A_1454 : memref<50x32xf32, #tpu.memory_space<hbm>>) target_semaphore(%dma_start3A_1450 : memref<!tpu.dma_semaphore, #tpu.memory_space<semaphore_mem>>)
      %dma_start3A_1462 = arith.constant 0 : i32
      %dma_start3A_1463 = arith.constant 0 : i32
      %dma_start3A_1464 = tpu.memref_slice %arg6[%rem3A_775, %dma_start3A_1462, %dma_start3A_1463] : memref<2x800x32xf32, #tpu.memory_space<vmem>> -> memref<1x800x32xf32, #tpu.memory_space<vmem>>
      %dma_start3A_1465 = tpu.memref_squeeze %dma_start3A_1464 : memref<1x800x32xf32, #tpu.memory_space<vmem>> -> memref<800x32xf32, #tpu.memory_space<vmem>>
      %dma_start3A_1466 = arith.constant 600 : i32
      %dma_start3A_1467 = arith.constant 0 : i32
      %dma_start3A_1468 = tpu.memref_slice %dma_start3A_1465[%dma_start3A_1466, %dma_start3A_1467] : memref<800x32xf32, #tpu.memory_space<vmem>> -> memref<50x32xf32, #tpu.memory_space<vmem>>
      %dma_start3A_1469 = arith.constant 0 : i32
      %dma_start3A_1470 = arith.constant 0 : i32
      %dma_start3A_1471 = tpu.memref_slice %arg4[%add3A_1158, %dma_start3A_1469, %dma_start3A_1470] : memref<16384x50x32xf32, #tpu.memory_space<hbm>> -> memref<1x50x32xf32, #tpu.memory_space<hbm>>
      %dma_start3A_1472 = tpu.memref_squeeze %dma_start3A_1471 : memref<1x50x32xf32, #tpu.memory_space<hbm>> -> memref<50x32xf32, #tpu.memory_space<hbm>>
      %dma_start3A_1473 = tpu.memref_slice %arg8[%rem3A_775] : memref<2x!tpu.dma_semaphore, #tpu.memory_space<semaphore_mem>> -> memref<1x!tpu.dma_semaphore, #tpu.memory_space<semaphore_mem>>
      %dma_start3A_1474 = tpu.memref_squeeze %dma_start3A_1473 : memref<1x!tpu.dma_semaphore, #tpu.memory_space<semaphore_mem>> -> memref<!tpu.dma_semaphore, #tpu.memory_space<semaphore_mem>>
      %dma_start3A_1475 = arith.constant 0 : i32
      %dma_start3A_1476 = arith.constant 0 : i32
      %dma_start3A_1477 = tpu.memref_slice %arg4[%add3A_1158, %dma_start3A_1475, %dma_start3A_1476] : memref<16384x50x32xf32, #tpu.memory_space<hbm>> -> memref<1x50x32xf32, #tpu.memory_space<hbm>>
      %dma_start3A_1478 = tpu.memref_squeeze %dma_start3A_1477 : memref<1x50x32xf32, #tpu.memory_space<hbm>> -> memref<50x32xf32, #tpu.memory_space<hbm>>
      %dma_start3A_1479 = arith.constant 0 : i32
      %dma_start3A_1480 = arith.constant 0 : i32
      %dma_start3A_1481 = tpu.memref_slice %arg6[%rem3A_775, %dma_start3A_1479, %dma_start3A_1480] : memref<2x800x32xf32, #tpu.memory_space<vmem>> -> memref<1x800x32xf32, #tpu.memory_space<vmem>>
      %dma_start3A_1482 = tpu.memref_squeeze %dma_start3A_1481 : memref<1x800x32xf32, #tpu.memory_space<vmem>> -> memref<800x32xf32, #tpu.memory_space<vmem>>
      %dma_start3A_1483 = arith.constant 600 : i32
      %dma_start3A_1484 = arith.constant 0 : i32
      %dma_start3A_1485 = tpu.memref_slice %dma_start3A_1482[%dma_start3A_1483, %dma_start3A_1484] : memref<800x32xf32, #tpu.memory_space<vmem>> -> memref<50x32xf32, #tpu.memory_space<vmem>>
      tpu.enqueue_dma source(%dma_start3A_1485 : memref<50x32xf32, #tpu.memory_space<vmem>>) target(%dma_start3A_1478 : memref<50x32xf32, #tpu.memory_space<hbm>>) target_semaphore(%dma_start3A_1474 : memref<!tpu.dma_semaphore, #tpu.memory_space<semaphore_mem>>)
      %dma_start3A_1486 = arith.constant 0 : i32
      %dma_start3A_1487 = arith.constant 0 : i32
      %dma_start3A_1488 = tpu.memref_slice %arg6[%rem3A_775, %dma_start3A_1486, %dma_start3A_1487] : memref<2x800x32xf32, #tpu.memory_space<vmem>> -> memref<1x800x32xf32, #tpu.memory_space<vmem>>
      %dma_start3A_1489 = tpu.memref_squeeze %dma_start3A_1488 : memref<1x800x32xf32, #tpu.memory_space<vmem>> -> memref<800x32xf32, #tpu.memory_space<vmem>>
      %dma_start3A_1490 = arith.constant 650 : i32
      %dma_start3A_1491 = arith.constant 0 : i32
      %dma_start3A_1492 = tpu.memref_slice %dma_start3A_1489[%dma_start3A_1490, %dma_start3A_1491] : memref<800x32xf32, #tpu.memory_space<vmem>> -> memref<50x32xf32, #tpu.memory_space<vmem>>
      %dma_start3A_1493 = arith.constant 0 : i32
      %dma_start3A_1494 = arith.constant 0 : i32
      %dma_start3A_1495 = tpu.memref_slice %arg4[%add3A_1163, %dma_start3A_1493, %dma_start3A_1494] : memref<16384x50x32xf32, #tpu.memory_space<hbm>> -> memref<1x50x32xf32, #tpu.memory_space<hbm>>
      %dma_start3A_1496 = tpu.memref_squeeze %dma_start3A_1495 : memref<1x50x32xf32, #tpu.memory_space<hbm>> -> memref<50x32xf32, #tpu.memory_space<hbm>>
      %dma_start3A_1497 = tpu.memref_slice %arg8[%rem3A_775] : memref<2x!tpu.dma_semaphore, #tpu.memory_space<semaphore_mem>> -> memref<1x!tpu.dma_semaphore, #tpu.memory_space<semaphore_mem>>
      %dma_start3A_1498 = tpu.memref_squeeze %dma_start3A_1497 : memref<1x!tpu.dma_semaphore, #tpu.memory_space<semaphore_mem>> -> memref<!tpu.dma_semaphore, #tpu.memory_space<semaphore_mem>>
      %dma_start3A_1499 = arith.constant 0 : i32
      %dma_start3A_1500 = arith.constant 0 : i32
      %dma_start3A_1501 = tpu.memref_slice %arg4[%add3A_1163, %dma_start3A_1499, %dma_start3A_1500] : memref<16384x50x32xf32, #tpu.memory_space<hbm>> -> memref<1x50x32xf32, #tpu.memory_space<hbm>>
      %dma_start3A_1502 = tpu.memref_squeeze %dma_start3A_1501 : memref<1x50x32xf32, #tpu.memory_space<hbm>> -> memref<50x32xf32, #tpu.memory_space<hbm>>
      %dma_start3A_1503 = arith.constant 0 : i32
      %dma_start3A_1504 = arith.constant 0 : i32
      %dma_start3A_1505 = tpu.memref_slice %arg6[%rem3A_775, %dma_start3A_1503, %dma_start3A_1504] : memref<2x800x32xf32, #tpu.memory_space<vmem>> -> memref<1x800x32xf32, #tpu.memory_space<vmem>>
      %dma_start3A_1506 = tpu.memref_squeeze %dma_start3A_1505 : memref<1x800x32xf32, #tpu.memory_space<vmem>> -> memref<800x32xf32, #tpu.memory_space<vmem>>
      %dma_start3A_1507 = arith.constant 650 : i32
      %dma_start3A_1508 = arith.constant 0 : i32
      %dma_start3A_1509 = tpu.memref_slice %dma_start3A_1506[%dma_start3A_1507, %dma_start3A_1508] : memref<800x32xf32, #tpu.memory_space<vmem>> -> memref<50x32xf32, #tpu.memory_space<vmem>>
      tpu.enqueue_dma source(%dma_start3A_1509 : memref<50x32xf32, #tpu.memory_space<vmem>>) target(%dma_start3A_1502 : memref<50x32xf32, #tpu.memory_space<hbm>>) target_semaphore(%dma_start3A_1498 : memref<!tpu.dma_semaphore, #tpu.memory_space<semaphore_mem>>)
      %dma_start3A_1510 = arith.constant 0 : i32
      %dma_start3A_1511 = arith.constant 0 : i32
      %dma_start3A_1512 = tpu.memref_slice %arg6[%rem3A_775, %dma_start3A_1510, %dma_start3A_1511] : memref<2x800x32xf32, #tpu.memory_space<vmem>> -> memref<1x800x32xf32, #tpu.memory_space<vmem>>
      %dma_start3A_1513 = tpu.memref_squeeze %dma_start3A_1512 : memref<1x800x32xf32, #tpu.memory_space<vmem>> -> memref<800x32xf32, #tpu.memory_space<vmem>>
      %dma_start3A_1514 = arith.constant 700 : i32
      %dma_start3A_1515 = arith.constant 0 : i32
      %dma_start3A_1516 = tpu.memref_slice %dma_start3A_1513[%dma_start3A_1514, %dma_start3A_1515] : memref<800x32xf32, #tpu.memory_space<vmem>> -> memref<50x32xf32, #tpu.memory_space<vmem>>
      %dma_start3A_1517 = arith.constant 0 : i32
      %dma_start3A_1518 = arith.constant 0 : i32
      %dma_start3A_1519 = tpu.memref_slice %arg4[%add3A_1168, %dma_start3A_1517, %dma_start3A_1518] : memref<16384x50x32xf32, #tpu.memory_space<hbm>> -> memref<1x50x32xf32, #tpu.memory_space<hbm>>
      %dma_start3A_1520 = tpu.memref_squeeze %dma_start3A_1519 : memref<1x50x32xf32, #tpu.memory_space<hbm>> -> memref<50x32xf32, #tpu.memory_space<hbm>>
      %dma_start3A_1521 = tpu.memref_slice %arg8[%rem3A_775] : memref<2x!tpu.dma_semaphore, #tpu.memory_space<semaphore_mem>> -> memref<1x!tpu.dma_semaphore, #tpu.memory_space<semaphore_mem>>
      %dma_start3A_1522 = tpu.memref_squeeze %dma_start3A_1521 : memref<1x!tpu.dma_semaphore, #tpu.memory_space<semaphore_mem>> -> memref<!tpu.dma_semaphore, #tpu.memory_space<semaphore_mem>>
      %dma_start3A_1523 = arith.constant 0 : i32
      %dma_start3A_1524 = arith.constant 0 : i32
      %dma_start3A_1525 = tpu.memref_slice %arg4[%add3A_1168, %dma_start3A_1523, %dma_start3A_1524] : memref<16384x50x32xf32, #tpu.memory_space<hbm>> -> memref<1x50x32xf32, #tpu.memory_space<hbm>>
      %dma_start3A_1526 = tpu.memref_squeeze %dma_start3A_1525 : memref<1x50x32xf32, #tpu.memory_space<hbm>> -> memref<50x32xf32, #tpu.memory_space<hbm>>
      %dma_start3A_1527 = arith.constant 0 : i32
      %dma_start3A_1528 = arith.constant 0 : i32
      %dma_start3A_1529 = tpu.memref_slice %arg6[%rem3A_775, %dma_start3A_1527, %dma_start3A_1528] : memref<2x800x32xf32, #tpu.memory_space<vmem>> -> memref<1x800x32xf32, #tpu.memory_space<vmem>>
      %dma_start3A_1530 = tpu.memref_squeeze %dma_start3A_1529 : memref<1x800x32xf32, #tpu.memory_space<vmem>> -> memref<800x32xf32, #tpu.memory_space<vmem>>
      %dma_start3A_1531 = arith.constant 700 : i32
      %dma_start3A_1532 = arith.constant 0 : i32
      %dma_start3A_1533 = tpu.memref_slice %dma_start3A_1530[%dma_start3A_1531, %dma_start3A_1532] : memref<800x32xf32, #tpu.memory_space<vmem>> -> memref<50x32xf32, #tpu.memory_space<vmem>>
      tpu.enqueue_dma source(%dma_start3A_1533 : memref<50x32xf32, #tpu.memory_space<vmem>>) target(%dma_start3A_1526 : memref<50x32xf32, #tpu.memory_space<hbm>>) target_semaphore(%dma_start3A_1522 : memref<!tpu.dma_semaphore, #tpu.memory_space<semaphore_mem>>)
      %dma_start3A_1534 = arith.constant 0 : i32
      %dma_start3A_1535 = arith.constant 0 : i32
      %dma_start3A_1536 = tpu.memref_slice %arg6[%rem3A_775, %dma_start3A_1534, %dma_start3A_1535] : memref<2x800x32xf32, #tpu.memory_space<vmem>> -> memref<1x800x32xf32, #tpu.memory_space<vmem>>
      %dma_start3A_1537 = tpu.memref_squeeze %dma_start3A_1536 : memref<1x800x32xf32, #tpu.memory_space<vmem>> -> memref<800x32xf32, #tpu.memory_space<vmem>>
      %dma_start3A_1538 = arith.constant 750 : i32
      %dma_start3A_1539 = arith.constant 0 : i32
      %dma_start3A_1540 = tpu.memref_slice %dma_start3A_1537[%dma_start3A_1538, %dma_start3A_1539] : memref<800x32xf32, #tpu.memory_space<vmem>> -> memref<50x32xf32, #tpu.memory_space<vmem>>
      %dma_start3A_1541 = arith.constant 0 : i32
      %dma_start3A_1542 = arith.constant 0 : i32
      %dma_start3A_1543 = tpu.memref_slice %arg4[%add3A_1173, %dma_start3A_1541, %dma_start3A_1542] : memref<16384x50x32xf32, #tpu.memory_space<hbm>> -> memref<1x50x32xf32, #tpu.memory_space<hbm>>
      %dma_start3A_1544 = tpu.memref_squeeze %dma_start3A_1543 : memref<1x50x32xf32, #tpu.memory_space<hbm>> -> memref<50x32xf32, #tpu.memory_space<hbm>>
      %dma_start3A_1545 = tpu.memref_slice %arg8[%rem3A_775] : memref<2x!tpu.dma_semaphore, #tpu.memory_space<semaphore_mem>> -> memref<1x!tpu.dma_semaphore, #tpu.memory_space<semaphore_mem>>
      %dma_start3A_1546 = tpu.memref_squeeze %dma_start3A_1545 : memref<1x!tpu.dma_semaphore, #tpu.memory_space<semaphore_mem>> -> memref<!tpu.dma_semaphore, #tpu.memory_space<semaphore_mem>>
      %dma_start3A_1547 = arith.constant 0 : i32
      %dma_start3A_1548 = arith.constant 0 : i32
      %dma_start3A_1549 = tpu.memref_slice %arg4[%add3A_1173, %dma_start3A_1547, %dma_start3A_1548] : memref<16384x50x32xf32, #tpu.memory_space<hbm>> -> memref<1x50x32xf32, #tpu.memory_space<hbm>>
      %dma_start3A_1550 = tpu.memref_squeeze %dma_start3A_1549 : memref<1x50x32xf32, #tpu.memory_space<hbm>> -> memref<50x32xf32, #tpu.memory_space<hbm>>
      %dma_start3A_1551 = arith.constant 0 : i32
      %dma_start3A_1552 = arith.constant 0 : i32
      %dma_start3A_1553 = tpu.memref_slice %arg6[%rem3A_775, %dma_start3A_1551, %dma_start3A_1552] : memref<2x800x32xf32, #tpu.memory_space<vmem>> -> memref<1x800x32xf32, #tpu.memory_space<vmem>>
      %dma_start3A_1554 = tpu.memref_squeeze %dma_start3A_1553 : memref<1x800x32xf32, #tpu.memory_space<vmem>> -> memref<800x32xf32, #tpu.memory_space<vmem>>
      %dma_start3A_1555 = arith.constant 750 : i32
      %dma_start3A_1556 = arith.constant 0 : i32
      %dma_start3A_1557 = tpu.memref_slice %dma_start3A_1554[%dma_start3A_1555, %dma_start3A_1556] : memref<800x32xf32, #tpu.memory_space<vmem>> -> memref<50x32xf32, #tpu.memory_space<vmem>>
      tpu.enqueue_dma source(%dma_start3A_1557 : memref<50x32xf32, #tpu.memory_space<vmem>>) target(%dma_start3A_1550 : memref<50x32xf32, #tpu.memory_space<hbm>>) target_semaphore(%dma_start3A_1546 : memref<!tpu.dma_semaphore, #tpu.memory_space<semaphore_mem>>)
    }
    %scan3A_294 = arith.constant 32 : i32
    %add3A_295 = arith.constant 496 : i32
    %add3A_296 = arith.addi %mul3A_2, %add3A_295 : i32
    %add3A_297 = arith.constant 0 : i32
    %add3A_298 = arith.addi %add3A_296, %add3A_297 : i32
    %add3A_299 = arith.constant 496 : i32
    %add3A_300 = arith.addi %mul3A_2, %add3A_299 : i32
    %add3A_301 = arith.constant 1 : i32
    %add3A_302 = arith.addi %add3A_300, %add3A_301 : i32
    %add3A_303 = arith.constant 496 : i32
    %add3A_304 = arith.addi %mul3A_2, %add3A_303 : i32
    %add3A_305 = arith.constant 2 : i32
    %add3A_306 = arith.addi %add3A_304, %add3A_305 : i32
    %add3A_307 = arith.constant 496 : i32
    %add3A_308 = arith.addi %mul3A_2, %add3A_307 : i32
    %add3A_309 = arith.constant 3 : i32
    %add3A_310 = arith.addi %add3A_308, %add3A_309 : i32
    %add3A_311 = arith.constant 496 : i32
    %add3A_312 = arith.addi %mul3A_2, %add3A_311 : i32
    %add3A_313 = arith.constant 4 : i32
    %add3A_314 = arith.addi %add3A_312, %add3A_313 : i32
    %add3A_315 = arith.constant 496 : i32
    %add3A_316 = arith.addi %mul3A_2, %add3A_315 : i32
    %add3A_317 = arith.constant 5 : i32
    %add3A_318 = arith.addi %add3A_316, %add3A_317 : i32
    %add3A_319 = arith.constant 496 : i32
    %add3A_320 = arith.addi %mul3A_2, %add3A_319 : i32
    %add3A_321 = arith.constant 6 : i32
    %add3A_322 = arith.addi %add3A_320, %add3A_321 : i32
    %add3A_323 = arith.constant 496 : i32
    %add3A_324 = arith.addi %mul3A_2, %add3A_323 : i32
    %add3A_325 = arith.constant 7 : i32
    %add3A_326 = arith.addi %add3A_324, %add3A_325 : i32
    %add3A_327 = arith.constant 496 : i32
    %add3A_328 = arith.addi %mul3A_2, %add3A_327 : i32
    %add3A_329 = arith.constant 8 : i32
    %add3A_330 = arith.addi %add3A_328, %add3A_329 : i32
    %add3A_331 = arith.constant 496 : i32
    %add3A_332 = arith.addi %mul3A_2, %add3A_331 : i32
    %add3A_333 = arith.constant 9 : i32
    %add3A_334 = arith.addi %add3A_332, %add3A_333 : i32
    %add3A_335 = arith.constant 496 : i32
    %add3A_336 = arith.addi %mul3A_2, %add3A_335 : i32
    %add3A_337 = arith.constant 10 : i32
    %add3A_338 = arith.addi %add3A_336, %add3A_337 : i32
    %add3A_339 = arith.constant 496 : i32
    %add3A_340 = arith.addi %mul3A_2, %add3A_339 : i32
    %add3A_341 = arith.constant 11 : i32
    %add3A_342 = arith.addi %add3A_340, %add3A_341 : i32
    %add3A_343 = arith.constant 496 : i32
    %add3A_344 = arith.addi %mul3A_2, %add3A_343 : i32
    %add3A_345 = arith.constant 12 : i32
    %add3A_346 = arith.addi %add3A_344, %add3A_345 : i32
    %add3A_347 = arith.constant 496 : i32
    %add3A_348 = arith.addi %mul3A_2, %add3A_347 : i32
    %add3A_349 = arith.constant 13 : i32
    %add3A_350 = arith.addi %add3A_348, %add3A_349 : i32
    %add3A_351 = arith.constant 496 : i32
    %add3A_352 = arith.addi %mul3A_2, %add3A_351 : i32
    %add3A_353 = arith.constant 14 : i32
    %add3A_354 = arith.addi %add3A_352, %add3A_353 : i32
    %add3A_355 = arith.constant 496 : i32
    %add3A_356 = arith.addi %mul3A_2, %add3A_355 : i32
    %add3A_357 = arith.constant 15 : i32
    %add3A_358 = arith.addi %add3A_356, %add3A_357 : i32
    %dma_wait3A = arith.constant 1 : i32
    %dma_wait3A_359 = arith.constant 1 : i32
    %dma_wait3A_360 = arith.constant 0 : i32
    %dma_wait3A_361 = arith.constant 0 : i32
    %dma_wait3A_362 = tpu.memref_slice %arg6[%dma_wait3A, %dma_wait3A_360, %dma_wait3A_361] : memref<2x800x32xf32, #tpu.memory_space<vmem>> -> memref<1x800x32xf32, #tpu.memory_space<vmem>>
    %dma_wait3A_363 = tpu.memref_squeeze %dma_wait3A_362 : memref<1x800x32xf32, #tpu.memory_space<vmem>> -> memref<800x32xf32, #tpu.memory_space<vmem>>
    %dma_wait3A_364 = arith.constant 0 : i32
    %dma_wait3A_365 = arith.constant 0 : i32
    %dma_wait3A_366 = tpu.memref_slice %dma_wait3A_363[%dma_wait3A_364, %dma_wait3A_365] : memref<800x32xf32, #tpu.memory_space<vmem>> -> memref<50x32xf32, #tpu.memory_space<vmem>>
    %dma_wait3A_367 = arith.constant 0 : i32
    %dma_wait3A_368 = arith.constant 0 : i32
    %dma_wait3A_369 = tpu.memref_slice %arg4[%add3A_298, %dma_wait3A_367, %dma_wait3A_368] : memref<16384x50x32xf32, #tpu.memory_space<hbm>> -> memref<1x50x32xf32, #tpu.memory_space<hbm>>
    %dma_wait3A_370 = tpu.memref_squeeze %dma_wait3A_369 : memref<1x50x32xf32, #tpu.memory_space<hbm>> -> memref<50x32xf32, #tpu.memory_space<hbm>>
    %dma_wait3A_371 = tpu.memref_slice %arg8[%dma_wait3A_359] : memref<2x!tpu.dma_semaphore, #tpu.memory_space<semaphore_mem>> -> memref<1x!tpu.dma_semaphore, #tpu.memory_space<semaphore_mem>>
    %dma_wait3A_372 = tpu.memref_squeeze %dma_wait3A_371 : memref<1x!tpu.dma_semaphore, #tpu.memory_space<semaphore_mem>> -> memref<!tpu.dma_semaphore, #tpu.memory_space<semaphore_mem>>
    %dma_wait3A_373 = arith.constant 0 : i32
    %dma_wait3A_374 = arith.constant 0 : i32
    %dma_wait3A_375 = tpu.memref_slice %arg4[%add3A_298, %dma_wait3A_373, %dma_wait3A_374] : memref<16384x50x32xf32, #tpu.memory_space<hbm>> -> memref<1x50x32xf32, #tpu.memory_space<hbm>>
    %dma_wait3A_376 = tpu.memref_squeeze %dma_wait3A_375 : memref<1x50x32xf32, #tpu.memory_space<hbm>> -> memref<50x32xf32, #tpu.memory_space<hbm>>
    %dma_wait3A_377 = arith.constant 0 : i32
    %dma_wait3A_378 = arith.constant 0 : i32
    %dma_wait3A_379 = tpu.memref_slice %arg6[%dma_wait3A, %dma_wait3A_377, %dma_wait3A_378] : memref<2x800x32xf32, #tpu.memory_space<vmem>> -> memref<1x800x32xf32, #tpu.memory_space<vmem>>
    %dma_wait3A_380 = tpu.memref_squeeze %dma_wait3A_379 : memref<1x800x32xf32, #tpu.memory_space<vmem>> -> memref<800x32xf32, #tpu.memory_space<vmem>>
    %dma_wait3A_381 = arith.constant 0 : i32
    %dma_wait3A_382 = arith.constant 0 : i32
    %dma_wait3A_383 = tpu.memref_slice %dma_wait3A_380[%dma_wait3A_381, %dma_wait3A_382] : memref<800x32xf32, #tpu.memory_space<vmem>> -> memref<50x32xf32, #tpu.memory_space<vmem>>
    tpu.wait_dma2 semaphore(%dma_wait3A_372 : memref<!tpu.dma_semaphore, #tpu.memory_space<semaphore_mem>>) src(%dma_wait3A_383 : memref<50x32xf32, #tpu.memory_space<vmem>>) dst(%dma_wait3A_376 : memref<50x32xf32, #tpu.memory_space<hbm>>)
    %dma_wait3A_384 = arith.constant 1 : i32
    %dma_wait3A_385 = arith.constant 1 : i32
    %dma_wait3A_386 = arith.constant 0 : i32
    %dma_wait3A_387 = arith.constant 0 : i32
    %dma_wait3A_388 = tpu.memref_slice %arg6[%dma_wait3A_384, %dma_wait3A_386, %dma_wait3A_387] : memref<2x800x32xf32, #tpu.memory_space<vmem>> -> memref<1x800x32xf32, #tpu.memory_space<vmem>>
    %dma_wait3A_389 = tpu.memref_squeeze %dma_wait3A_388 : memref<1x800x32xf32, #tpu.memory_space<vmem>> -> memref<800x32xf32, #tpu.memory_space<vmem>>
    %dma_wait3A_390 = arith.constant 50 : i32
    %dma_wait3A_391 = arith.constant 0 : i32
    %dma_wait3A_392 = tpu.memref_slice %dma_wait3A_389[%dma_wait3A_390, %dma_wait3A_391] : memref<800x32xf32, #tpu.memory_space<vmem>> -> memref<50x32xf32, #tpu.memory_space<vmem>>
    %dma_wait3A_393 = arith.constant 0 : i32
    %dma_wait3A_394 = arith.constant 0 : i32
    %dma_wait3A_395 = tpu.memref_slice %arg4[%add3A_302, %dma_wait3A_393, %dma_wait3A_394] : memref<16384x50x32xf32, #tpu.memory_space<hbm>> -> memref<1x50x32xf32, #tpu.memory_space<hbm>>
    %dma_wait3A_396 = tpu.memref_squeeze %dma_wait3A_395 : memref<1x50x32xf32, #tpu.memory_space<hbm>> -> memref<50x32xf32, #tpu.memory_space<hbm>>
    %dma_wait3A_397 = tpu.memref_slice %arg8[%dma_wait3A_385] : memref<2x!tpu.dma_semaphore, #tpu.memory_space<semaphore_mem>> -> memref<1x!tpu.dma_semaphore, #tpu.memory_space<semaphore_mem>>
    %dma_wait3A_398 = tpu.memref_squeeze %dma_wait3A_397 : memref<1x!tpu.dma_semaphore, #tpu.memory_space<semaphore_mem>> -> memref<!tpu.dma_semaphore, #tpu.memory_space<semaphore_mem>>
    %dma_wait3A_399 = arith.constant 0 : i32
    %dma_wait3A_400 = arith.constant 0 : i32
    %dma_wait3A_401 = tpu.memref_slice %arg4[%add3A_302, %dma_wait3A_399, %dma_wait3A_400] : memref<16384x50x32xf32, #tpu.memory_space<hbm>> -> memref<1x50x32xf32, #tpu.memory_space<hbm>>
    %dma_wait3A_402 = tpu.memref_squeeze %dma_wait3A_401 : memref<1x50x32xf32, #tpu.memory_space<hbm>> -> memref<50x32xf32, #tpu.memory_space<hbm>>
    %dma_wait3A_403 = arith.constant 0 : i32
    %dma_wait3A_404 = arith.constant 0 : i32
    %dma_wait3A_405 = tpu.memref_slice %arg6[%dma_wait3A_384, %dma_wait3A_403, %dma_wait3A_404] : memref<2x800x32xf32, #tpu.memory_space<vmem>> -> memref<1x800x32xf32, #tpu.memory_space<vmem>>
    %dma_wait3A_406 = tpu.memref_squeeze %dma_wait3A_405 : memref<1x800x32xf32, #tpu.memory_space<vmem>> -> memref<800x32xf32, #tpu.memory_space<vmem>>
    %dma_wait3A_407 = arith.constant 50 : i32
    %dma_wait3A_408 = arith.constant 0 : i32
    %dma_wait3A_409 = tpu.memref_slice %dma_wait3A_406[%dma_wait3A_407, %dma_wait3A_408] : memref<800x32xf32, #tpu.memory_space<vmem>> -> memref<50x32xf32, #tpu.memory_space<vmem>>
    tpu.wait_dma2 semaphore(%dma_wait3A_398 : memref<!tpu.dma_semaphore, #tpu.memory_space<semaphore_mem>>) src(%dma_wait3A_409 : memref<50x32xf32, #tpu.memory_space<vmem>>) dst(%dma_wait3A_402 : memref<50x32xf32, #tpu.memory_space<hbm>>)
    %dma_wait3A_410 = arith.constant 1 : i32
    %dma_wait3A_411 = arith.constant 1 : i32
    %dma_wait3A_412 = arith.constant 0 : i32
    %dma_wait3A_413 = arith.constant 0 : i32
    %dma_wait3A_414 = tpu.memref_slice %arg6[%dma_wait3A_410, %dma_wait3A_412, %dma_wait3A_413] : memref<2x800x32xf32, #tpu.memory_space<vmem>> -> memref<1x800x32xf32, #tpu.memory_space<vmem>>
    %dma_wait3A_415 = tpu.memref_squeeze %dma_wait3A_414 : memref<1x800x32xf32, #tpu.memory_space<vmem>> -> memref<800x32xf32, #tpu.memory_space<vmem>>
    %dma_wait3A_416 = arith.constant 100 : i32
    %dma_wait3A_417 = arith.constant 0 : i32
    %dma_wait3A_418 = tpu.memref_slice %dma_wait3A_415[%dma_wait3A_416, %dma_wait3A_417] : memref<800x32xf32, #tpu.memory_space<vmem>> -> memref<50x32xf32, #tpu.memory_space<vmem>>
    %dma_wait3A_419 = arith.constant 0 : i32
    %dma_wait3A_420 = arith.constant 0 : i32
    %dma_wait3A_421 = tpu.memref_slice %arg4[%add3A_306, %dma_wait3A_419, %dma_wait3A_420] : memref<16384x50x32xf32, #tpu.memory_space<hbm>> -> memref<1x50x32xf32, #tpu.memory_space<hbm>>
    %dma_wait3A_422 = tpu.memref_squeeze %dma_wait3A_421 : memref<1x50x32xf32, #tpu.memory_space<hbm>> -> memref<50x32xf32, #tpu.memory_space<hbm>>
    %dma_wait3A_423 = tpu.memref_slice %arg8[%dma_wait3A_411] : memref<2x!tpu.dma_semaphore, #tpu.memory_space<semaphore_mem>> -> memref<1x!tpu.dma_semaphore, #tpu.memory_space<semaphore_mem>>
    %dma_wait3A_424 = tpu.memref_squeeze %dma_wait3A_423 : memref<1x!tpu.dma_semaphore, #tpu.memory_space<semaphore_mem>> -> memref<!tpu.dma_semaphore, #tpu.memory_space<semaphore_mem>>
    %dma_wait3A_425 = arith.constant 0 : i32
    %dma_wait3A_426 = arith.constant 0 : i32
    %dma_wait3A_427 = tpu.memref_slice %arg4[%add3A_306, %dma_wait3A_425, %dma_wait3A_426] : memref<16384x50x32xf32, #tpu.memory_space<hbm>> -> memref<1x50x32xf32, #tpu.memory_space<hbm>>
    %dma_wait3A_428 = tpu.memref_squeeze %dma_wait3A_427 : memref<1x50x32xf32, #tpu.memory_space<hbm>> -> memref<50x32xf32, #tpu.memory_space<hbm>>
    %dma_wait3A_429 = arith.constant 0 : i32
    %dma_wait3A_430 = arith.constant 0 : i32
    %dma_wait3A_431 = tpu.memref_slice %arg6[%dma_wait3A_410, %dma_wait3A_429, %dma_wait3A_430] : memref<2x800x32xf32, #tpu.memory_space<vmem>> -> memref<1x800x32xf32, #tpu.memory_space<vmem>>
    %dma_wait3A_432 = tpu.memref_squeeze %dma_wait3A_431 : memref<1x800x32xf32, #tpu.memory_space<vmem>> -> memref<800x32xf32, #tpu.memory_space<vmem>>
    %dma_wait3A_433 = arith.constant 100 : i32
    %dma_wait3A_434 = arith.constant 0 : i32
    %dma_wait3A_435 = tpu.memref_slice %dma_wait3A_432[%dma_wait3A_433, %dma_wait3A_434] : memref<800x32xf32, #tpu.memory_space<vmem>> -> memref<50x32xf32, #tpu.memory_space<vmem>>
    tpu.wait_dma2 semaphore(%dma_wait3A_424 : memref<!tpu.dma_semaphore, #tpu.memory_space<semaphore_mem>>) src(%dma_wait3A_435 : memref<50x32xf32, #tpu.memory_space<vmem>>) dst(%dma_wait3A_428 : memref<50x32xf32, #tpu.memory_space<hbm>>)
    %dma_wait3A_436 = arith.constant 1 : i32
    %dma_wait3A_437 = arith.constant 1 : i32
    %dma_wait3A_438 = arith.constant 0 : i32
    %dma_wait3A_439 = arith.constant 0 : i32
    %dma_wait3A_440 = tpu.memref_slice %arg6[%dma_wait3A_436, %dma_wait3A_438, %dma_wait3A_439] : memref<2x800x32xf32, #tpu.memory_space<vmem>> -> memref<1x800x32xf32, #tpu.memory_space<vmem>>
    %dma_wait3A_441 = tpu.memref_squeeze %dma_wait3A_440 : memref<1x800x32xf32, #tpu.memory_space<vmem>> -> memref<800x32xf32, #tpu.memory_space<vmem>>
    %dma_wait3A_442 = arith.constant 150 : i32
    %dma_wait3A_443 = arith.constant 0 : i32
    %dma_wait3A_444 = tpu.memref_slice %dma_wait3A_441[%dma_wait3A_442, %dma_wait3A_443] : memref<800x32xf32, #tpu.memory_space<vmem>> -> memref<50x32xf32, #tpu.memory_space<vmem>>
    %dma_wait3A_445 = arith.constant 0 : i32
    %dma_wait3A_446 = arith.constant 0 : i32
    %dma_wait3A_447 = tpu.memref_slice %arg4[%add3A_310, %dma_wait3A_445, %dma_wait3A_446] : memref<16384x50x32xf32, #tpu.memory_space<hbm>> -> memref<1x50x32xf32, #tpu.memory_space<hbm>>
    %dma_wait3A_448 = tpu.memref_squeeze %dma_wait3A_447 : memref<1x50x32xf32, #tpu.memory_space<hbm>> -> memref<50x32xf32, #tpu.memory_space<hbm>>
    %dma_wait3A_449 = tpu.memref_slice %arg8[%dma_wait3A_437] : memref<2x!tpu.dma_semaphore, #tpu.memory_space<semaphore_mem>> -> memref<1x!tpu.dma_semaphore, #tpu.memory_space<semaphore_mem>>
    %dma_wait3A_450 = tpu.memref_squeeze %dma_wait3A_449 : memref<1x!tpu.dma_semaphore, #tpu.memory_space<semaphore_mem>> -> memref<!tpu.dma_semaphore, #tpu.memory_space<semaphore_mem>>
    %dma_wait3A_451 = arith.constant 0 : i32
    %dma_wait3A_452 = arith.constant 0 : i32
    %dma_wait3A_453 = tpu.memref_slice %arg4[%add3A_310, %dma_wait3A_451, %dma_wait3A_452] : memref<16384x50x32xf32, #tpu.memory_space<hbm>> -> memref<1x50x32xf32, #tpu.memory_space<hbm>>
    %dma_wait3A_454 = tpu.memref_squeeze %dma_wait3A_453 : memref<1x50x32xf32, #tpu.memory_space<hbm>> -> memref<50x32xf32, #tpu.memory_space<hbm>>
    %dma_wait3A_455 = arith.constant 0 : i32
    %dma_wait3A_456 = arith.constant 0 : i32
    %dma_wait3A_457 = tpu.memref_slice %arg6[%dma_wait3A_436, %dma_wait3A_455, %dma_wait3A_456] : memref<2x800x32xf32, #tpu.memory_space<vmem>> -> memref<1x800x32xf32, #tpu.memory_space<vmem>>
    %dma_wait3A_458 = tpu.memref_squeeze %dma_wait3A_457 : memref<1x800x32xf32, #tpu.memory_space<vmem>> -> memref<800x32xf32, #tpu.memory_space<vmem>>
    %dma_wait3A_459 = arith.constant 150 : i32
    %dma_wait3A_460 = arith.constant 0 : i32
    %dma_wait3A_461 = tpu.memref_slice %dma_wait3A_458[%dma_wait3A_459, %dma_wait3A_460] : memref<800x32xf32, #tpu.memory_space<vmem>> -> memref<50x32xf32, #tpu.memory_space<vmem>>
    tpu.wait_dma2 semaphore(%dma_wait3A_450 : memref<!tpu.dma_semaphore, #tpu.memory_space<semaphore_mem>>) src(%dma_wait3A_461 : memref<50x32xf32, #tpu.memory_space<vmem>>) dst(%dma_wait3A_454 : memref<50x32xf32, #tpu.memory_space<hbm>>)
    %dma_wait3A_462 = arith.constant 1 : i32
    %dma_wait3A_463 = arith.constant 1 : i32
    %dma_wait3A_464 = arith.constant 0 : i32
    %dma_wait3A_465 = arith.constant 0 : i32
    %dma_wait3A_466 = tpu.memref_slice %arg6[%dma_wait3A_462, %dma_wait3A_464, %dma_wait3A_465] : memref<2x800x32xf32, #tpu.memory_space<vmem>> -> memref<1x800x32xf32, #tpu.memory_space<vmem>>
    %dma_wait3A_467 = tpu.memref_squeeze %dma_wait3A_466 : memref<1x800x32xf32, #tpu.memory_space<vmem>> -> memref<800x32xf32, #tpu.memory_space<vmem>>
    %dma_wait3A_468 = arith.constant 200 : i32
    %dma_wait3A_469 = arith.constant 0 : i32
    %dma_wait3A_470 = tpu.memref_slice %dma_wait3A_467[%dma_wait3A_468, %dma_wait3A_469] : memref<800x32xf32, #tpu.memory_space<vmem>> -> memref<50x32xf32, #tpu.memory_space<vmem>>
    %dma_wait3A_471 = arith.constant 0 : i32
    %dma_wait3A_472 = arith.constant 0 : i32
    %dma_wait3A_473 = tpu.memref_slice %arg4[%add3A_314, %dma_wait3A_471, %dma_wait3A_472] : memref<16384x50x32xf32, #tpu.memory_space<hbm>> -> memref<1x50x32xf32, #tpu.memory_space<hbm>>
    %dma_wait3A_474 = tpu.memref_squeeze %dma_wait3A_473 : memref<1x50x32xf32, #tpu.memory_space<hbm>> -> memref<50x32xf32, #tpu.memory_space<hbm>>
    %dma_wait3A_475 = tpu.memref_slice %arg8[%dma_wait3A_463] : memref<2x!tpu.dma_semaphore, #tpu.memory_space<semaphore_mem>> -> memref<1x!tpu.dma_semaphore, #tpu.memory_space<semaphore_mem>>
    %dma_wait3A_476 = tpu.memref_squeeze %dma_wait3A_475 : memref<1x!tpu.dma_semaphore, #tpu.memory_space<semaphore_mem>> -> memref<!tpu.dma_semaphore, #tpu.memory_space<semaphore_mem>>
    %dma_wait3A_477 = arith.constant 0 : i32
    %dma_wait3A_478 = arith.constant 0 : i32
    %dma_wait3A_479 = tpu.memref_slice %arg4[%add3A_314, %dma_wait3A_477, %dma_wait3A_478] : memref<16384x50x32xf32, #tpu.memory_space<hbm>> -> memref<1x50x32xf32, #tpu.memory_space<hbm>>
    %dma_wait3A_480 = tpu.memref_squeeze %dma_wait3A_479 : memref<1x50x32xf32, #tpu.memory_space<hbm>> -> memref<50x32xf32, #tpu.memory_space<hbm>>
    %dma_wait3A_481 = arith.constant 0 : i32
    %dma_wait3A_482 = arith.constant 0 : i32
    %dma_wait3A_483 = tpu.memref_slice %arg6[%dma_wait3A_462, %dma_wait3A_481, %dma_wait3A_482] : memref<2x800x32xf32, #tpu.memory_space<vmem>> -> memref<1x800x32xf32, #tpu.memory_space<vmem>>
    %dma_wait3A_484 = tpu.memref_squeeze %dma_wait3A_483 : memref<1x800x32xf32, #tpu.memory_space<vmem>> -> memref<800x32xf32, #tpu.memory_space<vmem>>
    %dma_wait3A_485 = arith.constant 200 : i32
    %dma_wait3A_486 = arith.constant 0 : i32
    %dma_wait3A_487 = tpu.memref_slice %dma_wait3A_484[%dma_wait3A_485, %dma_wait3A_486] : memref<800x32xf32, #tpu.memory_space<vmem>> -> memref<50x32xf32, #tpu.memory_space<vmem>>
    tpu.wait_dma2 semaphore(%dma_wait3A_476 : memref<!tpu.dma_semaphore, #tpu.memory_space<semaphore_mem>>) src(%dma_wait3A_487 : memref<50x32xf32, #tpu.memory_space<vmem>>) dst(%dma_wait3A_480 : memref<50x32xf32, #tpu.memory_space<hbm>>)
    %dma_wait3A_488 = arith.constant 1 : i32
    %dma_wait3A_489 = arith.constant 1 : i32
    %dma_wait3A_490 = arith.constant 0 : i32
    %dma_wait3A_491 = arith.constant 0 : i32
    %dma_wait3A_492 = tpu.memref_slice %arg6[%dma_wait3A_488, %dma_wait3A_490, %dma_wait3A_491] : memref<2x800x32xf32, #tpu.memory_space<vmem>> -> memref<1x800x32xf32, #tpu.memory_space<vmem>>
    %dma_wait3A_493 = tpu.memref_squeeze %dma_wait3A_492 : memref<1x800x32xf32, #tpu.memory_space<vmem>> -> memref<800x32xf32, #tpu.memory_space<vmem>>
    %dma_wait3A_494 = arith.constant 250 : i32
    %dma_wait3A_495 = arith.constant 0 : i32
    %dma_wait3A_496 = tpu.memref_slice %dma_wait3A_493[%dma_wait3A_494, %dma_wait3A_495] : memref<800x32xf32, #tpu.memory_space<vmem>> -> memref<50x32xf32, #tpu.memory_space<vmem>>
    %dma_wait3A_497 = arith.constant 0 : i32
    %dma_wait3A_498 = arith.constant 0 : i32
    %dma_wait3A_499 = tpu.memref_slice %arg4[%add3A_318, %dma_wait3A_497, %dma_wait3A_498] : memref<16384x50x32xf32, #tpu.memory_space<hbm>> -> memref<1x50x32xf32, #tpu.memory_space<hbm>>
    %dma_wait3A_500 = tpu.memref_squeeze %dma_wait3A_499 : memref<1x50x32xf32, #tpu.memory_space<hbm>> -> memref<50x32xf32, #tpu.memory_space<hbm>>
    %dma_wait3A_501 = tpu.memref_slice %arg8[%dma_wait3A_489] : memref<2x!tpu.dma_semaphore, #tpu.memory_space<semaphore_mem>> -> memref<1x!tpu.dma_semaphore, #tpu.memory_space<semaphore_mem>>
    %dma_wait3A_502 = tpu.memref_squeeze %dma_wait3A_501 : memref<1x!tpu.dma_semaphore, #tpu.memory_space<semaphore_mem>> -> memref<!tpu.dma_semaphore, #tpu.memory_space<semaphore_mem>>
    %dma_wait3A_503 = arith.constant 0 : i32
    %dma_wait3A_504 = arith.constant 0 : i32
    %dma_wait3A_505 = tpu.memref_slice %arg4[%add3A_318, %dma_wait3A_503, %dma_wait3A_504] : memref<16384x50x32xf32, #tpu.memory_space<hbm>> -> memref<1x50x32xf32, #tpu.memory_space<hbm>>
    %dma_wait3A_506 = tpu.memref_squeeze %dma_wait3A_505 : memref<1x50x32xf32, #tpu.memory_space<hbm>> -> memref<50x32xf32, #tpu.memory_space<hbm>>
    %dma_wait3A_507 = arith.constant 0 : i32
    %dma_wait3A_508 = arith.constant 0 : i32
    %dma_wait3A_509 = tpu.memref_slice %arg6[%dma_wait3A_488, %dma_wait3A_507, %dma_wait3A_508] : memref<2x800x32xf32, #tpu.memory_space<vmem>> -> memref<1x800x32xf32, #tpu.memory_space<vmem>>
    %dma_wait3A_510 = tpu.memref_squeeze %dma_wait3A_509 : memref<1x800x32xf32, #tpu.memory_space<vmem>> -> memref<800x32xf32, #tpu.memory_space<vmem>>
    %dma_wait3A_511 = arith.constant 250 : i32
    %dma_wait3A_512 = arith.constant 0 : i32
    %dma_wait3A_513 = tpu.memref_slice %dma_wait3A_510[%dma_wait3A_511, %dma_wait3A_512] : memref<800x32xf32, #tpu.memory_space<vmem>> -> memref<50x32xf32, #tpu.memory_space<vmem>>
    tpu.wait_dma2 semaphore(%dma_wait3A_502 : memref<!tpu.dma_semaphore, #tpu.memory_space<semaphore_mem>>) src(%dma_wait3A_513 : memref<50x32xf32, #tpu.memory_space<vmem>>) dst(%dma_wait3A_506 : memref<50x32xf32, #tpu.memory_space<hbm>>)
    %dma_wait3A_514 = arith.constant 1 : i32
    %dma_wait3A_515 = arith.constant 1 : i32
    %dma_wait3A_516 = arith.constant 0 : i32
    %dma_wait3A_517 = arith.constant 0 : i32
    %dma_wait3A_518 = tpu.memref_slice %arg6[%dma_wait3A_514, %dma_wait3A_516, %dma_wait3A_517] : memref<2x800x32xf32, #tpu.memory_space<vmem>> -> memref<1x800x32xf32, #tpu.memory_space<vmem>>
    %dma_wait3A_519 = tpu.memref_squeeze %dma_wait3A_518 : memref<1x800x32xf32, #tpu.memory_space<vmem>> -> memref<800x32xf32, #tpu.memory_space<vmem>>
    %dma_wait3A_520 = arith.constant 300 : i32
    %dma_wait3A_521 = arith.constant 0 : i32
    %dma_wait3A_522 = tpu.memref_slice %dma_wait3A_519[%dma_wait3A_520, %dma_wait3A_521] : memref<800x32xf32, #tpu.memory_space<vmem>> -> memref<50x32xf32, #tpu.memory_space<vmem>>
    %dma_wait3A_523 = arith.constant 0 : i32
    %dma_wait3A_524 = arith.constant 0 : i32
    %dma_wait3A_525 = tpu.memref_slice %arg4[%add3A_322, %dma_wait3A_523, %dma_wait3A_524] : memref<16384x50x32xf32, #tpu.memory_space<hbm>> -> memref<1x50x32xf32, #tpu.memory_space<hbm>>
    %dma_wait3A_526 = tpu.memref_squeeze %dma_wait3A_525 : memref<1x50x32xf32, #tpu.memory_space<hbm>> -> memref<50x32xf32, #tpu.memory_space<hbm>>
    %dma_wait3A_527 = tpu.memref_slice %arg8[%dma_wait3A_515] : memref<2x!tpu.dma_semaphore, #tpu.memory_space<semaphore_mem>> -> memref<1x!tpu.dma_semaphore, #tpu.memory_space<semaphore_mem>>
    %dma_wait3A_528 = tpu.memref_squeeze %dma_wait3A_527 : memref<1x!tpu.dma_semaphore, #tpu.memory_space<semaphore_mem>> -> memref<!tpu.dma_semaphore, #tpu.memory_space<semaphore_mem>>
    %dma_wait3A_529 = arith.constant 0 : i32
    %dma_wait3A_530 = arith.constant 0 : i32
    %dma_wait3A_531 = tpu.memref_slice %arg4[%add3A_322, %dma_wait3A_529, %dma_wait3A_530] : memref<16384x50x32xf32, #tpu.memory_space<hbm>> -> memref<1x50x32xf32, #tpu.memory_space<hbm>>
    %dma_wait3A_532 = tpu.memref_squeeze %dma_wait3A_531 : memref<1x50x32xf32, #tpu.memory_space<hbm>> -> memref<50x32xf32, #tpu.memory_space<hbm>>
    %dma_wait3A_533 = arith.constant 0 : i32
    %dma_wait3A_534 = arith.constant 0 : i32
    %dma_wait3A_535 = tpu.memref_slice %arg6[%dma_wait3A_514, %dma_wait3A_533, %dma_wait3A_534] : memref<2x800x32xf32, #tpu.memory_space<vmem>> -> memref<1x800x32xf32, #tpu.memory_space<vmem>>
    %dma_wait3A_536 = tpu.memref_squeeze %dma_wait3A_535 : memref<1x800x32xf32, #tpu.memory_space<vmem>> -> memref<800x32xf32, #tpu.memory_space<vmem>>
    %dma_wait3A_537 = arith.constant 300 : i32
    %dma_wait3A_538 = arith.constant 0 : i32
    %dma_wait3A_539 = tpu.memref_slice %dma_wait3A_536[%dma_wait3A_537, %dma_wait3A_538] : memref<800x32xf32, #tpu.memory_space<vmem>> -> memref<50x32xf32, #tpu.memory_space<vmem>>
    tpu.wait_dma2 semaphore(%dma_wait3A_528 : memref<!tpu.dma_semaphore, #tpu.memory_space<semaphore_mem>>) src(%dma_wait3A_539 : memref<50x32xf32, #tpu.memory_space<vmem>>) dst(%dma_wait3A_532 : memref<50x32xf32, #tpu.memory_space<hbm>>)
    %dma_wait3A_540 = arith.constant 1 : i32
    %dma_wait3A_541 = arith.constant 1 : i32
    %dma_wait3A_542 = arith.constant 0 : i32
    %dma_wait3A_543 = arith.constant 0 : i32
    %dma_wait3A_544 = tpu.memref_slice %arg6[%dma_wait3A_540, %dma_wait3A_542, %dma_wait3A_543] : memref<2x800x32xf32, #tpu.memory_space<vmem>> -> memref<1x800x32xf32, #tpu.memory_space<vmem>>
    %dma_wait3A_545 = tpu.memref_squeeze %dma_wait3A_544 : memref<1x800x32xf32, #tpu.memory_space<vmem>> -> memref<800x32xf32, #tpu.memory_space<vmem>>
    %dma_wait3A_546 = arith.constant 350 : i32
    %dma_wait3A_547 = arith.constant 0 : i32
    %dma_wait3A_548 = tpu.memref_slice %dma_wait3A_545[%dma_wait3A_546, %dma_wait3A_547] : memref<800x32xf32, #tpu.memory_space<vmem>> -> memref<50x32xf32, #tpu.memory_space<vmem>>
    %dma_wait3A_549 = arith.constant 0 : i32
    %dma_wait3A_550 = arith.constant 0 : i32
    %dma_wait3A_551 = tpu.memref_slice %arg4[%add3A_326, %dma_wait3A_549, %dma_wait3A_550] : memref<16384x50x32xf32, #tpu.memory_space<hbm>> -> memref<1x50x32xf32, #tpu.memory_space<hbm>>
    %dma_wait3A_552 = tpu.memref_squeeze %dma_wait3A_551 : memref<1x50x32xf32, #tpu.memory_space<hbm>> -> memref<50x32xf32, #tpu.memory_space<hbm>>
    %dma_wait3A_553 = tpu.memref_slice %arg8[%dma_wait3A_541] : memref<2x!tpu.dma_semaphore, #tpu.memory_space<semaphore_mem>> -> memref<1x!tpu.dma_semaphore, #tpu.memory_space<semaphore_mem>>
    %dma_wait3A_554 = tpu.memref_squeeze %dma_wait3A_553 : memref<1x!tpu.dma_semaphore, #tpu.memory_space<semaphore_mem>> -> memref<!tpu.dma_semaphore, #tpu.memory_space<semaphore_mem>>
    %dma_wait3A_555 = arith.constant 0 : i32
    %dma_wait3A_556 = arith.constant 0 : i32
    %dma_wait3A_557 = tpu.memref_slice %arg4[%add3A_326, %dma_wait3A_555, %dma_wait3A_556] : memref<16384x50x32xf32, #tpu.memory_space<hbm>> -> memref<1x50x32xf32, #tpu.memory_space<hbm>>
    %dma_wait3A_558 = tpu.memref_squeeze %dma_wait3A_557 : memref<1x50x32xf32, #tpu.memory_space<hbm>> -> memref<50x32xf32, #tpu.memory_space<hbm>>
    %dma_wait3A_559 = arith.constant 0 : i32
    %dma_wait3A_560 = arith.constant 0 : i32
    %dma_wait3A_561 = tpu.memref_slice %arg6[%dma_wait3A_540, %dma_wait3A_559, %dma_wait3A_560] : memref<2x800x32xf32, #tpu.memory_space<vmem>> -> memref<1x800x32xf32, #tpu.memory_space<vmem>>
    %dma_wait3A_562 = tpu.memref_squeeze %dma_wait3A_561 : memref<1x800x32xf32, #tpu.memory_space<vmem>> -> memref<800x32xf32, #tpu.memory_space<vmem>>
    %dma_wait3A_563 = arith.constant 350 : i32
    %dma_wait3A_564 = arith.constant 0 : i32
    %dma_wait3A_565 = tpu.memref_slice %dma_wait3A_562[%dma_wait3A_563, %dma_wait3A_564] : memref<800x32xf32, #tpu.memory_space<vmem>> -> memref<50x32xf32, #tpu.memory_space<vmem>>
    tpu.wait_dma2 semaphore(%dma_wait3A_554 : memref<!tpu.dma_semaphore, #tpu.memory_space<semaphore_mem>>) src(%dma_wait3A_565 : memref<50x32xf32, #tpu.memory_space<vmem>>) dst(%dma_wait3A_558 : memref<50x32xf32, #tpu.memory_space<hbm>>)
    %dma_wait3A_566 = arith.constant 1 : i32
    %dma_wait3A_567 = arith.constant 1 : i32
    %dma_wait3A_568 = arith.constant 0 : i32
    %dma_wait3A_569 = arith.constant 0 : i32
    %dma_wait3A_570 = tpu.memref_slice %arg6[%dma_wait3A_566, %dma_wait3A_568, %dma_wait3A_569] : memref<2x800x32xf32, #tpu.memory_space<vmem>> -> memref<1x800x32xf32, #tpu.memory_space<vmem>>
    %dma_wait3A_571 = tpu.memref_squeeze %dma_wait3A_570 : memref<1x800x32xf32, #tpu.memory_space<vmem>> -> memref<800x32xf32, #tpu.memory_space<vmem>>
    %dma_wait3A_572 = arith.constant 400 : i32
    %dma_wait3A_573 = arith.constant 0 : i32
    %dma_wait3A_574 = tpu.memref_slice %dma_wait3A_571[%dma_wait3A_572, %dma_wait3A_573] : memref<800x32xf32, #tpu.memory_space<vmem>> -> memref<50x32xf32, #tpu.memory_space<vmem>>
    %dma_wait3A_575 = arith.constant 0 : i32
    %dma_wait3A_576 = arith.constant 0 : i32
    %dma_wait3A_577 = tpu.memref_slice %arg4[%add3A_330, %dma_wait3A_575, %dma_wait3A_576] : memref<16384x50x32xf32, #tpu.memory_space<hbm>> -> memref<1x50x32xf32, #tpu.memory_space<hbm>>
    %dma_wait3A_578 = tpu.memref_squeeze %dma_wait3A_577 : memref<1x50x32xf32, #tpu.memory_space<hbm>> -> memref<50x32xf32, #tpu.memory_space<hbm>>
    %dma_wait3A_579 = tpu.memref_slice %arg8[%dma_wait3A_567] : memref<2x!tpu.dma_semaphore, #tpu.memory_space<semaphore_mem>> -> memref<1x!tpu.dma_semaphore, #tpu.memory_space<semaphore_mem>>
    %dma_wait3A_580 = tpu.memref_squeeze %dma_wait3A_579 : memref<1x!tpu.dma_semaphore, #tpu.memory_space<semaphore_mem>> -> memref<!tpu.dma_semaphore, #tpu.memory_space<semaphore_mem>>
    %dma_wait3A_581 = arith.constant 0 : i32
    %dma_wait3A_582 = arith.constant 0 : i32
    %dma_wait3A_583 = tpu.memref_slice %arg4[%add3A_330, %dma_wait3A_581, %dma_wait3A_582] : memref<16384x50x32xf32, #tpu.memory_space<hbm>> -> memref<1x50x32xf32, #tpu.memory_space<hbm>>
    %dma_wait3A_584 = tpu.memref_squeeze %dma_wait3A_583 : memref<1x50x32xf32, #tpu.memory_space<hbm>> -> memref<50x32xf32, #tpu.memory_space<hbm>>
    %dma_wait3A_585 = arith.constant 0 : i32
    %dma_wait3A_586 = arith.constant 0 : i32
    %dma_wait3A_587 = tpu.memref_slice %arg6[%dma_wait3A_566, %dma_wait3A_585, %dma_wait3A_586] : memref<2x800x32xf32, #tpu.memory_space<vmem>> -> memref<1x800x32xf32, #tpu.memory_space<vmem>>
    %dma_wait3A_588 = tpu.memref_squeeze %dma_wait3A_587 : memref<1x800x32xf32, #tpu.memory_space<vmem>> -> memref<800x32xf32, #tpu.memory_space<vmem>>
    %dma_wait3A_589 = arith.constant 400 : i32
    %dma_wait3A_590 = arith.constant 0 : i32
    %dma_wait3A_591 = tpu.memref_slice %dma_wait3A_588[%dma_wait3A_589, %dma_wait3A_590] : memref<800x32xf32, #tpu.memory_space<vmem>> -> memref<50x32xf32, #tpu.memory_space<vmem>>
    tpu.wait_dma2 semaphore(%dma_wait3A_580 : memref<!tpu.dma_semaphore, #tpu.memory_space<semaphore_mem>>) src(%dma_wait3A_591 : memref<50x32xf32, #tpu.memory_space<vmem>>) dst(%dma_wait3A_584 : memref<50x32xf32, #tpu.memory_space<hbm>>)
    %dma_wait3A_592 = arith.constant 1 : i32
    %dma_wait3A_593 = arith.constant 1 : i32
    %dma_wait3A_594 = arith.constant 0 : i32
    %dma_wait3A_595 = arith.constant 0 : i32
    %dma_wait3A_596 = tpu.memref_slice %arg6[%dma_wait3A_592, %dma_wait3A_594, %dma_wait3A_595] : memref<2x800x32xf32, #tpu.memory_space<vmem>> -> memref<1x800x32xf32, #tpu.memory_space<vmem>>
    %dma_wait3A_597 = tpu.memref_squeeze %dma_wait3A_596 : memref<1x800x32xf32, #tpu.memory_space<vmem>> -> memref<800x32xf32, #tpu.memory_space<vmem>>
    %dma_wait3A_598 = arith.constant 450 : i32
    %dma_wait3A_599 = arith.constant 0 : i32
    %dma_wait3A_600 = tpu.memref_slice %dma_wait3A_597[%dma_wait3A_598, %dma_wait3A_599] : memref<800x32xf32, #tpu.memory_space<vmem>> -> memref<50x32xf32, #tpu.memory_space<vmem>>
    %dma_wait3A_601 = arith.constant 0 : i32
    %dma_wait3A_602 = arith.constant 0 : i32
    %dma_wait3A_603 = tpu.memref_slice %arg4[%add3A_334, %dma_wait3A_601, %dma_wait3A_602] : memref<16384x50x32xf32, #tpu.memory_space<hbm>> -> memref<1x50x32xf32, #tpu.memory_space<hbm>>
    %dma_wait3A_604 = tpu.memref_squeeze %dma_wait3A_603 : memref<1x50x32xf32, #tpu.memory_space<hbm>> -> memref<50x32xf32, #tpu.memory_space<hbm>>
    %dma_wait3A_605 = tpu.memref_slice %arg8[%dma_wait3A_593] : memref<2x!tpu.dma_semaphore, #tpu.memory_space<semaphore_mem>> -> memref<1x!tpu.dma_semaphore, #tpu.memory_space<semaphore_mem>>
    %dma_wait3A_606 = tpu.memref_squeeze %dma_wait3A_605 : memref<1x!tpu.dma_semaphore, #tpu.memory_space<semaphore_mem>> -> memref<!tpu.dma_semaphore, #tpu.memory_space<semaphore_mem>>
    %dma_wait3A_607 = arith.constant 0 : i32
    %dma_wait3A_608 = arith.constant 0 : i32
    %dma_wait3A_609 = tpu.memref_slice %arg4[%add3A_334, %dma_wait3A_607, %dma_wait3A_608] : memref<16384x50x32xf32, #tpu.memory_space<hbm>> -> memref<1x50x32xf32, #tpu.memory_space<hbm>>
    %dma_wait3A_610 = tpu.memref_squeeze %dma_wait3A_609 : memref<1x50x32xf32, #tpu.memory_space<hbm>> -> memref<50x32xf32, #tpu.memory_space<hbm>>
    %dma_wait3A_611 = arith.constant 0 : i32
    %dma_wait3A_612 = arith.constant 0 : i32
    %dma_wait3A_613 = tpu.memref_slice %arg6[%dma_wait3A_592, %dma_wait3A_611, %dma_wait3A_612] : memref<2x800x32xf32, #tpu.memory_space<vmem>> -> memref<1x800x32xf32, #tpu.memory_space<vmem>>
    %dma_wait3A_614 = tpu.memref_squeeze %dma_wait3A_613 : memref<1x800x32xf32, #tpu.memory_space<vmem>> -> memref<800x32xf32, #tpu.memory_space<vmem>>
    %dma_wait3A_615 = arith.constant 450 : i32
    %dma_wait3A_616 = arith.constant 0 : i32
    %dma_wait3A_617 = tpu.memref_slice %dma_wait3A_614[%dma_wait3A_615, %dma_wait3A_616] : memref<800x32xf32, #tpu.memory_space<vmem>> -> memref<50x32xf32, #tpu.memory_space<vmem>>
    tpu.wait_dma2 semaphore(%dma_wait3A_606 : memref<!tpu.dma_semaphore, #tpu.memory_space<semaphore_mem>>) src(%dma_wait3A_617 : memref<50x32xf32, #tpu.memory_space<vmem>>) dst(%dma_wait3A_610 : memref<50x32xf32, #tpu.memory_space<hbm>>)
    %dma_wait3A_618 = arith.constant 1 : i32
    %dma_wait3A_619 = arith.constant 1 : i32
    %dma_wait3A_620 = arith.constant 0 : i32
    %dma_wait3A_621 = arith.constant 0 : i32
    %dma_wait3A_622 = tpu.memref_slice %arg6[%dma_wait3A_618, %dma_wait3A_620, %dma_wait3A_621] : memref<2x800x32xf32, #tpu.memory_space<vmem>> -> memref<1x800x32xf32, #tpu.memory_space<vmem>>
    %dma_wait3A_623 = tpu.memref_squeeze %dma_wait3A_622 : memref<1x800x32xf32, #tpu.memory_space<vmem>> -> memref<800x32xf32, #tpu.memory_space<vmem>>
    %dma_wait3A_624 = arith.constant 500 : i32
    %dma_wait3A_625 = arith.constant 0 : i32
    %dma_wait3A_626 = tpu.memref_slice %dma_wait3A_623[%dma_wait3A_624, %dma_wait3A_625] : memref<800x32xf32, #tpu.memory_space<vmem>> -> memref<50x32xf32, #tpu.memory_space<vmem>>
    %dma_wait3A_627 = arith.constant 0 : i32
    %dma_wait3A_628 = arith.constant 0 : i32
    %dma_wait3A_629 = tpu.memref_slice %arg4[%add3A_338, %dma_wait3A_627, %dma_wait3A_628] : memref<16384x50x32xf32, #tpu.memory_space<hbm>> -> memref<1x50x32xf32, #tpu.memory_space<hbm>>
    %dma_wait3A_630 = tpu.memref_squeeze %dma_wait3A_629 : memref<1x50x32xf32, #tpu.memory_space<hbm>> -> memref<50x32xf32, #tpu.memory_space<hbm>>
    %dma_wait3A_631 = tpu.memref_slice %arg8[%dma_wait3A_619] : memref<2x!tpu.dma_semaphore, #tpu.memory_space<semaphore_mem>> -> memref<1x!tpu.dma_semaphore, #tpu.memory_space<semaphore_mem>>
    %dma_wait3A_632 = tpu.memref_squeeze %dma_wait3A_631 : memref<1x!tpu.dma_semaphore, #tpu.memory_space<semaphore_mem>> -> memref<!tpu.dma_semaphore, #tpu.memory_space<semaphore_mem>>
    %dma_wait3A_633 = arith.constant 0 : i32
    %dma_wait3A_634 = arith.constant 0 : i32
    %dma_wait3A_635 = tpu.memref_slice %arg4[%add3A_338, %dma_wait3A_633, %dma_wait3A_634] : memref<16384x50x32xf32, #tpu.memory_space<hbm>> -> memref<1x50x32xf32, #tpu.memory_space<hbm>>
    %dma_wait3A_636 = tpu.memref_squeeze %dma_wait3A_635 : memref<1x50x32xf32, #tpu.memory_space<hbm>> -> memref<50x32xf32, #tpu.memory_space<hbm>>
    %dma_wait3A_637 = arith.constant 0 : i32
    %dma_wait3A_638 = arith.constant 0 : i32
    %dma_wait3A_639 = tpu.memref_slice %arg6[%dma_wait3A_618, %dma_wait3A_637, %dma_wait3A_638] : memref<2x800x32xf32, #tpu.memory_space<vmem>> -> memref<1x800x32xf32, #tpu.memory_space<vmem>>
    %dma_wait3A_640 = tpu.memref_squeeze %dma_wait3A_639 : memref<1x800x32xf32, #tpu.memory_space<vmem>> -> memref<800x32xf32, #tpu.memory_space<vmem>>
    %dma_wait3A_641 = arith.constant 500 : i32
    %dma_wait3A_642 = arith.constant 0 : i32
    %dma_wait3A_643 = tpu.memref_slice %dma_wait3A_640[%dma_wait3A_641, %dma_wait3A_642] : memref<800x32xf32, #tpu.memory_space<vmem>> -> memref<50x32xf32, #tpu.memory_space<vmem>>
    tpu.wait_dma2 semaphore(%dma_wait3A_632 : memref<!tpu.dma_semaphore, #tpu.memory_space<semaphore_mem>>) src(%dma_wait3A_643 : memref<50x32xf32, #tpu.memory_space<vmem>>) dst(%dma_wait3A_636 : memref<50x32xf32, #tpu.memory_space<hbm>>)
    %dma_wait3A_644 = arith.constant 1 : i32
    %dma_wait3A_645 = arith.constant 1 : i32
    %dma_wait3A_646 = arith.constant 0 : i32
    %dma_wait3A_647 = arith.constant 0 : i32
    %dma_wait3A_648 = tpu.memref_slice %arg6[%dma_wait3A_644, %dma_wait3A_646, %dma_wait3A_647] : memref<2x800x32xf32, #tpu.memory_space<vmem>> -> memref<1x800x32xf32, #tpu.memory_space<vmem>>
    %dma_wait3A_649 = tpu.memref_squeeze %dma_wait3A_648 : memref<1x800x32xf32, #tpu.memory_space<vmem>> -> memref<800x32xf32, #tpu.memory_space<vmem>>
    %dma_wait3A_650 = arith.constant 550 : i32
    %dma_wait3A_651 = arith.constant 0 : i32
    %dma_wait3A_652 = tpu.memref_slice %dma_wait3A_649[%dma_wait3A_650, %dma_wait3A_651] : memref<800x32xf32, #tpu.memory_space<vmem>> -> memref<50x32xf32, #tpu.memory_space<vmem>>
    %dma_wait3A_653 = arith.constant 0 : i32
    %dma_wait3A_654 = arith.constant 0 : i32
    %dma_wait3A_655 = tpu.memref_slice %arg4[%add3A_342, %dma_wait3A_653, %dma_wait3A_654] : memref<16384x50x32xf32, #tpu.memory_space<hbm>> -> memref<1x50x32xf32, #tpu.memory_space<hbm>>
    %dma_wait3A_656 = tpu.memref_squeeze %dma_wait3A_655 : memref<1x50x32xf32, #tpu.memory_space<hbm>> -> memref<50x32xf32, #tpu.memory_space<hbm>>
    %dma_wait3A_657 = tpu.memref_slice %arg8[%dma_wait3A_645] : memref<2x!tpu.dma_semaphore, #tpu.memory_space<semaphore_mem>> -> memref<1x!tpu.dma_semaphore, #tpu.memory_space<semaphore_mem>>
    %dma_wait3A_658 = tpu.memref_squeeze %dma_wait3A_657 : memref<1x!tpu.dma_semaphore, #tpu.memory_space<semaphore_mem>> -> memref<!tpu.dma_semaphore, #tpu.memory_space<semaphore_mem>>
    %dma_wait3A_659 = arith.constant 0 : i32
    %dma_wait3A_660 = arith.constant 0 : i32
    %dma_wait3A_661 = tpu.memref_slice %arg4[%add3A_342, %dma_wait3A_659, %dma_wait3A_660] : memref<16384x50x32xf32, #tpu.memory_space<hbm>> -> memref<1x50x32xf32, #tpu.memory_space<hbm>>
    %dma_wait3A_662 = tpu.memref_squeeze %dma_wait3A_661 : memref<1x50x32xf32, #tpu.memory_space<hbm>> -> memref<50x32xf32, #tpu.memory_space<hbm>>
    %dma_wait3A_663 = arith.constant 0 : i32
    %dma_wait3A_664 = arith.constant 0 : i32
    %dma_wait3A_665 = tpu.memref_slice %arg6[%dma_wait3A_644, %dma_wait3A_663, %dma_wait3A_664] : memref<2x800x32xf32, #tpu.memory_space<vmem>> -> memref<1x800x32xf32, #tpu.memory_space<vmem>>
    %dma_wait3A_666 = tpu.memref_squeeze %dma_wait3A_665 : memref<1x800x32xf32, #tpu.memory_space<vmem>> -> memref<800x32xf32, #tpu.memory_space<vmem>>
    %dma_wait3A_667 = arith.constant 550 : i32
    %dma_wait3A_668 = arith.constant 0 : i32
    %dma_wait3A_669 = tpu.memref_slice %dma_wait3A_666[%dma_wait3A_667, %dma_wait3A_668] : memref<800x32xf32, #tpu.memory_space<vmem>> -> memref<50x32xf32, #tpu.memory_space<vmem>>
    tpu.wait_dma2 semaphore(%dma_wait3A_658 : memref<!tpu.dma_semaphore, #tpu.memory_space<semaphore_mem>>) src(%dma_wait3A_669 : memref<50x32xf32, #tpu.memory_space<vmem>>) dst(%dma_wait3A_662 : memref<50x32xf32, #tpu.memory_space<hbm>>)
    %dma_wait3A_670 = arith.constant 1 : i32
    %dma_wait3A_671 = arith.constant 1 : i32
    %dma_wait3A_672 = arith.constant 0 : i32
    %dma_wait3A_673 = arith.constant 0 : i32
    %dma_wait3A_674 = tpu.memref_slice %arg6[%dma_wait3A_670, %dma_wait3A_672, %dma_wait3A_673] : memref<2x800x32xf32, #tpu.memory_space<vmem>> -> memref<1x800x32xf32, #tpu.memory_space<vmem>>
    %dma_wait3A_675 = tpu.memref_squeeze %dma_wait3A_674 : memref<1x800x32xf32, #tpu.memory_space<vmem>> -> memref<800x32xf32, #tpu.memory_space<vmem>>
    %dma_wait3A_676 = arith.constant 600 : i32
    %dma_wait3A_677 = arith.constant 0 : i32
    %dma_wait3A_678 = tpu.memref_slice %dma_wait3A_675[%dma_wait3A_676, %dma_wait3A_677] : memref<800x32xf32, #tpu.memory_space<vmem>> -> memref<50x32xf32, #tpu.memory_space<vmem>>
    %dma_wait3A_679 = arith.constant 0 : i32
    %dma_wait3A_680 = arith.constant 0 : i32
    %dma_wait3A_681 = tpu.memref_slice %arg4[%add3A_346, %dma_wait3A_679, %dma_wait3A_680] : memref<16384x50x32xf32, #tpu.memory_space<hbm>> -> memref<1x50x32xf32, #tpu.memory_space<hbm>>
    %dma_wait3A_682 = tpu.memref_squeeze %dma_wait3A_681 : memref<1x50x32xf32, #tpu.memory_space<hbm>> -> memref<50x32xf32, #tpu.memory_space<hbm>>
    %dma_wait3A_683 = tpu.memref_slice %arg8[%dma_wait3A_671] : memref<2x!tpu.dma_semaphore, #tpu.memory_space<semaphore_mem>> -> memref<1x!tpu.dma_semaphore, #tpu.memory_space<semaphore_mem>>
    %dma_wait3A_684 = tpu.memref_squeeze %dma_wait3A_683 : memref<1x!tpu.dma_semaphore, #tpu.memory_space<semaphore_mem>> -> memref<!tpu.dma_semaphore, #tpu.memory_space<semaphore_mem>>
    %dma_wait3A_685 = arith.constant 0 : i32
    %dma_wait3A_686 = arith.constant 0 : i32
    %dma_wait3A_687 = tpu.memref_slice %arg4[%add3A_346, %dma_wait3A_685, %dma_wait3A_686] : memref<16384x50x32xf32, #tpu.memory_space<hbm>> -> memref<1x50x32xf32, #tpu.memory_space<hbm>>
    %dma_wait3A_688 = tpu.memref_squeeze %dma_wait3A_687 : memref<1x50x32xf32, #tpu.memory_space<hbm>> -> memref<50x32xf32, #tpu.memory_space<hbm>>
    %dma_wait3A_689 = arith.constant 0 : i32
    %dma_wait3A_690 = arith.constant 0 : i32
    %dma_wait3A_691 = tpu.memref_slice %arg6[%dma_wait3A_670, %dma_wait3A_689, %dma_wait3A_690] : memref<2x800x32xf32, #tpu.memory_space<vmem>> -> memref<1x800x32xf32, #tpu.memory_space<vmem>>
    %dma_wait3A_692 = tpu.memref_squeeze %dma_wait3A_691 : memref<1x800x32xf32, #tpu.memory_space<vmem>> -> memref<800x32xf32, #tpu.memory_space<vmem>>
    %dma_wait3A_693 = arith.constant 600 : i32
    %dma_wait3A_694 = arith.constant 0 : i32
    %dma_wait3A_695 = tpu.memref_slice %dma_wait3A_692[%dma_wait3A_693, %dma_wait3A_694] : memref<800x32xf32, #tpu.memory_space<vmem>> -> memref<50x32xf32, #tpu.memory_space<vmem>>
    tpu.wait_dma2 semaphore(%dma_wait3A_684 : memref<!tpu.dma_semaphore, #tpu.memory_space<semaphore_mem>>) src(%dma_wait3A_695 : memref<50x32xf32, #tpu.memory_space<vmem>>) dst(%dma_wait3A_688 : memref<50x32xf32, #tpu.memory_space<hbm>>)
    %dma_wait3A_696 = arith.constant 1 : i32
    %dma_wait3A_697 = arith.constant 1 : i32
    %dma_wait3A_698 = arith.constant 0 : i32
    %dma_wait3A_699 = arith.constant 0 : i32
    %dma_wait3A_700 = tpu.memref_slice %arg6[%dma_wait3A_696, %dma_wait3A_698, %dma_wait3A_699] : memref<2x800x32xf32, #tpu.memory_space<vmem>> -> memref<1x800x32xf32, #tpu.memory_space<vmem>>
    %dma_wait3A_701 = tpu.memref_squeeze %dma_wait3A_700 : memref<1x800x32xf32, #tpu.memory_space<vmem>> -> memref<800x32xf32, #tpu.memory_space<vmem>>
    %dma_wait3A_702 = arith.constant 650 : i32
    %dma_wait3A_703 = arith.constant 0 : i32
    %dma_wait3A_704 = tpu.memref_slice %dma_wait3A_701[%dma_wait3A_702, %dma_wait3A_703] : memref<800x32xf32, #tpu.memory_space<vmem>> -> memref<50x32xf32, #tpu.memory_space<vmem>>
    %dma_wait3A_705 = arith.constant 0 : i32
    %dma_wait3A_706 = arith.constant 0 : i32
    %dma_wait3A_707 = tpu.memref_slice %arg4[%add3A_350, %dma_wait3A_705, %dma_wait3A_706] : memref<16384x50x32xf32, #tpu.memory_space<hbm>> -> memref<1x50x32xf32, #tpu.memory_space<hbm>>
    %dma_wait3A_708 = tpu.memref_squeeze %dma_wait3A_707 : memref<1x50x32xf32, #tpu.memory_space<hbm>> -> memref<50x32xf32, #tpu.memory_space<hbm>>
    %dma_wait3A_709 = tpu.memref_slice %arg8[%dma_wait3A_697] : memref<2x!tpu.dma_semaphore, #tpu.memory_space<semaphore_mem>> -> memref<1x!tpu.dma_semaphore, #tpu.memory_space<semaphore_mem>>
    %dma_wait3A_710 = tpu.memref_squeeze %dma_wait3A_709 : memref<1x!tpu.dma_semaphore, #tpu.memory_space<semaphore_mem>> -> memref<!tpu.dma_semaphore, #tpu.memory_space<semaphore_mem>>
    %dma_wait3A_711 = arith.constant 0 : i32
    %dma_wait3A_712 = arith.constant 0 : i32
    %dma_wait3A_713 = tpu.memref_slice %arg4[%add3A_350, %dma_wait3A_711, %dma_wait3A_712] : memref<16384x50x32xf32, #tpu.memory_space<hbm>> -> memref<1x50x32xf32, #tpu.memory_space<hbm>>
    %dma_wait3A_714 = tpu.memref_squeeze %dma_wait3A_713 : memref<1x50x32xf32, #tpu.memory_space<hbm>> -> memref<50x32xf32, #tpu.memory_space<hbm>>
    %dma_wait3A_715 = arith.constant 0 : i32
    %dma_wait3A_716 = arith.constant 0 : i32
    %dma_wait3A_717 = tpu.memref_slice %arg6[%dma_wait3A_696, %dma_wait3A_715, %dma_wait3A_716] : memref<2x800x32xf32, #tpu.memory_space<vmem>> -> memref<1x800x32xf32, #tpu.memory_space<vmem>>
    %dma_wait3A_718 = tpu.memref_squeeze %dma_wait3A_717 : memref<1x800x32xf32, #tpu.memory_space<vmem>> -> memref<800x32xf32, #tpu.memory_space<vmem>>
    %dma_wait3A_719 = arith.constant 650 : i32
    %dma_wait3A_720 = arith.constant 0 : i32
    %dma_wait3A_721 = tpu.memref_slice %dma_wait3A_718[%dma_wait3A_719, %dma_wait3A_720] : memref<800x32xf32, #tpu.memory_space<vmem>> -> memref<50x32xf32, #tpu.memory_space<vmem>>
    tpu.wait_dma2 semaphore(%dma_wait3A_710 : memref<!tpu.dma_semaphore, #tpu.memory_space<semaphore_mem>>) src(%dma_wait3A_721 : memref<50x32xf32, #tpu.memory_space<vmem>>) dst(%dma_wait3A_714 : memref<50x32xf32, #tpu.memory_space<hbm>>)
    %dma_wait3A_722 = arith.constant 1 : i32
    %dma_wait3A_723 = arith.constant 1 : i32
    %dma_wait3A_724 = arith.constant 0 : i32
    %dma_wait3A_725 = arith.constant 0 : i32
    %dma_wait3A_726 = tpu.memref_slice %arg6[%dma_wait3A_722, %dma_wait3A_724, %dma_wait3A_725] : memref<2x800x32xf32, #tpu.memory_space<vmem>> -> memref<1x800x32xf32, #tpu.memory_space<vmem>>
    %dma_wait3A_727 = tpu.memref_squeeze %dma_wait3A_726 : memref<1x800x32xf32, #tpu.memory_space<vmem>> -> memref<800x32xf32, #tpu.memory_space<vmem>>
    %dma_wait3A_728 = arith.constant 700 : i32
    %dma_wait3A_729 = arith.constant 0 : i32
    %dma_wait3A_730 = tpu.memref_slice %dma_wait3A_727[%dma_wait3A_728, %dma_wait3A_729] : memref<800x32xf32, #tpu.memory_space<vmem>> -> memref<50x32xf32, #tpu.memory_space<vmem>>
    %dma_wait3A_731 = arith.constant 0 : i32
    %dma_wait3A_732 = arith.constant 0 : i32
    %dma_wait3A_733 = tpu.memref_slice %arg4[%add3A_354, %dma_wait3A_731, %dma_wait3A_732] : memref<16384x50x32xf32, #tpu.memory_space<hbm>> -> memref<1x50x32xf32, #tpu.memory_space<hbm>>
    %dma_wait3A_734 = tpu.memref_squeeze %dma_wait3A_733 : memref<1x50x32xf32, #tpu.memory_space<hbm>> -> memref<50x32xf32, #tpu.memory_space<hbm>>
    %dma_wait3A_735 = tpu.memref_slice %arg8[%dma_wait3A_723] : memref<2x!tpu.dma_semaphore, #tpu.memory_space<semaphore_mem>> -> memref<1x!tpu.dma_semaphore, #tpu.memory_space<semaphore_mem>>
    %dma_wait3A_736 = tpu.memref_squeeze %dma_wait3A_735 : memref<1x!tpu.dma_semaphore, #tpu.memory_space<semaphore_mem>> -> memref<!tpu.dma_semaphore, #tpu.memory_space<semaphore_mem>>
    %dma_wait3A_737 = arith.constant 0 : i32
    %dma_wait3A_738 = arith.constant 0 : i32
    %dma_wait3A_739 = tpu.memref_slice %arg4[%add3A_354, %dma_wait3A_737, %dma_wait3A_738] : memref<16384x50x32xf32, #tpu.memory_space<hbm>> -> memref<1x50x32xf32, #tpu.memory_space<hbm>>
    %dma_wait3A_740 = tpu.memref_squeeze %dma_wait3A_739 : memref<1x50x32xf32, #tpu.memory_space<hbm>> -> memref<50x32xf32, #tpu.memory_space<hbm>>
    %dma_wait3A_741 = arith.constant 0 : i32
    %dma_wait3A_742 = arith.constant 0 : i32
    %dma_wait3A_743 = tpu.memref_slice %arg6[%dma_wait3A_722, %dma_wait3A_741, %dma_wait3A_742] : memref<2x800x32xf32, #tpu.memory_space<vmem>> -> memref<1x800x32xf32, #tpu.memory_space<vmem>>
    %dma_wait3A_744 = tpu.memref_squeeze %dma_wait3A_743 : memref<1x800x32xf32, #tpu.memory_space<vmem>> -> memref<800x32xf32, #tpu.memory_space<vmem>>
    %dma_wait3A_745 = arith.constant 700 : i32
    %dma_wait3A_746 = arith.constant 0 : i32
    %dma_wait3A_747 = tpu.memref_slice %dma_wait3A_744[%dma_wait3A_745, %dma_wait3A_746] : memref<800x32xf32, #tpu.memory_space<vmem>> -> memref<50x32xf32, #tpu.memory_space<vmem>>
    tpu.wait_dma2 semaphore(%dma_wait3A_736 : memref<!tpu.dma_semaphore, #tpu.memory_space<semaphore_mem>>) src(%dma_wait3A_747 : memref<50x32xf32, #tpu.memory_space<vmem>>) dst(%dma_wait3A_740 : memref<50x32xf32, #tpu.memory_space<hbm>>)
    %dma_wait3A_748 = arith.constant 1 : i32
    %dma_wait3A_749 = arith.constant 1 : i32
    %dma_wait3A_750 = arith.constant 0 : i32
    %dma_wait3A_751 = arith.constant 0 : i32
    %dma_wait3A_752 = tpu.memref_slice %arg6[%dma_wait3A_748, %dma_wait3A_750, %dma_wait3A_751] : memref<2x800x32xf32, #tpu.memory_space<vmem>> -> memref<1x800x32xf32, #tpu.memory_space<vmem>>
    %dma_wait3A_753 = tpu.memref_squeeze %dma_wait3A_752 : memref<1x800x32xf32, #tpu.memory_space<vmem>> -> memref<800x32xf32, #tpu.memory_space<vmem>>
    %dma_wait3A_754 = arith.constant 750 : i32
    %dma_wait3A_755 = arith.constant 0 : i32
    %dma_wait3A_756 = tpu.memref_slice %dma_wait3A_753[%dma_wait3A_754, %dma_wait3A_755] : memref<800x32xf32, #tpu.memory_space<vmem>> -> memref<50x32xf32, #tpu.memory_space<vmem>>
    %dma_wait3A_757 = arith.constant 0 : i32
    %dma_wait3A_758 = arith.constant 0 : i32
    %dma_wait3A_759 = tpu.memref_slice %arg4[%add3A_358, %dma_wait3A_757, %dma_wait3A_758] : memref<16384x50x32xf32, #tpu.memory_space<hbm>> -> memref<1x50x32xf32, #tpu.memory_space<hbm>>
    %dma_wait3A_760 = tpu.memref_squeeze %dma_wait3A_759 : memref<1x50x32xf32, #tpu.memory_space<hbm>> -> memref<50x32xf32, #tpu.memory_space<hbm>>
    %dma_wait3A_761 = tpu.memref_slice %arg8[%dma_wait3A_749] : memref<2x!tpu.dma_semaphore, #tpu.memory_space<semaphore_mem>> -> memref<1x!tpu.dma_semaphore, #tpu.memory_space<semaphore_mem>>
    %dma_wait3A_762 = tpu.memref_squeeze %dma_wait3A_761 : memref<1x!tpu.dma_semaphore, #tpu.memory_space<semaphore_mem>> -> memref<!tpu.dma_semaphore, #tpu.memory_space<semaphore_mem>>
    %dma_wait3A_763 = arith.constant 0 : i32
    %dma_wait3A_764 = arith.constant 0 : i32
    %dma_wait3A_765 = tpu.memref_slice %arg4[%add3A_358, %dma_wait3A_763, %dma_wait3A_764] : memref<16384x50x32xf32, #tpu.memory_space<hbm>> -> memref<1x50x32xf32, #tpu.memory_space<hbm>>
    %dma_wait3A_766 = tpu.memref_squeeze %dma_wait3A_765 : memref<1x50x32xf32, #tpu.memory_space<hbm>> -> memref<50x32xf32, #tpu.memory_space<hbm>>
    %dma_wait3A_767 = arith.constant 0 : i32
    %dma_wait3A_768 = arith.constant 0 : i32
    %dma_wait3A_769 = tpu.memref_slice %arg6[%dma_wait3A_748, %dma_wait3A_767, %dma_wait3A_768] : memref<2x800x32xf32, #tpu.memory_space<vmem>> -> memref<1x800x32xf32, #tpu.memory_space<vmem>>
    %dma_wait3A_770 = tpu.memref_squeeze %dma_wait3A_769 : memref<1x800x32xf32, #tpu.memory_space<vmem>> -> memref<800x32xf32, #tpu.memory_space<vmem>>
    %dma_wait3A_771 = arith.constant 750 : i32
    %dma_wait3A_772 = arith.constant 0 : i32
    %dma_wait3A_773 = tpu.memref_slice %dma_wait3A_770[%dma_wait3A_771, %dma_wait3A_772] : memref<800x32xf32, #tpu.memory_space<vmem>> -> memref<50x32xf32, #tpu.memory_space<vmem>>
    tpu.wait_dma2 semaphore(%dma_wait3A_762 : memref<!tpu.dma_semaphore, #tpu.memory_space<semaphore_mem>>) src(%dma_wait3A_773 : memref<50x32xf32, #tpu.memory_space<vmem>>) dst(%dma_wait3A_766 : memref<50x32xf32, #tpu.memory_space<hbm>>)
    return
  }
}

</mosaic_0001>

<sc_bundles>
// kernel: kernel.3.cloned.1.call-start
scs
__scs_entry_jumppad:
0x0: {  	(pc) =	sbr.rel $0x88, $3  }
0x1: {  	(tag) =	ssettag $0x0;
	lr =	simm.s32 $0x1  }
0x2: {  	[smem:$0x3F9F] =	sst lr;
	_ =	strace $0xD0000000  }
0x3: {  	_ = 	snop  }
0x4: {  	_ = 	snop  }
0x5: {  	_ = 	snop  }
0x6: {  	_ = 	snop  }
0x7: {  	_ = 	snop  }
__scs_overlays_trampoline_lowered:
0x8: {  	[smem:$0x3FAE] =	sst s0  }
0x9: {  	[smem:$0x3FAF] =	sst s1  }
0xa: {  	[smem:$0x3FB0] =	sst s2  }
0xb: {  	[smem:$0x3FB1] =	sst s3  }
0xc: {  	[smem:$0x3FB2] =	sst s4  }
0xd: {  	[smem:$0x3FB3] =	sst s5  }
0xe: {  	[smem:$0x3FB4] =	sst s6  }
0xf: {  	[smem:$0x3FB5] =	sst s7  }
0x10: {  	[smem:$0x3FB6] =	sst s8  }
0x11: {  	[smem:$0x3FB7] =	sst s9;
	s0 =	simm.s32 @!p0 $0x0  }
0x12: {  	s1 =	sld [smem:$0x3F9D];
	s0 =	simm.s32 @p0 $0x1  }
0x13: {  	[smem:$0x3FB8] =	sst s0;
	s0 =	simm.s32 @!p1 $0x0  }
0x14: {  	s2 =	sld [smem:$0x3F9C];
	s0 =	simm.s32 @p1 $0x1  }
0x15: {  	[smem:$0x3FB9] =	sst s0;
	s0 =	simm.s32 @!p2 $0x0  }
0x16: {  	s3 =	sld [smem:$0x3FDB];
	s0 =	simm.s32 @p2 $0x1  }
0x17: {  	s4 =	simm.s32 $0x1BF5;
	[smem:$0x3FBB] =	sst s0  }
0x18: {  	s0 =	sld [smem:$0x3F9E];
	_ =	swait.ge [sflag:s4], $0x0  }
0x19: {  	s7 =	sld [smem:$0x3F9F]  }
0x1a: {  	s8 =	sadd.s32 $0xFFFFE003, lr  }
0x1b: {  	s9 =	sadd.s32 $0xFFFFFEF7, lr;
	s5 =	simm.s32 $0xFFFFFFFF;
	p2 =	slt.u32 s8, $0xFFFFF086  }
0x1c: {  	p1 =	slt.u32 s9, $0xF7A;
	s5 =	simm.s32 @!p2 $0x0  }
0x1d: {  	s5 =	simm.s32 @p1 $0x1;
	p0 =	seq.s32 s7, s2  }
0x1e: {  	s7 =	smul.u32 @!p0 $0xF7A, s2;
	p2 =	seq.s32 @!p0 s5, $0x0  }
0x1f: {  	s9 =	smul.u32 $0xF7A, s1;
	s8 =	simm.s32 @!p0 $0x1BF5;
	p2 =	por !p2, p0  }
0x20: {  	[sflag:s8] =	ssyncset.s32 @!p0 $0xFFFFF086;
	s6 =	sadd.s32 @!p0 s3, s7;
	s7 =	simm.s32 @!p0 $0x108  }
0x21: {  	s3 =	sadd.s32 s3, s9;
	s6 =	sadd.s32 @!p0 $0x88, s6;
	s7 =	simm.s32 @p2 $0x1082  }
0x22: {  	[simem:s7], [sflag:s8] =	dma.local @!p0 [hbm:s6], $0xF7A  }
0x23: {  	s9 =	sor.u32 $0xD0000000, s2;
	s6 =	simm.s32 $0x108;
	_ =	swait.ge @!p0 [sflag:s8], $0x0  }
0x24: {  	s3 =	sadd.s32 $0x88, s3;
	s6 =	simm.s32 @!p1 $0x1082;
	[sflag:s4] =	ssyncset.s32 $0xFFFFF086  }
0x25: {  	[simem:s6], [sflag:s4] =	dma.local [hbm:s3], $0xF7A  }
0x26: {  	[smem:$0x3F9F] =	sst s1;
	(tag) =	ssettag s2;
	_ =	strace s9  }
0x27: {  	s1 =	sld [smem:$0x3FAF]  }
0x28: {  	s2 =	sld [smem:$0x3FB0]  }
0x29: {  	s4 =	sld [smem:$0x3FB2]  }
0x2a: {  	p0 =	seq.s32 s5, $0x0;
	s5 =	sld [smem:$0x3FB3]  }
0x2b: {  	s6 =	sld [smem:$0x3FB4]  }
0x2c: {  	s7 =	sld [smem:$0x3FB5]  }
0x2d: {  	s3 =	simm.s32 $0x108;
	s8 =	sld [smem:$0x3FB6]  }
0x2e: {  	s3 =	simm.s32 @!p0 $0x1082;
	s9 =	sld [smem:$0x3FB7]  }
0x2f: {  	lr =	sadd.s32 s0, s3;
	s0 =	sld [smem:$0x3FAE]  }
0x30: {  	s3 =	sld [smem:$0x3FB1]  }
0x31: {  	[smem:$0x3FBA] =	sst s10  }
0x32: {  	s10 =	sld [smem:$0x3FB8];
	_ =	sdelay $0x3  }
0x33: {  	p0 =	seq.s32 s10, $0x1;
	s10 =	sld [smem:$0x3FBA];
	_ =	sdelay $0x3  }
0x34: {  	[smem:$0x3FBA] =	sst s10  }
0x35: {  	s10 =	sld [smem:$0x3FB9];
	_ =	sdelay $0x3  }
0x36: {  	p1 =	seq.s32 s10, $0x1;
	s10 =	sld [smem:$0x3FBA];
	_ =	sdelay $0x3  }
0x37: {  	[smem:$0x3FBA] =	sst s10  }
0x38: {  	s10 =	sld [smem:$0x3FBB]  }
0x39: {  	_ = 	snop;
	(pc) =	sbr.ind lr, $3  }
0x3a: {  	_ = 	snop  }
0x3b: {  	_ = 	snop  }
0x3c: {  	p2 =	seq.s32 s10, $0x1;
	s10 =	sld [smem:$0x3FBA]  }
0x3d: {  	_ =	shalt  }
0x3e: {  	_ =	shalt  }
0x3f: {  	_ =	shalt  }
0x40: {  	_ =	shalt  }
0x41: {  	_ =	shalt  }
0x42: {  	_ =	shalt  }
0x43: {  	_ =	shalt  }
0x44: {  	_ =	shalt  }
0x45: {  	_ =	shalt  }
0x46: {  	_ =	shalt  }
0x47: {  	_ =	shalt  }
0x48: {  	_ =	shalt  }
0x49: {  	_ =	shalt  }
0x4a: {  	_ =	shalt  }
0x4b: {  	_ =	shalt  }
0x4c: {  	_ =	shalt  }
0x4d: {  	_ =	shalt  }
0x4e: {  	_ =	shalt  }
0x4f: {  	_ =	shalt  }
0x50: {  	_ =	shalt  }
0x51: {  	_ =	shalt  }
0x52: {  	_ =	shalt  }
0x53: {  	_ =	shalt  }
0x54: {  	_ =	shalt  }
0x55: {  	_ =	shalt  }
0x56: {  	_ =	shalt  }
0x57: {  	_ =	shalt  }
0x58: {  	_ =	shalt  }
0x59: {  	_ =	shalt  }
0x5a: {  	_ =	shalt  }
0x5b: {  	_ =	shalt  }
0x5c: {  	_ =	shalt  }
0x5d: {  	_ =	shalt  }
0x5e: {  	_ =	shalt  }
0x5f: {  	_ =	shalt  }
0x60: {  	_ =	shalt  }
0x61: {  	_ =	shalt  }
0x62: {  	_ =	shalt  }
0x63: {  	_ =	shalt  }
0x64: {  	_ =	shalt  }
0x65: {  	_ =	shalt  }
0x66: {  	_ =	shalt  }
0x67: {  	_ =	shalt  }
0x68: {  	_ =	shalt  }
0x69: {  	_ =	shalt  }
0x6a: {  	_ =	shalt  }
0x6b: {  	_ =	shalt  }
0x6c: {  	_ =	shalt  }
0x6d: {  	_ =	shalt  }
0x6e: {  	_ =	shalt  }
0x6f: {  	_ =	shalt  }
0x70: {  	_ =	shalt  }
0x71: {  	_ =	shalt  }
0x72: {  	_ =	shalt  }
0x73: {  	_ =	shalt  }
0x74: {  	_ =	shalt  }
0x75: {  	_ =	shalt  }
0x76: {  	_ =	shalt  }
0x77: {  	_ =	shalt  }
0x78: {  	_ =	shalt  }
0x79: {  	_ =	shalt  }
0x7a: {  	_ =	shalt  }
0x7b: {  	_ =	shalt  }
0x7c: {  	_ =	shalt  }
0x7d: {  	_ =	shalt  }
0x7e: {  	_ =	shalt  }
0x7f: {  	_ =	shalt  }
0x80: {  	_ =	shalt  }
0x81: {  	_ =	shalt  }
0x82: {  	_ =	shalt  }
0x83: {  	_ =	shalt  }
0x84: {  	_ =	shalt  }
0x85: {  	_ =	shalt  }
0x86: {  	_ =	shalt  }
0x87: {  	_ =	shalt  }
.Lfunc_end0:
.L_simem_size_0:
called_computation.1_lowered:
.L_overlay_start_0:
0x88: {  	s2 =	sld [smem:$0x3FD9]  }
0x89: {  	s3 =	sld [smem:$0x3FFE];
	_ =	sdelay $0x1  }
0x8a: {  	s1 =	srdreg.scid  }
0x8b: {  	s0 =	sand.u32 $0x1, s1  }
0x8c: {  	s17 =	sshll.u32 s0, $0xA;
	s2 =	sadd.s32 s3, s2  }
0x8d: {  	s2 =	sadd.s32 s2, s17  }
0x8e: {  	[smem:$0x3FC6] =	sst s2  }
0x8f: {  	_ = 	snop  }
0x90: {  	s2 =	sld [smem:$0x3FD0];
	(tm) =	ssettm $0x1  }
0x91: {  	s18 =	sld [smem:$0x3FFB];
	_ =	sdelay $0x3  }
0x92: {  	_ =	strace s18  }
0x93: {  	s3 =	sld [smem:$0x3FFC];
	_ =	sdelay $0x3  }
0x94: {  	_ =	strace s3  }
0x95: {  	s3 =	sld [smem:$0x3FFD];
	_ =	sdelay $0x3  }
0x96: {  	_ =	strace s3  }
0x97: {  	_ =	strace $0x8FFFFFFF  }
0x98: {  	s19 =	sld [smem:$0x3FDB];
	_ =	sdelay $0x1  }
0x99: {  	s4 =	simm.s32 $_scs_section_size  }
0x9a: {  	s5 =	simm.s32 $_size__tile_overlayer_lowered;
	s6 =	simm.s32 $_tile_overlayer_lowered  }
0x9b: {  	s22 =	simm.s32 $0x1BFF;
	s21 =	sshll.u32 s6, $0x1;
	s3 =	sadd.s32 s4, s19  }
0x9c: {  	s7 =	simm.s32 $0x0;
	s20 =	sshll.u32 s5, $0x1;
	s5 =	sadd.s32 s21, s3  }
0x9d: {  	[timem:s7], [sflag:s22] =	dma.local [hbm:s5], s20  }
0x9e: {  	_ =	swait.ge [sflag:s22], s20  }
0x9f: {  	s4 =	ssub.s32 $0x0, s20;
	[sflag:s22] =	ssyncset.done $0x0  }
0xa0: {  	[sflag:s22] =	ssyncadd.s32 s4;
	_ =	sdelay $0x1  }
0xa1: {  	s23 =	simm.s32 $0x1B8B  }
0xa2: {  	_ =	swait.ge [sflag:s23], $0x1  }
0xa3: {  	[sflag:s23] =	ssyncset.done $0x0  }
0xa4: {  	s25 =	simm.s32 $0x1B8E;
	s24 =	sld [smem:$0x3FFE];
	[sflag:s23] =	ssyncadd.s32 $0xFFFFFFFF  }
0xa5: {  	s26 =	simm.s32 $execute0_lowered;
	[smem:$0x3FD2] =	sst s25  }
0xa6: {  	s5 =	sshll.u32 s26, $0x1;
	_ =	strace $0x80000046;
	[dreg:$0x1] =	wrdreg $0xFFFFFFFF  }
0xa7: {  	s28 =	simm.s32 $_size_execute0_lowered;
	s3 =	sadd.s32 s3, s5;
	[dreg:$0x0] =	wrdreg $0x0  }
0xa8: {  	s5 =	sshll.u32 s28, $0x1;
	[dreg:$0x2] =	wrdreg s3  }
0xa9: {  	[dreg:$0x3] =	wrdreg s5  }
0xaa: {  	[dreg:$0x4] =	wrdreg $0xC0  }
0xab: {  	_ =	task [dreg:s7], $0x5FFFF  }
0xac: {  	[dreg:$0x1] =	wrdreg $0xFFFFFFFF  }
0xad: {  	[dreg:$0x0] =	wrdreg $0x60  }
0xae: {  	[dreg:$0x2] =	wrdreg s24  }
0xaf: {  	[dreg:$0x3] =	wrdreg s2  }
0xb0: {  	[dreg:$0x4] =	wrdreg $0x9  }
0xb1: {  	_ =	task.clear_ibuf [dreg:s7], $0x5FFFF;
	_ =	strace $0x90000046  }
0xb2: {  	s29 =	simm.s32 $0x9;
	_ =	strace $0x80000048  }
0xb3: {  	_ =	swait.ge [sflag:s29], $0x1  }
0xb4: {  	[sflag:s29] =	ssyncadd.s32 $0xFFFFFFFF  }
0xb5: {  	_ =	strace $0x90000048  }
0xb6: {  	_ =	sfence  }
0xb7: {  	s30 =	sld [smem:$0x0];
	_ =	sdelay $0x2  }
0xb8: {  	s31 =	sshll.u32 s1, $0xD;
	s1 =	sshrl.u32 s1, $0x2  }
0xb9: {  	s3 =	sand.u32 $0x4000, s31;
	s1 =	sadd.s32 s1, s30  }
0xba: {  	s0 =	sor.u32 s3, s0;
	s1 =	sshll.u32 s1, $0x11  }
0xbb: {  	s0 =	sor.u32 s1, s0  }
0xbc: {  	s0 =	sadd.s32 $0x8F2B, s0  }
0xbd: {  	[sflag:s0] =	ssyncadd.remote.s32 $0x1  }
0xbe: {  	_ =	sfence.sel $0xFFFF  }
0xbf: {  	[dreg:$0x0] =	wrdreg $0xFFFFFFFF;
	(pc) =	sbr.abs _section_cstart, $3  }
0xc0: {  	[dreg:$0x1] =	wrdreg $0xFFFFFFFF  }
0xc1: {  	_ =	task.clear_ibuf [dreg:s7], $0x2FFFF;
	_ =	strace $0x9FFFFFFF  }
0xc2: {  	(tm) =	ssettm $0x7FFFFFFF  }
0xc3: {  	_ =	shalt  }
tec
execute0_lowered:
.L_overlay_start_1:
0x0: {  	(tag) =	ssettag $0x1  }
0x1: {  	s0 =	srdreg.scid  }
0x2: {  	s2 =	stileid.u32;
	s1 =	rddreg [dreg:$0x0]  }
0x3: {  	s8 =	simm.s32 $0x5;
	s9 =	simm.s32 $0x32;
	s29 =	simm.s32 $0xA840  }
0x4: {  	s30 =	simm.s32 $0x230;
	s31 =	simm.s32 $0xAE80;
	s10 =	simm.s32 $0x2A0  }
0x5: {  	s11 =	simm.s32 $0xBB00;
	s12 =	simm.s32 $0x2D8;
	s13 =	simm.s32 $0xC140  }
0x6: {  	s14 =	simm.s32 $0x310;
	s15 =	simm.s32 $0xC780;
	s16 =	simm.s32 $0x348  }
0x7: {  	s17 =	simm.s32 $0xCDC0;
	s18 =	simm.s32 $0x4;
	s0 =	sand.u32 $0x1, s0  }
0x8: {  	s19 =	simm.s32 $0x0;
	s3 =	sshll.u32 s2, $0xA;
	s4 =	sshll.u32 s0, $0x9  }
0x9: {  	s0 =	ssub.s32 $0x2, s0;
	s3 =	sor.u32 s4, s3;
	s4 =	simm.s32 $0x0  }
0xa: {  	s7 =	sshrl.u32 s0, $0x1;
	s5 =	smul.u32 $0x7, s3;
	[smem:$0x7FF] =	sst s4  }
0xb: {  	s2 =	rddreg [dreg:$0x1];
	s0 =	ssub.s32 s0, s7;
	_ =	strace $0x80000047  }
0xc: {  	s7 =	smax.u32 s0, $0x1;
	s0 =	simm.s32 $0xB4C0;
	s6 =	sadd.s32 s5, s1  }
0xd: {  	s5 =	sadd.s32 $0xF42E00, s1;
	s1 =	simm.s32 $0x268;
	s6 =	sadd.s32 $0xA00, s6  }
.LBB2_1:
0xe: {  	[tilespmem:s4], [sflag:$0x5] =	stream.linear.gather [hbm4b:s6+s4], $0x7000, $0x38;
	[tilespmem:$0x13800] =	vst v63  }
0xf: {  	_ =	swait.ge [sflag:s8], $0x7000  }
0x10: {  	[sflag:s8] =	ssyncset.done $0x0  }
0x11: {  	s20 =	simm.s32 $0x7000;
	[sflag:s8] =	ssyncadd.s32 $0xFFFF9000  }
0x12: {  	[tilespmem:s20], [sflag:$0x1] =	stream.indirect.gather [hbm4b:s5+s9], $0x20, s4, s9, $0xb8;
	[tilespmem:$0x13800] =	vst v63  }
0x13: {  	s25 =	simm.s32 $0x38;
	s21 =	simm.s32 $0x7640  }
0x14: {  	[tilespmem:s21], [sflag:$0x1] =	stream.indirect.gather [hbm4b:s5+s9], $0x20, s25, s9, $0xb8;
	[tilespmem:$0x13800] =	vst v63  }
0x15: {  	s26 =	simm.s32 $0x70;
	s28 =	simm.s32 $0x7C80  }
0x16: {  	[tilespmem:s28], [sflag:$0x1] =	stream.indirect.gather [hbm4b:s5+s9], $0x20, s26, s9, $0xb8;
	[tilespmem:$0x13800] =	vst v63  }
0x17: {  	s22 =	simm.s32 $0xA8;
	s23 =	simm.s32 $0x82C0  }
0x18: {  	[tilespmem:s23], [sflag:$0x1] =	stream.indirect.gather [hbm4b:s5+s9], $0x20, s22, s9, $0xb8;
	[tilespmem:$0x13800] =	vst v63  }
0x19: {  	s24 =	simm.s32 $0xE0;
	s25 =	simm.s32 $0x8900  }
0x1a: {  	[tilespmem:s25], [sflag:$0x1] =	stream.indirect.gather [hbm4b:s5+s9], $0x20, s24, s9, $0xb8;
	[tilespmem:$0x13800] =	vst v63  }
0x1b: {  	s26 =	simm.s32 $0x118;
	s28 =	simm.s32 $0x8F40  }
0x1c: {  	[tilespmem:s28], [sflag:$0x1] =	stream.indirect.gather [hbm4b:s5+s9], $0x20, s26, s9, $0xb8;
	[tilespmem:$0x13800] =	vst v63  }
0x1d: {  	s21 =	simm.s32 $0x150;
	s22 =	simm.s32 $0x9580  }
0x1e: {  	[tilespmem:s22], [sflag:$0x1] =	stream.indirect.gather [hbm4b:s5+s9], $0x20, s21, s9, $0xb8;
	[tilespmem:$0x13800] =	vst v63  }
0x1f: {  	s23 =	simm.s32 $0x188;
	s24 =	simm.s32 $0x9BC0  }
0x20: {  	[tilespmem:s24], [sflag:$0x1] =	stream.indirect.gather [hbm4b:s5+s9], $0x20, s23, s9, $0xb8;
	[tilespmem:$0x13800] =	vst v63  }
0x21: {  	s25 =	simm.s32 $0x1C0;
	s26 =	simm.s32 $0xA200  }
0x22: {  	[tilespmem:s26], [sflag:$0x1] =	stream.indirect.gather [hbm4b:s5+s9], $0x20, s25, s9, $0xb8;
	[tilespmem:$0x13800] =	vst v63  }
0x23: {  	s28 =	simm.s32 $0x1F8  }
0x24: {  	[tilespmem:s29], [sflag:$0x1] =	stream.indirect.gather [hbm4b:s5+s9], $0x20, s28, s9, $0xb8;
	[tilespmem:$0x13800] =	vst v63  }
0x25: {  	_ = 	snop  }
0x26: {  	[tilespmem:s31], [sflag:$0x1] =	stream.indirect.gather [hbm4b:s5+s9], $0x20, s30, s9, $0xb8;
	[tilespmem:$0x13800] =	vst v63  }
0x27: {  	_ = 	snop  }
0x28: {  	[tilespmem:s0], [sflag:$0x1] =	stream.indirect.gather [hbm4b:s5+s9], $0x20, s1, s9, $0xb8;
	[tilespmem:$0x13800] =	vst v63  }
0x29: {  	_ = 	snop  }
0x2a: {  	[tilespmem:s11], [sflag:$0x1] =	stream.indirect.gather [hbm4b:s5+s9], $0x20, s10, s9, $0xb8;
	[tilespmem:$0x13800] =	vst v63  }
0x2b: {  	_ = 	snop  }
0x2c: {  	[tilespmem:s13], [sflag:$0x1] =	stream.indirect.gather [hbm4b:s5+s9], $0x20, s12, s9, $0xb8;
	[tilespmem:$0x13800] =	vst v63  }
0x2d: {  	_ = 	snop  }
0x2e: {  	[tilespmem:s15], [sflag:$0x1] =	stream.indirect.gather [hbm4b:s5+s9], $0x20, s14, s9, $0xb8;
	[tilespmem:$0x13800] =	vst v63  }
0x2f: {  	p0 =	por $0x0, $0x0;
	s20 =	simm.s32 $0x0  }
0x30: {  	[tilespmem:s17], [sflag:$0x1] =	stream.indirect.gather [hbm4b:s5+s9], $0x20, s16, s9, $0xb8;
	[tilespmem:$0x13800] =	vst v63  }
.LBB2_2:
0x31: {  	s21 =	sadd.s32 $0x1, s20  }
0x32: {  	p1 =	seq.s32 s20, $0x0;
	s22 =	sand.u32 $0x1, s21  }
0x33: {  	s23 =	sadd.s32 @!p1 $0x3, s22  }
0x34: {  	_ =	swait.ge @!p1 [sflag:s23], $0x640  }
0x35: {  	[sflag:s23] =	ssyncset.done @!p1 $0x0  }
0x36: {  	[sflag:s23] =	ssyncadd.s32 @!p1 $0xFFFFF9C0  }
0x37: {  	_ =	swait.ge @!p1 [sflag:s23], $0x640  }
0x38: {  	[sflag:s23] =	ssyncset.done @!p1 $0x0  }
0x39: {  	[sflag:s23] =	ssyncadd.s32 @!p1 $0xFFFFF9C0  }
0x3a: {  	_ =	swait.ge @!p1 [sflag:s23], $0x640  }
0x3b: {  	[sflag:s23] =	ssyncset.done @!p1 $0x0  }
0x3c: {  	[sflag:s23] =	ssyncadd.s32 @!p1 $0xFFFFF9C0  }
0x3d: {  	_ =	swait.ge @!p1 [sflag:s23], $0x640  }
0x3e: {  	[sflag:s23] =	ssyncset.done @!p1 $0x0  }
0x3f: {  	[sflag:s23] =	ssyncadd.s32 @!p1 $0xFFFFF9C0  }
0x40: {  	_ =	swait.ge @!p1 [sflag:s23], $0x640  }
0x41: {  	[sflag:s23] =	ssyncset.done @!p1 $0x0  }
0x42: {  	[sflag:s23] =	ssyncadd.s32 @!p1 $0xFFFFF9C0  }
0x43: {  	_ =	swait.ge @!p1 [sflag:s23], $0x640  }
0x44: {  	[sflag:s23] =	ssyncset.done @!p1 $0x0  }
0x45: {  	[sflag:s23] =	ssyncadd.s32 @!p1 $0xFFFFF9C0  }
0x46: {  	_ =	swait.ge @!p1 [sflag:s23], $0x640  }
0x47: {  	[sflag:s23] =	ssyncset.done @!p1 $0x0  }
0x48: {  	[sflag:s23] =	ssyncadd.s32 @!p1 $0xFFFFF9C0  }
0x49: {  	_ =	swait.ge @!p1 [sflag:s23], $0x640  }
0x4a: {  	[sflag:s23] =	ssyncset.done @!p1 $0x0  }
0x4b: {  	[sflag:s23] =	ssyncadd.s32 @!p1 $0xFFFFF9C0  }
0x4c: {  	_ =	swait.ge @!p1 [sflag:s23], $0x640  }
0x4d: {  	[sflag:s23] =	ssyncset.done @!p1 $0x0  }
0x4e: {  	[sflag:s23] =	ssyncadd.s32 @!p1 $0xFFFFF9C0  }
0x4f: {  	_ =	swait.ge @!p1 [sflag:s23], $0x640  }
0x50: {  	[sflag:s23] =	ssyncset.done @!p1 $0x0  }
0x51: {  	[sflag:s23] =	ssyncadd.s32 @!p1 $0xFFFFF9C0  }
0x52: {  	_ =	swait.ge @!p1 [sflag:s23], $0x640  }
0x53: {  	[sflag:s23] =	ssyncset.done @!p1 $0x0  }
0x54: {  	[sflag:s23] =	ssyncadd.s32 @!p1 $0xFFFFF9C0  }
0x55: {  	_ =	swait.ge @!p1 [sflag:s23], $0x640  }
0x56: {  	[sflag:s23] =	ssyncset.done @!p1 $0x0  }
0x57: {  	[sflag:s23] =	ssyncadd.s32 @!p1 $0xFFFFF9C0  }
0x58: {  	_ =	swait.ge @!p1 [sflag:s23], $0x640  }
0x59: {  	[sflag:s23] =	ssyncset.done @!p1 $0x0  }
0x5a: {  	[sflag:s23] =	ssyncadd.s32 @!p1 $0xFFFFF9C0  }
0x5b: {  	_ =	swait.ge @!p1 [sflag:s23], $0x640  }
0x5c: {  	[sflag:s23] =	ssyncset.done @!p1 $0x0  }
0x5d: {  	p2 =	seq.s32 @!p1 s20, $0x1F;
	[sflag:s23] =	ssyncadd.s32 @!p1 $0xFFFFF9C0  }
0x5e: {  	p2 =	por p1, !p2;
	_ =	swait.ge @!p1 [sflag:s23], $0x640  }
.Ltmp0:
0x5f: {  	[sflag:s23] =	ssyncset.done @!p1 $0x0;
	(pc) =	sbr.rel @!p2 .LBB2_4-.Ltmp0, $4  }
0x60: {  	[sflag:s23] =	ssyncadd.s32 @!p1 $0xFFFFF9C0  }
0x61: {  	_ =	swait.ge @!p1 [sflag:s23], $0x640  }
0x62: {  	[sflag:s23] =	ssyncset.done @!p1 $0x0  }
0x63: {  	[sflag:s23] =	ssyncadd.s32 @!p1 $0xFFFFF9C0  }
0x64: {  	s23 =	smul.u32 $0x19000, s22  }
0x65: {  	s24 =	smul.u32 $0xE00, s21  }
0x66: {  	s23 =	sshrl.u32 s23, $0x2  }
0x67: {  	s22 =	sadd.s32 $0x1, s22;
	s24 =	sshra.s32 s24, $0x2;
	s25 =	sadd.s32 $0x7000, s23  }
0x68: {  	[tilespmem:s25], [sflag:s22] =	stream.indirect.gather [hbm4b:s5+s9], $0x20, s24, s9, $0xb8;
	[tilespmem:$0x13800] =	vst v63  }
0x69: {  	s28 =	sadd.s32 $0x7640, s23;
	s26 =	sor.u32 $0x38, s24  }
0x6a: {  	[tilespmem:s28], [sflag:s22] =	stream.indirect.gather [hbm4b:s5+s9], $0x20, s26, s9, $0xb8;
	[tilespmem:$0x13800] =	vst v63  }
0x6b: {  	s26 =	sadd.s32 $0x7C80, s23;
	s28 =	sor.u32 $0x70, s24  }
0x6c: {  	[tilespmem:s26], [sflag:s22] =	stream.indirect.gather [hbm4b:s5+s9], $0x20, s28, s9, $0xb8;
	[tilespmem:$0x13800] =	vst v63  }
0x6d: {  	s26 =	sor.u32 $0x82C0, s23;
	s28 =	sadd.s32 $0xA8, s24  }
0x6e: {  	[tilespmem:s26], [sflag:s22] =	stream.indirect.gather [hbm4b:s5+s9], $0x20, s28, s9, $0xb8;
	[tilespmem:$0x13800] =	vst v63  }
0x6f: {  	s26 =	sadd.s32 $0x8900, s23;
	s28 =	sadd.s32 $0xE0, s24  }
0x70: {  	[tilespmem:s26], [sflag:s22] =	stream.indirect.gather [hbm4b:s5+s9], $0x20, s28, s9, $0xb8;
	[tilespmem:$0x13800] =	vst v63  }
0x71: {  	s26 =	sadd.s32 $0x8F40, s23;
	s28 =	sadd.s32 $0x118, s24  }
0x72: {  	[tilespmem:s26], [sflag:s22] =	stream.indirect.gather [hbm4b:s5+s9], $0x20, s28, s9, $0xb8;
	[tilespmem:$0x13800] =	vst v63  }
0x73: {  	s26 =	sadd.s32 $0x9580, s23;
	s28 =	sadd.s32 $0x150, s24  }
0x74: {  	[tilespmem:s26], [sflag:s22] =	stream.indirect.gather [hbm4b:s5+s9], $0x20, s28, s9, $0xb8;
	[tilespmem:$0x13800] =	vst v63  }
0x75: {  	s26 =	sadd.s32 $0x9BC0, s23;
	s28 =	sadd.s32 $0x188, s24  }
0x76: {  	[tilespmem:s26], [sflag:s22] =	stream.indirect.gather [hbm4b:s5+s9], $0x20, s28, s9, $0xb8;
	[tilespmem:$0x13800] =	vst v63  }
0x77: {  	s26 =	sadd.s32 $0xA200, s23;
	s28 =	sadd.s32 $0x1C0, s24  }
0x78: {  	[tilespmem:s26], [sflag:s22] =	stream.indirect.gather [hbm4b:s5+s9], $0x20, s28, s9, $0xb8;
	[tilespmem:$0x13800] =	vst v63  }
0x79: {  	s26 =	sadd.s32 $0xA840, s23;
	s28 =	sadd.s32 $0x1F8, s24  }
0x7a: {  	[tilespmem:s26], [sflag:s22] =	stream.indirect.gather [hbm4b:s5+s9], $0x20, s28, s9, $0xb8;
	[tilespmem:$0x13800] =	vst v63  }
0x7b: {  	s26 =	sadd.s32 $0xAE80, s23;
	s28 =	sadd.s32 $0x230, s24  }
0x7c: {  	[tilespmem:s26], [sflag:s22] =	stream.indirect.gather [hbm4b:s5+s9], $0x20, s28, s9, $0xb8;
	[tilespmem:$0x13800] =	vst v63  }
0x7d: {  	s26 =	sadd.s32 $0xB4C0, s23;
	s28 =	sadd.s32 $0x268, s24  }
0x7e: {  	[tilespmem:s26], [sflag:s22] =	stream.indirect.gather [hbm4b:s5+s9], $0x20, s28, s9, $0xb8;
	[tilespmem:$0x13800] =	vst v63  }
0x7f: {  	s26 =	sadd.s32 $0xBB00, s23;
	s28 =	sadd.s32 $0x2A0, s24  }
0x80: {  	[tilespmem:s26], [sflag:s22] =	stream.indirect.gather [hbm4b:s5+s9], $0x20, s28, s9, $0xb8;
	[tilespmem:$0x13800] =	vst v63  }
0x81: {  	s26 =	sadd.s32 $0xC140, s23;
	s28 =	sadd.s32 $0x2D8, s24  }
0x82: {  	[tilespmem:s26], [sflag:s22] =	stream.indirect.gather [hbm4b:s5+s9], $0x20, s28, s9, $0xb8;
	[tilespmem:$0x13800] =	vst v63  }
0x83: {  	s26 =	sadd.s32 $0xC780, s23;
	s28 =	sadd.s32 $0x310, s24  }
0x84: {  	[tilespmem:s26], [sflag:s22] =	stream.indirect.gather [hbm4b:s5+s9], $0x20, s28, s9, $0xb8;
	[tilespmem:$0x13800] =	vst v63  }
0x85: {  	s23 =	sadd.s32 $0xCDC0, s23;
	s24 =	sadd.s32 $0x348, s24  }
0x86: {  	[tilespmem:s23], [sflag:s22] =	stream.indirect.gather [hbm4b:s5+s9], $0x20, s24, s9, $0xb8;
	[tilespmem:$0x13800] =	vst v63  }
.LBB2_4:
0x87: {  	s22 =	sand.u32 $0x1, s20  }
0x88: {  	s23 =	sadd.s32 $0x1, s22  }
0x89: {  	_ =	swait.ge [sflag:s23], $0x640  }
0x8a: {  	[sflag:s23] =	ssyncset.done $0x0  }
0x8b: {  	[sflag:s23] =	ssyncadd.s32 $0xFFFFF9C0  }
0x8c: {  	_ =	swait.ge [sflag:s23], $0x640  }
0x8d: {  	[sflag:s23] =	ssyncset.done $0x0  }
0x8e: {  	[sflag:s23] =	ssyncadd.s32 $0xFFFFF9C0  }
0x8f: {  	_ =	swait.ge [sflag:s23], $0x640  }
0x90: {  	[sflag:s23] =	ssyncset.done $0x0  }
0x91: {  	[sflag:s23] =	ssyncadd.s32 $0xFFFFF9C0  }
0x92: {  	_ =	swait.ge [sflag:s23], $0x640  }
0x93: {  	[sflag:s23] =	ssyncset.done $0x0  }
0x94: {  	[sflag:s23] =	ssyncadd.s32 $0xFFFFF9C0  }
0x95: {  	_ =	swait.ge [sflag:s23], $0x640  }
0x96: {  	[sflag:s23] =	ssyncset.done $0x0  }
0x97: {  	[sflag:s23] =	ssyncadd.s32 $0xFFFFF9C0  }
0x98: {  	_ =	swait.ge [sflag:s23], $0x640  }
0x99: {  	[sflag:s23] =	ssyncset.done $0x0  }
0x9a: {  	[sflag:s23] =	ssyncadd.s32 $0xFFFFF9C0  }
0x9b: {  	_ =	swait.ge [sflag:s23], $0x640  }
0x9c: {  	[sflag:s23] =	ssyncset.done $0x0  }
0x9d: {  	[sflag:s23] =	ssyncadd.s32 $0xFFFFF9C0  }
0x9e: {  	_ =	swait.ge [sflag:s23], $0x640  }
0x9f: {  	[sflag:s23] =	ssyncset.done $0x0  }
0xa0: {  	[sflag:s23] =	ssyncadd.s32 $0xFFFFF9C0  }
0xa1: {  	_ =	swait.ge [sflag:s23], $0x640  }
0xa2: {  	[sflag:s23] =	ssyncset.done $0x0  }
0xa3: {  	[sflag:s23] =	ssyncadd.s32 $0xFFFFF9C0  }
0xa4: {  	_ =	swait.ge [sflag:s23], $0x640  }
0xa5: {  	[sflag:s23] =	ssyncset.done $0x0  }
0xa6: {  	[sflag:s23] =	ssyncadd.s32 $0xFFFFF9C0  }
0xa7: {  	_ =	swait.ge [sflag:s23], $0x640  }
0xa8: {  	[sflag:s23] =	ssyncset.done $0x0  }
0xa9: {  	[sflag:s23] =	ssyncadd.s32 $0xFFFFF9C0  }
0xaa: {  	_ =	swait.ge [sflag:s23], $0x640  }
0xab: {  	[sflag:s23] =	ssyncset.done $0x0  }
0xac: {  	[sflag:s23] =	ssyncadd.s32 $0xFFFFF9C0  }
0xad: {  	_ =	swait.ge [sflag:s23], $0x640  }
0xae: {  	[sflag:s23] =	ssyncset.done $0x0  }
0xaf: {  	[sflag:s23] =	ssyncadd.s32 $0xFFFFF9C0  }
0xb0: {  	_ =	swait.ge [sflag:s23], $0x640  }
0xb1: {  	[sflag:s23] =	ssyncset.done $0x0  }
0xb2: {  	[sflag:s23] =	ssyncadd.s32 $0xFFFFF9C0  }
0xb3: {  	s24 =	simm.s32 $0x1;
	_ =	swait.ge [sflag:s23], $0x640  }
0xb4: {  	s24 =	simm.s32 @!p0 $0x0;
	[sflag:s23] =	ssyncset.done $0x0  }
0xb5: {  	s24 =	smul.u32 $0x19000, s24;
	[sflag:s23] =	ssyncadd.s32 $0xFFFFF9C0  }
0xb6: {  	_ =	swait.ge [sflag:s23], $0x640  }
0xb7: {  	s24 =	sshrl.u32 s24, $0x2;
	[sflag:s23] =	ssyncset.done $0x0  }
0xb8: {  	s24 =	sadd.s32 $0x7080, s24;
	[sflag:s23] =	ssyncadd.s32 $0xFFFFF9C0  }
0xb9: {  	v0 =	vld [tilespmem:s24+$0x70]  }
0xba: {  	v1 =	vld [tilespmem:s24+$0xFFFFFF90]  }
0xbb: {  	v2 =	vld [tilespmem:s24+$0xFFFFFFA0]  }
0xbc: {  	v3 =	vld [tilespmem:s24+$0xFFFFFFB0]  }
0xbd: {  	v4 =	vld [tilespmem:s24+$0xFFFFFFC0]  }
0xbe: {  	v5 =	vld [tilespmem:s24+$0xFFFFFFD0];
	v0 =	vmul.f32 $5.656854150e+00, v0  }
0xbf: {  	v6 =	vld [tilespmem:s24+$0xFFFFFFE0];
	v1 =	vmul.f32 $5.656854150e+00, v1  }
0xc0: {  	v7 =	vld [tilespmem:s24+$0xFFFFFFF0];
	v2 =	vmul.f32 $5.656854150e+00, v2;
	[tilespmem:s24+$0x70] =	vst v0  }
0xc1: {  	[tilespmem:s24+$0xFFFFFF90] =	vst v1;
	v0 =	vmul.f32 $5.656854150e+00, v3;
	v3 =	vld [tilespmem:s24+$0x0]  }
0xc2: {  	[tilespmem:s24+$0xFFFFFFA0] =	vst v2;
	v1 =	vmul.f32 $5.656854150e+00, v4;
	v4 =	vld [tilespmem:s24+$0x10]  }
0xc3: {  	v8 =	vld [tilespmem:s24+$0x20];
	v2 =	vmul.f32 $5.656854150e+00, v5;
	[tilespmem:s24+$0xFFFFFFB0] =	vst v0  }
0xc4: {  	v5 =	vmul.f32 $5.656854150e+00, v6;
	[tilespmem:s24+$0xFFFFFFC0] =	vst v1;
	v0 =	vld [tilespmem:s24+$0x30]  }
0xc5: {  	s26 =	smul.u32 $0x19000, s22;
	v6 =	vmul.f32 $5.656854150e+00, v7;
	[tilespmem:s24+$0xFFFFFFD0] =	vst v2;
	v1 =	vld [tilespmem:s24+$0x40]  }
0xc6: {  	[tilespmem:s24+$0xFFFFFFE0] =	vst v5;
	v2 =	vld [tilespmem:s24+$0x50];
	v7 =	vmul.f32 $5.656854150e+00, v3  }
0xc7: {  	s23 =	sshrl.u32 s26, $0x2;
	[tilespmem:s24+$0xFFFFFFF0] =	vst v6;
	v3 =	vld [tilespmem:s24+$0x60];
	v5 =	vmul.f32 $5.656854150e+00, v4  }
0xc8: {  	s28 =	sadd.s32 $0x100, s24;
	s26 =	simm.s32 $0x0;
	s25 =	sadd.s32 $0x7000, s23;
	v6 =	vmul.f32 $5.656854150e+00, v8;
	v4 =	vld [tilespmem:s24+$0xFFFFFF80];
	[tilespmem:s24+$0x0] =	vst v7  }
.LBB2_5:
0xc9: {  	v7 =	vld [tilespmem:s28+$0x70];
	s26 =	sadd.s32 $0x8, s26;
	[tilespmem:s24+$0x10] =	vst v5;
	v0 =	vmul.f32 $5.656854150e+00, v0  }
0xca: {  	v5 =	vld [tilespmem:s28+$0xFFFFFF90];
	p1 =	slt.u32 s26, $0x318;
	[tilespmem:s24+$0x20] =	vst v6;
	v1 =	vmul.f32 $5.656854150e+00, v1  }
0xcb: {  	v6 =	vld [tilespmem:s28+$0xFFFFFFA0];
	[tilespmem:s24+$0x30] =	vst v0;
	v0 =	vmul.f32 $5.656854150e+00, v2  }
0xcc: {  	v2 =	vld [tilespmem:s28+$0xFFFFFFB0];
	[tilespmem:s24+$0x40] =	vst v1;
	v1 =	vmul.f32 $5.656854150e+00, v3  }
0xcd: {  	v3 =	vld [tilespmem:s28+$0xFFFFFFC0];
	v4 =	vmul.f32 $5.656854150e+00, v4;
	[tilespmem:s24+$0x50] =	vst v0  }
0xce: {  	v0 =	vld [tilespmem:s28+$0xFFFFFFD0];
	v7 =	vmul.f32 $5.656854150e+00, v7;
	[tilespmem:s24+$0x60] =	vst v1  }
0xcf: {  	v1 =	vmul.f32 $5.656854150e+00, v5;
	v5 =	vld [tilespmem:s28+$0xFFFFFFE0];
	[tilespmem:s24+$0xFFFFFF80] =	vst v4;
	s24 =	smov.u32 s28  }
0xd0: {  	v4 =	vmul.f32 $5.656854150e+00, v6;
	v6 =	vld [tilespmem:s28+$0xFFFFFFF0];
	[tilespmem:s28+$0x70] =	vst v7  }
0xd1: {  	[tilespmem:s28+$0xFFFFFF90] =	vst v1;
	v1 =	vmul.f32 $5.656854150e+00, v2;
	v2 =	vld [tilespmem:s28+$0x0]  }
0xd2: {  	[tilespmem:s28+$0xFFFFFFA0] =	vst v4;
	v3 =	vmul.f32 $5.656854150e+00, v3;
	v4 =	vld [tilespmem:s28+$0x10]  }
0xd3: {  	[tilespmem:s28+$0xFFFFFFB0] =	vst v1;
	v1 =	vmul.f32 $5.656854150e+00, v0;
	v7 =	vld [tilespmem:s28+$0x20]  }
.Ltmp1:
0xd4: {  	[tilespmem:s28+$0xFFFFFFC0] =	vst v3;
	v3 =	vmul.f32 $5.656854150e+00, v5;
	v0 =	vld [tilespmem:s28+$0x30];
	(pc) =	sbr.rel @p1 .LBB2_5-.Ltmp1, $4  }
0xd5: {  	[tilespmem:s28+$0xFFFFFFD0] =	vst v1;
	v5 =	vmul.f32 $5.656854150e+00, v6;
	v1 =	vld [tilespmem:s28+$0x40]  }
0xd6: {  	[tilespmem:s28+$0xFFFFFFE0] =	vst v3;
	v6 =	vmul.f32 $5.656854150e+00, v2;
	v2 =	vld [tilespmem:s28+$0x50]  }
0xd7: {  	[tilespmem:s28+$0xFFFFFFF0] =	vst v5;
	v5 =	vmul.f32 $5.656854150e+00, v4;
	v3 =	vld [tilespmem:s28+$0x60]  }
0xd8: {  	s28 =	sadd.s32 $0x100, s28;
	v4 =	vld [tilespmem:s24+$0xFFFFFF80];
	[tilespmem:s24+$0x0] =	vst v6;
	v6 =	vmul.f32 $5.656854150e+00, v7  }
0xd9: {  	[tilespmem:s24+$0x10] =	vst v5;
	v0 =	vmul.f32 $5.656854150e+00, v0;
	s20 =	sshll.u32 s20, $0x4  }
0xda: {  	[tilespmem:s24+$0x20] =	vst v6;
	v1 =	vmul.f32 $5.656854150e+00, v1;
	s20 =	sadd.s32 s3, s20  }
0xdb: {  	[tilespmem:s24+$0x30] =	vst v0;
	v61 =	vmul.f32 $5.656854150e+00, v2;
	s26 =	smul.u32 $0xC8, s20  }
0xdc: {  	s20 =	smul.u32 $0x640, s20;
	[tilespmem:s24+$0x40] =	vst v1;
	v62 =	vmul.f32 $5.656854150e+00, v3  }
0xdd: {  	v63 =	vmul.f32 $5.656854150e+00, v4;
	[tilespmem:s24+$0x50] =	vst v61  }
0xde: {  	s20 =	sshrl.u32 s20, $0x3;
	[tilespmem:s24+$0x60] =	vst v62  }
0xdf: {  	s22 =	sadd.s32 $0x3, s22;
	s28 =	sadd.s32 s2, s26;
	s20 =	sadd.s32 s2, s20;
	[tilespmem:s24+$0xFFFFFF80] =	vst v63  }
0xe0: {  	[hbm4b:s28+s4] =	stream.linear.scatter [tilespmem:s25], [sflag:s22], $0x640, $0x38;
	[tilespmem:$0x13800] =	vst v63  }
0xe1: {  	s26 =	sadd.s32 $0x7640, s23;
	s28 =	sadd.s32 $0xC8, s20  }
0xe2: {  	[hbm4b:s28+s4] =	stream.linear.scatter [tilespmem:s26], [sflag:s22], $0x640, $0x38;
	[tilespmem:$0x13800] =	vst v63  }
0xe3: {  	s26 =	sadd.s32 $0x7C80, s23;
	s28 =	sadd.s32 $0x190, s20  }
0xe4: {  	[hbm4b:s28+s4] =	stream.linear.scatter [tilespmem:s26], [sflag:s22], $0x640, $0x38;
	[tilespmem:$0x13800] =	vst v63  }
0xe5: {  	s26 =	sadd.s32 $0x82C0, s23;
	s28 =	sadd.s32 $0x258, s20  }
0xe6: {  	[hbm4b:s28+s4] =	stream.linear.scatter [tilespmem:s26], [sflag:s22], $0x640, $0x38;
	[tilespmem:$0x13800] =	vst v63  }
0xe7: {  	s26 =	sadd.s32 $0x8900, s23;
	s28 =	sadd.s32 $0x320, s20  }
0xe8: {  	[hbm4b:s28+s4] =	stream.linear.scatter [tilespmem:s26], [sflag:s22], $0x640, $0x38;
	[tilespmem:$0x13800] =	vst v63  }
0xe9: {  	s26 =	sadd.s32 $0x8F40, s23;
	s28 =	sadd.s32 $0x3E8, s20  }
0xea: {  	[hbm4b:s28+s4] =	stream.linear.scatter [tilespmem:s26], [sflag:s22], $0x640, $0x38;
	[tilespmem:$0x13800] =	vst v63  }
0xeb: {  	s26 =	sadd.s32 $0x9580, s23;
	s28 =	sadd.s32 $0x4B0, s20  }
0xec: {  	[hbm4b:s28+s4] =	stream.linear.scatter [tilespmem:s26], [sflag:s22], $0x640, $0x38;
	[tilespmem:$0x13800] =	vst v63  }
0xed: {  	s26 =	sadd.s32 $0x9BC0, s23;
	s28 =	sadd.s32 $0x578, s20  }
0xee: {  	[hbm4b:s28+s4] =	stream.linear.scatter [tilespmem:s26], [sflag:s22], $0x640, $0x38;
	[tilespmem:$0x13800] =	vst v63  }
0xef: {  	s26 =	sadd.s32 $0xA200, s23;
	s28 =	sadd.s32 $0x640, s20  }
0xf0: {  	[hbm4b:s28+s4] =	stream.linear.scatter [tilespmem:s26], [sflag:s22], $0x640, $0x38;
	[tilespmem:$0x13800] =	vst v63  }
0xf1: {  	s26 =	sadd.s32 $0xA840, s23;
	s28 =	sadd.s32 $0x708, s20  }
0xf2: {  	[hbm4b:s28+s4] =	stream.linear.scatter [tilespmem:s26], [sflag:s22], $0x640, $0x38;
	[tilespmem:$0x13800] =	vst v63  }
0xf3: {  	s26 =	sadd.s32 $0xAE80, s23;
	s28 =	sadd.s32 $0x7D0, s20  }
0xf4: {  	[hbm4b:s28+s4] =	stream.linear.scatter [tilespmem:s26], [sflag:s22], $0x640, $0x38;
	[tilespmem:$0x13800] =	vst v63  }
0xf5: {  	s26 =	sadd.s32 $0xB4C0, s23;
	s28 =	sadd.s32 $0x898, s20  }
0xf6: {  	[hbm4b:s28+s4] =	stream.linear.scatter [tilespmem:s26], [sflag:s22], $0x640, $0x38;
	[tilespmem:$0x13800] =	vst v63  }
0xf7: {  	s26 =	sadd.s32 $0xBB00, s23;
	s28 =	sadd.s32 $0x960, s20  }
0xf8: {  	[hbm4b:s28+s4] =	stream.linear.scatter [tilespmem:s26], [sflag:s22], $0x640, $0x38;
	[tilespmem:$0x13800] =	vst v63  }
0xf9: {  	p1 =	sne.s32 s21, $0x20;
	s26 =	sadd.s32 $0xC140, s23;
	s28 =	sadd.s32 $0xA28, s20  }
0xfa: {  	[hbm4b:s28+s4] =	stream.linear.scatter [tilespmem:s26], [sflag:s22], $0x640, $0x38;
	[tilespmem:$0x13800] =	vst v63  }
.Ltmp2:
0xfb: {  	s25 =	sadd.s32 $0xC780, s23;
	s26 =	sadd.s32 $0xAF0, s20;
	(pc) =	sbr.rel @p1 .LBB2_2-.Ltmp2, $4  }
0xfc: {  	[hbm4b:s26+s4] =	stream.linear.scatter [tilespmem:s25], [sflag:s22], $0x640, $0x38;
	[tilespmem:$0x13800] =	vst v63  }
0xfd: {  	s28 =	sadd.s32 $0xCDC0, s23;
	s20 =	sadd.s32 $0xBB8, s20  }
0xfe: {  	[hbm4b:s20+s4] =	stream.linear.scatter [tilespmem:s28], [sflag:s22], $0x640, $0x38;
	[tilespmem:$0x13800] =	vst v63  }
0xff: {  	p0 =	por !p0, !p0;
	s20 =	smov.u32 s21  }
0x100: {  	_ =	swait.ge [sflag:s18], $0x640  }
0x101: {  	[sflag:s18] =	ssyncset.done $0x0  }
0x102: {  	[sflag:s18] =	ssyncadd.s32 $0xFFFFF9C0  }
0x103: {  	_ =	swait.ge [sflag:s18], $0x640  }
0x104: {  	[sflag:s18] =	ssyncset.done $0x0  }
0x105: {  	[sflag:s18] =	ssyncadd.s32 $0xFFFFF9C0  }
0x106: {  	_ =	swait.ge [sflag:s18], $0x640  }
0x107: {  	[sflag:s18] =	ssyncset.done $0x0  }
0x108: {  	[sflag:s18] =	ssyncadd.s32 $0xFFFFF9C0  }
0x109: {  	_ =	swait.ge [sflag:s18], $0x640  }
0x10a: {  	[sflag:s18] =	ssyncset.done $0x0  }
0x10b: {  	[sflag:s18] =	ssyncadd.s32 $0xFFFFF9C0  }
0x10c: {  	_ =	swait.ge [sflag:s18], $0x640  }
0x10d: {  	[sflag:s18] =	ssyncset.done $0x0  }
0x10e: {  	[sflag:s18] =	ssyncadd.s32 $0xFFFFF9C0  }
0x10f: {  	_ =	swait.ge [sflag:s18], $0x640  }
0x110: {  	[sflag:s18] =	ssyncset.done $0x0  }
0x111: {  	[sflag:s18] =	ssyncadd.s32 $0xFFFFF9C0  }
0x112: {  	_ =	swait.ge [sflag:s18], $0x640  }
0x113: {  	[sflag:s18] =	ssyncset.done $0x0  }
0x114: {  	[sflag:s18] =	ssyncadd.s32 $0xFFFFF9C0  }
0x115: {  	_ =	swait.ge [sflag:s18], $0x640  }
0x116: {  	[sflag:s18] =	ssyncset.done $0x0  }
0x117: {  	[sflag:s18] =	ssyncadd.s32 $0xFFFFF9C0  }
0x118: {  	_ =	swait.ge [sflag:s18], $0x640  }
0x119: {  	[sflag:s18] =	ssyncset.done $0x0  }
0x11a: {  	[sflag:s18] =	ssyncadd.s32 $0xFFFFF9C0  }
0x11b: {  	_ =	swait.ge [sflag:s18], $0x640  }
0x11c: {  	[sflag:s18] =	ssyncset.done $0x0  }
0x11d: {  	[sflag:s18] =	ssyncadd.s32 $0xFFFFF9C0  }
0x11e: {  	_ =	swait.ge [sflag:s18], $0x640  }
0x11f: {  	[sflag:s18] =	ssyncset.done $0x0  }
0x120: {  	[sflag:s18] =	ssyncadd.s32 $0xFFFFF9C0  }
0x121: {  	_ =	swait.ge [sflag:s18], $0x640  }
0x122: {  	[sflag:s18] =	ssyncset.done $0x0  }
0x123: {  	[sflag:s18] =	ssyncadd.s32 $0xFFFFF9C0  }
0x124: {  	_ =	swait.ge [sflag:s18], $0x640  }
0x125: {  	[sflag:s18] =	ssyncset.done $0x0  }
0x126: {  	[sflag:s18] =	ssyncadd.s32 $0xFFFFF9C0  }
0x127: {  	_ =	swait.ge [sflag:s18], $0x640  }
0x128: {  	[sflag:s18] =	ssyncset.done $0x0  }
0x129: {  	s19 =	sadd.s32 $0x1, s19;
	[sflag:s18] =	ssyncadd.s32 $0xFFFFF9C0  }
0x12a: {  	p0 =	sne.s32 s19, s7;
	_ =	swait.ge [sflag:s18], $0x640  }
.Ltmp3:
0x12b: {  	[sflag:s18] =	ssyncset.done $0x0;
	(pc) =	sbr.rel @p0 .LBB2_1-.Ltmp3, $4  }
0x12c: {  	[sflag:s18] =	ssyncadd.s32 $0xFFFFF9C0  }
0x12d: {  	_ =	swait.ge [sflag:s18], $0x640  }
0x12e: {  	[sflag:s18] =	ssyncset.done $0x0  }
0x12f: {  	[sflag:s18] =	ssyncadd.s32 $0xFFFFF9C0  }
0x130: {  	_ =	sfence.sel $0x180000  }
0x131: {  	[bflag:$0x0] =	sbarrier.arrive $0xFFFF  }
0x132: {  	_ =	strace $0x90000047  }
0x133: {  	s0 =	stileid.u32;
	[bflag:$0x2] =	sbarrier.arrive $0xFFFF  }
0x134: {  	p0 =	sne.s32 s0, $0x0;
	s0 =	rddreg [dreg:$0x2]  }
0x135: {  	s0 =	sadd.s32 @!p0 $0x100000, s0  }
0x136: {  	[sflag:s0] =	ssyncadd.tile.s32 @!p0 $0x1;
	_ =	shalt  }
.Lfunc_end2:
_tile_overlayer_lowered:
.L_overlay_start_2:
0x137: {  	(tag) =	ssettag $0x2  }
0x138: {  	s0 =	rddreg [dreg:$0x0];
	s2 =	stileid.u32  }
0x139: {  	s1 =	rddreg [dreg:$0x1];
	p0 =	sne.s32 s2, $0x0  }
0x13a: {  	s3 =	rddreg [dreg:$0x2];
	[bflag:$0x3] =	sbarrier.arrive $0xFFFF;
	s2 =	simm.s32 @!p0 $0x1C05  }
0x13b: {  	[timem:s3], [sflag:s2] =	dma.local @!p0 [hbm:s0], s1  }
0x13c: {  	s0 =	simm.s32 @!p0 $0x5  }
0x13d: {  	_ =	swait.ge @!p0 [sflag:s0], s1  }
0x13e: {  	s1 =	ssub.s32 @!p0 $0x0, s1;
	[sflag:s0] =	ssyncset.done @!p0 $0x0  }
0x13f: {  	[sflag:s0] =	ssyncadd.s32 @!p0 s1  }
0x140: {  	[bflag:$0x3] =	sbarrier.arrive $0xFFFF  }
0x141: {  	_ =	shalt  }

// kernel: sparse-core-data-format-call.cloned.1.call-start
scs
called_computation_lowered:
.L_overlay_start_0:
0x0: {  	s2 =	sld [smem:$0x3FD9]  }
0x1: {  	s3 =	sld [smem:$0x3FFE];
	_ =	sdelay $0x1  }
0x2: {  	s1 =	srdreg.scid  }
0x3: {  	s0 =	sand.u32 $0x1, s1  }
0x4: {  	s18 =	sshll.u32 s0, $0xA;
	s2 =	sadd.s32 s3, s2  }
0x5: {  	s2 =	sadd.s32 s2, s18  }
0x6: {  	[smem:$0x3FC6] =	sst s2  }
0x7: {  	_ = 	snop  }
0x8: {  	s2 =	sld [smem:$0x3FD0];
	(tm) =	ssettm $0x1  }
0x9: {  	s19 =	sld [smem:$0x3FFB];
	_ =	sdelay $0x3  }
0xa: {  	_ =	strace s19  }
0xb: {  	s3 =	sld [smem:$0x3FFC];
	_ =	sdelay $0x3  }
0xc: {  	_ =	strace s3  }
0xd: {  	s3 =	sld [smem:$0x3FFD];
	_ =	sdelay $0x3  }
0xe: {  	_ =	strace s3  }
0xf: {  	_ =	strace $0x8FFFFFFF  }
0x10: {  	s20 =	sld [smem:$0x3FDB];
	_ =	sdelay $0x1  }
0x11: {  	s4 =	simm.s32 $_scs_section_size  }
0x12: {  	s5 =	simm.s32 $_size__tile_overlayer_lowered;
	s6 =	simm.s32 $_tile_overlayer_lowered  }
0x13: {  	s23 =	simm.s32 $0x1BFF;
	s22 =	sshll.u32 s6, $0x1;
	s3 =	sadd.s32 s4, s20  }
0x14: {  	s7 =	simm.s32 $0x0;
	s21 =	sshll.u32 s5, $0x1;
	s5 =	sadd.s32 s22, s3  }
0x15: {  	[timem:s7], [sflag:s23] =	dma.local [hbm:s5], s21  }
0x16: {  	_ =	swait.ge [sflag:s23], s21  }
0x17: {  	s4 =	ssub.s32 $0x0, s21;
	[sflag:s23] =	ssyncset.done $0x0  }
0x18: {  	[sflag:s23] =	ssyncadd.s32 s4;
	_ =	sdelay $0x1  }
0x19: {  	s24 =	simm.s32 $0x1B8B  }
0x1a: {  	_ =	swait.ge [sflag:s24], $0x1  }
0x1b: {  	[sflag:s24] =	ssyncset.done $0x0  }
0x1c: {  	s26 =	simm.s32 $0x1B8E;
	s25 =	sld [smem:$0x3FFE];
	[sflag:s24] =	ssyncadd.s32 $0xFFFFFFFF  }
0x1d: {  	s27 =	simm.s32 $execute0_lowered;
	[smem:$0x3FD2] =	sst s26  }
0x1e: {  	s5 =	sshll.u32 s27, $0x1;
	_ =	strace $0x80000049;
	[dreg:$0x1] =	wrdreg $0xFFFFFFFF  }
0x1f: {  	s28 =	simm.s32 $_size_execute0_lowered;
	s3 =	sadd.s32 s3, s5;
	[dreg:$0x0] =	wrdreg $0x0  }
0x20: {  	s5 =	sshll.u32 s28, $0x1;
	[dreg:$0x2] =	wrdreg s3  }
0x21: {  	[dreg:$0x3] =	wrdreg s5  }
0x22: {  	[dreg:$0x4] =	wrdreg $0xC0  }
0x23: {  	_ =	task [dreg:s7], $0x5FFFF  }
0x24: {  	[dreg:$0x1] =	wrdreg $0xFFFFFFFF  }
0x25: {  	[dreg:$0x0] =	wrdreg $0x60  }
0x26: {  	[dreg:$0x2] =	wrdreg s25  }
0x27: {  	[dreg:$0x3] =	wrdreg s2  }
0x28: {  	[dreg:$0x4] =	wrdreg $0x9  }
0x29: {  	_ =	task.clear_ibuf [dreg:s7], $0x5FFFF;
	_ =	strace $0x90000049  }
0x2a: {  	s29 =	simm.s32 $0x9;
	_ =	strace $0x8000004B  }
0x2b: {  	_ =	swait.ge [sflag:s29], $0x1  }
0x2c: {  	[sflag:s29] =	ssyncadd.s32 $0xFFFFFFFF  }
0x2d: {  	_ =	strace $0x9000004B  }
0x2e: {  	_ =	sfence  }
0x2f: {  	s30 =	sld [smem:$0x0];
	_ =	sdelay $0x2  }
0x30: {  	s31 =	sshll.u32 s1, $0xD;
	s1 =	sshrl.u32 s1, $0x2  }
0x31: {  	s3 =	sand.u32 $0x4000, s31;
	s1 =	sadd.s32 s1, s30  }
0x32: {  	s0 =	sor.u32 s3, s0;
	s1 =	sshll.u32 s1, $0x11  }
0x33: {  	s0 =	sor.u32 s1, s0  }
0x34: {  	s0 =	sadd.s32 $0x8F2B, s0  }
0x35: {  	[sflag:s0] =	ssyncadd.remote.s32 $0x1  }
0x36: {  	_ =	sfence.sel $0xFFFF  }
0x37: {  	[dreg:$0x0] =	wrdreg $0xFFFFFFFF;
	(pc) =	sbr.abs _section_cstart, $3  }
0x38: {  	[dreg:$0x1] =	wrdreg $0xFFFFFFFF  }
0x39: {  	_ =	task.clear_ibuf [dreg:s7], $0x2FFFF;
	_ =	strace $0x9FFFFFFF  }
0x3a: {  	(tm) =	ssettm $0x7FFFFFFF  }
0x3b: {  	_ =	shalt  }
tec
execute0_lowered:
.L_overlay_start_1:
0x0: {  	(tag) =	ssettag $0x1  }
0x1: {  	s0 =	srdreg.scid  }
0x2: {  	s1 =	sshll.u32 s0, $0x4  }
0x3: {  	s0 =	stileid.u32;
	s1 =	sand.u32 $0x10, s1  }
0x4: {  	s1 =	sor.u32 s0, s1  }
0x5: {  	s6 =	rddreg [dreg:$0x0];
	s4 =	simm.s32 $0x1;
	s2 =	sshll.u32 s1, $0x7  }
0x6: {  	s7 =	simm.s32 $0x2;
	s12 =	simm.s32 $0x0;
	s1 =	ssub.s32 $0x4000, s2  }
0x7: {  	s8 =	simm.s32 $0x20000;
	s13 =	simm.s32 $0x0;
	s3 =	sand.u32 $0xF80, s1  }
0x8: {  	s9 =	simm.s32 $0x0;
	s5 =	sshrl.u32 s1, $0xC;
	p0 =	sne.s32 s3, $0x0  }
.Ltmp0:
0x9: {  	s1 =	rddreg [dreg:$0x2];
	s4 =	simm.s32 @!p0 $0x0;
	(pc) =	sbr.rel .LBB1_1-.Ltmp0, $4  }
0xa: {  	s11 =	simm.s32 $0x0;
	s3 =	rddreg [dreg:$0x1];
	s5 =	sadd.s32 s4, s5  }
0xb: {  	_ =	strace $0x8000004A;
	s4 =	simm.s32 $0x1;
	s5 =	smul.u32 $0x32, s5  }
0xc: {  	s6 =	sadd.s32 $0xA00, s6;
	s10 =	smov.u32 s2;
	[sflag:s4] =	ssyncpa.u1 $0x0  }
0xd: {  	p0 =	por $0x0, $0x0;
	[sflag:s7] =	ssyncpa.u1 $0x0;
	s7 =	sor.u32 $0x1, s5  }
.LBB1_4:
0xe: {  	s16 =	sshll.u32 s13, $0x3;
	s17 =	sand.u32 $0x78, s13  }
0xf: {  	s30 =	sand.u32 $0xF800, s13;
	s12 =	sshll.u32 s12, $0x10;
	s16 =	sand.u32 $0x3C00, s16  }
0x10: {  	s31 =	sand.u32 $0x7, s13;
	s16 =	sor.u32 s17, s16;
	s17 =	sadd.s32 s3, s30  }
0x11: {  	s13 =	sshll.u32 s31, $0x12;
	s16 =	sshrl.u32 s16, $0x3;
	s12 =	sadd.s32 s12, s17  }
0x12: {  	[tilespmem:s15+$0x0 ss:$0x81] =	vst.msk $0xffff, v0;
	s13 =	sor.u32 $0x400, s13;
	s12 =	sadd.s32 s16, s12  }
0x13: {  	[hbm4b:s12+s13] =	stream.strided.scatter [tilespmem:s14], [sflag:$0x2], $0x1000, s8, s13, $0x20;
	[tilespmem:$0x4040] =	vst v63  }
.LBB1_5:
0x14: {  	s14 =	sadd.s32 $0x1, s9  }
0x15: {  	s12 =	sadd.s32 $0x1000, s10;
	s16 =	smov.u32 s10;
	p2 =	sgt.s32 s14, $0x31  }
0x16: {  	s16 =	smov.u32 @p2 s12  }
0x17: {  	s14 =	simm.s32 @p2 $0x0;
	p2 =	sgt.s32 s16, $0x3FFF  }
0x18: {  	s16 =	smov.u32 @p2 s2;
	p2 =	sne.s32 s11, s7  }
.Ltmp1:
0x19: {  	p1 =	slt.u32 s11, $0x2;
	(pc) =	sbr.rel @!p2 .LBB1_6-.Ltmp1, $4  }
0x1a: {  	s15 =	simm.s32 @!p1 $0x2  }
0x1b: {  	s13 =	smov.u32 s10;
	p0 =	por !p0, !p0;
	_ =	swait.ge @!p1 [sflag:s15], $0x1000  }
0x1c: {  	s12 =	smov.u32 s9;
	[sflag:s15] =	ssyncset.done @!p1 $0x0;
	s9 =	smov.u32 s14  }
0x1d: {  	s11 =	sadd.s32 $0x1, s11;
	[sflag:s15] =	ssyncadd.s32 @!p1 $0xFFFFF000;
	s10 =	smov.u32 s16  }
.LBB1_1:
0x1e: {  	p1 =	sge.u32 s11, s5  }
0x1f: {  	s14 =	sand.u32 @!p1 $0x1FFFFFF, s9  }
0x20: {  	s15 =	smulhi.u32 @!p1 $0x4924925, s14;
	_ =	sdelay $0x1  }
0x21: {  	s15 =	smul.u32 @!p1 $0x38, s15  }
0x22: {  	s16 =	sxor.u32 @!p1 $0xFFFFFFFF, s11;
	s17 =	smul.u32 @!p1 $0x380, s10  }
0x23: {  	s31 =	sadd.s32 $0xFFFFFFFF, s11;
	s16 =	sshll.u32 @!p1 s16, $0xC;
	s14 =	ssub.s32 @!p1 s14, s15  }
0x24: {  	s15 =	sand.u32 @!p1 $0x1000, s16;
	s16 =	sadd.s32 @!p1 s6, s17;
	s14 =	sshll.u32 @!p1 s14, $0x4  }
0x25: {  	s17 =	simm.s32 @!p1 $0x1C00;
	s14 =	sadd.s32 @!p1 s14, s16;
	s16 =	simm.s32 @!p1 $0x20  }
0x26: {  	[tilespmem:s15], [sflag:$0x1] =	stream.strided.gather @!p1 [hbm4b:s14+s16], $0x1000, s17, s16, $0x38;
	[tilespmem:$0x4040] =	vst v63  }
0x27: {  	p1 =	sge.u32 s31, s5  }
.Ltmp2:
0x28: {  	_ = 	snop;
	(pc) =	sbr.rel @p1 .LBB1_5-.Ltmp2, $1  }
0x29: {  	_ =	sdelay $0x3  }
0x2a: {  	s14 =	simm.s32 $0x1  }
0x2b: {  	_ =	swait.ge [sflag:s4], $0x1000;
	s14 =	simm.s32 @!p0 $0x0  }
0x2c: {  	[sflag:s4] =	ssyncset.done $0x0;
	s15 =	sshll.u32 s14, $0xC  }
0x2d: {  	[sflag:s4] =	ssyncadd.s32 $0xFFFFF000;
	s18 =	sor.u32 $0x10, s15  }
0x2e: {  	s14 =	smul.u32 $0x4080, s14;
	v1 =	vld [tilespmem:s18+$0x0]  }
0x2f: {  	s30 =	sand.u32 $0x1, s11;
	v0 =	vld [tilespmem:s18+$0xFFFFFFF0]  }
0x30: {  	s15 =	smul.u32 $0x4080, s30;
	s14 =	sshrl.u32 s14, $0x2  }
0x31: {  	s16 =	sor.u32 $0x2000, s14  }
0x32: {  	s31 =	sshrl.u32 s15, $0x2;
	s15 =	sadd.s32 $0x0, s16  }
0x33: {  	s17 =	simm.s32 $0x4;
	s18 =	sadd.s32 $0x20, s18;
	s14 =	sor.u32 $0x2000, s31;
	[tilespmem:s15+$0x810 ss:$0x81] =	vst.msk $0xffff, v1  }
.LBB1_3:
0x34: {  	v1 =	vld [tilespmem:s18+$0x0];
	p1 =	sne.s32 s17, $0x1FC;
	[tilespmem:s15+$0x0 ss:$0x81] =	vst.msk $0xffff, v0;
	s15 =	smov.u32 s17;
	s17 =	sadd.s32 $0x4, s17  }
.Ltmp3:
0x35: {  	v0 =	vld [tilespmem:s18+$0xFFFFFFF0];
	(pc) =	sbr.rel @p1 .LBB1_3-.Ltmp3, $4  }
0x36: {  	_ = 	snop  }
0x37: {  	s15 =	sshra.s32 s15, $0x2  }
0x38: {  	s15 =	sadd.s32 s15, s16  }
0x39: {  	s18 =	sadd.s32 $0x20, s18;
	[tilespmem:s15+$0x810 ss:$0x81] =	vst.msk $0xffff, v1  }
.Ltmp4:
0x3a: {  	_ = 	snop;
	(pc) =	sbr.rel .LBB1_4-.Ltmp4, $1  }
0x3b: {  	_ =	sdelay $0x3  }
.LBB1_6:
0x3c: {  	_ =	sfence.sel $0x180000  }
0x3d: {  	s2 =	simm.s32 $0x1;
	[bflag:$0x0] =	sbarrier.arrive $0xFFFF  }
0x3e: {  	s31 =	simm.s32 $0x2;
	[sflag:s2] =	ssyncpa.u1 $0x1  }
0x3f: {  	[sflag:s31] =	ssyncpa.u1 $0x1  }
0x40: {  	p0 =	sne.s32 s0, $0x0;
	_ =	strace $0x9000004A  }
0x41: {  	s0 =	sadd.s32 @!p0 $0x100000, s1;
	[bflag:$0x2] =	sbarrier.arrive $0xFFFF  }
0x42: {  	[sflag:s0] =	ssyncadd.tile.s32 @!p0 $0x1;
	_ =	shalt  }
.Lfunc_end1:
_tile_overlayer_lowered:
.L_overlay_start_2:
0x43: {  	(tag) =	ssettag $0x2  }
0x44: {  	s0 =	rddreg [dreg:$0x0];
	s2 =	stileid.u32  }
0x45: {  	s1 =	rddreg [dreg:$0x1];
	p0 =	sne.s32 s2, $0x0  }
0x46: {  	s3 =	rddreg [dreg:$0x2];
	[bflag:$0x3] =	sbarrier.arrive $0xFFFF;
	s2 =	simm.s32 @!p0 $0x1C01  }
0x47: {  	[timem:s3], [sflag:s2] =	dma.local @!p0 [hbm:s0], s1  }
0x48: {  	s0 =	simm.s32 @!p0 $0x1  }
0x49: {  	_ =	swait.ge @!p0 [sflag:s0], s1  }
0x4a: {  	s1 =	ssub.s32 @!p0 $0x0, s1;
	[sflag:s0] =	ssyncset.done @!p0 $0x0  }
0x4b: {  	[sflag:s0] =	ssyncadd.s32 @!p0 s1  }
0x4c: {  	[bflag:$0x3] =	sbarrier.arrive $0xFFFF  }
0x4d: {  	_ =	shalt  }

</sc_bundles>
